<compile_context>
chip_gen: v7x
topology: tpu7x:2x2x1
jax: 0.10.2.dev20260603
libtpu: 0.0.44.dev20260713+nightly
codegen_flags: <defaults>
</compile_context>

<pallas_src>
import functools

import jax
import jax.numpy as jnp
from jax import lax
from jax.experimental import pallas as pl
from jax.experimental.pallas import tpu as pltpu
from jax.experimental.pallas import tpu_sc as plsc

_B, _N, _K = 4, 2048, 64
_M = _B * _N * _K
_PAIR_BLK = 8192
_PTS_BLK = _PAIR_BLK // _K

_NW = 32
_WPB = _NW // _B
_RPW = _N // _WPB
_BIG = 1e30


def _sc_topk_gather(dist_flat, pc_flat):
    mesh = plsc.VectorSubcoreMesh(core_axis_name="c", subcore_axis_name="s")

    @functools.partial(
        pl.kernel,
        out_type=jax.ShapeDtypeStruct((_M * 4,), jnp.float32),
        mesh=mesh,
        compiler_params=pltpu.CompilerParams(needs_layout_passes=False),
        scratch_types=[
            pltpu.VMEM((2, 8 * _N), jnp.float32),
            pltpu.VMEM((3 * _N,), jnp.float32),
            pltpu.VMEM((_N + 16,), jnp.float32),
            pltpu.VMEM((_N + 16,), jnp.int32),
            pltpu.VMEM((_N + 16,), jnp.float32),
            pltpu.VMEM((_N + 16,), jnp.int32),
            pltpu.VMEM((_K,), jnp.int32),
            pltpu.VMEM((256,), jnp.int32),
            pltpu.VMEM((16,), jnp.int32),
            pltpu.VMEM((16,), jnp.int32),
            pltpu.VMEM((8 * 4 * _K,), jnp.float32),
            pltpu.VMEM((8 * 4 * _K,), jnp.float32),
            pltpu.SemaphoreType.DMA,
            pltpu.SemaphoreType.DMA,
            pltpu.SemaphoreType.DMA,
            pltpu.SemaphoreType.DMA,
        ],
    )
    def topk_kernel(dist_hbm, pc_hbm, out_hbm, rowbuf, pcs, cv, ci, ev, ei,
                    sel, hist, hsum, hoff, outbuf0, outbuf1, sem0, sem1,
                    sem2, sem3):
        iota16 = lax.broadcasted_iota(jnp.int32, (16,), 0)
        zeros16 = jnp.zeros((16,), jnp.int32)
        ones16 = jnp.ones((16,), jnp.int32)
        cidx = lax.axis_index("c")
        sidx = lax.axis_index("s")
        wid = sidx * 2 + cidx
        b = wid // _WPB
        n0 = (wid % _WPB) * _RPW
        base_row = b * _N + n0

        pltpu.sync_copy(pc_hbm.at[pl.ds(b * (3 * _N), 3 * _N)], pcs)

        def process_row(par, outbuf, r, rl):
            n = n0 + rl

            def pass1(T):
                def step(i, offv):
                    v = rowbuf[par, pl.ds(r * _N + i * 16, 16)]
                    m = v < T
                    c = jnp.cumsum(m.astype(jnp.int32))
                    npop = plsc.all_reduce_population_count(m)
                    pos = offv + c - 1
                    idxv = iota16 + i * 16
                    plsc.store_scatter(cv, [pos], v, mask=m)
                    plsc.store_scatter(ci, [pos], idxv, mask=m)
                    return offv + npop
                return lax.fori_loop(0, _N // 16, step, zeros16, unroll=8)

            offv0 = pass1(jnp.float32(1.0 / 16.0))

            def esc_cond(carry):
                _, _, offv = carry
                return jnp.max(offv) < _K

            def esc_body(carry):
                T, sc_, _ = carry
                T = T * 64.0
                sc_ = sc_ * jnp.float32(1.0 / 64.0)
                return T, sc_, pass1(T)

            T, scale, offv = lax.while_loop(
                esc_cond, esc_body,
                (jnp.float32(1.0 / 16.0), jnp.float32(4096.0), offv0))
            cnt = jnp.max(offv)
            nv = (cnt + 15) >> 4

            def zh(j, _):
                hist[pl.ds(j * 16, 16)] = zeros16
                return 0
            lax.fori_loop(0, 16, zh, 0, unroll=4)

            def hb(j, _):
                for u in (0, 1):
                    v = cv[pl.ds(j * 32 + u * 16, 16)]
                    lm = (iota16 + (j * 32 + u * 16)) < offv
                    bins = jnp.clip((v * scale).astype(jnp.int32), 0, 255)
                    plsc.addupdate_scatter(hist, [bins], ones16, mask=lm)
                return 0
            lax.fori_loop(0, (nv + 1) >> 1, hb, 0)

            def hs(j, _):
                h = hist[pl.ds(j * 16, 16)]
                s = jnp.sum(h)
                plsc.store_scatter(hsum, [iota16 * 0 + j],
                                   jnp.broadcast_to(s, (16,)),
                                   mask=iota16 == 0)
                return 0
            lax.fori_loop(0, 16, hs, 0, unroll=4)
            hsv = hsum[pl.ds(0, 16)]
            hoff[pl.ds(0, 16)] = jnp.cumsum(hsv) - hsv

            def hq(j, carry):
                q_v, cl_v = carry
                h = hist[pl.ds(j * 16, 16)]
                exc = plsc.load_gather(hoff, [iota16 * 0 + j])
                cum = jnp.cumsum(h) + exc
                below = cum < _K
                q_v = q_v + plsc.all_reduce_population_count(below)
                cl_v = jnp.maximum(cl_v, jnp.where(below, cum, 0))
                return q_v, cl_v
            q_v, cl_v = lax.fori_loop(0, 16, hq, (zeros16, zeros16), unroll=4)
            c_lt = jnp.max(cl_v)
            m_need = _K - c_lt

            def pb(j, carry):
                olt, oeq = carry
                for u in (0, 1):
                    v = cv[pl.ds(j * 32 + u * 16, 16)]
                    ii = ci[pl.ds(j * 32 + u * 16, 16)]
                    lm = (iota16 + (j * 32 + u * 16)) < offv
                    bins = jnp.clip((v * scale).astype(jnp.int32), 0, 255)
                    mlt = lm & (bins < q_v)
                    meq = lm & (bins == q_v)
                    clt = jnp.cumsum(mlt.astype(jnp.int32))
                    ceq = jnp.cumsum(meq.astype(jnp.int32))
                    plsc.store_scatter(sel, [olt + clt - 1], ii, mask=mlt)
                    plsc.store_scatter(ev, [oeq + ceq - 1], v, mask=meq)
                    plsc.store_scatter(ei, [oeq + ceq - 1], ii, mask=meq)
                    olt = olt + plsc.all_reduce_population_count(mlt)
                    oeq = oeq + plsc.all_reduce_population_count(meq)
                return olt, oeq
            _, oeq_v = lax.fori_loop(0, (nv + 1) >> 1, pb, (zeros16, zeros16))
            e = jnp.max(oeq_v)
            clb = jnp.broadcast_to(c_lt, (16,))
            mnb = jnp.broadcast_to(m_need, (16,))

            def fast(_):
                v = ev[pl.ds(0, 16)]
                ii = ei[pl.ds(0, 16)]
                vm = jnp.where(iota16 < oeq_v, v, _BIG)
                _, si = plsc.sort_key_val(vm, ii)
                plsc.store_scatter(sel, [clb + iota16], si,
                                   mask=iota16 < mnb)
                return 0

            def slow(_):
                ne = (e + 15) >> 4

                def ext(t, _):
                    def sc1(j, best):
                        v = ev[pl.ds(j * 16, 16)]
                        lm = (iota16 + j * 16) < oeq_v
                        return jnp.minimum(best, jnp.where(lm, v, _BIG))
                    best16 = lax.fori_loop(
                        0, ne, sc1, jnp.full((16,), _BIG, jnp.float32))
                    mnv = jnp.broadcast_to(jnp.min(best16), (16,))

                    def sc2(j, bi):
                        v = ev[pl.ds(j * 16, 16)]
                        ii = ei[pl.ds(j * 16, 16)]
                        lm = (iota16 + j * 16) < oeq_v
                        hit = lm & (v == mnv)
                        return jnp.minimum(
                            bi, jnp.where(hit, ii, jnp.int32(2 ** 30)))
                    bi16 = lax.fori_loop(
                        0, ne, sc2, jnp.full((16,), 2 ** 30, jnp.int32))
                    bib = jnp.broadcast_to(jnp.min(bi16), (16,))

                    def sc3(j, _):
                        v = ev[pl.ds(j * 16, 16)]
                        ii = ei[pl.ds(j * 16, 16)]
                        ev[pl.ds(j * 16, 16)] = jnp.where(ii == bib, _BIG, v)
                        return 0
                    lax.fori_loop(0, ne, sc3, 0)
                    plsc.store_scatter(sel, [clb + t], bib,
                                       mask=iota16 == 0)
                    return 0
                lax.fori_loop(0, m_need, ext, 0)
                return 0

            lax.cond(e <= 16, fast, slow, 0)

            nsp = jnp.broadcast_to(n * 3, (16,))
            cx = plsc.load_gather(pcs, [nsp])
            cy = plsc.load_gather(pcs, [nsp + 1])
            cz = plsc.load_gather(pcs, [nsp + 2])

            def gw(j, _):
                si = sel[pl.ds(j * 16, 16)]
                s3 = si * 3
                gx = plsc.load_gather(pcs, [s3]) - cx
                gy = plsc.load_gather(pcs, [s3 + 1]) - cy
                gz = plsc.load_gather(pcs, [s3 + 2]) - cz
                sq = gx * gx + gy * gy + gz * gz
                pos = r * _K + iota16 + j * 16
                plsc.store_scatter(outbuf, [pos], gx)
                plsc.store_scatter(outbuf, [pos + 512], gy)
                plsc.store_scatter(outbuf, [pos + 1024], gz)
                plsc.store_scatter(outbuf, [pos + 1536], sq)
                return 0
            lax.fori_loop(0, _K // 16, gw, 0, unroll=4)

        _CH = 8
        _NCHUNK = _RPW // _CH
        pltpu.async_copy(dist_hbm.at[pl.ds(base_row * _N, _CH * _N)],
                         rowbuf.at[0], sem0)
        pltpu.async_copy(dist_hbm.at[pl.ds((base_row + _CH) * _N, _CH * _N)],
                         rowbuf.at[1], sem1)

        def cp_loop(cp2, _):
            for par in (0, 1):
                semi = sem0 if par == 0 else sem1
                semo = sem2 if par == 0 else sem3
                outbuf = outbuf0 if par == 0 else outbuf1
                ch = cp2 * 2 + par
                pltpu.make_async_copy(dist_hbm.at[pl.ds(0, _CH * _N)],
                                      rowbuf.at[par], semi).wait()

                @pl.when(ch >= 2)
                def _():
                    pltpu.make_async_copy(
                        outbuf,
                        out_hbm.at[pl.ds(0, _CH * 4 * _K)], semo).wait()

                def row_body(r, _):
                    process_row(par, outbuf, r, ch * _CH + r)
                    return 0
                lax.fori_loop(0, _CH, row_body, 0)
                for p in range(4):
                    pltpu.async_copy(
                        outbuf.at[pl.ds(p * 512, 512)],
                        out_hbm.at[pl.ds(p * _M
                                         + (base_row + ch * _CH) * _K,
                                         _CH * _K)], semo)

                @pl.when(ch + 2 < _NCHUNK)
                def _():
                    pltpu.async_copy(
                        dist_hbm.at[pl.ds((base_row + (ch + 2) * _CH) * _N,
                                          _CH * _N)],
                        rowbuf.at[par], semi)
            return 0
        lax.fori_loop(0, _NCHUNK // 2, cp_loop, 0)
        pltpu.make_async_copy(outbuf0,
                              out_hbm.at[pl.ds(0, _CH * 4 * _K)], sem2).wait()
        pltpu.make_async_copy(outbuf1,
                              out_hbm.at[pl.ds(0, _CH * 4 * _K)], sem3).wait()

    return topk_kernel(dist_flat, pc_flat)


def _mlp_body(x4_ref, Gt_ref, W1t_ref, b1_ref, W2t_ref, b2_ref, W3t_ref,
              b3_ref, Wft_ref, bf_ref, featT_ref):
    X = x4_ref[:3, :]
    f = jnp.sqrt(x4_ref[3:4, :])
    H1 = jnp.maximum(
        jnp.dot(W1t_ref[...], X, preferred_element_type=jnp.float32)
        + b1_ref[...], 0.0)
    H2 = jnp.maximum(
        jnp.dot(W2t_ref[...], H1, preferred_element_type=jnp.float32)
        + b2_ref[...], 0.0)
    H2f = jnp.concatenate([H2 * f, f], axis=0)
    Sf = jnp.dot(H2f, Gt_ref[...],
                 preferred_element_type=jnp.float32)
    s64, fsum = Sf[:64, :], Sf[64:65, :]
    W3fT = jnp.dot(Wft_ref[...], W3t_ref[...],
                   preferred_element_type=jnp.float32)
    b3fc = jnp.dot(Wft_ref[...], b3_ref[...],
                   preferred_element_type=jnp.float32)
    yT = (jnp.dot(W3fT, s64, preferred_element_type=jnp.float32)
          + b3fc * fsum) * (1.0 / _K) + bf_ref[...]
    featT_ref[...] = jnp.maximum(yT, 0.0)


def _glob_body(featT_ref, Wgt_ref, bg_ref, out_ref):
    fT = featT_ref[...]
    gT = jnp.dot(Wgt_ref[...], fT,
                 preferred_element_type=jnp.float32) + bg_ref[...]
    gmax = jnp.max(gT, axis=1, keepdims=True)
    feat = fT.T
    out_ref[0] = jnp.concatenate(
        [feat, jnp.broadcast_to(gmax.T, (_N, 8))], axis=1)


def _mlp_feat(planes, Gt, W1, b1, W2, b2, W3, b3, Wf, bf):
    grid = (_M // _PAIR_BLK,)
    return pl.pallas_call(
        _mlp_body,
        grid=grid,
        in_specs=[
            pl.BlockSpec((4, _PAIR_BLK), lambda i: (0, i)),
            pl.BlockSpec((_PAIR_BLK, _PTS_BLK), lambda i: (0, 0)),
            pl.BlockSpec((32, 3), lambda i: (0, 0)),
            pl.BlockSpec((32, 1), lambda i: (0, 0)),
            pl.BlockSpec((64, 32), lambda i: (0, 0)),
            pl.BlockSpec((64, 1), lambda i: (0, 0)),
            pl.BlockSpec((32, 64), lambda i: (0, 0)),
            pl.BlockSpec((32, 1), lambda i: (0, 0)),
            pl.BlockSpec((32, 32), lambda i: (0, 0)),
            pl.BlockSpec((32, 1), lambda i: (0, 0)),
        ],
        out_specs=pl.BlockSpec((32, _PTS_BLK), lambda i: (0, i)),
        out_shape=jax.ShapeDtypeStruct((32, _B * _N), jnp.float32),
    )(planes, Gt, W1.T, b1.reshape(32, 1), W2.T, b2.reshape(64, 1),
      W3.T, b3.reshape(32, 1), Wf.T, bf.reshape(32, 1))


def _global_concat(featT, Wg, bg):
    return pl.pallas_call(
        _glob_body,
        grid=(_B,),
        in_specs=[
            pl.BlockSpec((32, _N), lambda i: (0, i)),
            pl.BlockSpec((8, 32), lambda i: (0, 0)),
            pl.BlockSpec((8, 1), lambda i: (0, 0)),
        ],
        out_specs=pl.BlockSpec((1, _N, 40), lambda i: (i, 0, 0)),
        out_shape=jax.ShapeDtypeStruct((_B, _N, 40), jnp.float32),
    )(featT, Wg.T, bg.reshape(8, 1))


def kernel(pc, dist, W1, b1, W2, b2, W3, b3, Wf, bf, Wg, bg):
    planes = _sc_topk_gather(dist.reshape(-1), pc.reshape(-1)).reshape(4, _M)
    mi = jax.lax.broadcasted_iota(jnp.int32, (_PAIR_BLK, _PTS_BLK), 0)
    pi = jax.lax.broadcasted_iota(jnp.int32, (_PAIR_BLK, _PTS_BLK), 1)
    Gt = (mi // _K == pi).astype(jnp.float32)
    featT = _mlp_feat(planes, Gt, W1, b1, W2, b2, W3, b3, Wf, bf)
    return _global_concat(featT, Wg, bg)

# --- scband reference (transcript-rebuilt; emitter-appended) ---
"""Pipeline reference for scband-point-encoder-21354577396094 (READ-ONLY COPY).

The authoritative reference and input builder live on the scoring server;
editing this copy changes nothing except your own understanding.
"""

import jax, jax.numpy as jnp
import numpy as np

B, N, K = 4, 2048, 64
RANK = 32
NIN = 1
NOUT = 32
NGLOBAL = 8  # out_dim // 4


def _glorot(k, shape):
    lim = (6.0 / (shape[0] + shape[1])) ** 0.5
    return jax.random.uniform(k, shape, jnp.float32, -lim, lim)


def setup_inputs(seed: int = 0) -> dict:
    key = jax.random.key(seed)
    ks = jax.random.split(key, 8)
    pc = jax.random.normal(ks[0], (B, N, 3), dtype=jnp.float32)
    dist = jax.random.uniform(ks[1], (B, N, N), dtype=jnp.float32)
    # SparseSO3Conv kernel MLP: 3 -> 32 -> 64 -> rank (spfcs=[32,64])
    W1 = _glorot(ks[2], (3, 32));  b1 = jnp.zeros((32,), jnp.float32)
    W2 = _glorot(ks[3], (32, 64)); b2 = jnp.zeros((64,), jnp.float32)
    W3 = _glorot(ks[4], (64, RANK)); b3 = jnp.zeros((RANK,), jnp.float32)
    # feature projection: rank*nin -> nout
    Wf = _glorot(ks[5], (RANK * NIN, NOUT)); bf = jnp.zeros((NOUT,), jnp.float32)
    # GlobalInfoProp fc: nout -> nout//4
    Wg = _glorot(ks[6], (NOUT, NGLOBAL)); bg = jnp.zeros((NGLOBAL,), jnp.float32)
    return {"pc": pc, "dist": dist, "W1": W1, "b1": b1, "W2": W2, "b2": b2,
            "W3": W3, "b3": b3, "Wf": Wf, "bf": bf, "Wg": Wg, "bg": bg}


def _forward(pc, dist, W1, b1, W2, b2, W3, b3, Wf, bf, Wg, bg):
    # kNN: k smallest distances (largest=False, sorted=False in torch)
    _, nbrs_idx = jax.lax.top_k(-dist, K)  # (B, N, K)
    # gather neighbor coordinates
    pc_nbrs = jax.vmap(lambda p, idx: p[idx])(pc, nbrs_idx)  # (B, N, K, 3)
    rel = pc_nbrs - pc[:, :, None, :]                          # centered neighbors
    nbr_feat = jnp.linalg.norm(rel, axis=-1, keepdims=True)    # (B, N, K, 1)
    # SparseSO3Conv: kernel MLP on relative coords -> rank-dim basis
    h = jax.nn.relu(rel @ W1 + b1)
    h = jax.nn.relu(h @ W2 + b2)
    basis = h @ W3 + b3                                        # (B, N, K, RANK)
    # sparse conv: contract neighbor features against basis (mean over neighbors)
    agg = jnp.einsum('bnkr,bnki->bnri', basis, nbr_feat) / K   # (B, N, RANK, NIN)
    agg = agg.reshape(B, N, RANK * NIN)
    y = agg @ Wf + bf                                          # (B, N, NOUT)
    feat = jax.nn.relu(y)
    # GlobalInfoProp: concat per-point feat with max-pooled global projection
    g = feat @ Wg + bg                                         # (B, N, NGLOBAL)
    gmax = jnp.max(g, axis=-2, keepdims=True)                  # (B, 1, NGLOBAL)
    out = jnp.concatenate([feat, jnp.broadcast_to(gmax, (B, N, NGLOBAL))], axis=-1)
    return out  # (B, N, NOUT + NGLOBAL) = (4, 2048, 40)


def reference(pc, dist, W1, b1, W2, b2, W3, b3, Wf, bf, Wg, bg):
    return _forward(pc, dist, W1, b1, W2, b2, W3, b3, Wf, bf, Wg, bg)

if __name__ == "__main__":
    import jax
    _d = setup_inputs()
    print(jax.jit(kernel)(*tuple(_d.values())))

</pallas_src>

<mosaic_0001>
#map = affine_map<(d0, d1) -> (0)>
module attributes {stable_mosaic.version = 14 : i64} {
  func.func @topk_kernel(%arg0: i32, %arg1: i32, %arg2: memref<16777216xf32, #tpu.memory_space<hbm>>, %arg3: memref<24576xf32, #tpu.memory_space<hbm>>, %arg4: memref<2097152xf32, #tpu.memory_space<hbm>>, %arg5: memref<2x16384xf32, #tpu.memory_space<vmem>>, %arg6: memref<6144xf32, #tpu.memory_space<vmem>>, %arg7: memref<2064xf32, #tpu.memory_space<vmem>>, %arg8: memref<2064xi32, #tpu.memory_space<vmem>>, %arg9: memref<2064xf32, #tpu.memory_space<vmem>>, %arg10: memref<2064xi32, #tpu.memory_space<vmem>>, %arg11: memref<64xi32, #tpu.memory_space<vmem>>, %arg12: memref<256xi32, #tpu.memory_space<vmem>>, %arg13: memref<16xi32, #tpu.memory_space<vmem>>, %arg14: memref<16xi32, #tpu.memory_space<vmem>>, %arg15: memref<2048xf32, #tpu.memory_space<vmem>>, %arg16: memref<2048xf32, #tpu.memory_space<vmem>>, %arg17: memref<!tpu.dma_semaphore, #tpu.memory_space<semaphore_mem>>, %arg18: memref<!tpu.dma_semaphore, #tpu.memory_space<semaphore_mem>>, %arg19: memref<!tpu.dma_semaphore, #tpu.memory_space<semaphore_mem>>, %arg20: memref<!tpu.dma_semaphore, #tpu.memory_space<semaphore_mem>>) attributes {dimension_semantics = [#tpu.dimension_semantics<core_parallel>, #tpu.dimension_semantics<subcore_parallel>], iteration_bounds = array<i64: 2, 16>, scalar_prefetch = 0 : i64, scratch_operands = 16 : i64, tpu.core_type = #tpu.core_type<sc_vector_subcore>, window_params = [{transform_indices = #map}, {transform_indices = #map}, {transform_indices = #map}]} {
    %iota3A = tpu.iota {dimensions = array<i32: 0>} : vector<16xi32>
    %broadcast_in_dim3A = arith.constant 0 : i32
    %broadcast_in_dim3A_0 = vector.broadcast %broadcast_in_dim3A : i32 to vector<16xi32>
    %broadcast_in_dim3A_1 = arith.constant 1 : i32
    %broadcast_in_dim3A_2 = vector.broadcast %broadcast_in_dim3A_1 : i32 to vector<16xi32>
    %mul3A = arith.constant 2 : i32
    %mul3A_3 = arith.muli %arg1, %mul3A : i32
    %add3A = arith.addi %mul3A_3, %arg0 : i32
    %jit3A = arith.constant 8 : i32
    %div3A = arith.divsi %add3A, %jit3A : i32
    %sign3A = arith.constant 0 : i32
    %sign3A_4 = arith.cmpi sgt, %add3A, %sign3A : i32
    %sign3A_5 = arith.extui %sign3A_4 : i1 to i32
    %sign3A_6 = arith.constant 0 : i32
    %sign3A_7 = arith.cmpi slt, %add3A, %sign3A_6 : i32
    %sign3A_8 = arith.extui %sign3A_7 : i1 to i32
    %sign3A_9 = arith.subi %sign3A_5, %sign3A_8 : i32
    %sign3A_10 = arith.constant 0 : i32
    %sign3A_11 = arith.cmpi sgt, %jit3A, %sign3A_10 : i32
    %sign3A_12 = arith.extui %sign3A_11 : i1 to i32
    %sign3A_13 = arith.constant 0 : i32
    %sign3A_14 = arith.cmpi slt, %jit3A, %sign3A_13 : i32
    %sign3A_15 = arith.extui %sign3A_14 : i1 to i32
    %sign3A_16 = arith.subi %sign3A_12, %sign3A_15 : i32
    %ne3A = arith.cmpi ne, %sign3A_9, %sign3A_16 : i32
    %rem3A = arith.remsi %add3A, %jit3A : i32
    %ne3A_17 = arith.constant 0 : i32
    %ne3A_18 = arith.cmpi ne, %rem3A, %ne3A_17 : i32
    %and3A = arith.andi %ne3A, %ne3A_18 : i1
    %sub3A = arith.constant 1 : i32
    %sub3A_19 = arith.subi %div3A, %sub3A : i32
    %select_n3A = arith.select %and3A, %sub3A_19, %div3A : i32
    %jit3A_20 = arith.constant 8 : i32
    %eq3A = arith.constant 0 : i32
    %eq3A_21 = arith.cmpi eq, %jit3A_20, %eq3A : i32
    %jit3A_22 = arith.constant 1 : i32
    %select_n3A_23 = arith.select %eq3A_21, %jit3A_22, %jit3A_20 : i32
    %rem3A_24 = arith.remsi %add3A, %select_n3A_23 : i32
    %ne3A_25 = arith.constant 0 : i32
    %ne3A_26 = arith.cmpi ne, %rem3A_24, %ne3A_25 : i32
    %lt3A = arith.constant 0 : i32
    %lt3A_27 = arith.cmpi slt, %rem3A_24, %lt3A : i32
    %lt3A_28 = arith.constant 0 : i32
    %lt3A_29 = arith.cmpi slt, %select_n3A_23, %lt3A_28 : i32
    %ne3A_30 = arith.xori %lt3A_27, %lt3A_29 : i1
    %and3A_31 = arith.andi %ne3A_30, %ne3A_26 : i1
    %add3A_32 = arith.addi %rem3A_24, %select_n3A_23 : i32
    %select_n3A_33 = arith.select %and3A_31, %add3A_32, %rem3A_24 : i32
    %mul3A_34 = arith.constant 256 : i32
    %mul3A_35 = arith.muli %select_n3A_33, %mul3A_34 : i32
    %mul3A_36 = arith.constant 2048 : i32
    %mul3A_37 = arith.muli %select_n3A, %mul3A_36 : i32
    %add3A_38 = arith.addi %mul3A_37, %mul3A_35 : i32
    %mul3A_39 = arith.constant 6144 : i32
    %mul3A_40 = arith.muli %select_n3A, %mul3A_39 : i32
    "tpu.region"() ({
      %run_scoped3A = tpu.sem_alloc : memref<!tpu.dma_semaphore, #tpu.memory_space<semaphore_mem>>
      %dma_start3A_77 = tpu.memref_slice %arg3[%mul3A_40] : memref<24576xf32, #tpu.memory_space<hbm>> -> memref<6144xf32, #tpu.memory_space<hbm>>
      %dma_start3A_78 = tpu.memref_slice %arg3[%mul3A_40] : memref<24576xf32, #tpu.memory_space<hbm>> -> memref<6144xf32, #tpu.memory_space<hbm>>
      tpu.enqueue_dma source(%dma_start3A_78 : memref<6144xf32, #tpu.memory_space<hbm>>) target(%arg6 : memref<6144xf32, #tpu.memory_space<vmem>>) target_semaphore(%run_scoped3A : memref<!tpu.dma_semaphore, #tpu.memory_space<semaphore_mem>>)
      %dma_wait3A_79 = tpu.memref_slice %arg3[%mul3A_40] : memref<24576xf32, #tpu.memory_space<hbm>> -> memref<6144xf32, #tpu.memory_space<hbm>>
      %dma_wait3A_80 = tpu.memref_slice %arg3[%mul3A_40] : memref<24576xf32, #tpu.memory_space<hbm>> -> memref<6144xf32, #tpu.memory_space<hbm>>
      tpu.wait_dma2 semaphore(%run_scoped3A : memref<!tpu.dma_semaphore, #tpu.memory_space<semaphore_mem>>) src(%dma_wait3A_80 : memref<6144xf32, #tpu.memory_space<hbm>>) dst(%arg6 : memref<6144xf32, #tpu.memory_space<vmem>>)
      tpu.yield
    }) : () -> ()
    %mul3A_41 = arith.constant 2048 : i32
    %mul3A_42 = arith.muli %add3A_38, %mul3A_41 : i32
    %dma_start3A = arith.constant 0 : i32
    %dma_start3A_43 = arith.constant 0 : i32
    %dma_start3A_44 = tpu.memref_slice %arg5[%dma_start3A, %dma_start3A_43] : memref<2x16384xf32, #tpu.memory_space<vmem>> -> memref<1x16384xf32, #tpu.memory_space<vmem>>
    %dma_start3A_45 = tpu.memref_squeeze %dma_start3A_44 : memref<1x16384xf32, #tpu.memory_space<vmem>> -> memref<16384xf32, #tpu.memory_space<vmem>>
    %dma_start3A_46 = tpu.memref_slice %arg2[%mul3A_42] : memref<16777216xf32, #tpu.memory_space<hbm>> -> memref<16384xf32, #tpu.memory_space<hbm>>
    %dma_start3A_47 = arith.constant 0 : i32
    %dma_start3A_48 = tpu.memref_slice %arg5[%dma_start3A, %dma_start3A_47] : memref<2x16384xf32, #tpu.memory_space<vmem>> -> memref<1x16384xf32, #tpu.memory_space<vmem>>
    %dma_start3A_49 = tpu.memref_squeeze %dma_start3A_48 : memref<1x16384xf32, #tpu.memory_space<vmem>> -> memref<16384xf32, #tpu.memory_space<vmem>>
    %dma_start3A_50 = tpu.memref_slice %arg2[%mul3A_42] : memref<16777216xf32, #tpu.memory_space<hbm>> -> memref<16384xf32, #tpu.memory_space<hbm>>
    tpu.enqueue_dma source(%dma_start3A_50 : memref<16384xf32, #tpu.memory_space<hbm>>) target(%dma_start3A_49 : memref<16384xf32, #tpu.memory_space<vmem>>) target_semaphore(%arg17 : memref<!tpu.dma_semaphore, #tpu.memory_space<semaphore_mem>>)
    %add3A_51 = arith.constant 8 : i32
    %add3A_52 = arith.addi %add3A_38, %add3A_51 : i32
    %mul3A_53 = arith.constant 2048 : i32
    %mul3A_54 = arith.muli %add3A_52, %mul3A_53 : i32
    %dma_start3A_55 = arith.constant 1 : i32
    %dma_start3A_56 = arith.constant 0 : i32
    %dma_start3A_57 = tpu.memref_slice %arg5[%dma_start3A_55, %dma_start3A_56] : memref<2x16384xf32, #tpu.memory_space<vmem>> -> memref<1x16384xf32, #tpu.memory_space<vmem>>
    %dma_start3A_58 = tpu.memref_squeeze %dma_start3A_57 : memref<1x16384xf32, #tpu.memory_space<vmem>> -> memref<16384xf32, #tpu.memory_space<vmem>>
    %dma_start3A_59 = tpu.memref_slice %arg2[%mul3A_54] : memref<16777216xf32, #tpu.memory_space<hbm>> -> memref<16384xf32, #tpu.memory_space<hbm>>
    %dma_start3A_60 = arith.constant 0 : i32
    %dma_start3A_61 = tpu.memref_slice %arg5[%dma_start3A_55, %dma_start3A_60] : memref<2x16384xf32, #tpu.memory_space<vmem>> -> memref<1x16384xf32, #tpu.memory_space<vmem>>
    %dma_start3A_62 = tpu.memref_squeeze %dma_start3A_61 : memref<1x16384xf32, #tpu.memory_space<vmem>> -> memref<16384xf32, #tpu.memory_space<vmem>>
    %dma_start3A_63 = tpu.memref_slice %arg2[%mul3A_54] : memref<16777216xf32, #tpu.memory_space<hbm>> -> memref<16384xf32, #tpu.memory_space<hbm>>
    tpu.enqueue_dma source(%dma_start3A_63 : memref<16384xf32, #tpu.memory_space<hbm>>) target(%dma_start3A_62 : memref<16384xf32, #tpu.memory_space<vmem>>) target_semaphore(%arg18 : memref<!tpu.dma_semaphore, #tpu.memory_space<semaphore_mem>>)
    %scan3A = arith.constant 0 : i32
    %scan3A_64 = arith.constant 0 : i32
    %scan3A_65 = arith.constant 16 : i32
    %scan3A_66 = arith.addi %scan3A_64, %scan3A_65 : i32
    %scan3A_67 = arith.constant 1 : i32
    %scan3A_68 = scf.for %scan3A_77 = %scan3A_64 to %scan3A_66 step %scan3A_67 iter_args(%scan3A_78 = %scan3A) -> (i32)  : i32 {
      %mul3A_79 = arith.constant 2 : i32
      %mul3A_80 = arith.muli %scan3A_77, %mul3A_79 : i32
      %add3A_81 = arith.constant 0 : i32
      %add3A_82 = arith.addi %mul3A_80, %add3A_81 : i32
      %dma_wait3A_83 = arith.constant 0 : i32
      %dma_wait3A_84 = arith.constant 0 : i32
      %dma_wait3A_85 = tpu.memref_slice %arg5[%dma_wait3A_83, %dma_wait3A_84] : memref<2x16384xf32, #tpu.memory_space<vmem>> -> memref<1x16384xf32, #tpu.memory_space<vmem>>
      %dma_wait3A_86 = tpu.memref_squeeze %dma_wait3A_85 : memref<1x16384xf32, #tpu.memory_space<vmem>> -> memref<16384xf32, #tpu.memory_space<vmem>>
      %dma_wait3A_87 = arith.constant 0 : i32
      %dma_wait3A_88 = tpu.memref_slice %arg2[%dma_wait3A_87] : memref<16777216xf32, #tpu.memory_space<hbm>> -> memref<16384xf32, #tpu.memory_space<hbm>>
      %dma_wait3A_89 = arith.constant 0 : i32
      %dma_wait3A_90 = tpu.memref_slice %arg5[%dma_wait3A_83, %dma_wait3A_89] : memref<2x16384xf32, #tpu.memory_space<vmem>> -> memref<1x16384xf32, #tpu.memory_space<vmem>>
      %dma_wait3A_91 = tpu.memref_squeeze %dma_wait3A_90 : memref<1x16384xf32, #tpu.memory_space<vmem>> -> memref<16384xf32, #tpu.memory_space<vmem>>
      %dma_wait3A_92 = arith.constant 0 : i32
      %dma_wait3A_93 = tpu.memref_slice %arg2[%dma_wait3A_92] : memref<16777216xf32, #tpu.memory_space<hbm>> -> memref<16384xf32, #tpu.memory_space<hbm>>
      tpu.wait_dma2 semaphore(%arg17 : memref<!tpu.dma_semaphore, #tpu.memory_space<semaphore_mem>>) src(%dma_wait3A_93 : memref<16384xf32, #tpu.memory_space<hbm>>) dst(%dma_wait3A_91 : memref<16384xf32, #tpu.memory_space<vmem>>)
      %ge3A = arith.constant 2 : i32
      %ge3A_94 = arith.cmpi sge, %add3A_82, %ge3A : i32
      %convert_element_type3A = arith.extui %ge3A_94 : i1 to i32
      %cond3A = arith.constant 0 : i32
      %cond3A_95 = arith.cmpi ne, %convert_element_type3A, %cond3A : i32
      scf.if %cond3A_95 {
        %dma_wait3A_249 = arith.constant 0 : i32
        %dma_wait3A_250 = tpu.memref_slice %arg4[%dma_wait3A_249] : memref<2097152xf32, #tpu.memory_space<hbm>> -> memref<2048xf32, #tpu.memory_space<hbm>>
        %dma_wait3A_251 = arith.constant 0 : i32
        %dma_wait3A_252 = tpu.memref_slice %arg4[%dma_wait3A_251] : memref<2097152xf32, #tpu.memory_space<hbm>> -> memref<2048xf32, #tpu.memory_space<hbm>>
        tpu.wait_dma2 semaphore(%arg19 : memref<!tpu.dma_semaphore, #tpu.memory_space<semaphore_mem>>) src(%arg15 : memref<2048xf32, #tpu.memory_space<vmem>>) dst(%dma_wait3A_252 : memref<2048xf32, #tpu.memory_space<hbm>>)
      } else {
      }
      %scan3A_96 = arith.constant 0 : i32
      %scan3A_97 = arith.constant 0 : i32
      %scan3A_98 = arith.constant 8 : i32
      %scan3A_99 = arith.addi %scan3A_97, %scan3A_98 : i32
      %scan3A_100 = arith.constant 1 : i32
      %scan3A_101 = scf.for %scan3A_249 = %scan3A_97 to %scan3A_99 step %scan3A_100 iter_args(%scan3A_250 = %scan3A_96) -> (i32)  : i32 {
        %mul3A_251 = arith.constant 8 : i32
        %mul3A_252 = arith.muli %add3A_82, %mul3A_251 : i32
        %add3A_253 = arith.addi %mul3A_252, %scan3A_249 : i32
        %add3A_254 = arith.addi %mul3A_35, %add3A_253 : i32
        %scan3A_255 = arith.constant 6.250000e-02 : f32
        %scan3A_256 = arith.constant 0 : i32
        %scan3A_257 = arith.constant 128 : i32
        %scan3A_258 = arith.addi %scan3A_256, %scan3A_257 : i32
        %scan3A_259 = arith.constant 8 : i32
        %scan3A_260 = scf.for %scan3A_542 = %scan3A_256 to %scan3A_258 step %scan3A_259 iter_args(%scan3A_543 = %broadcast_in_dim3A_0) -> (vector<16xi32>)  : i32 {
          %mul3A_544 = arith.constant 2048 : i32
          %mul3A_545 = arith.muli %scan3A_249, %mul3A_544 : i32
          %mul3A_546 = arith.constant 16 : i32
          %mul3A_547 = arith.muli %scan3A_542, %mul3A_546 : i32
          %add3A_548 = arith.addi %mul3A_545, %mul3A_547 : i32
          %get3A_549 = arith.constant 0 : i32
          %get3A_550 = arith.index_cast %get3A_549 : i32 to index
          %get3A_551 = arith.index_cast %add3A_548 : i32 to index
          %get3A_552 = tpu.vector_load %arg5[%get3A_550, %get3A_551] {strides = array<i32>} : memref<2x16384xf32, #tpu.memory_space<vmem>>, vector<16xf32>,
          %lt3A_553 = vector.broadcast %scan3A_255 : f32 to vector<16xf32>
          %lt3A_554 = arith.cmpf olt, %get3A_552, %lt3A_553 : vector<16xf32>
          %convert_element_type3A_555 = arith.extui %lt3A_554 : vector<16xi1> to vector<16xi32>
          %cumsum3A_556 = arith.constant true
          %cumsum3A_557 = vector.broadcast %cumsum3A_556 : i1 to vector<16xi1>
          %cumsum3A_558 = tpu.scan <sum>, %convert_element_type3A_555 masked %cumsum3A_557 : vector<16xi32>, vector<16xi1> -> vector<16xi32>
          %all_reduce_population_count3A = tpu.all_reduce %lt3A_554 {dim = 0 : i64, kind = #tpu.reduction_kind<sum>} : vector<16xi1> -> vector<16xi32>
          %add3A_559 = arith.addi %scan3A_543, %cumsum3A_558 : vector<16xi32>
          %sub3A_560 = arith.constant 1 : i32
          %sub3A_561 = vector.broadcast %sub3A_560 : i32 to vector<16xi32>
          %sub3A_562 = arith.subi %add3A_559, %sub3A_561 : vector<16xi32>
          %mul3A_563 = arith.constant 16 : i32
          %mul3A_564 = arith.muli %scan3A_542, %mul3A_563 : i32
          %add3A_565 = vector.broadcast %mul3A_564 : i32 to vector<16xi32>
          %add3A_566 = arith.addi %iota3A, %add3A_565 : vector<16xi32>
          tpu.vector_store_idx %arg7[%sub3A_562], %get3A_552 masked %lt3A_554 : memref<2064xf32, #tpu.memory_space<vmem>>[vector<16xi32>], vector<16xf32>, vector<16xi1>
          tpu.vector_store_idx %arg8[%sub3A_562], %add3A_566 masked %lt3A_554 : memref<2064xi32, #tpu.memory_space<vmem>>[vector<16xi32>], vector<16xi32>, vector<16xi1>
          %add3A_567 = arith.addi %scan3A_543, %all_reduce_population_count3A : vector<16xi32>
          %scan3A_568 = arith.constant 1 : i32
          %scan3A_569 = arith.addi %scan3A_542, %scan3A_568 : i32
          %mul3A_570 = arith.constant 2048 : i32
          %mul3A_571 = arith.muli %scan3A_249, %mul3A_570 : i32
          %mul3A_572 = arith.constant 16 : i32
          %mul3A_573 = arith.muli %scan3A_569, %mul3A_572 : i32
          %add3A_574 = arith.addi %mul3A_571, %mul3A_573 : i32
          %get3A_575 = arith.constant 0 : i32
          %get3A_576 = arith.index_cast %get3A_575 : i32 to index
          %get3A_577 = arith.index_cast %add3A_574 : i32 to index
          %get3A_578 = tpu.vector_load %arg5[%get3A_576, %get3A_577] {strides = array<i32>} : memref<2x16384xf32, #tpu.memory_space<vmem>>, vector<16xf32>,
          %lt3A_579 = vector.broadcast %scan3A_255 : f32 to vector<16xf32>
          %lt3A_580 = arith.cmpf olt, %get3A_578, %lt3A_579 : vector<16xf32>
          %convert_element_type3A_581 = arith.extui %lt3A_580 : vector<16xi1> to vector<16xi32>
          %cumsum3A_582 = arith.constant true
          %cumsum3A_583 = vector.broadcast %cumsum3A_582 : i1 to vector<16xi1>
          %cumsum3A_584 = tpu.scan <sum>, %convert_element_type3A_581 masked %cumsum3A_583 : vector<16xi32>, vector<16xi1> -> vector<16xi32>
          %all_reduce_population_count3A_585 = tpu.all_reduce %lt3A_580 {dim = 0 : i64, kind = #tpu.reduction_kind<sum>} : vector<16xi1> -> vector<16xi32>
          %add3A_586 = arith.addi %add3A_567, %cumsum3A_584 : vector<16xi32>
          %sub3A_587 = arith.constant 1 : i32
          %sub3A_588 = vector.broadcast %sub3A_587 : i32 to vector<16xi32>
          %sub3A_589 = arith.subi %add3A_586, %sub3A_588 : vector<16xi32>
          %mul3A_590 = arith.constant 16 : i32
          %mul3A_591 = arith.muli %scan3A_569, %mul3A_590 : i32
          %add3A_592 = vector.broadcast %mul3A_591 : i32 to vector<16xi32>
          %add3A_593 = arith.addi %iota3A, %add3A_592 : vector<16xi32>
          tpu.vector_store_idx %arg7[%sub3A_589], %get3A_578 masked %lt3A_580 : memref<2064xf32, #tpu.memory_space<vmem>>[vector<16xi32>], vector<16xf32>, vector<16xi1>
          tpu.vector_store_idx %arg8[%sub3A_589], %add3A_593 masked %lt3A_580 : memref<2064xi32, #tpu.memory_space<vmem>>[vector<16xi32>], vector<16xi32>, vector<16xi1>
          %add3A_594 = arith.addi %add3A_567, %all_reduce_population_count3A_585 : vector<16xi32>
          %scan3A_595 = arith.constant 2 : i32
          %scan3A_596 = arith.addi %scan3A_542, %scan3A_595 : i32
          %mul3A_597 = arith.constant 2048 : i32
          %mul3A_598 = arith.muli %scan3A_249, %mul3A_597 : i32
          %mul3A_599 = arith.constant 16 : i32
          %mul3A_600 = arith.muli %scan3A_596, %mul3A_599 : i32
          %add3A_601 = arith.addi %mul3A_598, %mul3A_600 : i32
          %get3A_602 = arith.constant 0 : i32
          %get3A_603 = arith.index_cast %get3A_602 : i32 to index
          %get3A_604 = arith.index_cast %add3A_601 : i32 to index
          %get3A_605 = tpu.vector_load %arg5[%get3A_603, %get3A_604] {strides = array<i32>} : memref<2x16384xf32, #tpu.memory_space<vmem>>, vector<16xf32>,
          %lt3A_606 = vector.broadcast %scan3A_255 : f32 to vector<16xf32>
          %lt3A_607 = arith.cmpf olt, %get3A_605, %lt3A_606 : vector<16xf32>
          %convert_element_type3A_608 = arith.extui %lt3A_607 : vector<16xi1> to vector<16xi32>
          %cumsum3A_609 = arith.constant true
          %cumsum3A_610 = vector.broadcast %cumsum3A_609 : i1 to vector<16xi1>
          %cumsum3A_611 = tpu.scan <sum>, %convert_element_type3A_608 masked %cumsum3A_610 : vector<16xi32>, vector<16xi1> -> vector<16xi32>
          %all_reduce_population_count3A_612 = tpu.all_reduce %lt3A_607 {dim = 0 : i64, kind = #tpu.reduction_kind<sum>} : vector<16xi1> -> vector<16xi32>
          %add3A_613 = arith.addi %add3A_594, %cumsum3A_611 : vector<16xi32>
          %sub3A_614 = arith.constant 1 : i32
          %sub3A_615 = vector.broadcast %sub3A_614 : i32 to vector<16xi32>
          %sub3A_616 = arith.subi %add3A_613, %sub3A_615 : vector<16xi32>
          %mul3A_617 = arith.constant 16 : i32
          %mul3A_618 = arith.muli %scan3A_596, %mul3A_617 : i32
          %add3A_619 = vector.broadcast %mul3A_618 : i32 to vector<16xi32>
          %add3A_620 = arith.addi %iota3A, %add3A_619 : vector<16xi32>
          tpu.vector_store_idx %arg7[%sub3A_616], %get3A_605 masked %lt3A_607 : memref<2064xf32, #tpu.memory_space<vmem>>[vector<16xi32>], vector<16xf32>, vector<16xi1>
          tpu.vector_store_idx %arg8[%sub3A_616], %add3A_620 masked %lt3A_607 : memref<2064xi32, #tpu.memory_space<vmem>>[vector<16xi32>], vector<16xi32>, vector<16xi1>
          %add3A_621 = arith.addi %add3A_594, %all_reduce_population_count3A_612 : vector<16xi32>
          %scan3A_622 = arith.constant 3 : i32
          %scan3A_623 = arith.addi %scan3A_542, %scan3A_622 : i32
          %mul3A_624 = arith.constant 2048 : i32
          %mul3A_625 = arith.muli %scan3A_249, %mul3A_624 : i32
          %mul3A_626 = arith.constant 16 : i32
          %mul3A_627 = arith.muli %scan3A_623, %mul3A_626 : i32
          %add3A_628 = arith.addi %mul3A_625, %mul3A_627 : i32
          %get3A_629 = arith.constant 0 : i32
          %get3A_630 = arith.index_cast %get3A_629 : i32 to index
          %get3A_631 = arith.index_cast %add3A_628 : i32 to index
          %get3A_632 = tpu.vector_load %arg5[%get3A_630, %get3A_631] {strides = array<i32>} : memref<2x16384xf32, #tpu.memory_space<vmem>>, vector<16xf32>,
          %lt3A_633 = vector.broadcast %scan3A_255 : f32 to vector<16xf32>
          %lt3A_634 = arith.cmpf olt, %get3A_632, %lt3A_633 : vector<16xf32>
          %convert_element_type3A_635 = arith.extui %lt3A_634 : vector<16xi1> to vector<16xi32>
          %cumsum3A_636 = arith.constant true
          %cumsum3A_637 = vector.broadcast %cumsum3A_636 : i1 to vector<16xi1>
          %cumsum3A_638 = tpu.scan <sum>, %convert_element_type3A_635 masked %cumsum3A_637 : vector<16xi32>, vector<16xi1> -> vector<16xi32>
          %all_reduce_population_count3A_639 = tpu.all_reduce %lt3A_634 {dim = 0 : i64, kind = #tpu.reduction_kind<sum>} : vector<16xi1> -> vector<16xi32>
          %add3A_640 = arith.addi %add3A_621, %cumsum3A_638 : vector<16xi32>
          %sub3A_641 = arith.constant 1 : i32
          %sub3A_642 = vector.broadcast %sub3A_641 : i32 to vector<16xi32>
          %sub3A_643 = arith.subi %add3A_640, %sub3A_642 : vector<16xi32>
          %mul3A_644 = arith.constant 16 : i32
          %mul3A_645 = arith.muli %scan3A_623, %mul3A_644 : i32
          %add3A_646 = vector.broadcast %mul3A_645 : i32 to vector<16xi32>
          %add3A_647 = arith.addi %iota3A, %add3A_646 : vector<16xi32>
          tpu.vector_store_idx %arg7[%sub3A_643], %get3A_632 masked %lt3A_634 : memref<2064xf32, #tpu.memory_space<vmem>>[vector<16xi32>], vector<16xf32>, vector<16xi1>
          tpu.vector_store_idx %arg8[%sub3A_643], %add3A_647 masked %lt3A_634 : memref<2064xi32, #tpu.memory_space<vmem>>[vector<16xi32>], vector<16xi32>, vector<16xi1>
          %add3A_648 = arith.addi %add3A_621, %all_reduce_population_count3A_639 : vector<16xi32>
          %scan3A_649 = arith.constant 4 : i32
          %scan3A_650 = arith.addi %scan3A_542, %scan3A_649 : i32
          %mul3A_651 = arith.constant 2048 : i32
          %mul3A_652 = arith.muli %scan3A_249, %mul3A_651 : i32
          %mul3A_653 = arith.constant 16 : i32
          %mul3A_654 = arith.muli %scan3A_650, %mul3A_653 : i32
          %add3A_655 = arith.addi %mul3A_652, %mul3A_654 : i32
          %get3A_656 = arith.constant 0 : i32
          %get3A_657 = arith.index_cast %get3A_656 : i32 to index
          %get3A_658 = arith.index_cast %add3A_655 : i32 to index
          %get3A_659 = tpu.vector_load %arg5[%get3A_657, %get3A_658] {strides = array<i32>} : memref<2x16384xf32, #tpu.memory_space<vmem>>, vector<16xf32>,
          %lt3A_660 = vector.broadcast %scan3A_255 : f32 to vector<16xf32>
          %lt3A_661 = arith.cmpf olt, %get3A_659, %lt3A_660 : vector<16xf32>
          %convert_element_type3A_662 = arith.extui %lt3A_661 : vector<16xi1> to vector<16xi32>
          %cumsum3A_663 = arith.constant true
          %cumsum3A_664 = vector.broadcast %cumsum3A_663 : i1 to vector<16xi1>
          %cumsum3A_665 = tpu.scan <sum>, %convert_element_type3A_662 masked %cumsum3A_664 : vector<16xi32>, vector<16xi1> -> vector<16xi32>
          %all_reduce_population_count3A_666 = tpu.all_reduce %lt3A_661 {dim = 0 : i64, kind = #tpu.reduction_kind<sum>} : vector<16xi1> -> vector<16xi32>
          %add3A_667 = arith.addi %add3A_648, %cumsum3A_665 : vector<16xi32>
          %sub3A_668 = arith.constant 1 : i32
          %sub3A_669 = vector.broadcast %sub3A_668 : i32 to vector<16xi32>
          %sub3A_670 = arith.subi %add3A_667, %sub3A_669 : vector<16xi32>
          %mul3A_671 = arith.constant 16 : i32
          %mul3A_672 = arith.muli %scan3A_650, %mul3A_671 : i32
          %add3A_673 = vector.broadcast %mul3A_672 : i32 to vector<16xi32>
          %add3A_674 = arith.addi %iota3A, %add3A_673 : vector<16xi32>
          tpu.vector_store_idx %arg7[%sub3A_670], %get3A_659 masked %lt3A_661 : memref<2064xf32, #tpu.memory_space<vmem>>[vector<16xi32>], vector<16xf32>, vector<16xi1>
          tpu.vector_store_idx %arg8[%sub3A_670], %add3A_674 masked %lt3A_661 : memref<2064xi32, #tpu.memory_space<vmem>>[vector<16xi32>], vector<16xi32>, vector<16xi1>
          %add3A_675 = arith.addi %add3A_648, %all_reduce_population_count3A_666 : vector<16xi32>
          %scan3A_676 = arith.constant 5 : i32
          %scan3A_677 = arith.addi %scan3A_542, %scan3A_676 : i32
          %mul3A_678 = arith.constant 2048 : i32
          %mul3A_679 = arith.muli %scan3A_249, %mul3A_678 : i32
          %mul3A_680 = arith.constant 16 : i32
          %mul3A_681 = arith.muli %scan3A_677, %mul3A_680 : i32
          %add3A_682 = arith.addi %mul3A_679, %mul3A_681 : i32
          %get3A_683 = arith.constant 0 : i32
          %get3A_684 = arith.index_cast %get3A_683 : i32 to index
          %get3A_685 = arith.index_cast %add3A_682 : i32 to index
          %get3A_686 = tpu.vector_load %arg5[%get3A_684, %get3A_685] {strides = array<i32>} : memref<2x16384xf32, #tpu.memory_space<vmem>>, vector<16xf32>,
          %lt3A_687 = vector.broadcast %scan3A_255 : f32 to vector<16xf32>
          %lt3A_688 = arith.cmpf olt, %get3A_686, %lt3A_687 : vector<16xf32>
          %convert_element_type3A_689 = arith.extui %lt3A_688 : vector<16xi1> to vector<16xi32>
          %cumsum3A_690 = arith.constant true
          %cumsum3A_691 = vector.broadcast %cumsum3A_690 : i1 to vector<16xi1>
          %cumsum3A_692 = tpu.scan <sum>, %convert_element_type3A_689 masked %cumsum3A_691 : vector<16xi32>, vector<16xi1> -> vector<16xi32>
          %all_reduce_population_count3A_693 = tpu.all_reduce %lt3A_688 {dim = 0 : i64, kind = #tpu.reduction_kind<sum>} : vector<16xi1> -> vector<16xi32>
          %add3A_694 = arith.addi %add3A_675, %cumsum3A_692 : vector<16xi32>
          %sub3A_695 = arith.constant 1 : i32
          %sub3A_696 = vector.broadcast %sub3A_695 : i32 to vector<16xi32>
          %sub3A_697 = arith.subi %add3A_694, %sub3A_696 : vector<16xi32>
          %mul3A_698 = arith.constant 16 : i32
          %mul3A_699 = arith.muli %scan3A_677, %mul3A_698 : i32
          %add3A_700 = vector.broadcast %mul3A_699 : i32 to vector<16xi32>
          %add3A_701 = arith.addi %iota3A, %add3A_700 : vector<16xi32>
          tpu.vector_store_idx %arg7[%sub3A_697], %get3A_686 masked %lt3A_688 : memref<2064xf32, #tpu.memory_space<vmem>>[vector<16xi32>], vector<16xf32>, vector<16xi1>
          tpu.vector_store_idx %arg8[%sub3A_697], %add3A_701 masked %lt3A_688 : memref<2064xi32, #tpu.memory_space<vmem>>[vector<16xi32>], vector<16xi32>, vector<16xi1>
          %add3A_702 = arith.addi %add3A_675, %all_reduce_population_count3A_693 : vector<16xi32>
          %scan3A_703 = arith.constant 6 : i32
          %scan3A_704 = arith.addi %scan3A_542, %scan3A_703 : i32
          %mul3A_705 = arith.constant 2048 : i32
          %mul3A_706 = arith.muli %scan3A_249, %mul3A_705 : i32
          %mul3A_707 = arith.constant 16 : i32
          %mul3A_708 = arith.muli %scan3A_704, %mul3A_707 : i32
          %add3A_709 = arith.addi %mul3A_706, %mul3A_708 : i32
          %get3A_710 = arith.constant 0 : i32
          %get3A_711 = arith.index_cast %get3A_710 : i32 to index
          %get3A_712 = arith.index_cast %add3A_709 : i32 to index
          %get3A_713 = tpu.vector_load %arg5[%get3A_711, %get3A_712] {strides = array<i32>} : memref<2x16384xf32, #tpu.memory_space<vmem>>, vector<16xf32>,
          %lt3A_714 = vector.broadcast %scan3A_255 : f32 to vector<16xf32>
          %lt3A_715 = arith.cmpf olt, %get3A_713, %lt3A_714 : vector<16xf32>
          %convert_element_type3A_716 = arith.extui %lt3A_715 : vector<16xi1> to vector<16xi32>
          %cumsum3A_717 = arith.constant true
          %cumsum3A_718 = vector.broadcast %cumsum3A_717 : i1 to vector<16xi1>
          %cumsum3A_719 = tpu.scan <sum>, %convert_element_type3A_716 masked %cumsum3A_718 : vector<16xi32>, vector<16xi1> -> vector<16xi32>
          %all_reduce_population_count3A_720 = tpu.all_reduce %lt3A_715 {dim = 0 : i64, kind = #tpu.reduction_kind<sum>} : vector<16xi1> -> vector<16xi32>
          %add3A_721 = arith.addi %add3A_702, %cumsum3A_719 : vector<16xi32>
          %sub3A_722 = arith.constant 1 : i32
          %sub3A_723 = vector.broadcast %sub3A_722 : i32 to vector<16xi32>
          %sub3A_724 = arith.subi %add3A_721, %sub3A_723 : vector<16xi32>
          %mul3A_725 = arith.constant 16 : i32
          %mul3A_726 = arith.muli %scan3A_704, %mul3A_725 : i32
          %add3A_727 = vector.broadcast %mul3A_726 : i32 to vector<16xi32>
          %add3A_728 = arith.addi %iota3A, %add3A_727 : vector<16xi32>
          tpu.vector_store_idx %arg7[%sub3A_724], %get3A_713 masked %lt3A_715 : memref<2064xf32, #tpu.memory_space<vmem>>[vector<16xi32>], vector<16xf32>, vector<16xi1>
          tpu.vector_store_idx %arg8[%sub3A_724], %add3A_728 masked %lt3A_715 : memref<2064xi32, #tpu.memory_space<vmem>>[vector<16xi32>], vector<16xi32>, vector<16xi1>
          %add3A_729 = arith.addi %add3A_702, %all_reduce_population_count3A_720 : vector<16xi32>
          %scan3A_730 = arith.constant 7 : i32
          %scan3A_731 = arith.addi %scan3A_542, %scan3A_730 : i32
          %mul3A_732 = arith.constant 2048 : i32
          %mul3A_733 = arith.muli %scan3A_249, %mul3A_732 : i32
          %mul3A_734 = arith.constant 16 : i32
          %mul3A_735 = arith.muli %scan3A_731, %mul3A_734 : i32
          %add3A_736 = arith.addi %mul3A_733, %mul3A_735 : i32
          %get3A_737 = arith.constant 0 : i32
          %get3A_738 = arith.index_cast %get3A_737 : i32 to index
          %get3A_739 = arith.index_cast %add3A_736 : i32 to index
          %get3A_740 = tpu.vector_load %arg5[%get3A_738, %get3A_739] {strides = array<i32>} : memref<2x16384xf32, #tpu.memory_space<vmem>>, vector<16xf32>,
          %lt3A_741 = vector.broadcast %scan3A_255 : f32 to vector<16xf32>
          %lt3A_742 = arith.cmpf olt, %get3A_740, %lt3A_741 : vector<16xf32>
          %convert_element_type3A_743 = arith.extui %lt3A_742 : vector<16xi1> to vector<16xi32>
          %cumsum3A_744 = arith.constant true
          %cumsum3A_745 = vector.broadcast %cumsum3A_744 : i1 to vector<16xi1>
          %cumsum3A_746 = tpu.scan <sum>, %convert_element_type3A_743 masked %cumsum3A_745 : vector<16xi32>, vector<16xi1> -> vector<16xi32>
          %all_reduce_population_count3A_747 = tpu.all_reduce %lt3A_742 {dim = 0 : i64, kind = #tpu.reduction_kind<sum>} : vector<16xi1> -> vector<16xi32>
          %add3A_748 = arith.addi %add3A_729, %cumsum3A_746 : vector<16xi32>
          %sub3A_749 = arith.constant 1 : i32
          %sub3A_750 = vector.broadcast %sub3A_749 : i32 to vector<16xi32>
          %sub3A_751 = arith.subi %add3A_748, %sub3A_750 : vector<16xi32>
          %mul3A_752 = arith.constant 16 : i32
          %mul3A_753 = arith.muli %scan3A_731, %mul3A_752 : i32
          %add3A_754 = vector.broadcast %mul3A_753 : i32 to vector<16xi32>
          %add3A_755 = arith.addi %iota3A, %add3A_754 : vector<16xi32>
          tpu.vector_store_idx %arg7[%sub3A_751], %get3A_740 masked %lt3A_742 : memref<2064xf32, #tpu.memory_space<vmem>>[vector<16xi32>], vector<16xf32>, vector<16xi1>
          tpu.vector_store_idx %arg8[%sub3A_751], %add3A_755 masked %lt3A_742 : memref<2064xi32, #tpu.memory_space<vmem>>[vector<16xi32>], vector<16xi32>, vector<16xi1>
          %add3A_756 = arith.addi %add3A_729, %all_reduce_population_count3A_747 : vector<16xi32>
          scf.yield %add3A_756 : vector<16xi32>
        }
        %scan3A_261 = arith.constant 128 : i32
        %while3A = arith.constant 6.250000e-02 : f32
        %while3A_262 = arith.constant 4.096000e+03 : f32
        %while3A_263:3 = scf.while (%while3A_542 = %while3A, %while3A_543 = %while3A_262, %while3A_544 = %scan3A_260) : (f32, f32, vector<16xi32>) -> (f32, f32, vector<16xi32>) {
          %reduce_max3A_545 = arith.constant true
          %reduce_max3A_546 = vector.broadcast %reduce_max3A_545 : i1 to vector<16xi1>
          %reduce_max3A_547 = arith.constant -2147483648 : i32
          %reduce_max3A_548 = vector.broadcast %reduce_max3A_547 : i32 to vector<16xi32>
          %reduce_max3A_549 = arith.xori %while3A_544, %reduce_max3A_548 : vector<16xi32>
          %reduce_max3A_550 = tpu.scan <max>, %reduce_max3A_549 masked %reduce_max3A_546 : vector<16xi32>, vector<16xi1> -> vector<16xi32>
          %reduce_max3A_551 = arith.xori %reduce_max3A_550, %reduce_max3A_548 : vector<16xi32>
          %reduce_max3A_552 = vector.extract %reduce_max3A_551[15] : i32 from vector<16xi32>
          %lt3A_553 = arith.constant 64 : i32
          %lt3A_554 = arith.cmpi slt, %reduce_max3A_552, %lt3A_553 : i32
          scf.condition(%lt3A_554) %while3A_542, %while3A_543, %while3A_544 : f32, f32, vector<16xi32>
        } do {
        ^bb0(%while3A_542: f32, %while3A_543: f32, %while3A_544: vector<16xi32>):
          %mul3A_545 = arith.constant 6.400000e+01 : f32
          %mul3A_546 = arith.mulf %while3A_542, %mul3A_545 : f32
          %mul3A_547 = arith.constant 1.562500e-02 : f32
          %mul3A_548 = arith.mulf %while3A_543, %mul3A_547 : f32
          %scan3A_549 = arith.constant 0 : i32
          %scan3A_550 = arith.constant 128 : i32
          %scan3A_551 = arith.addi %scan3A_549, %scan3A_550 : i32
          %scan3A_552 = arith.constant 8 : i32
          %scan3A_553 = scf.for %scan3A_555 = %scan3A_549 to %scan3A_551 step %scan3A_552 iter_args(%scan3A_556 = %broadcast_in_dim3A_0) -> (vector<16xi32>)  : i32 {
            %mul3A_557 = arith.constant 2048 : i32
            %mul3A_558 = arith.muli %scan3A_249, %mul3A_557 : i32
            %mul3A_559 = arith.constant 16 : i32
            %mul3A_560 = arith.muli %scan3A_555, %mul3A_559 : i32
            %add3A_561 = arith.addi %mul3A_558, %mul3A_560 : i32
            %get3A_562 = arith.constant 0 : i32
            %get3A_563 = arith.index_cast %get3A_562 : i32 to index
            %get3A_564 = arith.index_cast %add3A_561 : i32 to index
            %get3A_565 = tpu.vector_load %arg5[%get3A_563, %get3A_564] {strides = array<i32>} : memref<2x16384xf32, #tpu.memory_space<vmem>>, vector<16xf32>,
            %lt3A_566 = vector.broadcast %mul3A_546 : f32 to vector<16xf32>
            %lt3A_567 = arith.cmpf olt, %get3A_565, %lt3A_566 : vector<16xf32>
            %convert_element_type3A_568 = arith.extui %lt3A_567 : vector<16xi1> to vector<16xi32>
            %cumsum3A_569 = arith.constant true
            %cumsum3A_570 = vector.broadcast %cumsum3A_569 : i1 to vector<16xi1>
            %cumsum3A_571 = tpu.scan <sum>, %convert_element_type3A_568 masked %cumsum3A_570 : vector<16xi32>, vector<16xi1> -> vector<16xi32>
            %all_reduce_population_count3A = tpu.all_reduce %lt3A_567 {dim = 0 : i64, kind = #tpu.reduction_kind<sum>} : vector<16xi1> -> vector<16xi32>
            %add3A_572 = arith.addi %scan3A_556, %cumsum3A_571 : vector<16xi32>
            %sub3A_573 = arith.constant 1 : i32
            %sub3A_574 = vector.broadcast %sub3A_573 : i32 to vector<16xi32>
            %sub3A_575 = arith.subi %add3A_572, %sub3A_574 : vector<16xi32>
            %mul3A_576 = arith.constant 16 : i32
            %mul3A_577 = arith.muli %scan3A_555, %mul3A_576 : i32
            %add3A_578 = vector.broadcast %mul3A_577 : i32 to vector<16xi32>
            %add3A_579 = arith.addi %iota3A, %add3A_578 : vector<16xi32>
            tpu.vector_store_idx %arg7[%sub3A_575], %get3A_565 masked %lt3A_567 : memref<2064xf32, #tpu.memory_space<vmem>>[vector<16xi32>], vector<16xf32>, vector<16xi1>
            tpu.vector_store_idx %arg8[%sub3A_575], %add3A_579 masked %lt3A_567 : memref<2064xi32, #tpu.memory_space<vmem>>[vector<16xi32>], vector<16xi32>, vector<16xi1>
            %add3A_580 = arith.addi %scan3A_556, %all_reduce_population_count3A : vector<16xi32>
            %scan3A_581 = arith.constant 1 : i32
            %scan3A_582 = arith.addi %scan3A_555, %scan3A_581 : i32
            %mul3A_583 = arith.constant 2048 : i32
            %mul3A_584 = arith.muli %scan3A_249, %mul3A_583 : i32
            %mul3A_585 = arith.constant 16 : i32
            %mul3A_586 = arith.muli %scan3A_582, %mul3A_585 : i32
            %add3A_587 = arith.addi %mul3A_584, %mul3A_586 : i32
            %get3A_588 = arith.constant 0 : i32
            %get3A_589 = arith.index_cast %get3A_588 : i32 to index
            %get3A_590 = arith.index_cast %add3A_587 : i32 to index
            %get3A_591 = tpu.vector_load %arg5[%get3A_589, %get3A_590] {strides = array<i32>} : memref<2x16384xf32, #tpu.memory_space<vmem>>, vector<16xf32>,
            %lt3A_592 = vector.broadcast %mul3A_546 : f32 to vector<16xf32>
            %lt3A_593 = arith.cmpf olt, %get3A_591, %lt3A_592 : vector<16xf32>
            %convert_element_type3A_594 = arith.extui %lt3A_593 : vector<16xi1> to vector<16xi32>
            %cumsum3A_595 = arith.constant true
            %cumsum3A_596 = vector.broadcast %cumsum3A_595 : i1 to vector<16xi1>
            %cumsum3A_597 = tpu.scan <sum>, %convert_element_type3A_594 masked %cumsum3A_596 : vector<16xi32>, vector<16xi1> -> vector<16xi32>
            %all_reduce_population_count3A_598 = tpu.all_reduce %lt3A_593 {dim = 0 : i64, kind = #tpu.reduction_kind<sum>} : vector<16xi1> -> vector<16xi32>
            %add3A_599 = arith.addi %add3A_580, %cumsum3A_597 : vector<16xi32>
            %sub3A_600 = arith.constant 1 : i32
            %sub3A_601 = vector.broadcast %sub3A_600 : i32 to vector<16xi32>
            %sub3A_602 = arith.subi %add3A_599, %sub3A_601 : vector<16xi32>
            %mul3A_603 = arith.constant 16 : i32
            %mul3A_604 = arith.muli %scan3A_582, %mul3A_603 : i32
            %add3A_605 = vector.broadcast %mul3A_604 : i32 to vector<16xi32>
            %add3A_606 = arith.addi %iota3A, %add3A_605 : vector<16xi32>
            tpu.vector_store_idx %arg7[%sub3A_602], %get3A_591 masked %lt3A_593 : memref<2064xf32, #tpu.memory_space<vmem>>[vector<16xi32>], vector<16xf32>, vector<16xi1>
            tpu.vector_store_idx %arg8[%sub3A_602], %add3A_606 masked %lt3A_593 : memref<2064xi32, #tpu.memory_space<vmem>>[vector<16xi32>], vector<16xi32>, vector<16xi1>
            %add3A_607 = arith.addi %add3A_580, %all_reduce_population_count3A_598 : vector<16xi32>
            %scan3A_608 = arith.constant 2 : i32
            %scan3A_609 = arith.addi %scan3A_555, %scan3A_608 : i32
            %mul3A_610 = arith.constant 2048 : i32
            %mul3A_611 = arith.muli %scan3A_249, %mul3A_610 : i32
            %mul3A_612 = arith.constant 16 : i32
            %mul3A_613 = arith.muli %scan3A_609, %mul3A_612 : i32
            %add3A_614 = arith.addi %mul3A_611, %mul3A_613 : i32
            %get3A_615 = arith.constant 0 : i32
            %get3A_616 = arith.index_cast %get3A_615 : i32 to index
            %get3A_617 = arith.index_cast %add3A_614 : i32 to index
            %get3A_618 = tpu.vector_load %arg5[%get3A_616, %get3A_617] {strides = array<i32>} : memref<2x16384xf32, #tpu.memory_space<vmem>>, vector<16xf32>,
            %lt3A_619 = vector.broadcast %mul3A_546 : f32 to vector<16xf32>
            %lt3A_620 = arith.cmpf olt, %get3A_618, %lt3A_619 : vector<16xf32>
            %convert_element_type3A_621 = arith.extui %lt3A_620 : vector<16xi1> to vector<16xi32>
            %cumsum3A_622 = arith.constant true
            %cumsum3A_623 = vector.broadcast %cumsum3A_622 : i1 to vector<16xi1>
            %cumsum3A_624 = tpu.scan <sum>, %convert_element_type3A_621 masked %cumsum3A_623 : vector<16xi32>, vector<16xi1> -> vector<16xi32>
            %all_reduce_population_count3A_625 = tpu.all_reduce %lt3A_620 {dim = 0 : i64, kind = #tpu.reduction_kind<sum>} : vector<16xi1> -> vector<16xi32>
            %add3A_626 = arith.addi %add3A_607, %cumsum3A_624 : vector<16xi32>
            %sub3A_627 = arith.constant 1 : i32
            %sub3A_628 = vector.broadcast %sub3A_627 : i32 to vector<16xi32>
            %sub3A_629 = arith.subi %add3A_626, %sub3A_628 : vector<16xi32>
            %mul3A_630 = arith.constant 16 : i32
            %mul3A_631 = arith.muli %scan3A_609, %mul3A_630 : i32
            %add3A_632 = vector.broadcast %mul3A_631 : i32 to vector<16xi32>
            %add3A_633 = arith.addi %iota3A, %add3A_632 : vector<16xi32>
            tpu.vector_store_idx %arg7[%sub3A_629], %get3A_618 masked %lt3A_620 : memref<2064xf32, #tpu.memory_space<vmem>>[vector<16xi32>], vector<16xf32>, vector<16xi1>
            tpu.vector_store_idx %arg8[%sub3A_629], %add3A_633 masked %lt3A_620 : memref<2064xi32, #tpu.memory_space<vmem>>[vector<16xi32>], vector<16xi32>, vector<16xi1>
            %add3A_634 = arith.addi %add3A_607, %all_reduce_population_count3A_625 : vector<16xi32>
            %scan3A_635 = arith.constant 3 : i32
            %scan3A_636 = arith.addi %scan3A_555, %scan3A_635 : i32
            %mul3A_637 = arith.constant 2048 : i32
            %mul3A_638 = arith.muli %scan3A_249, %mul3A_637 : i32
            %mul3A_639 = arith.constant 16 : i32
            %mul3A_640 = arith.muli %scan3A_636, %mul3A_639 : i32
            %add3A_641 = arith.addi %mul3A_638, %mul3A_640 : i32
            %get3A_642 = arith.constant 0 : i32
            %get3A_643 = arith.index_cast %get3A_642 : i32 to index
            %get3A_644 = arith.index_cast %add3A_641 : i32 to index
            %get3A_645 = tpu.vector_load %arg5[%get3A_643, %get3A_644] {strides = array<i32>} : memref<2x16384xf32, #tpu.memory_space<vmem>>, vector<16xf32>,
            %lt3A_646 = vector.broadcast %mul3A_546 : f32 to vector<16xf32>
            %lt3A_647 = arith.cmpf olt, %get3A_645, %lt3A_646 : vector<16xf32>
            %convert_element_type3A_648 = arith.extui %lt3A_647 : vector<16xi1> to vector<16xi32>
            %cumsum3A_649 = arith.constant true
            %cumsum3A_650 = vector.broadcast %cumsum3A_649 : i1 to vector<16xi1>
            %cumsum3A_651 = tpu.scan <sum>, %convert_element_type3A_648 masked %cumsum3A_650 : vector<16xi32>, vector<16xi1> -> vector<16xi32>
            %all_reduce_population_count3A_652 = tpu.all_reduce %lt3A_647 {dim = 0 : i64, kind = #tpu.reduction_kind<sum>} : vector<16xi1> -> vector<16xi32>
            %add3A_653 = arith.addi %add3A_634, %cumsum3A_651 : vector<16xi32>
            %sub3A_654 = arith.constant 1 : i32
            %sub3A_655 = vector.broadcast %sub3A_654 : i32 to vector<16xi32>
            %sub3A_656 = arith.subi %add3A_653, %sub3A_655 : vector<16xi32>
            %mul3A_657 = arith.constant 16 : i32
            %mul3A_658 = arith.muli %scan3A_636, %mul3A_657 : i32
            %add3A_659 = vector.broadcast %mul3A_658 : i32 to vector<16xi32>
            %add3A_660 = arith.addi %iota3A, %add3A_659 : vector<16xi32>
            tpu.vector_store_idx %arg7[%sub3A_656], %get3A_645 masked %lt3A_647 : memref<2064xf32, #tpu.memory_space<vmem>>[vector<16xi32>], vector<16xf32>, vector<16xi1>
            tpu.vector_store_idx %arg8[%sub3A_656], %add3A_660 masked %lt3A_647 : memref<2064xi32, #tpu.memory_space<vmem>>[vector<16xi32>], vector<16xi32>, vector<16xi1>
            %add3A_661 = arith.addi %add3A_634, %all_reduce_population_count3A_652 : vector<16xi32>
            %scan3A_662 = arith.constant 4 : i32
            %scan3A_663 = arith.addi %scan3A_555, %scan3A_662 : i32
            %mul3A_664 = arith.constant 2048 : i32
            %mul3A_665 = arith.muli %scan3A_249, %mul3A_664 : i32
            %mul3A_666 = arith.constant 16 : i32
            %mul3A_667 = arith.muli %scan3A_663, %mul3A_666 : i32
            %add3A_668 = arith.addi %mul3A_665, %mul3A_667 : i32
            %get3A_669 = arith.constant 0 : i32
            %get3A_670 = arith.index_cast %get3A_669 : i32 to index
            %get3A_671 = arith.index_cast %add3A_668 : i32 to index
            %get3A_672 = tpu.vector_load %arg5[%get3A_670, %get3A_671] {strides = array<i32>} : memref<2x16384xf32, #tpu.memory_space<vmem>>, vector<16xf32>,
            %lt3A_673 = vector.broadcast %mul3A_546 : f32 to vector<16xf32>
            %lt3A_674 = arith.cmpf olt, %get3A_672, %lt3A_673 : vector<16xf32>
            %convert_element_type3A_675 = arith.extui %lt3A_674 : vector<16xi1> to vector<16xi32>
            %cumsum3A_676 = arith.constant true
            %cumsum3A_677 = vector.broadcast %cumsum3A_676 : i1 to vector<16xi1>
            %cumsum3A_678 = tpu.scan <sum>, %convert_element_type3A_675 masked %cumsum3A_677 : vector<16xi32>, vector<16xi1> -> vector<16xi32>
            %all_reduce_population_count3A_679 = tpu.all_reduce %lt3A_674 {dim = 0 : i64, kind = #tpu.reduction_kind<sum>} : vector<16xi1> -> vector<16xi32>
            %add3A_680 = arith.addi %add3A_661, %cumsum3A_678 : vector<16xi32>
            %sub3A_681 = arith.constant 1 : i32
            %sub3A_682 = vector.broadcast %sub3A_681 : i32 to vector<16xi32>
            %sub3A_683 = arith.subi %add3A_680, %sub3A_682 : vector<16xi32>
            %mul3A_684 = arith.constant 16 : i32
            %mul3A_685 = arith.muli %scan3A_663, %mul3A_684 : i32
            %add3A_686 = vector.broadcast %mul3A_685 : i32 to vector<16xi32>
            %add3A_687 = arith.addi %iota3A, %add3A_686 : vector<16xi32>
            tpu.vector_store_idx %arg7[%sub3A_683], %get3A_672 masked %lt3A_674 : memref<2064xf32, #tpu.memory_space<vmem>>[vector<16xi32>], vector<16xf32>, vector<16xi1>
            tpu.vector_store_idx %arg8[%sub3A_683], %add3A_687 masked %lt3A_674 : memref<2064xi32, #tpu.memory_space<vmem>>[vector<16xi32>], vector<16xi32>, vector<16xi1>
            %add3A_688 = arith.addi %add3A_661, %all_reduce_population_count3A_679 : vector<16xi32>
            %scan3A_689 = arith.constant 5 : i32
            %scan3A_690 = arith.addi %scan3A_555, %scan3A_689 : i32
            %mul3A_691 = arith.constant 2048 : i32
            %mul3A_692 = arith.muli %scan3A_249, %mul3A_691 : i32
            %mul3A_693 = arith.constant 16 : i32
            %mul3A_694 = arith.muli %scan3A_690, %mul3A_693 : i32
            %add3A_695 = arith.addi %mul3A_692, %mul3A_694 : i32
            %get3A_696 = arith.constant 0 : i32
            %get3A_697 = arith.index_cast %get3A_696 : i32 to index
            %get3A_698 = arith.index_cast %add3A_695 : i32 to index
            %get3A_699 = tpu.vector_load %arg5[%get3A_697, %get3A_698] {strides = array<i32>} : memref<2x16384xf32, #tpu.memory_space<vmem>>, vector<16xf32>,
            %lt3A_700 = vector.broadcast %mul3A_546 : f32 to vector<16xf32>
            %lt3A_701 = arith.cmpf olt, %get3A_699, %lt3A_700 : vector<16xf32>
            %convert_element_type3A_702 = arith.extui %lt3A_701 : vector<16xi1> to vector<16xi32>
            %cumsum3A_703 = arith.constant true
            %cumsum3A_704 = vector.broadcast %cumsum3A_703 : i1 to vector<16xi1>
            %cumsum3A_705 = tpu.scan <sum>, %convert_element_type3A_702 masked %cumsum3A_704 : vector<16xi32>, vector<16xi1> -> vector<16xi32>
            %all_reduce_population_count3A_706 = tpu.all_reduce %lt3A_701 {dim = 0 : i64, kind = #tpu.reduction_kind<sum>} : vector<16xi1> -> vector<16xi32>
            %add3A_707 = arith.addi %add3A_688, %cumsum3A_705 : vector<16xi32>
            %sub3A_708 = arith.constant 1 : i32
            %sub3A_709 = vector.broadcast %sub3A_708 : i32 to vector<16xi32>
            %sub3A_710 = arith.subi %add3A_707, %sub3A_709 : vector<16xi32>
            %mul3A_711 = arith.constant 16 : i32
            %mul3A_712 = arith.muli %scan3A_690, %mul3A_711 : i32
            %add3A_713 = vector.broadcast %mul3A_712 : i32 to vector<16xi32>
            %add3A_714 = arith.addi %iota3A, %add3A_713 : vector<16xi32>
            tpu.vector_store_idx %arg7[%sub3A_710], %get3A_699 masked %lt3A_701 : memref<2064xf32, #tpu.memory_space<vmem>>[vector<16xi32>], vector<16xf32>, vector<16xi1>
            tpu.vector_store_idx %arg8[%sub3A_710], %add3A_714 masked %lt3A_701 : memref<2064xi32, #tpu.memory_space<vmem>>[vector<16xi32>], vector<16xi32>, vector<16xi1>
            %add3A_715 = arith.addi %add3A_688, %all_reduce_population_count3A_706 : vector<16xi32>
            %scan3A_716 = arith.constant 6 : i32
            %scan3A_717 = arith.addi %scan3A_555, %scan3A_716 : i32
            %mul3A_718 = arith.constant 2048 : i32
            %mul3A_719 = arith.muli %scan3A_249, %mul3A_718 : i32
            %mul3A_720 = arith.constant 16 : i32
            %mul3A_721 = arith.muli %scan3A_717, %mul3A_720 : i32
            %add3A_722 = arith.addi %mul3A_719, %mul3A_721 : i32
            %get3A_723 = arith.constant 0 : i32
            %get3A_724 = arith.index_cast %get3A_723 : i32 to index
            %get3A_725 = arith.index_cast %add3A_722 : i32 to index
            %get3A_726 = tpu.vector_load %arg5[%get3A_724, %get3A_725] {strides = array<i32>} : memref<2x16384xf32, #tpu.memory_space<vmem>>, vector<16xf32>,
            %lt3A_727 = vector.broadcast %mul3A_546 : f32 to vector<16xf32>
            %lt3A_728 = arith.cmpf olt, %get3A_726, %lt3A_727 : vector<16xf32>
            %convert_element_type3A_729 = arith.extui %lt3A_728 : vector<16xi1> to vector<16xi32>
            %cumsum3A_730 = arith.constant true
            %cumsum3A_731 = vector.broadcast %cumsum3A_730 : i1 to vector<16xi1>
            %cumsum3A_732 = tpu.scan <sum>, %convert_element_type3A_729 masked %cumsum3A_731 : vector<16xi32>, vector<16xi1> -> vector<16xi32>
            %all_reduce_population_count3A_733 = tpu.all_reduce %lt3A_728 {dim = 0 : i64, kind = #tpu.reduction_kind<sum>} : vector<16xi1> -> vector<16xi32>
            %add3A_734 = arith.addi %add3A_715, %cumsum3A_732 : vector<16xi32>
            %sub3A_735 = arith.constant 1 : i32
            %sub3A_736 = vector.broadcast %sub3A_735 : i32 to vector<16xi32>
            %sub3A_737 = arith.subi %add3A_734, %sub3A_736 : vector<16xi32>
            %mul3A_738 = arith.constant 16 : i32
            %mul3A_739 = arith.muli %scan3A_717, %mul3A_738 : i32
            %add3A_740 = vector.broadcast %mul3A_739 : i32 to vector<16xi32>
            %add3A_741 = arith.addi %iota3A, %add3A_740 : vector<16xi32>
            tpu.vector_store_idx %arg7[%sub3A_737], %get3A_726 masked %lt3A_728 : memref<2064xf32, #tpu.memory_space<vmem>>[vector<16xi32>], vector<16xf32>, vector<16xi1>
            tpu.vector_store_idx %arg8[%sub3A_737], %add3A_741 masked %lt3A_728 : memref<2064xi32, #tpu.memory_space<vmem>>[vector<16xi32>], vector<16xi32>, vector<16xi1>
            %add3A_742 = arith.addi %add3A_715, %all_reduce_population_count3A_733 : vector<16xi32>
            %scan3A_743 = arith.constant 7 : i32
            %scan3A_744 = arith.addi %scan3A_555, %scan3A_743 : i32
            %mul3A_745 = arith.constant 2048 : i32
            %mul3A_746 = arith.muli %scan3A_249, %mul3A_745 : i32
            %mul3A_747 = arith.constant 16 : i32
            %mul3A_748 = arith.muli %scan3A_744, %mul3A_747 : i32
            %add3A_749 = arith.addi %mul3A_746, %mul3A_748 : i32
            %get3A_750 = arith.constant 0 : i32
            %get3A_751 = arith.index_cast %get3A_750 : i32 to index
            %get3A_752 = arith.index_cast %add3A_749 : i32 to index
            %get3A_753 = tpu.vector_load %arg5[%get3A_751, %get3A_752] {strides = array<i32>} : memref<2x16384xf32, #tpu.memory_space<vmem>>, vector<16xf32>,
            %lt3A_754 = vector.broadcast %mul3A_546 : f32 to vector<16xf32>
            %lt3A_755 = arith.cmpf olt, %get3A_753, %lt3A_754 : vector<16xf32>
            %convert_element_type3A_756 = arith.extui %lt3A_755 : vector<16xi1> to vector<16xi32>
            %cumsum3A_757 = arith.constant true
            %cumsum3A_758 = vector.broadcast %cumsum3A_757 : i1 to vector<16xi1>
            %cumsum3A_759 = tpu.scan <sum>, %convert_element_type3A_756 masked %cumsum3A_758 : vector<16xi32>, vector<16xi1> -> vector<16xi32>
            %all_reduce_population_count3A_760 = tpu.all_reduce %lt3A_755 {dim = 0 : i64, kind = #tpu.reduction_kind<sum>} : vector<16xi1> -> vector<16xi32>
            %add3A_761 = arith.addi %add3A_742, %cumsum3A_759 : vector<16xi32>
            %sub3A_762 = arith.constant 1 : i32
            %sub3A_763 = vector.broadcast %sub3A_762 : i32 to vector<16xi32>
            %sub3A_764 = arith.subi %add3A_761, %sub3A_763 : vector<16xi32>
            %mul3A_765 = arith.constant 16 : i32
            %mul3A_766 = arith.muli %scan3A_744, %mul3A_765 : i32
            %add3A_767 = vector.broadcast %mul3A_766 : i32 to vector<16xi32>
            %add3A_768 = arith.addi %iota3A, %add3A_767 : vector<16xi32>
            tpu.vector_store_idx %arg7[%sub3A_764], %get3A_753 masked %lt3A_755 : memref<2064xf32, #tpu.memory_space<vmem>>[vector<16xi32>], vector<16xf32>, vector<16xi1>
            tpu.vector_store_idx %arg8[%sub3A_764], %add3A_768 masked %lt3A_755 : memref<2064xi32, #tpu.memory_space<vmem>>[vector<16xi32>], vector<16xi32>, vector<16xi1>
            %add3A_769 = arith.addi %add3A_742, %all_reduce_population_count3A_760 : vector<16xi32>
            scf.yield %add3A_769 : vector<16xi32>
          }
          %scan3A_554 = arith.constant 128 : i32
          scf.yield %mul3A_546, %mul3A_548, %scan3A_553 : f32, f32, vector<16xi32>
        }
        %reduce_max3A = arith.constant true
        %reduce_max3A_264 = vector.broadcast %reduce_max3A : i1 to vector<16xi1>
        %reduce_max3A_265 = arith.constant -2147483648 : i32
        %reduce_max3A_266 = vector.broadcast %reduce_max3A_265 : i32 to vector<16xi32>
        %reduce_max3A_267 = arith.xori %while3A_263#2, %reduce_max3A_266 : vector<16xi32>
        %reduce_max3A_268 = tpu.scan <max>, %reduce_max3A_267 masked %reduce_max3A_264 : vector<16xi32>, vector<16xi1> -> vector<16xi32>
        %reduce_max3A_269 = arith.xori %reduce_max3A_268, %reduce_max3A_266 : vector<16xi32>
        %reduce_max3A_270 = vector.extract %reduce_max3A_269[15] : i32 from vector<16xi32>
        %add3A_271 = arith.constant 15 : i32
        %add3A_272 = arith.addi %reduce_max3A_270, %add3A_271 : i32
        %shift_right_arithmetic3A = arith.constant 4 : i32
        %shift_right_arithmetic3A_273 = arith.shrsi %add3A_272, %shift_right_arithmetic3A : i32
        %scan3A_274 = arith.constant 0 : i32
        %scan3A_275 = arith.constant 0 : i32
        %scan3A_276 = arith.constant 16 : i32
        %scan3A_277 = arith.addi %scan3A_275, %scan3A_276 : i32
        %scan3A_278 = arith.constant 4 : i32
        %scan3A_279 = scf.for %scan3A_542 = %scan3A_275 to %scan3A_277 step %scan3A_278 iter_args(%scan3A_543 = %scan3A_274) -> (i32)  : i32 {
          %mul3A_544 = arith.constant 16 : i32
          %mul3A_545 = arith.muli %scan3A_542, %mul3A_544 : i32
          %swap3A_546 = arith.index_cast %mul3A_545 : i32 to index
          %swap3A_547 = tpu.vector_load %arg12[%swap3A_546] {strides = array<i32>} : memref<256xi32, #tpu.memory_space<vmem>>, vector<16xi32>,
          tpu.vector_store %arg12[%swap3A_546], %broadcast_in_dim3A_0 {strides = array<i32>} : memref<256xi32, #tpu.memory_space<vmem>>, vector<16xi32>,
          %scan3A_548 = arith.constant 0 : i32
          %scan3A_549 = arith.constant 1 : i32
          %scan3A_550 = arith.addi %scan3A_542, %scan3A_549 : i32
          %mul3A_551 = arith.constant 16 : i32
          %mul3A_552 = arith.muli %scan3A_550, %mul3A_551 : i32
          %swap3A_553 = arith.index_cast %mul3A_552 : i32 to index
          %swap3A_554 = tpu.vector_load %arg12[%swap3A_553] {strides = array<i32>} : memref<256xi32, #tpu.memory_space<vmem>>, vector<16xi32>,
          tpu.vector_store %arg12[%swap3A_553], %broadcast_in_dim3A_0 {strides = array<i32>} : memref<256xi32, #tpu.memory_space<vmem>>, vector<16xi32>,
          %scan3A_555 = arith.constant 0 : i32
          %scan3A_556 = arith.constant 2 : i32
          %scan3A_557 = arith.addi %scan3A_542, %scan3A_556 : i32
          %mul3A_558 = arith.constant 16 : i32
          %mul3A_559 = arith.muli %scan3A_557, %mul3A_558 : i32
          %swap3A_560 = arith.index_cast %mul3A_559 : i32 to index
          %swap3A_561 = tpu.vector_load %arg12[%swap3A_560] {strides = array<i32>} : memref<256xi32, #tpu.memory_space<vmem>>, vector<16xi32>,
          tpu.vector_store %arg12[%swap3A_560], %broadcast_in_dim3A_0 {strides = array<i32>} : memref<256xi32, #tpu.memory_space<vmem>>, vector<16xi32>,
          %scan3A_562 = arith.constant 0 : i32
          %scan3A_563 = arith.constant 3 : i32
          %scan3A_564 = arith.addi %scan3A_542, %scan3A_563 : i32
          %mul3A_565 = arith.constant 16 : i32
          %mul3A_566 = arith.muli %scan3A_564, %mul3A_565 : i32
          %swap3A_567 = arith.index_cast %mul3A_566 : i32 to index
          %swap3A_568 = tpu.vector_load %arg12[%swap3A_567] {strides = array<i32>} : memref<256xi32, #tpu.memory_space<vmem>>, vector<16xi32>,
          tpu.vector_store %arg12[%swap3A_567], %broadcast_in_dim3A_0 {strides = array<i32>} : memref<256xi32, #tpu.memory_space<vmem>>, vector<16xi32>,
          %scan3A_569 = arith.constant 0 : i32
          scf.yield %scan3A_569 : i32
        }
        %scan3A_280 = arith.constant 16 : i32
        %add3A_281 = arith.constant 1 : i32
        %add3A_282 = arith.addi %shift_right_arithmetic3A_273, %add3A_281 : i32
        %shift_right_arithmetic3A_283 = arith.constant 1 : i32
        %shift_right_arithmetic3A_284 = arith.shrsi %add3A_282, %shift_right_arithmetic3A_283 : i32
        %while3A_285 = arith.constant 0 : i32
        %while3A_286 = arith.constant 0 : i32
        %while3A_287 = arith.subi %shift_right_arithmetic3A_284, %while3A_285 : i32
        %while3A_288 = arith.addi %while3A_285, %while3A_287 : i32
        %while3A_289 = arith.constant 1 : i32
        %while3A_290 = arith.divsi %while3A_287, %while3A_289 : i32
        %while3A_291 = arith.muli %while3A_290, %while3A_289 : i32
        %while3A_292 = arith.addi %while3A_285, %while3A_291 : i32
        %while3A_293 = arith.constant 1 : i32
        %while3A_294 = scf.for %while3A_542 = %while3A_285 to %while3A_292 step %while3A_293 iter_args(%while3A_543 = %while3A_286) -> (i32)  : i32 {
          %mul3A_544 = arith.constant 32 : i32
          %mul3A_545 = arith.muli %while3A_542, %mul3A_544 : i32
          %add3A_546 = arith.constant 0 : i32
          %add3A_547 = arith.addi %mul3A_545, %add3A_546 : i32
          %get3A_548 = arith.index_cast %add3A_547 : i32 to index
          %get3A_549 = tpu.vector_load %arg7[%get3A_548] {strides = array<i32>} : memref<2064xf32, #tpu.memory_space<vmem>>, vector<16xf32>,
          %mul3A_550 = arith.constant 32 : i32
          %mul3A_551 = arith.muli %while3A_542, %mul3A_550 : i32
          %add3A_552 = arith.constant 0 : i32
          %add3A_553 = arith.addi %mul3A_551, %add3A_552 : i32
          %add3A_554 = vector.broadcast %add3A_553 : i32 to vector<16xi32>
          %add3A_555 = arith.addi %iota3A, %add3A_554 : vector<16xi32>
          %lt3A_556 = arith.cmpi slt, %add3A_555, %while3A_263#2 : vector<16xi32>
          %mul3A_557 = vector.broadcast %while3A_263#1 : f32 to vector<16xf32>
          %mul3A_558 = arith.mulf %get3A_549, %mul3A_557 : vector<16xf32>
          %convert_element_type3A_559 = arith.fptosi %mul3A_558 : vector<16xf32> to vector<16xi32>
          %jit3A_560 = arith.constant 0 : i32
          %jit3A_561 = arith.constant 255 : i32
          %max3A = vector.broadcast %jit3A_560 : i32 to vector<16xi32>
          %max3A_562 = arith.maxsi %max3A, %convert_element_type3A_559 : vector<16xi32>
          %min3A = vector.broadcast %jit3A_561 : i32 to vector<16xi32>
          %min3A_563 = arith.minsi %min3A, %max3A_562 : vector<16xi32>
          tpu.vector_store_idx %arg12[%min3A_563], %broadcast_in_dim3A_2 masked %lt3A_556 {add = true} : memref<256xi32, #tpu.memory_space<vmem>>[vector<16xi32>], vector<16xi32>, vector<16xi1>
          %mul3A_564 = arith.constant 32 : i32
          %mul3A_565 = arith.muli %while3A_542, %mul3A_564 : i32
          %add3A_566 = arith.constant 16 : i32
          %add3A_567 = arith.addi %mul3A_565, %add3A_566 : i32
          %get3A_568 = arith.index_cast %add3A_567 : i32 to index
          %get3A_569 = tpu.vector_load %arg7[%get3A_568] {strides = array<i32>} : memref<2064xf32, #tpu.memory_space<vmem>>, vector<16xf32>,
          %mul3A_570 = arith.constant 32 : i32
          %mul3A_571 = arith.muli %while3A_542, %mul3A_570 : i32
          %add3A_572 = arith.constant 16 : i32
          %add3A_573 = arith.addi %mul3A_571, %add3A_572 : i32
          %add3A_574 = vector.broadcast %add3A_573 : i32 to vector<16xi32>
          %add3A_575 = arith.addi %iota3A, %add3A_574 : vector<16xi32>
          %lt3A_576 = arith.cmpi slt, %add3A_575, %while3A_263#2 : vector<16xi32>
          %mul3A_577 = vector.broadcast %while3A_263#1 : f32 to vector<16xf32>
          %mul3A_578 = arith.mulf %get3A_569, %mul3A_577 : vector<16xf32>
          %convert_element_type3A_579 = arith.fptosi %mul3A_578 : vector<16xf32> to vector<16xi32>
          %jit3A_580 = arith.constant 0 : i32
          %jit3A_581 = arith.constant 255 : i32
          %max3A_582 = vector.broadcast %jit3A_580 : i32 to vector<16xi32>
          %max3A_583 = arith.maxsi %max3A_582, %convert_element_type3A_579 : vector<16xi32>
          %min3A_584 = vector.broadcast %jit3A_581 : i32 to vector<16xi32>
          %min3A_585 = arith.minsi %min3A_584, %max3A_583 : vector<16xi32>
          tpu.vector_store_idx %arg12[%min3A_585], %broadcast_in_dim3A_2 masked %lt3A_576 {add = true} : memref<256xi32, #tpu.memory_space<vmem>>[vector<16xi32>], vector<16xi32>, vector<16xi1>
          %while3A_586 = arith.constant 0 : i32
          scf.yield %while3A_586 : i32
        }
        %while3A_295 = arith.constant 1 : i32
        %while3A_296 = scf.for %while3A_542 = %while3A_292 to %while3A_288 step %while3A_295 iter_args(%while3A_543 = %while3A_294) -> (i32)  : i32 {
          %mul3A_544 = arith.constant 32 : i32
          %mul3A_545 = arith.muli %while3A_542, %mul3A_544 : i32
          %add3A_546 = arith.constant 0 : i32
          %add3A_547 = arith.addi %mul3A_545, %add3A_546 : i32
          %get3A_548 = arith.index_cast %add3A_547 : i32 to index
          %get3A_549 = tpu.vector_load %arg7[%get3A_548] {strides = array<i32>} : memref<2064xf32, #tpu.memory_space<vmem>>, vector<16xf32>,
          %mul3A_550 = arith.constant 32 : i32
          %mul3A_551 = arith.muli %while3A_542, %mul3A_550 : i32
          %add3A_552 = arith.constant 0 : i32
          %add3A_553 = arith.addi %mul3A_551, %add3A_552 : i32
          %add3A_554 = vector.broadcast %add3A_553 : i32 to vector<16xi32>
          %add3A_555 = arith.addi %iota3A, %add3A_554 : vector<16xi32>
          %lt3A_556 = arith.cmpi slt, %add3A_555, %while3A_263#2 : vector<16xi32>
          %mul3A_557 = vector.broadcast %while3A_263#1 : f32 to vector<16xf32>
          %mul3A_558 = arith.mulf %get3A_549, %mul3A_557 : vector<16xf32>
          %convert_element_type3A_559 = arith.fptosi %mul3A_558 : vector<16xf32> to vector<16xi32>
          %jit3A_560 = arith.constant 0 : i32
          %jit3A_561 = arith.constant 255 : i32
          %max3A = vector.broadcast %jit3A_560 : i32 to vector<16xi32>
          %max3A_562 = arith.maxsi %max3A, %convert_element_type3A_559 : vector<16xi32>
          %min3A = vector.broadcast %jit3A_561 : i32 to vector<16xi32>
          %min3A_563 = arith.minsi %min3A, %max3A_562 : vector<16xi32>
          tpu.vector_store_idx %arg12[%min3A_563], %broadcast_in_dim3A_2 masked %lt3A_556 {add = true} : memref<256xi32, #tpu.memory_space<vmem>>[vector<16xi32>], vector<16xi32>, vector<16xi1>
          %mul3A_564 = arith.constant 32 : i32
          %mul3A_565 = arith.muli %while3A_542, %mul3A_564 : i32
          %add3A_566 = arith.constant 16 : i32
          %add3A_567 = arith.addi %mul3A_565, %add3A_566 : i32
          %get3A_568 = arith.index_cast %add3A_567 : i32 to index
          %get3A_569 = tpu.vector_load %arg7[%get3A_568] {strides = array<i32>} : memref<2064xf32, #tpu.memory_space<vmem>>, vector<16xf32>,
          %mul3A_570 = arith.constant 32 : i32
          %mul3A_571 = arith.muli %while3A_542, %mul3A_570 : i32
          %add3A_572 = arith.constant 16 : i32
          %add3A_573 = arith.addi %mul3A_571, %add3A_572 : i32
          %add3A_574 = vector.broadcast %add3A_573 : i32 to vector<16xi32>
          %add3A_575 = arith.addi %iota3A, %add3A_574 : vector<16xi32>
          %lt3A_576 = arith.cmpi slt, %add3A_575, %while3A_263#2 : vector<16xi32>
          %mul3A_577 = vector.broadcast %while3A_263#1 : f32 to vector<16xf32>
          %mul3A_578 = arith.mulf %get3A_569, %mul3A_577 : vector<16xf32>
          %convert_element_type3A_579 = arith.fptosi %mul3A_578 : vector<16xf32> to vector<16xi32>
          %jit3A_580 = arith.constant 0 : i32
          %jit3A_581 = arith.constant 255 : i32
          %max3A_582 = vector.broadcast %jit3A_580 : i32 to vector<16xi32>
          %max3A_583 = arith.maxsi %max3A_582, %convert_element_type3A_579 : vector<16xi32>
          %min3A_584 = vector.broadcast %jit3A_581 : i32 to vector<16xi32>
          %min3A_585 = arith.minsi %min3A_584, %max3A_583 : vector<16xi32>
          tpu.vector_store_idx %arg12[%min3A_585], %broadcast_in_dim3A_2 masked %lt3A_576 {add = true} : memref<256xi32, #tpu.memory_space<vmem>>[vector<16xi32>], vector<16xi32>, vector<16xi1>
          %while3A_586 = arith.constant 0 : i32
          scf.yield %while3A_586 : i32
        }
        %scan3A_297 = arith.constant 0 : i32
        %scan3A_298 = arith.constant 0 : i32
        %scan3A_299 = arith.constant 16 : i32
        %scan3A_300 = arith.addi %scan3A_298, %scan3A_299 : i32
        %scan3A_301 = arith.constant 4 : i32
        %scan3A_302 = scf.for %scan3A_542 = %scan3A_298 to %scan3A_300 step %scan3A_301 iter_args(%scan3A_543 = %scan3A_297) -> (i32)  : i32 {
          %mul3A_544 = arith.constant 16 : i32
          %mul3A_545 = arith.muli %scan3A_542, %mul3A_544 : i32
          %get3A_546 = arith.index_cast %mul3A_545 : i32 to index
          %get3A_547 = tpu.vector_load %arg12[%get3A_546] {strides = array<i32>} : memref<256xi32, #tpu.memory_space<vmem>>, vector<16xi32>,
          %reduce_sum3A = arith.constant true
          %reduce_sum3A_548 = vector.broadcast %reduce_sum3A : i1 to vector<16xi1>
          %reduce_sum3A_549 = tpu.scan <sum>, %get3A_547 masked %reduce_sum3A_548 : vector<16xi32>, vector<16xi1> -> vector<16xi32>
          %reduce_sum3A_550 = vector.extract %reduce_sum3A_549[15] : i32 from vector<16xi32>
          %mul3A_551 = arith.constant 0 : i32
          %mul3A_552 = vector.broadcast %mul3A_551 : i32 to vector<16xi32>
          %mul3A_553 = arith.muli %iota3A, %mul3A_552 : vector<16xi32>
          %add3A_554 = vector.broadcast %scan3A_542 : i32 to vector<16xi32>
          %add3A_555 = arith.addi %mul3A_553, %add3A_554 : vector<16xi32>
          %broadcast_in_dim3A_556 = vector.broadcast %reduce_sum3A_550 : i32 to vector<16xi32>
          %eq3A_557 = arith.constant 0 : i32
          %eq3A_558 = vector.broadcast %eq3A_557 : i32 to vector<16xi32>
          %eq3A_559 = arith.cmpi eq, %iota3A, %eq3A_558 : vector<16xi32>
          tpu.vector_store_idx %arg13[%add3A_555], %broadcast_in_dim3A_556 masked %eq3A_559 : memref<16xi32, #tpu.memory_space<vmem>>[vector<16xi32>], vector<16xi32>, vector<16xi1>
          %scan3A_560 = arith.constant 0 : i32
          %scan3A_561 = arith.constant 1 : i32
          %scan3A_562 = arith.addi %scan3A_542, %scan3A_561 : i32
          %mul3A_563 = arith.constant 16 : i32
          %mul3A_564 = arith.muli %scan3A_562, %mul3A_563 : i32
          %get3A_565 = arith.index_cast %mul3A_564 : i32 to index
          %get3A_566 = tpu.vector_load %arg12[%get3A_565] {strides = array<i32>} : memref<256xi32, #tpu.memory_space<vmem>>, vector<16xi32>,
          %reduce_sum3A_567 = arith.constant true
          %reduce_sum3A_568 = vector.broadcast %reduce_sum3A_567 : i1 to vector<16xi1>
          %reduce_sum3A_569 = tpu.scan <sum>, %get3A_566 masked %reduce_sum3A_568 : vector<16xi32>, vector<16xi1> -> vector<16xi32>
          %reduce_sum3A_570 = vector.extract %reduce_sum3A_569[15] : i32 from vector<16xi32>
          %mul3A_571 = arith.constant 0 : i32
          %mul3A_572 = vector.broadcast %mul3A_571 : i32 to vector<16xi32>
          %mul3A_573 = arith.muli %iota3A, %mul3A_572 : vector<16xi32>
          %add3A_574 = vector.broadcast %scan3A_562 : i32 to vector<16xi32>
          %add3A_575 = arith.addi %mul3A_573, %add3A_574 : vector<16xi32>
          %broadcast_in_dim3A_576 = vector.broadcast %reduce_sum3A_570 : i32 to vector<16xi32>
          %eq3A_577 = arith.constant 0 : i32
          %eq3A_578 = vector.broadcast %eq3A_577 : i32 to vector<16xi32>
          %eq3A_579 = arith.cmpi eq, %iota3A, %eq3A_578 : vector<16xi32>
          tpu.vector_store_idx %arg13[%add3A_575], %broadcast_in_dim3A_576 masked %eq3A_579 : memref<16xi32, #tpu.memory_space<vmem>>[vector<16xi32>], vector<16xi32>, vector<16xi1>
          %scan3A_580 = arith.constant 0 : i32
          %scan3A_581 = arith.constant 2 : i32
          %scan3A_582 = arith.addi %scan3A_542, %scan3A_581 : i32
          %mul3A_583 = arith.constant 16 : i32
          %mul3A_584 = arith.muli %scan3A_582, %mul3A_583 : i32
          %get3A_585 = arith.index_cast %mul3A_584 : i32 to index
          %get3A_586 = tpu.vector_load %arg12[%get3A_585] {strides = array<i32>} : memref<256xi32, #tpu.memory_space<vmem>>, vector<16xi32>,
          %reduce_sum3A_587 = arith.constant true
          %reduce_sum3A_588 = vector.broadcast %reduce_sum3A_587 : i1 to vector<16xi1>
          %reduce_sum3A_589 = tpu.scan <sum>, %get3A_586 masked %reduce_sum3A_588 : vector<16xi32>, vector<16xi1> -> vector<16xi32>
          %reduce_sum3A_590 = vector.extract %reduce_sum3A_589[15] : i32 from vector<16xi32>
          %mul3A_591 = arith.constant 0 : i32
          %mul3A_592 = vector.broadcast %mul3A_591 : i32 to vector<16xi32>
          %mul3A_593 = arith.muli %iota3A, %mul3A_592 : vector<16xi32>
          %add3A_594 = vector.broadcast %scan3A_582 : i32 to vector<16xi32>
          %add3A_595 = arith.addi %mul3A_593, %add3A_594 : vector<16xi32>
          %broadcast_in_dim3A_596 = vector.broadcast %reduce_sum3A_590 : i32 to vector<16xi32>
          %eq3A_597 = arith.constant 0 : i32
          %eq3A_598 = vector.broadcast %eq3A_597 : i32 to vector<16xi32>
          %eq3A_599 = arith.cmpi eq, %iota3A, %eq3A_598 : vector<16xi32>
          tpu.vector_store_idx %arg13[%add3A_595], %broadcast_in_dim3A_596 masked %eq3A_599 : memref<16xi32, #tpu.memory_space<vmem>>[vector<16xi32>], vector<16xi32>, vector<16xi1>
          %scan3A_600 = arith.constant 0 : i32
          %scan3A_601 = arith.constant 3 : i32
          %scan3A_602 = arith.addi %scan3A_542, %scan3A_601 : i32
          %mul3A_603 = arith.constant 16 : i32
          %mul3A_604 = arith.muli %scan3A_602, %mul3A_603 : i32
          %get3A_605 = arith.index_cast %mul3A_604 : i32 to index
          %get3A_606 = tpu.vector_load %arg12[%get3A_605] {strides = array<i32>} : memref<256xi32, #tpu.memory_space<vmem>>, vector<16xi32>,
          %reduce_sum3A_607 = arith.constant true
          %reduce_sum3A_608 = vector.broadcast %reduce_sum3A_607 : i1 to vector<16xi1>
          %reduce_sum3A_609 = tpu.scan <sum>, %get3A_606 masked %reduce_sum3A_608 : vector<16xi32>, vector<16xi1> -> vector<16xi32>
          %reduce_sum3A_610 = vector.extract %reduce_sum3A_609[15] : i32 from vector<16xi32>
          %mul3A_611 = arith.constant 0 : i32
          %mul3A_612 = vector.broadcast %mul3A_611 : i32 to vector<16xi32>
          %mul3A_613 = arith.muli %iota3A, %mul3A_612 : vector<16xi32>
          %add3A_614 = vector.broadcast %scan3A_602 : i32 to vector<16xi32>
          %add3A_615 = arith.addi %mul3A_613, %add3A_614 : vector<16xi32>
          %broadcast_in_dim3A_616 = vector.broadcast %reduce_sum3A_610 : i32 to vector<16xi32>
          %eq3A_617 = arith.constant 0 : i32
          %eq3A_618 = vector.broadcast %eq3A_617 : i32 to vector<16xi32>
          %eq3A_619 = arith.cmpi eq, %iota3A, %eq3A_618 : vector<16xi32>
          tpu.vector_store_idx %arg13[%add3A_615], %broadcast_in_dim3A_616 masked %eq3A_619 : memref<16xi32, #tpu.memory_space<vmem>>[vector<16xi32>], vector<16xi32>, vector<16xi1>
          %scan3A_620 = arith.constant 0 : i32
          scf.yield %scan3A_620 : i32
        }
        %scan3A_303 = arith.constant 16 : i32
        %get3A = arith.constant 0 : index
        %get3A_304 = tpu.vector_load %arg13[%get3A] {strides = array<i32>} : memref<16xi32, #tpu.memory_space<vmem>>, vector<16xi32>,
        %cumsum3A = arith.constant true
        %cumsum3A_305 = vector.broadcast %cumsum3A : i1 to vector<16xi1>
        %cumsum3A_306 = tpu.scan <sum>, %get3A_304 masked %cumsum3A_305 : vector<16xi32>, vector<16xi1> -> vector<16xi32>
        %sub3A_307 = arith.subi %cumsum3A_306, %get3A_304 : vector<16xi32>
        %swap3A = arith.constant 0 : index
        %swap3A_308 = tpu.vector_load %arg14[%swap3A] {strides = array<i32>} : memref<16xi32, #tpu.memory_space<vmem>>, vector<16xi32>,
        tpu.vector_store %arg14[%swap3A], %sub3A_307 {strides = array<i32>} : memref<16xi32, #tpu.memory_space<vmem>>, vector<16xi32>,
        %scan3A_309 = arith.constant 0 : i32
        %scan3A_310 = arith.constant 16 : i32
        %scan3A_311 = arith.addi %scan3A_309, %scan3A_310 : i32
        %scan3A_312 = arith.constant 4 : i32
        %scan3A_313:2 = scf.for %scan3A_542 = %scan3A_309 to %scan3A_311 step %scan3A_312 iter_args(%scan3A_543 = %broadcast_in_dim3A_0, %scan3A_544 = %broadcast_in_dim3A_0) -> (vector<16xi32>, vector<16xi32>)  : i32 {
          %mul3A_545 = arith.constant 16 : i32
          %mul3A_546 = arith.muli %scan3A_542, %mul3A_545 : i32
          %get3A_547 = arith.index_cast %mul3A_546 : i32 to index
          %get3A_548 = tpu.vector_load %arg12[%get3A_547] {strides = array<i32>} : memref<256xi32, #tpu.memory_space<vmem>>, vector<16xi32>,
          %mul3A_549 = arith.constant 0 : i32
          %mul3A_550 = vector.broadcast %mul3A_549 : i32 to vector<16xi32>
          %mul3A_551 = arith.muli %iota3A, %mul3A_550 : vector<16xi32>
          %add3A_552 = vector.broadcast %scan3A_542 : i32 to vector<16xi32>
          %add3A_553 = arith.addi %mul3A_551, %add3A_552 : vector<16xi32>
          %gather3A_554 = tpu.vector_load_idx %arg14[%add3A_553] : memref<16xi32, #tpu.memory_space<vmem>>[vector<16xi32>], vector<16xi32>,
          %cumsum3A_555 = arith.constant true
          %cumsum3A_556 = vector.broadcast %cumsum3A_555 : i1 to vector<16xi1>
          %cumsum3A_557 = tpu.scan <sum>, %get3A_548 masked %cumsum3A_556 : vector<16xi32>, vector<16xi1> -> vector<16xi32>
          %add3A_558 = arith.addi %cumsum3A_557, %gather3A_554 : vector<16xi32>
          %lt3A_559 = arith.constant 64 : i32
          %lt3A_560 = vector.broadcast %lt3A_559 : i32 to vector<16xi32>
          %lt3A_561 = arith.cmpi slt, %add3A_558, %lt3A_560 : vector<16xi32>
          %all_reduce_population_count3A = tpu.all_reduce %lt3A_561 {dim = 0 : i64, kind = #tpu.reduction_kind<sum>} : vector<16xi1> -> vector<16xi32>
          %add3A_562 = arith.addi %scan3A_543, %all_reduce_population_count3A : vector<16xi32>
          %jit3A_563 = arith.constant 0 : i32
          %broadcast_in_dim3A_564 = vector.broadcast %jit3A_563 : i32 to vector<16xi32>
          %select_n3A_565 = arith.select %lt3A_561, %add3A_558, %broadcast_in_dim3A_564 : vector<16xi1>, vector<16xi32>
          %max3A = arith.maxsi %scan3A_544, %select_n3A_565 : vector<16xi32>
          %scan3A_566 = arith.constant 1 : i32
          %scan3A_567 = arith.addi %scan3A_542, %scan3A_566 : i32
          %mul3A_568 = arith.constant 16 : i32
          %mul3A_569 = arith.muli %scan3A_567, %mul3A_568 : i32
          %get3A_570 = arith.index_cast %mul3A_569 : i32 to index
          %get3A_571 = tpu.vector_load %arg12[%get3A_570] {strides = array<i32>} : memref<256xi32, #tpu.memory_space<vmem>>, vector<16xi32>,
          %mul3A_572 = arith.constant 0 : i32
          %mul3A_573 = vector.broadcast %mul3A_572 : i32 to vector<16xi32>
          %mul3A_574 = arith.muli %iota3A, %mul3A_573 : vector<16xi32>
          %add3A_575 = vector.broadcast %scan3A_567 : i32 to vector<16xi32>
          %add3A_576 = arith.addi %mul3A_574, %add3A_575 : vector<16xi32>
          %gather3A_577 = tpu.vector_load_idx %arg14[%add3A_576] : memref<16xi32, #tpu.memory_space<vmem>>[vector<16xi32>], vector<16xi32>,
          %cumsum3A_578 = arith.constant true
          %cumsum3A_579 = vector.broadcast %cumsum3A_578 : i1 to vector<16xi1>
          %cumsum3A_580 = tpu.scan <sum>, %get3A_571 masked %cumsum3A_579 : vector<16xi32>, vector<16xi1> -> vector<16xi32>
          %add3A_581 = arith.addi %cumsum3A_580, %gather3A_577 : vector<16xi32>
          %lt3A_582 = arith.constant 64 : i32
          %lt3A_583 = vector.broadcast %lt3A_582 : i32 to vector<16xi32>
          %lt3A_584 = arith.cmpi slt, %add3A_581, %lt3A_583 : vector<16xi32>
          %all_reduce_population_count3A_585 = tpu.all_reduce %lt3A_584 {dim = 0 : i64, kind = #tpu.reduction_kind<sum>} : vector<16xi1> -> vector<16xi32>
          %add3A_586 = arith.addi %add3A_562, %all_reduce_population_count3A_585 : vector<16xi32>
          %jit3A_587 = arith.constant 0 : i32
          %broadcast_in_dim3A_588 = vector.broadcast %jit3A_587 : i32 to vector<16xi32>
          %select_n3A_589 = arith.select %lt3A_584, %add3A_581, %broadcast_in_dim3A_588 : vector<16xi1>, vector<16xi32>
          %max3A_590 = arith.maxsi %max3A, %select_n3A_589 : vector<16xi32>
          %scan3A_591 = arith.constant 2 : i32
          %scan3A_592 = arith.addi %scan3A_542, %scan3A_591 : i32
          %mul3A_593 = arith.constant 16 : i32
          %mul3A_594 = arith.muli %scan3A_592, %mul3A_593 : i32
          %get3A_595 = arith.index_cast %mul3A_594 : i32 to index
          %get3A_596 = tpu.vector_load %arg12[%get3A_595] {strides = array<i32>} : memref<256xi32, #tpu.memory_space<vmem>>, vector<16xi32>,
          %mul3A_597 = arith.constant 0 : i32
          %mul3A_598 = vector.broadcast %mul3A_597 : i32 to vector<16xi32>
          %mul3A_599 = arith.muli %iota3A, %mul3A_598 : vector<16xi32>
          %add3A_600 = vector.broadcast %scan3A_592 : i32 to vector<16xi32>
          %add3A_601 = arith.addi %mul3A_599, %add3A_600 : vector<16xi32>
          %gather3A_602 = tpu.vector_load_idx %arg14[%add3A_601] : memref<16xi32, #tpu.memory_space<vmem>>[vector<16xi32>], vector<16xi32>,
          %cumsum3A_603 = arith.constant true
          %cumsum3A_604 = vector.broadcast %cumsum3A_603 : i1 to vector<16xi1>
          %cumsum3A_605 = tpu.scan <sum>, %get3A_596 masked %cumsum3A_604 : vector<16xi32>, vector<16xi1> -> vector<16xi32>
          %add3A_606 = arith.addi %cumsum3A_605, %gather3A_602 : vector<16xi32>
          %lt3A_607 = arith.constant 64 : i32
          %lt3A_608 = vector.broadcast %lt3A_607 : i32 to vector<16xi32>
          %lt3A_609 = arith.cmpi slt, %add3A_606, %lt3A_608 : vector<16xi32>
          %all_reduce_population_count3A_610 = tpu.all_reduce %lt3A_609 {dim = 0 : i64, kind = #tpu.reduction_kind<sum>} : vector<16xi1> -> vector<16xi32>
          %add3A_611 = arith.addi %add3A_586, %all_reduce_population_count3A_610 : vector<16xi32>
          %jit3A_612 = arith.constant 0 : i32
          %broadcast_in_dim3A_613 = vector.broadcast %jit3A_612 : i32 to vector<16xi32>
          %select_n3A_614 = arith.select %lt3A_609, %add3A_606, %broadcast_in_dim3A_613 : vector<16xi1>, vector<16xi32>
          %max3A_615 = arith.maxsi %max3A_590, %select_n3A_614 : vector<16xi32>
          %scan3A_616 = arith.constant 3 : i32
          %scan3A_617 = arith.addi %scan3A_542, %scan3A_616 : i32
          %mul3A_618 = arith.constant 16 : i32
          %mul3A_619 = arith.muli %scan3A_617, %mul3A_618 : i32
          %get3A_620 = arith.index_cast %mul3A_619 : i32 to index
          %get3A_621 = tpu.vector_load %arg12[%get3A_620] {strides = array<i32>} : memref<256xi32, #tpu.memory_space<vmem>>, vector<16xi32>,
          %mul3A_622 = arith.constant 0 : i32
          %mul3A_623 = vector.broadcast %mul3A_622 : i32 to vector<16xi32>
          %mul3A_624 = arith.muli %iota3A, %mul3A_623 : vector<16xi32>
          %add3A_625 = vector.broadcast %scan3A_617 : i32 to vector<16xi32>
          %add3A_626 = arith.addi %mul3A_624, %add3A_625 : vector<16xi32>
          %gather3A_627 = tpu.vector_load_idx %arg14[%add3A_626] : memref<16xi32, #tpu.memory_space<vmem>>[vector<16xi32>], vector<16xi32>,
          %cumsum3A_628 = arith.constant true
          %cumsum3A_629 = vector.broadcast %cumsum3A_628 : i1 to vector<16xi1>
          %cumsum3A_630 = tpu.scan <sum>, %get3A_621 masked %cumsum3A_629 : vector<16xi32>, vector<16xi1> -> vector<16xi32>
          %add3A_631 = arith.addi %cumsum3A_630, %gather3A_627 : vector<16xi32>
          %lt3A_632 = arith.constant 64 : i32
          %lt3A_633 = vector.broadcast %lt3A_632 : i32 to vector<16xi32>
          %lt3A_634 = arith.cmpi slt, %add3A_631, %lt3A_633 : vector<16xi32>
          %all_reduce_population_count3A_635 = tpu.all_reduce %lt3A_634 {dim = 0 : i64, kind = #tpu.reduction_kind<sum>} : vector<16xi1> -> vector<16xi32>
          %add3A_636 = arith.addi %add3A_611, %all_reduce_population_count3A_635 : vector<16xi32>
          %jit3A_637 = arith.constant 0 : i32
          %broadcast_in_dim3A_638 = vector.broadcast %jit3A_637 : i32 to vector<16xi32>
          %select_n3A_639 = arith.select %lt3A_634, %add3A_631, %broadcast_in_dim3A_638 : vector<16xi1>, vector<16xi32>
          %max3A_640 = arith.maxsi %max3A_615, %select_n3A_639 : vector<16xi32>
          scf.yield %add3A_636, %max3A_640 : vector<16xi32>, vector<16xi32>
        }
        %scan3A_314 = arith.constant 16 : i32
        %reduce_max3A_315 = arith.constant true
        %reduce_max3A_316 = vector.broadcast %reduce_max3A_315 : i1 to vector<16xi1>
        %reduce_max3A_317 = arith.constant -2147483648 : i32
        %reduce_max3A_318 = vector.broadcast %reduce_max3A_317 : i32 to vector<16xi32>
        %reduce_max3A_319 = arith.xori %scan3A_313#1, %reduce_max3A_318 : vector<16xi32>
        %reduce_max3A_320 = tpu.scan <max>, %reduce_max3A_319 masked %reduce_max3A_316 : vector<16xi32>, vector<16xi1> -> vector<16xi32>
        %reduce_max3A_321 = arith.xori %reduce_max3A_320, %reduce_max3A_318 : vector<16xi32>
        %reduce_max3A_322 = vector.extract %reduce_max3A_321[15] : i32 from vector<16xi32>
        %sub3A_323 = arith.constant 64 : i32
        %sub3A_324 = arith.subi %sub3A_323, %reduce_max3A_322 : i32
        %add3A_325 = arith.constant 1 : i32
        %add3A_326 = arith.addi %shift_right_arithmetic3A_273, %add3A_325 : i32
        %shift_right_arithmetic3A_327 = arith.constant 1 : i32
        %shift_right_arithmetic3A_328 = arith.shrsi %add3A_326, %shift_right_arithmetic3A_327 : i32
        %while3A_329 = arith.constant 0 : i32
        %while3A_330 = arith.subi %shift_right_arithmetic3A_328, %while3A_329 : i32
        %while3A_331 = arith.addi %while3A_329, %while3A_330 : i32
        %while3A_332 = arith.constant 1 : i32
        %while3A_333 = arith.divsi %while3A_330, %while3A_332 : i32
        %while3A_334 = arith.muli %while3A_333, %while3A_332 : i32
        %while3A_335 = arith.addi %while3A_329, %while3A_334 : i32
        %while3A_336 = arith.constant 1 : i32
        %while3A_337:2 = scf.for %while3A_542 = %while3A_329 to %while3A_335 step %while3A_336 iter_args(%while3A_543 = %broadcast_in_dim3A_0, %while3A_544 = %broadcast_in_dim3A_0) -> (vector<16xi32>, vector<16xi32>)  : i32 {
          %mul3A_545 = arith.constant 32 : i32
          %mul3A_546 = arith.muli %while3A_542, %mul3A_545 : i32
          %add3A_547 = arith.constant 0 : i32
          %add3A_548 = arith.addi %mul3A_546, %add3A_547 : i32
          %get3A_549 = arith.index_cast %add3A_548 : i32 to index
          %get3A_550 = tpu.vector_load %arg7[%get3A_549] {strides = array<i32>} : memref<2064xf32, #tpu.memory_space<vmem>>, vector<16xf32>,
          %mul3A_551 = arith.constant 32 : i32
          %mul3A_552 = arith.muli %while3A_542, %mul3A_551 : i32
          %add3A_553 = arith.constant 0 : i32
          %add3A_554 = arith.addi %mul3A_552, %add3A_553 : i32
          %get3A_555 = arith.index_cast %add3A_554 : i32 to index
          %get3A_556 = tpu.vector_load %arg8[%get3A_555] {strides = array<i32>} : memref<2064xi32, #tpu.memory_space<vmem>>, vector<16xi32>,
          %mul3A_557 = arith.constant 32 : i32
          %mul3A_558 = arith.muli %while3A_542, %mul3A_557 : i32
          %add3A_559 = arith.constant 0 : i32
          %add3A_560 = arith.addi %mul3A_558, %add3A_559 : i32
          %add3A_561 = vector.broadcast %add3A_560 : i32 to vector<16xi32>
          %add3A_562 = arith.addi %iota3A, %add3A_561 : vector<16xi32>
          %lt3A_563 = arith.cmpi slt, %add3A_562, %while3A_263#2 : vector<16xi32>
          %mul3A_564 = vector.broadcast %while3A_263#1 : f32 to vector<16xf32>
          %mul3A_565 = arith.mulf %get3A_550, %mul3A_564 : vector<16xf32>
          %convert_element_type3A_566 = arith.fptosi %mul3A_565 : vector<16xf32> to vector<16xi32>
          %jit3A_567 = arith.constant 0 : i32
          %jit3A_568 = arith.constant 255 : i32
          %max3A = vector.broadcast %jit3A_567 : i32 to vector<16xi32>
          %max3A_569 = arith.maxsi %max3A, %convert_element_type3A_566 : vector<16xi32>
          %min3A = vector.broadcast %jit3A_568 : i32 to vector<16xi32>
          %min3A_570 = arith.minsi %min3A, %max3A_569 : vector<16xi32>
          %lt3A_571 = arith.cmpi slt, %min3A_570, %scan3A_313#0 : vector<16xi32>
          %and3A_572 = arith.andi %lt3A_563, %lt3A_571 : vector<16xi1>
          %eq3A_573 = arith.cmpi eq, %min3A_570, %scan3A_313#0 : vector<16xi32>
          %and3A_574 = arith.andi %lt3A_563, %eq3A_573 : vector<16xi1>
          %convert_element_type3A_575 = arith.extui %and3A_572 : vector<16xi1> to vector<16xi32>
          %cumsum3A_576 = arith.constant true
          %cumsum3A_577 = vector.broadcast %cumsum3A_576 : i1 to vector<16xi1>
          %cumsum3A_578 = tpu.scan <sum>, %convert_element_type3A_575 masked %cumsum3A_577 : vector<16xi32>, vector<16xi1> -> vector<16xi32>
          %convert_element_type3A_579 = arith.extui %and3A_574 : vector<16xi1> to vector<16xi32>
          %cumsum3A_580 = arith.constant true
          %cumsum3A_581 = vector.broadcast %cumsum3A_580 : i1 to vector<16xi1>
          %cumsum3A_582 = tpu.scan <sum>, %convert_element_type3A_579 masked %cumsum3A_581 : vector<16xi32>, vector<16xi1> -> vector<16xi32>
          %add3A_583 = arith.addi %while3A_543, %cumsum3A_578 : vector<16xi32>
          %sub3A_584 = arith.constant 1 : i32
          %sub3A_585 = vector.broadcast %sub3A_584 : i32 to vector<16xi32>
          %sub3A_586 = arith.subi %add3A_583, %sub3A_585 : vector<16xi32>
          tpu.vector_store_idx %arg11[%sub3A_586], %get3A_556 masked %and3A_572 : memref<64xi32, #tpu.memory_space<vmem>>[vector<16xi32>], vector<16xi32>, vector<16xi1>
          %add3A_587 = arith.addi %while3A_544, %cumsum3A_582 : vector<16xi32>
          %sub3A_588 = arith.constant 1 : i32
          %sub3A_589 = vector.broadcast %sub3A_588 : i32 to vector<16xi32>
          %sub3A_590 = arith.subi %add3A_587, %sub3A_589 : vector<16xi32>
          tpu.vector_store_idx %arg9[%sub3A_590], %get3A_550 masked %and3A_574 : memref<2064xf32, #tpu.memory_space<vmem>>[vector<16xi32>], vector<16xf32>, vector<16xi1>
          %add3A_591 = arith.addi %while3A_544, %cumsum3A_582 : vector<16xi32>
          %sub3A_592 = arith.constant 1 : i32
          %sub3A_593 = vector.broadcast %sub3A_592 : i32 to vector<16xi32>
          %sub3A_594 = arith.subi %add3A_591, %sub3A_593 : vector<16xi32>
          tpu.vector_store_idx %arg10[%sub3A_594], %get3A_556 masked %and3A_574 : memref<2064xi32, #tpu.memory_space<vmem>>[vector<16xi32>], vector<16xi32>, vector<16xi1>
          %all_reduce_population_count3A = tpu.all_reduce %and3A_572 {dim = 0 : i64, kind = #tpu.reduction_kind<sum>} : vector<16xi1> -> vector<16xi32>
          %add3A_595 = arith.addi %while3A_543, %all_reduce_population_count3A : vector<16xi32>
          %all_reduce_population_count3A_596 = tpu.all_reduce %and3A_574 {dim = 0 : i64, kind = #tpu.reduction_kind<sum>} : vector<16xi1> -> vector<16xi32>
          %add3A_597 = arith.addi %while3A_544, %all_reduce_population_count3A_596 : vector<16xi32>
          %mul3A_598 = arith.constant 32 : i32
          %mul3A_599 = arith.muli %while3A_542, %mul3A_598 : i32
          %add3A_600 = arith.constant 16 : i32
          %add3A_601 = arith.addi %mul3A_599, %add3A_600 : i32
          %get3A_602 = arith.index_cast %add3A_601 : i32 to index
          %get3A_603 = tpu.vector_load %arg7[%get3A_602] {strides = array<i32>} : memref<2064xf32, #tpu.memory_space<vmem>>, vector<16xf32>,
          %mul3A_604 = arith.constant 32 : i32
          %mul3A_605 = arith.muli %while3A_542, %mul3A_604 : i32
          %add3A_606 = arith.constant 16 : i32
          %add3A_607 = arith.addi %mul3A_605, %add3A_606 : i32
          %get3A_608 = arith.index_cast %add3A_607 : i32 to index
          %get3A_609 = tpu.vector_load %arg8[%get3A_608] {strides = array<i32>} : memref<2064xi32, #tpu.memory_space<vmem>>, vector<16xi32>,
          %mul3A_610 = arith.constant 32 : i32
          %mul3A_611 = arith.muli %while3A_542, %mul3A_610 : i32
          %add3A_612 = arith.constant 16 : i32
          %add3A_613 = arith.addi %mul3A_611, %add3A_612 : i32
          %add3A_614 = vector.broadcast %add3A_613 : i32 to vector<16xi32>
          %add3A_615 = arith.addi %iota3A, %add3A_614 : vector<16xi32>
          %lt3A_616 = arith.cmpi slt, %add3A_615, %while3A_263#2 : vector<16xi32>
          %mul3A_617 = vector.broadcast %while3A_263#1 : f32 to vector<16xf32>
          %mul3A_618 = arith.mulf %get3A_603, %mul3A_617 : vector<16xf32>
          %convert_element_type3A_619 = arith.fptosi %mul3A_618 : vector<16xf32> to vector<16xi32>
          %jit3A_620 = arith.constant 0 : i32
          %jit3A_621 = arith.constant 255 : i32
          %max3A_622 = vector.broadcast %jit3A_620 : i32 to vector<16xi32>
          %max3A_623 = arith.maxsi %max3A_622, %convert_element_type3A_619 : vector<16xi32>
          %min3A_624 = vector.broadcast %jit3A_621 : i32 to vector<16xi32>
          %min3A_625 = arith.minsi %min3A_624, %max3A_623 : vector<16xi32>
          %lt3A_626 = arith.cmpi slt, %min3A_625, %scan3A_313#0 : vector<16xi32>
          %and3A_627 = arith.andi %lt3A_616, %lt3A_626 : vector<16xi1>
          %eq3A_628 = arith.cmpi eq, %min3A_625, %scan3A_313#0 : vector<16xi32>
          %and3A_629 = arith.andi %lt3A_616, %eq3A_628 : vector<16xi1>
          %convert_element_type3A_630 = arith.extui %and3A_627 : vector<16xi1> to vector<16xi32>
          %cumsum3A_631 = arith.constant true
          %cumsum3A_632 = vector.broadcast %cumsum3A_631 : i1 to vector<16xi1>
          %cumsum3A_633 = tpu.scan <sum>, %convert_element_type3A_630 masked %cumsum3A_632 : vector<16xi32>, vector<16xi1> -> vector<16xi32>
          %convert_element_type3A_634 = arith.extui %and3A_629 : vector<16xi1> to vector<16xi32>
          %cumsum3A_635 = arith.constant true
          %cumsum3A_636 = vector.broadcast %cumsum3A_635 : i1 to vector<16xi1>
          %cumsum3A_637 = tpu.scan <sum>, %convert_element_type3A_634 masked %cumsum3A_636 : vector<16xi32>, vector<16xi1> -> vector<16xi32>
          %add3A_638 = arith.addi %add3A_595, %cumsum3A_633 : vector<16xi32>
          %sub3A_639 = arith.constant 1 : i32
          %sub3A_640 = vector.broadcast %sub3A_639 : i32 to vector<16xi32>
          %sub3A_641 = arith.subi %add3A_638, %sub3A_640 : vector<16xi32>
          tpu.vector_store_idx %arg11[%sub3A_641], %get3A_609 masked %and3A_627 : memref<64xi32, #tpu.memory_space<vmem>>[vector<16xi32>], vector<16xi32>, vector<16xi1>
          %add3A_642 = arith.addi %add3A_597, %cumsum3A_637 : vector<16xi32>
          %sub3A_643 = arith.constant 1 : i32
          %sub3A_644 = vector.broadcast %sub3A_643 : i32 to vector<16xi32>
          %sub3A_645 = arith.subi %add3A_642, %sub3A_644 : vector<16xi32>
          tpu.vector_store_idx %arg9[%sub3A_645], %get3A_603 masked %and3A_629 : memref<2064xf32, #tpu.memory_space<vmem>>[vector<16xi32>], vector<16xf32>, vector<16xi1>
          %add3A_646 = arith.addi %add3A_597, %cumsum3A_637 : vector<16xi32>
          %sub3A_647 = arith.constant 1 : i32
          %sub3A_648 = vector.broadcast %sub3A_647 : i32 to vector<16xi32>
          %sub3A_649 = arith.subi %add3A_646, %sub3A_648 : vector<16xi32>
          tpu.vector_store_idx %arg10[%sub3A_649], %get3A_609 masked %and3A_629 : memref<2064xi32, #tpu.memory_space<vmem>>[vector<16xi32>], vector<16xi32>, vector<16xi1>
          %all_reduce_population_count3A_650 = tpu.all_reduce %and3A_627 {dim = 0 : i64, kind = #tpu.reduction_kind<sum>} : vector<16xi1> -> vector<16xi32>
          %add3A_651 = arith.addi %add3A_595, %all_reduce_population_count3A_650 : vector<16xi32>
          %all_reduce_population_count3A_652 = tpu.all_reduce %and3A_629 {dim = 0 : i64, kind = #tpu.reduction_kind<sum>} : vector<16xi1> -> vector<16xi32>
          %add3A_653 = arith.addi %add3A_597, %all_reduce_population_count3A_652 : vector<16xi32>
          scf.yield %add3A_651, %add3A_653 : vector<16xi32>, vector<16xi32>
        }
        %while3A_338 = arith.constant 1 : i32
        %while3A_339:2 = scf.for %while3A_542 = %while3A_335 to %while3A_331 step %while3A_338 iter_args(%while3A_543 = %while3A_337#0, %while3A_544 = %while3A_337#1) -> (vector<16xi32>, vector<16xi32>)  : i32 {
          %mul3A_545 = arith.constant 32 : i32
          %mul3A_546 = arith.muli %while3A_542, %mul3A_545 : i32
          %add3A_547 = arith.constant 0 : i32
          %add3A_548 = arith.addi %mul3A_546, %add3A_547 : i32
          %get3A_549 = arith.index_cast %add3A_548 : i32 to index
          %get3A_550 = tpu.vector_load %arg7[%get3A_549] {strides = array<i32>} : memref<2064xf32, #tpu.memory_space<vmem>>, vector<16xf32>,
          %mul3A_551 = arith.constant 32 : i32
          %mul3A_552 = arith.muli %while3A_542, %mul3A_551 : i32
          %add3A_553 = arith.constant 0 : i32
          %add3A_554 = arith.addi %mul3A_552, %add3A_553 : i32
          %get3A_555 = arith.index_cast %add3A_554 : i32 to index
          %get3A_556 = tpu.vector_load %arg8[%get3A_555] {strides = array<i32>} : memref<2064xi32, #tpu.memory_space<vmem>>, vector<16xi32>,
          %mul3A_557 = arith.constant 32 : i32
          %mul3A_558 = arith.muli %while3A_542, %mul3A_557 : i32
          %add3A_559 = arith.constant 0 : i32
          %add3A_560 = arith.addi %mul3A_558, %add3A_559 : i32
          %add3A_561 = vector.broadcast %add3A_560 : i32 to vector<16xi32>
          %add3A_562 = arith.addi %iota3A, %add3A_561 : vector<16xi32>
          %lt3A_563 = arith.cmpi slt, %add3A_562, %while3A_263#2 : vector<16xi32>
          %mul3A_564 = vector.broadcast %while3A_263#1 : f32 to vector<16xf32>
          %mul3A_565 = arith.mulf %get3A_550, %mul3A_564 : vector<16xf32>
          %convert_element_type3A_566 = arith.fptosi %mul3A_565 : vector<16xf32> to vector<16xi32>
          %jit3A_567 = arith.constant 0 : i32
          %jit3A_568 = arith.constant 255 : i32
          %max3A = vector.broadcast %jit3A_567 : i32 to vector<16xi32>
          %max3A_569 = arith.maxsi %max3A, %convert_element_type3A_566 : vector<16xi32>
          %min3A = vector.broadcast %jit3A_568 : i32 to vector<16xi32>
          %min3A_570 = arith.minsi %min3A, %max3A_569 : vector<16xi32>
          %lt3A_571 = arith.cmpi slt, %min3A_570, %scan3A_313#0 : vector<16xi32>
          %and3A_572 = arith.andi %lt3A_563, %lt3A_571 : vector<16xi1>
          %eq3A_573 = arith.cmpi eq, %min3A_570, %scan3A_313#0 : vector<16xi32>
          %and3A_574 = arith.andi %lt3A_563, %eq3A_573 : vector<16xi1>
          %convert_element_type3A_575 = arith.extui %and3A_572 : vector<16xi1> to vector<16xi32>
          %cumsum3A_576 = arith.constant true
          %cumsum3A_577 = vector.broadcast %cumsum3A_576 : i1 to vector<16xi1>
          %cumsum3A_578 = tpu.scan <sum>, %convert_element_type3A_575 masked %cumsum3A_577 : vector<16xi32>, vector<16xi1> -> vector<16xi32>
          %convert_element_type3A_579 = arith.extui %and3A_574 : vector<16xi1> to vector<16xi32>
          %cumsum3A_580 = arith.constant true
          %cumsum3A_581 = vector.broadcast %cumsum3A_580 : i1 to vector<16xi1>
          %cumsum3A_582 = tpu.scan <sum>, %convert_element_type3A_579 masked %cumsum3A_581 : vector<16xi32>, vector<16xi1> -> vector<16xi32>
          %add3A_583 = arith.addi %while3A_543, %cumsum3A_578 : vector<16xi32>
          %sub3A_584 = arith.constant 1 : i32
          %sub3A_585 = vector.broadcast %sub3A_584 : i32 to vector<16xi32>
          %sub3A_586 = arith.subi %add3A_583, %sub3A_585 : vector<16xi32>
          tpu.vector_store_idx %arg11[%sub3A_586], %get3A_556 masked %and3A_572 : memref<64xi32, #tpu.memory_space<vmem>>[vector<16xi32>], vector<16xi32>, vector<16xi1>
          %add3A_587 = arith.addi %while3A_544, %cumsum3A_582 : vector<16xi32>
          %sub3A_588 = arith.constant 1 : i32
          %sub3A_589 = vector.broadcast %sub3A_588 : i32 to vector<16xi32>
          %sub3A_590 = arith.subi %add3A_587, %sub3A_589 : vector<16xi32>
          tpu.vector_store_idx %arg9[%sub3A_590], %get3A_550 masked %and3A_574 : memref<2064xf32, #tpu.memory_space<vmem>>[vector<16xi32>], vector<16xf32>, vector<16xi1>
          %add3A_591 = arith.addi %while3A_544, %cumsum3A_582 : vector<16xi32>
          %sub3A_592 = arith.constant 1 : i32
          %sub3A_593 = vector.broadcast %sub3A_592 : i32 to vector<16xi32>
          %sub3A_594 = arith.subi %add3A_591, %sub3A_593 : vector<16xi32>
          tpu.vector_store_idx %arg10[%sub3A_594], %get3A_556 masked %and3A_574 : memref<2064xi32, #tpu.memory_space<vmem>>[vector<16xi32>], vector<16xi32>, vector<16xi1>
          %all_reduce_population_count3A = tpu.all_reduce %and3A_572 {dim = 0 : i64, kind = #tpu.reduction_kind<sum>} : vector<16xi1> -> vector<16xi32>
          %add3A_595 = arith.addi %while3A_543, %all_reduce_population_count3A : vector<16xi32>
          %all_reduce_population_count3A_596 = tpu.all_reduce %and3A_574 {dim = 0 : i64, kind = #tpu.reduction_kind<sum>} : vector<16xi1> -> vector<16xi32>
          %add3A_597 = arith.addi %while3A_544, %all_reduce_population_count3A_596 : vector<16xi32>
          %mul3A_598 = arith.constant 32 : i32
          %mul3A_599 = arith.muli %while3A_542, %mul3A_598 : i32
          %add3A_600 = arith.constant 16 : i32
          %add3A_601 = arith.addi %mul3A_599, %add3A_600 : i32
          %get3A_602 = arith.index_cast %add3A_601 : i32 to index
          %get3A_603 = tpu.vector_load %arg7[%get3A_602] {strides = array<i32>} : memref<2064xf32, #tpu.memory_space<vmem>>, vector<16xf32>,
          %mul3A_604 = arith.constant 32 : i32
          %mul3A_605 = arith.muli %while3A_542, %mul3A_604 : i32
          %add3A_606 = arith.constant 16 : i32
          %add3A_607 = arith.addi %mul3A_605, %add3A_606 : i32
          %get3A_608 = arith.index_cast %add3A_607 : i32 to index
          %get3A_609 = tpu.vector_load %arg8[%get3A_608] {strides = array<i32>} : memref<2064xi32, #tpu.memory_space<vmem>>, vector<16xi32>,
          %mul3A_610 = arith.constant 32 : i32
          %mul3A_611 = arith.muli %while3A_542, %mul3A_610 : i32
          %add3A_612 = arith.constant 16 : i32
          %add3A_613 = arith.addi %mul3A_611, %add3A_612 : i32
          %add3A_614 = vector.broadcast %add3A_613 : i32 to vector<16xi32>
          %add3A_615 = arith.addi %iota3A, %add3A_614 : vector<16xi32>
          %lt3A_616 = arith.cmpi slt, %add3A_615, %while3A_263#2 : vector<16xi32>
          %mul3A_617 = vector.broadcast %while3A_263#1 : f32 to vector<16xf32>
          %mul3A_618 = arith.mulf %get3A_603, %mul3A_617 : vector<16xf32>
          %convert_element_type3A_619 = arith.fptosi %mul3A_618 : vector<16xf32> to vector<16xi32>
          %jit3A_620 = arith.constant 0 : i32
          %jit3A_621 = arith.constant 255 : i32
          %max3A_622 = vector.broadcast %jit3A_620 : i32 to vector<16xi32>
          %max3A_623 = arith.maxsi %max3A_622, %convert_element_type3A_619 : vector<16xi32>
          %min3A_624 = vector.broadcast %jit3A_621 : i32 to vector<16xi32>
          %min3A_625 = arith.minsi %min3A_624, %max3A_623 : vector<16xi32>
          %lt3A_626 = arith.cmpi slt, %min3A_625, %scan3A_313#0 : vector<16xi32>
          %and3A_627 = arith.andi %lt3A_616, %lt3A_626 : vector<16xi1>
          %eq3A_628 = arith.cmpi eq, %min3A_625, %scan3A_313#0 : vector<16xi32>
          %and3A_629 = arith.andi %lt3A_616, %eq3A_628 : vector<16xi1>
          %convert_element_type3A_630 = arith.extui %and3A_627 : vector<16xi1> to vector<16xi32>
          %cumsum3A_631 = arith.constant true
          %cumsum3A_632 = vector.broadcast %cumsum3A_631 : i1 to vector<16xi1>
          %cumsum3A_633 = tpu.scan <sum>, %convert_element_type3A_630 masked %cumsum3A_632 : vector<16xi32>, vector<16xi1> -> vector<16xi32>
          %convert_element_type3A_634 = arith.extui %and3A_629 : vector<16xi1> to vector<16xi32>
          %cumsum3A_635 = arith.constant true
          %cumsum3A_636 = vector.broadcast %cumsum3A_635 : i1 to vector<16xi1>
          %cumsum3A_637 = tpu.scan <sum>, %convert_element_type3A_634 masked %cumsum3A_636 : vector<16xi32>, vector<16xi1> -> vector<16xi32>
          %add3A_638 = arith.addi %add3A_595, %cumsum3A_633 : vector<16xi32>
          %sub3A_639 = arith.constant 1 : i32
          %sub3A_640 = vector.broadcast %sub3A_639 : i32 to vector<16xi32>
          %sub3A_641 = arith.subi %add3A_638, %sub3A_640 : vector<16xi32>
          tpu.vector_store_idx %arg11[%sub3A_641], %get3A_609 masked %and3A_627 : memref<64xi32, #tpu.memory_space<vmem>>[vector<16xi32>], vector<16xi32>, vector<16xi1>
          %add3A_642 = arith.addi %add3A_597, %cumsum3A_637 : vector<16xi32>
          %sub3A_643 = arith.constant 1 : i32
          %sub3A_644 = vector.broadcast %sub3A_643 : i32 to vector<16xi32>
          %sub3A_645 = arith.subi %add3A_642, %sub3A_644 : vector<16xi32>
          tpu.vector_store_idx %arg9[%sub3A_645], %get3A_603 masked %and3A_629 : memref<2064xf32, #tpu.memory_space<vmem>>[vector<16xi32>], vector<16xf32>, vector<16xi1>
          %add3A_646 = arith.addi %add3A_597, %cumsum3A_637 : vector<16xi32>
          %sub3A_647 = arith.constant 1 : i32
          %sub3A_648 = vector.broadcast %sub3A_647 : i32 to vector<16xi32>
          %sub3A_649 = arith.subi %add3A_646, %sub3A_648 : vector<16xi32>
          tpu.vector_store_idx %arg10[%sub3A_649], %get3A_609 masked %and3A_629 : memref<2064xi32, #tpu.memory_space<vmem>>[vector<16xi32>], vector<16xi32>, vector<16xi1>
          %all_reduce_population_count3A_650 = tpu.all_reduce %and3A_627 {dim = 0 : i64, kind = #tpu.reduction_kind<sum>} : vector<16xi1> -> vector<16xi32>
          %add3A_651 = arith.addi %add3A_595, %all_reduce_population_count3A_650 : vector<16xi32>
          %all_reduce_population_count3A_652 = tpu.all_reduce %and3A_629 {dim = 0 : i64, kind = #tpu.reduction_kind<sum>} : vector<16xi1> -> vector<16xi32>
          %add3A_653 = arith.addi %add3A_597, %all_reduce_population_count3A_652 : vector<16xi32>
          scf.yield %add3A_651, %add3A_653 : vector<16xi32>, vector<16xi32>
        }
        %reduce_max3A_340 = arith.constant true
        %reduce_max3A_341 = vector.broadcast %reduce_max3A_340 : i1 to vector<16xi1>
        %reduce_max3A_342 = arith.constant -2147483648 : i32
        %reduce_max3A_343 = vector.broadcast %reduce_max3A_342 : i32 to vector<16xi32>
        %reduce_max3A_344 = arith.xori %while3A_339#1, %reduce_max3A_343 : vector<16xi32>
        %reduce_max3A_345 = tpu.scan <max>, %reduce_max3A_344 masked %reduce_max3A_341 : vector<16xi32>, vector<16xi1> -> vector<16xi32>
        %reduce_max3A_346 = arith.xori %reduce_max3A_345, %reduce_max3A_343 : vector<16xi32>
        %reduce_max3A_347 = vector.extract %reduce_max3A_346[15] : i32 from vector<16xi32>
        %broadcast_in_dim3A_348 = vector.broadcast %reduce_max3A_322 : i32 to vector<16xi32>
        %broadcast_in_dim3A_349 = vector.broadcast %sub3A_324 : i32 to vector<16xi32>
        %le3A = arith.constant 16 : i32
        %le3A_350 = arith.cmpi sle, %reduce_max3A_347, %le3A : i32
        %convert_element_type3A_351 = arith.extui %le3A_350 : i1 to i32
        %cond3A_352 = arith.constant 0 : i32
        %cond3A_353 = arith.constant 0 : i32
        %cond3A_354 = arith.cmpi ne, %convert_element_type3A_351, %cond3A_353 : i32
        %cond3A_355 = scf.if %cond3A_354 -> (i32) {
          %get3A_542 = arith.constant 0 : index
          %get3A_543 = tpu.vector_load %arg9[%get3A_542] {strides = array<i32>} : memref<2064xf32, #tpu.memory_space<vmem>>, vector<16xf32>,
          %get3A_544 = arith.constant 0 : index
          %get3A_545 = tpu.vector_load %arg10[%get3A_544] {strides = array<i32>} : memref<2064xi32, #tpu.memory_space<vmem>>, vector<16xi32>,
          %lt3A_546 = arith.cmpi slt, %iota3A, %while3A_339#1 : vector<16xi32>
          %jit3A_547 = arith.constant 1.000000e+30 : f32
          %broadcast_in_dim3A_548 = vector.broadcast %jit3A_547 : f32 to vector<16xf32>
          %select_n3A_549 = arith.select %lt3A_546, %get3A_543, %broadcast_in_dim3A_548 : vector<16xi1>, vector<16xf32>
          %masked_sort3A = arith.constant dense<true> : vector<16xi1>
          %masked_sort3A_550, %masked_sort3A_551, %masked_sort3A_552 = tpu.sort %select_n3A_549, %get3A_545 masked %masked_sort3A : (vector<16xf32>, vector<16xi32>, vector<16xi1>) -> (vector<16xi1>, vector<16xf32>, vector<16xi32>)
          %add3A_553 = arith.addi %broadcast_in_dim3A_348, %iota3A : vector<16xi32>
          %lt3A_554 = arith.cmpi slt, %iota3A, %broadcast_in_dim3A_349 : vector<16xi32>
          tpu.vector_store_idx %arg11[%add3A_553], %masked_sort3A_552 masked %lt3A_554 : memref<64xi32, #tpu.memory_space<vmem>>[vector<16xi32>], vector<16xi32>, vector<16xi1>
          %cond3A_555 = arith.constant 0 : i32
          scf.yield %cond3A_555 : i32
        } else {
          %add3A_542 = arith.constant 15 : i32
          %add3A_543 = arith.addi %reduce_max3A_347, %add3A_542 : i32
          %shift_right_arithmetic3A_544 = arith.constant 4 : i32
          %shift_right_arithmetic3A_545 = arith.shrsi %add3A_543, %shift_right_arithmetic3A_544 : i32
          %while3A_546 = arith.constant 0 : i32
          %while3A_547 = arith.constant 0 : i32
          %while3A_548 = arith.subi %sub3A_324, %while3A_546 : i32
          %while3A_549 = arith.addi %while3A_546, %while3A_548 : i32
          %while3A_550 = arith.constant 1 : i32
          %while3A_551 = arith.divsi %while3A_548, %while3A_550 : i32
          %while3A_552 = arith.muli %while3A_551, %while3A_550 : i32
          %while3A_553 = arith.addi %while3A_546, %while3A_552 : i32
          %while3A_554 = arith.constant 1 : i32
          %while3A_555 = scf.for %while3A_559 = %while3A_546 to %while3A_553 step %while3A_554 iter_args(%while3A_560 = %while3A_547) -> (i32)  : i32 {
            %broadcast_in_dim3A_561 = arith.constant 1.000000e+30 : f32
            %broadcast_in_dim3A_562 = vector.broadcast %broadcast_in_dim3A_561 : f32 to vector<16xf32>
            %while3A_563 = arith.constant 0 : i32
            %while3A_564 = arith.subi %shift_right_arithmetic3A_545, %while3A_563 : i32
            %while3A_565 = arith.addi %while3A_563, %while3A_564 : i32
            %while3A_566 = arith.constant 1 : i32
            %while3A_567 = arith.divsi %while3A_564, %while3A_566 : i32
            %while3A_568 = arith.muli %while3A_567, %while3A_566 : i32
            %while3A_569 = arith.addi %while3A_563, %while3A_568 : i32
            %while3A_570 = arith.constant 1 : i32
            %while3A_571 = scf.for %while3A_618 = %while3A_563 to %while3A_569 step %while3A_570 iter_args(%while3A_619 = %broadcast_in_dim3A_562) -> (vector<16xf32>)  : i32 {
              %mul3A_620 = arith.constant 16 : i32
              %mul3A_621 = arith.muli %while3A_618, %mul3A_620 : i32
              %get3A_622 = arith.index_cast %mul3A_621 : i32 to index
              %get3A_623 = tpu.vector_load %arg9[%get3A_622] {strides = array<i32>} : memref<2064xf32, #tpu.memory_space<vmem>>, vector<16xf32>,
              %mul3A_624 = arith.constant 16 : i32
              %mul3A_625 = arith.muli %while3A_618, %mul3A_624 : i32
              %add3A_626 = vector.broadcast %mul3A_625 : i32 to vector<16xi32>
              %add3A_627 = arith.addi %iota3A, %add3A_626 : vector<16xi32>
              %lt3A_628 = arith.cmpi slt, %add3A_627, %while3A_339#1 : vector<16xi32>
              %jit3A_629 = arith.constant 1.000000e+30 : f32
              %broadcast_in_dim3A_630 = vector.broadcast %jit3A_629 : f32 to vector<16xf32>
              %select_n3A_631 = arith.select %lt3A_628, %get3A_623, %broadcast_in_dim3A_630 : vector<16xi1>, vector<16xf32>
              %min3A = arith.minimumf %while3A_619, %select_n3A_631 : vector<16xf32>
              scf.yield %min3A : vector<16xf32>
            }
            %while3A_572 = arith.constant 1 : i32
            %while3A_573 = scf.for %while3A_618 = %while3A_569 to %while3A_565 step %while3A_572 iter_args(%while3A_619 = %while3A_571) -> (vector<16xf32>)  : i32 {
              %mul3A_620 = arith.constant 16 : i32
              %mul3A_621 = arith.muli %while3A_618, %mul3A_620 : i32
              %get3A_622 = arith.index_cast %mul3A_621 : i32 to index
              %get3A_623 = tpu.vector_load %arg9[%get3A_622] {strides = array<i32>} : memref<2064xf32, #tpu.memory_space<vmem>>, vector<16xf32>,
              %mul3A_624 = arith.constant 16 : i32
              %mul3A_625 = arith.muli %while3A_618, %mul3A_624 : i32
              %add3A_626 = vector.broadcast %mul3A_625 : i32 to vector<16xi32>
              %add3A_627 = arith.addi %iota3A, %add3A_626 : vector<16xi32>
              %lt3A_628 = arith.cmpi slt, %add3A_627, %while3A_339#1 : vector<16xi32>
              %jit3A_629 = arith.constant 1.000000e+30 : f32
              %broadcast_in_dim3A_630 = vector.broadcast %jit3A_629 : f32 to vector<16xf32>
              %select_n3A_631 = arith.select %lt3A_628, %get3A_623, %broadcast_in_dim3A_630 : vector<16xi1>, vector<16xf32>
              %min3A = arith.minimumf %while3A_619, %select_n3A_631 : vector<16xf32>
              scf.yield %min3A : vector<16xf32>
            }
            %reduce_min3A = arith.constant true
            %reduce_min3A_574 = vector.broadcast %reduce_min3A : i1 to vector<16xi1>
            %reduce_min3A_575 = tpu.scan <min>, %while3A_573 masked %reduce_min3A_574 : vector<16xf32>, vector<16xi1> -> vector<16xf32>
            %reduce_min3A_576 = vector.extract %reduce_min3A_575[15] : f32 from vector<16xf32>
            %broadcast_in_dim3A_577 = vector.broadcast %reduce_min3A_576 : f32 to vector<16xf32>
            %broadcast_in_dim3A_578 = arith.constant 1073741824 : i32
            %broadcast_in_dim3A_579 = vector.broadcast %broadcast_in_dim3A_578 : i32 to vector<16xi32>
            %while3A_580 = arith.constant 0 : i32
            %while3A_581 = arith.subi %shift_right_arithmetic3A_545, %while3A_580 : i32
            %while3A_582 = arith.addi %while3A_580, %while3A_581 : i32
            %while3A_583 = arith.constant 1 : i32
            %while3A_584 = arith.divsi %while3A_581, %while3A_583 : i32
            %while3A_585 = arith.muli %while3A_584, %while3A_583 : i32
            %while3A_586 = arith.addi %while3A_580, %while3A_585 : i32
            %while3A_587 = arith.constant 1 : i32
            %while3A_588 = scf.for %while3A_618 = %while3A_580 to %while3A_586 step %while3A_587 iter_args(%while3A_619 = %broadcast_in_dim3A_579) -> (vector<16xi32>)  : i32 {
              %mul3A_620 = arith.constant 16 : i32
              %mul3A_621 = arith.muli %while3A_618, %mul3A_620 : i32
              %get3A_622 = arith.index_cast %mul3A_621 : i32 to index
              %get3A_623 = tpu.vector_load %arg9[%get3A_622] {strides = array<i32>} : memref<2064xf32, #tpu.memory_space<vmem>>, vector<16xf32>,
              %mul3A_624 = arith.constant 16 : i32
              %mul3A_625 = arith.muli %while3A_618, %mul3A_624 : i32
              %get3A_626 = arith.index_cast %mul3A_625 : i32 to index
              %get3A_627 = tpu.vector_load %arg10[%get3A_626] {strides = array<i32>} : memref<2064xi32, #tpu.memory_space<vmem>>, vector<16xi32>,
              %mul3A_628 = arith.constant 16 : i32
              %mul3A_629 = arith.muli %while3A_618, %mul3A_628 : i32
              %add3A_630 = vector.broadcast %mul3A_629 : i32 to vector<16xi32>
              %add3A_631 = arith.addi %iota3A, %add3A_630 : vector<16xi32>
              %lt3A_632 = arith.cmpi slt, %add3A_631, %while3A_339#1 : vector<16xi32>
              %eq3A_633 = arith.cmpf oeq, %get3A_623, %broadcast_in_dim3A_577 : vector<16xf32>
              %and3A_634 = arith.andi %lt3A_632, %eq3A_633 : vector<16xi1>
              %jit3A_635 = arith.constant 1073741824 : i32
              %broadcast_in_dim3A_636 = vector.broadcast %jit3A_635 : i32 to vector<16xi32>
              %select_n3A_637 = arith.select %and3A_634, %get3A_627, %broadcast_in_dim3A_636 : vector<16xi1>, vector<16xi32>
              %min3A = arith.minsi %while3A_619, %select_n3A_637 : vector<16xi32>
              scf.yield %min3A : vector<16xi32>
            }
            %while3A_589 = arith.constant 1 : i32
            %while3A_590 = scf.for %while3A_618 = %while3A_586 to %while3A_582 step %while3A_589 iter_args(%while3A_619 = %while3A_588) -> (vector<16xi32>)  : i32 {
              %mul3A_620 = arith.constant 16 : i32
              %mul3A_621 = arith.muli %while3A_618, %mul3A_620 : i32
              %get3A_622 = arith.index_cast %mul3A_621 : i32 to index
              %get3A_623 = tpu.vector_load %arg9[%get3A_622] {strides = array<i32>} : memref<2064xf32, #tpu.memory_space<vmem>>, vector<16xf32>,
              %mul3A_624 = arith.constant 16 : i32
              %mul3A_625 = arith.muli %while3A_618, %mul3A_624 : i32
              %get3A_626 = arith.index_cast %mul3A_625 : i32 to index
              %get3A_627 = tpu.vector_load %arg10[%get3A_626] {strides = array<i32>} : memref<2064xi32, #tpu.memory_space<vmem>>, vector<16xi32>,
              %mul3A_628 = arith.constant 16 : i32
              %mul3A_629 = arith.muli %while3A_618, %mul3A_628 : i32
              %add3A_630 = vector.broadcast %mul3A_629 : i32 to vector<16xi32>
              %add3A_631 = arith.addi %iota3A, %add3A_630 : vector<16xi32>
              %lt3A_632 = arith.cmpi slt, %add3A_631, %while3A_339#1 : vector<16xi32>
              %eq3A_633 = arith.cmpf oeq, %get3A_623, %broadcast_in_dim3A_577 : vector<16xf32>
              %and3A_634 = arith.andi %lt3A_632, %eq3A_633 : vector<16xi1>
              %jit3A_635 = arith.constant 1073741824 : i32
              %broadcast_in_dim3A_636 = vector.broadcast %jit3A_635 : i32 to vector<16xi32>
              %select_n3A_637 = arith.select %and3A_634, %get3A_627, %broadcast_in_dim3A_636 : vector<16xi1>, vector<16xi32>
              %min3A = arith.minsi %while3A_619, %select_n3A_637 : vector<16xi32>
              scf.yield %min3A : vector<16xi32>
            }
            %reduce_min3A_591 = arith.constant true
            %reduce_min3A_592 = vector.broadcast %reduce_min3A_591 : i1 to vector<16xi1>
            %reduce_min3A_593 = arith.constant -2147483648 : i32
            %reduce_min3A_594 = vector.broadcast %reduce_min3A_593 : i32 to vector<16xi32>
            %reduce_min3A_595 = arith.xori %while3A_590, %reduce_min3A_594 : vector<16xi32>
            %reduce_min3A_596 = tpu.scan <min>, %reduce_min3A_595 masked %reduce_min3A_592 : vector<16xi32>, vector<16xi1> -> vector<16xi32>
            %reduce_min3A_597 = arith.xori %reduce_min3A_596, %reduce_min3A_594 : vector<16xi32>
            %reduce_min3A_598 = vector.extract %reduce_min3A_597[15] : i32 from vector<16xi32>
            %broadcast_in_dim3A_599 = vector.broadcast %reduce_min3A_598 : i32 to vector<16xi32>
            %while3A_600 = arith.constant 0 : i32
            %while3A_601 = arith.constant 0 : i32
            %while3A_602 = arith.subi %shift_right_arithmetic3A_545, %while3A_600 : i32
            %while3A_603 = arith.addi %while3A_600, %while3A_602 : i32
            %while3A_604 = arith.constant 1 : i32
            %while3A_605 = arith.divsi %while3A_602, %while3A_604 : i32
            %while3A_606 = arith.muli %while3A_605, %while3A_604 : i32
            %while3A_607 = arith.addi %while3A_600, %while3A_606 : i32
            %while3A_608 = arith.constant 1 : i32
            %while3A_609 = scf.for %while3A_618 = %while3A_600 to %while3A_607 step %while3A_608 iter_args(%while3A_619 = %while3A_601) -> (i32)  : i32 {
              %mul3A_620 = arith.constant 16 : i32
              %mul3A_621 = arith.muli %while3A_618, %mul3A_620 : i32
              %get3A_622 = arith.index_cast %mul3A_621 : i32 to index
              %get3A_623 = tpu.vector_load %arg9[%get3A_622] {strides = array<i32>} : memref<2064xf32, #tpu.memory_space<vmem>>, vector<16xf32>,
              %mul3A_624 = arith.constant 16 : i32
              %mul3A_625 = arith.muli %while3A_618, %mul3A_624 : i32
              %get3A_626 = arith.index_cast %mul3A_625 : i32 to index
              %get3A_627 = tpu.vector_load %arg10[%get3A_626] {strides = array<i32>} : memref<2064xi32, #tpu.memory_space<vmem>>, vector<16xi32>,
              %eq3A_628 = arith.cmpi eq, %get3A_627, %broadcast_in_dim3A_599 : vector<16xi32>
              %jit3A_629 = arith.constant 1.000000e+30 : f32
              %broadcast_in_dim3A_630 = vector.broadcast %jit3A_629 : f32 to vector<16xf32>
              %select_n3A_631 = arith.select %eq3A_628, %broadcast_in_dim3A_630, %get3A_623 : vector<16xi1>, vector<16xf32>
              %mul3A_632 = arith.constant 16 : i32
              %mul3A_633 = arith.muli %while3A_618, %mul3A_632 : i32
              %swap3A_634 = arith.index_cast %mul3A_633 : i32 to index
              %swap3A_635 = tpu.vector_load %arg9[%swap3A_634] {strides = array<i32>} : memref<2064xf32, #tpu.memory_space<vmem>>, vector<16xf32>,
              tpu.vector_store %arg9[%swap3A_634], %select_n3A_631 {strides = array<i32>} : memref<2064xf32, #tpu.memory_space<vmem>>, vector<16xf32>,
              %while3A_636 = arith.constant 0 : i32
              scf.yield %while3A_636 : i32
            }
            %while3A_610 = arith.constant 1 : i32
            %while3A_611 = scf.for %while3A_618 = %while3A_607 to %while3A_603 step %while3A_610 iter_args(%while3A_619 = %while3A_609) -> (i32)  : i32 {
              %mul3A_620 = arith.constant 16 : i32
              %mul3A_621 = arith.muli %while3A_618, %mul3A_620 : i32
              %get3A_622 = arith.index_cast %mul3A_621 : i32 to index
              %get3A_623 = tpu.vector_load %arg9[%get3A_622] {strides = array<i32>} : memref<2064xf32, #tpu.memory_space<vmem>>, vector<16xf32>,
              %mul3A_624 = arith.constant 16 : i32
              %mul3A_625 = arith.muli %while3A_618, %mul3A_624 : i32
              %get3A_626 = arith.index_cast %mul3A_625 : i32 to index
              %get3A_627 = tpu.vector_load %arg10[%get3A_626] {strides = array<i32>} : memref<2064xi32, #tpu.memory_space<vmem>>, vector<16xi32>,
              %eq3A_628 = arith.cmpi eq, %get3A_627, %broadcast_in_dim3A_599 : vector<16xi32>
              %jit3A_629 = arith.constant 1.000000e+30 : f32
              %broadcast_in_dim3A_630 = vector.broadcast %jit3A_629 : f32 to vector<16xf32>
              %select_n3A_631 = arith.select %eq3A_628, %broadcast_in_dim3A_630, %get3A_623 : vector<16xi1>, vector<16xf32>
              %mul3A_632 = arith.constant 16 : i32
              %mul3A_633 = arith.muli %while3A_618, %mul3A_632 : i32
              %swap3A_634 = arith.index_cast %mul3A_633 : i32 to index
              %swap3A_635 = tpu.vector_load %arg9[%swap3A_634] {strides = array<i32>} : memref<2064xf32, #tpu.memory_space<vmem>>, vector<16xf32>,
              tpu.vector_store %arg9[%swap3A_634], %select_n3A_631 {strides = array<i32>} : memref<2064xf32, #tpu.memory_space<vmem>>, vector<16xf32>,
              %while3A_636 = arith.constant 0 : i32
              scf.yield %while3A_636 : i32
            }
            %add3A_612 = vector.broadcast %while3A_559 : i32 to vector<16xi32>
            %add3A_613 = arith.addi %broadcast_in_dim3A_348, %add3A_612 : vector<16xi32>
            %eq3A_614 = arith.constant 0 : i32
            %eq3A_615 = vector.broadcast %eq3A_614 : i32 to vector<16xi32>
            %eq3A_616 = arith.cmpi eq, %iota3A, %eq3A_615 : vector<16xi32>
            tpu.vector_store_idx %arg11[%add3A_613], %broadcast_in_dim3A_599 masked %eq3A_616 : memref<64xi32, #tpu.memory_space<vmem>>[vector<16xi32>], vector<16xi32>, vector<16xi1>
            %while3A_617 = arith.constant 0 : i32
            scf.yield %while3A_617 : i32
          }
          %while3A_556 = arith.constant 1 : i32
          %while3A_557 = scf.for %while3A_559 = %while3A_553 to %while3A_549 step %while3A_556 iter_args(%while3A_560 = %while3A_555) -> (i32)  : i32 {
            %broadcast_in_dim3A_561 = arith.constant 1.000000e+30 : f32
            %broadcast_in_dim3A_562 = vector.broadcast %broadcast_in_dim3A_561 : f32 to vector<16xf32>
            %while3A_563 = arith.constant 0 : i32
            %while3A_564 = arith.subi %shift_right_arithmetic3A_545, %while3A_563 : i32
            %while3A_565 = arith.addi %while3A_563, %while3A_564 : i32
            %while3A_566 = arith.constant 1 : i32
            %while3A_567 = arith.divsi %while3A_564, %while3A_566 : i32
            %while3A_568 = arith.muli %while3A_567, %while3A_566 : i32
            %while3A_569 = arith.addi %while3A_563, %while3A_568 : i32
            %while3A_570 = arith.constant 1 : i32
            %while3A_571 = scf.for %while3A_618 = %while3A_563 to %while3A_569 step %while3A_570 iter_args(%while3A_619 = %broadcast_in_dim3A_562) -> (vector<16xf32>)  : i32 {
              %mul3A_620 = arith.constant 16 : i32
              %mul3A_621 = arith.muli %while3A_618, %mul3A_620 : i32
              %get3A_622 = arith.index_cast %mul3A_621 : i32 to index
              %get3A_623 = tpu.vector_load %arg9[%get3A_622] {strides = array<i32>} : memref<2064xf32, #tpu.memory_space<vmem>>, vector<16xf32>,
              %mul3A_624 = arith.constant 16 : i32
              %mul3A_625 = arith.muli %while3A_618, %mul3A_624 : i32
              %add3A_626 = vector.broadcast %mul3A_625 : i32 to vector<16xi32>
              %add3A_627 = arith.addi %iota3A, %add3A_626 : vector<16xi32>
              %lt3A_628 = arith.cmpi slt, %add3A_627, %while3A_339#1 : vector<16xi32>
              %jit3A_629 = arith.constant 1.000000e+30 : f32
              %broadcast_in_dim3A_630 = vector.broadcast %jit3A_629 : f32 to vector<16xf32>
              %select_n3A_631 = arith.select %lt3A_628, %get3A_623, %broadcast_in_dim3A_630 : vector<16xi1>, vector<16xf32>
              %min3A = arith.minimumf %while3A_619, %select_n3A_631 : vector<16xf32>
              scf.yield %min3A : vector<16xf32>
            }
            %while3A_572 = arith.constant 1 : i32
            %while3A_573 = scf.for %while3A_618 = %while3A_569 to %while3A_565 step %while3A_572 iter_args(%while3A_619 = %while3A_571) -> (vector<16xf32>)  : i32 {
              %mul3A_620 = arith.constant 16 : i32
              %mul3A_621 = arith.muli %while3A_618, %mul3A_620 : i32
              %get3A_622 = arith.index_cast %mul3A_621 : i32 to index
              %get3A_623 = tpu.vector_load %arg9[%get3A_622] {strides = array<i32>} : memref<2064xf32, #tpu.memory_space<vmem>>, vector<16xf32>,
              %mul3A_624 = arith.constant 16 : i32
              %mul3A_625 = arith.muli %while3A_618, %mul3A_624 : i32
              %add3A_626 = vector.broadcast %mul3A_625 : i32 to vector<16xi32>
              %add3A_627 = arith.addi %iota3A, %add3A_626 : vector<16xi32>
              %lt3A_628 = arith.cmpi slt, %add3A_627, %while3A_339#1 : vector<16xi32>
              %jit3A_629 = arith.constant 1.000000e+30 : f32
              %broadcast_in_dim3A_630 = vector.broadcast %jit3A_629 : f32 to vector<16xf32>
              %select_n3A_631 = arith.select %lt3A_628, %get3A_623, %broadcast_in_dim3A_630 : vector<16xi1>, vector<16xf32>
              %min3A = arith.minimumf %while3A_619, %select_n3A_631 : vector<16xf32>
              scf.yield %min3A : vector<16xf32>
            }
            %reduce_min3A = arith.constant true
            %reduce_min3A_574 = vector.broadcast %reduce_min3A : i1 to vector<16xi1>
            %reduce_min3A_575 = tpu.scan <min>, %while3A_573 masked %reduce_min3A_574 : vector<16xf32>, vector<16xi1> -> vector<16xf32>
            %reduce_min3A_576 = vector.extract %reduce_min3A_575[15] : f32 from vector<16xf32>
            %broadcast_in_dim3A_577 = vector.broadcast %reduce_min3A_576 : f32 to vector<16xf32>
            %broadcast_in_dim3A_578 = arith.constant 1073741824 : i32
            %broadcast_in_dim3A_579 = vector.broadcast %broadcast_in_dim3A_578 : i32 to vector<16xi32>
            %while3A_580 = arith.constant 0 : i32
            %while3A_581 = arith.subi %shift_right_arithmetic3A_545, %while3A_580 : i32
            %while3A_582 = arith.addi %while3A_580, %while3A_581 : i32
            %while3A_583 = arith.constant 1 : i32
            %while3A_584 = arith.divsi %while3A_581, %while3A_583 : i32
            %while3A_585 = arith.muli %while3A_584, %while3A_583 : i32
            %while3A_586 = arith.addi %while3A_580, %while3A_585 : i32
            %while3A_587 = arith.constant 1 : i32
            %while3A_588 = scf.for %while3A_618 = %while3A_580 to %while3A_586 step %while3A_587 iter_args(%while3A_619 = %broadcast_in_dim3A_579) -> (vector<16xi32>)  : i32 {
              %mul3A_620 = arith.constant 16 : i32
              %mul3A_621 = arith.muli %while3A_618, %mul3A_620 : i32
              %get3A_622 = arith.index_cast %mul3A_621 : i32 to index
              %get3A_623 = tpu.vector_load %arg9[%get3A_622] {strides = array<i32>} : memref<2064xf32, #tpu.memory_space<vmem>>, vector<16xf32>,
              %mul3A_624 = arith.constant 16 : i32
              %mul3A_625 = arith.muli %while3A_618, %mul3A_624 : i32
              %get3A_626 = arith.index_cast %mul3A_625 : i32 to index
              %get3A_627 = tpu.vector_load %arg10[%get3A_626] {strides = array<i32>} : memref<2064xi32, #tpu.memory_space<vmem>>, vector<16xi32>,
              %mul3A_628 = arith.constant 16 : i32
              %mul3A_629 = arith.muli %while3A_618, %mul3A_628 : i32
              %add3A_630 = vector.broadcast %mul3A_629 : i32 to vector<16xi32>
              %add3A_631 = arith.addi %iota3A, %add3A_630 : vector<16xi32>
              %lt3A_632 = arith.cmpi slt, %add3A_631, %while3A_339#1 : vector<16xi32>
              %eq3A_633 = arith.cmpf oeq, %get3A_623, %broadcast_in_dim3A_577 : vector<16xf32>
              %and3A_634 = arith.andi %lt3A_632, %eq3A_633 : vector<16xi1>
              %jit3A_635 = arith.constant 1073741824 : i32
              %broadcast_in_dim3A_636 = vector.broadcast %jit3A_635 : i32 to vector<16xi32>
              %select_n3A_637 = arith.select %and3A_634, %get3A_627, %broadcast_in_dim3A_636 : vector<16xi1>, vector<16xi32>
              %min3A = arith.minsi %while3A_619, %select_n3A_637 : vector<16xi32>
              scf.yield %min3A : vector<16xi32>
            }
            %while3A_589 = arith.constant 1 : i32
            %while3A_590 = scf.for %while3A_618 = %while3A_586 to %while3A_582 step %while3A_589 iter_args(%while3A_619 = %while3A_588) -> (vector<16xi32>)  : i32 {
              %mul3A_620 = arith.constant 16 : i32
              %mul3A_621 = arith.muli %while3A_618, %mul3A_620 : i32
              %get3A_622 = arith.index_cast %mul3A_621 : i32 to index
              %get3A_623 = tpu.vector_load %arg9[%get3A_622] {strides = array<i32>} : memref<2064xf32, #tpu.memory_space<vmem>>, vector<16xf32>,
              %mul3A_624 = arith.constant 16 : i32
              %mul3A_625 = arith.muli %while3A_618, %mul3A_624 : i32
              %get3A_626 = arith.index_cast %mul3A_625 : i32 to index
              %get3A_627 = tpu.vector_load %arg10[%get3A_626] {strides = array<i32>} : memref<2064xi32, #tpu.memory_space<vmem>>, vector<16xi32>,
              %mul3A_628 = arith.constant 16 : i32
              %mul3A_629 = arith.muli %while3A_618, %mul3A_628 : i32
              %add3A_630 = vector.broadcast %mul3A_629 : i32 to vector<16xi32>
              %add3A_631 = arith.addi %iota3A, %add3A_630 : vector<16xi32>
              %lt3A_632 = arith.cmpi slt, %add3A_631, %while3A_339#1 : vector<16xi32>
              %eq3A_633 = arith.cmpf oeq, %get3A_623, %broadcast_in_dim3A_577 : vector<16xf32>
              %and3A_634 = arith.andi %lt3A_632, %eq3A_633 : vector<16xi1>
              %jit3A_635 = arith.constant 1073741824 : i32
              %broadcast_in_dim3A_636 = vector.broadcast %jit3A_635 : i32 to vector<16xi32>
              %select_n3A_637 = arith.select %and3A_634, %get3A_627, %broadcast_in_dim3A_636 : vector<16xi1>, vector<16xi32>
              %min3A = arith.minsi %while3A_619, %select_n3A_637 : vector<16xi32>
              scf.yield %min3A : vector<16xi32>
            }
            %reduce_min3A_591 = arith.constant true
            %reduce_min3A_592 = vector.broadcast %reduce_min3A_591 : i1 to vector<16xi1>
            %reduce_min3A_593 = arith.constant -2147483648 : i32
            %reduce_min3A_594 = vector.broadcast %reduce_min3A_593 : i32 to vector<16xi32>
            %reduce_min3A_595 = arith.xori %while3A_590, %reduce_min3A_594 : vector<16xi32>
            %reduce_min3A_596 = tpu.scan <min>, %reduce_min3A_595 masked %reduce_min3A_592 : vector<16xi32>, vector<16xi1> -> vector<16xi32>
            %reduce_min3A_597 = arith.xori %reduce_min3A_596, %reduce_min3A_594 : vector<16xi32>
            %reduce_min3A_598 = vector.extract %reduce_min3A_597[15] : i32 from vector<16xi32>
            %broadcast_in_dim3A_599 = vector.broadcast %reduce_min3A_598 : i32 to vector<16xi32>
            %while3A_600 = arith.constant 0 : i32
            %while3A_601 = arith.constant 0 : i32
            %while3A_602 = arith.subi %shift_right_arithmetic3A_545, %while3A_600 : i32
            %while3A_603 = arith.addi %while3A_600, %while3A_602 : i32
            %while3A_604 = arith.constant 1 : i32
            %while3A_605 = arith.divsi %while3A_602, %while3A_604 : i32
            %while3A_606 = arith.muli %while3A_605, %while3A_604 : i32
            %while3A_607 = arith.addi %while3A_600, %while3A_606 : i32
            %while3A_608 = arith.constant 1 : i32
            %while3A_609 = scf.for %while3A_618 = %while3A_600 to %while3A_607 step %while3A_608 iter_args(%while3A_619 = %while3A_601) -> (i32)  : i32 {
              %mul3A_620 = arith.constant 16 : i32
              %mul3A_621 = arith.muli %while3A_618, %mul3A_620 : i32
              %get3A_622 = arith.index_cast %mul3A_621 : i32 to index
              %get3A_623 = tpu.vector_load %arg9[%get3A_622] {strides = array<i32>} : memref<2064xf32, #tpu.memory_space<vmem>>, vector<16xf32>,
              %mul3A_624 = arith.constant 16 : i32
              %mul3A_625 = arith.muli %while3A_618, %mul3A_624 : i32
              %get3A_626 = arith.index_cast %mul3A_625 : i32 to index
              %get3A_627 = tpu.vector_load %arg10[%get3A_626] {strides = array<i32>} : memref<2064xi32, #tpu.memory_space<vmem>>, vector<16xi32>,
              %eq3A_628 = arith.cmpi eq, %get3A_627, %broadcast_in_dim3A_599 : vector<16xi32>
              %jit3A_629 = arith.constant 1.000000e+30 : f32
              %broadcast_in_dim3A_630 = vector.broadcast %jit3A_629 : f32 to vector<16xf32>
              %select_n3A_631 = arith.select %eq3A_628, %broadcast_in_dim3A_630, %get3A_623 : vector<16xi1>, vector<16xf32>
              %mul3A_632 = arith.constant 16 : i32
              %mul3A_633 = arith.muli %while3A_618, %mul3A_632 : i32
              %swap3A_634 = arith.index_cast %mul3A_633 : i32 to index
              %swap3A_635 = tpu.vector_load %arg9[%swap3A_634] {strides = array<i32>} : memref<2064xf32, #tpu.memory_space<vmem>>, vector<16xf32>,
              tpu.vector_store %arg9[%swap3A_634], %select_n3A_631 {strides = array<i32>} : memref<2064xf32, #tpu.memory_space<vmem>>, vector<16xf32>,
              %while3A_636 = arith.constant 0 : i32
              scf.yield %while3A_636 : i32
            }
            %while3A_610 = arith.constant 1 : i32
            %while3A_611 = scf.for %while3A_618 = %while3A_607 to %while3A_603 step %while3A_610 iter_args(%while3A_619 = %while3A_609) -> (i32)  : i32 {
              %mul3A_620 = arith.constant 16 : i32
              %mul3A_621 = arith.muli %while3A_618, %mul3A_620 : i32
              %get3A_622 = arith.index_cast %mul3A_621 : i32 to index
              %get3A_623 = tpu.vector_load %arg9[%get3A_622] {strides = array<i32>} : memref<2064xf32, #tpu.memory_space<vmem>>, vector<16xf32>,
              %mul3A_624 = arith.constant 16 : i32
              %mul3A_625 = arith.muli %while3A_618, %mul3A_624 : i32
              %get3A_626 = arith.index_cast %mul3A_625 : i32 to index
              %get3A_627 = tpu.vector_load %arg10[%get3A_626] {strides = array<i32>} : memref<2064xi32, #tpu.memory_space<vmem>>, vector<16xi32>,
              %eq3A_628 = arith.cmpi eq, %get3A_627, %broadcast_in_dim3A_599 : vector<16xi32>
              %jit3A_629 = arith.constant 1.000000e+30 : f32
              %broadcast_in_dim3A_630 = vector.broadcast %jit3A_629 : f32 to vector<16xf32>
              %select_n3A_631 = arith.select %eq3A_628, %broadcast_in_dim3A_630, %get3A_623 : vector<16xi1>, vector<16xf32>
              %mul3A_632 = arith.constant 16 : i32
              %mul3A_633 = arith.muli %while3A_618, %mul3A_632 : i32
              %swap3A_634 = arith.index_cast %mul3A_633 : i32 to index
              %swap3A_635 = tpu.vector_load %arg9[%swap3A_634] {strides = array<i32>} : memref<2064xf32, #tpu.memory_space<vmem>>, vector<16xf32>,
              tpu.vector_store %arg9[%swap3A_634], %select_n3A_631 {strides = array<i32>} : memref<2064xf32, #tpu.memory_space<vmem>>, vector<16xf32>,
              %while3A_636 = arith.constant 0 : i32
              scf.yield %while3A_636 : i32
            }
            %add3A_612 = vector.broadcast %while3A_559 : i32 to vector<16xi32>
            %add3A_613 = arith.addi %broadcast_in_dim3A_348, %add3A_612 : vector<16xi32>
            %eq3A_614 = arith.constant 0 : i32
            %eq3A_615 = vector.broadcast %eq3A_614 : i32 to vector<16xi32>
            %eq3A_616 = arith.cmpi eq, %iota3A, %eq3A_615 : vector<16xi32>
            tpu.vector_store_idx %arg11[%add3A_613], %broadcast_in_dim3A_599 masked %eq3A_616 : memref<64xi32, #tpu.memory_space<vmem>>[vector<16xi32>], vector<16xi32>, vector<16xi1>
            %while3A_617 = arith.constant 0 : i32
            scf.yield %while3A_617 : i32
          }
          %cond3A_558 = arith.constant 0 : i32
          scf.yield %cond3A_558 : i32
        }
        %mul3A_356 = arith.constant 3 : i32
        %mul3A_357 = arith.muli %add3A_254, %mul3A_356 : i32
        %broadcast_in_dim3A_358 = vector.broadcast %mul3A_357 : i32 to vector<16xi32>
        %gather3A = tpu.vector_load_idx %arg6[%broadcast_in_dim3A_358] : memref<6144xf32, #tpu.memory_space<vmem>>[vector<16xi32>], vector<16xf32>,
        %add3A_359 = arith.constant 1 : i32
        %add3A_360 = vector.broadcast %add3A_359 : i32 to vector<16xi32>
        %add3A_361 = arith.addi %broadcast_in_dim3A_358, %add3A_360 : vector<16xi32>
        %gather3A_362 = tpu.vector_load_idx %arg6[%add3A_361] : memref<6144xf32, #tpu.memory_space<vmem>>[vector<16xi32>], vector<16xf32>,
        %add3A_363 = arith.constant 2 : i32
        %add3A_364 = vector.broadcast %add3A_363 : i32 to vector<16xi32>
        %add3A_365 = arith.addi %broadcast_in_dim3A_358, %add3A_364 : vector<16xi32>
        %gather3A_366 = tpu.vector_load_idx %arg6[%add3A_365] : memref<6144xf32, #tpu.memory_space<vmem>>[vector<16xi32>], vector<16xf32>,
        %scan3A_367 = arith.constant 0 : i32
        %scan3A_368 = arith.constant 0 : i32
        %mul3A_369 = arith.constant 16 : i32
        %mul3A_370 = arith.muli %scan3A_368, %mul3A_369 : i32
        %get3A_371 = arith.index_cast %mul3A_370 : i32 to index
        %get3A_372 = tpu.vector_load %arg11[%get3A_371] {strides = array<i32>} : memref<64xi32, #tpu.memory_space<vmem>>, vector<16xi32>,
        %mul3A_373 = arith.constant 3 : i32
        %mul3A_374 = vector.broadcast %mul3A_373 : i32 to vector<16xi32>
        %mul3A_375 = arith.muli %get3A_372, %mul3A_374 : vector<16xi32>
        %gather3A_376 = tpu.vector_load_idx %arg6[%mul3A_375] : memref<6144xf32, #tpu.memory_space<vmem>>[vector<16xi32>], vector<16xf32>,
        %sub3A_377 = arith.subf %gather3A_376, %gather3A : vector<16xf32>
        %add3A_378 = arith.constant 1 : i32
        %add3A_379 = vector.broadcast %add3A_378 : i32 to vector<16xi32>
        %add3A_380 = arith.addi %mul3A_375, %add3A_379 : vector<16xi32>
        %gather3A_381 = tpu.vector_load_idx %arg6[%add3A_380] : memref<6144xf32, #tpu.memory_space<vmem>>[vector<16xi32>], vector<16xf32>,
        %sub3A_382 = arith.subf %gather3A_381, %gather3A_362 : vector<16xf32>
        %add3A_383 = arith.constant 2 : i32
        %add3A_384 = vector.broadcast %add3A_383 : i32 to vector<16xi32>
        %add3A_385 = arith.addi %mul3A_375, %add3A_384 : vector<16xi32>
        %gather3A_386 = tpu.vector_load_idx %arg6[%add3A_385] : memref<6144xf32, #tpu.memory_space<vmem>>[vector<16xi32>], vector<16xf32>,
        %sub3A_387 = arith.subf %gather3A_386, %gather3A_366 : vector<16xf32>
        %mul3A_388 = arith.mulf %sub3A_377, %sub3A_377 : vector<16xf32>
        %mul3A_389 = arith.mulf %sub3A_382, %sub3A_382 : vector<16xf32>
        %add3A_390 = arith.addf %mul3A_388, %mul3A_389 : vector<16xf32>
        %mul3A_391 = arith.mulf %sub3A_387, %sub3A_387 : vector<16xf32>
        %add3A_392 = arith.addf %add3A_390, %mul3A_391 : vector<16xf32>
        %mul3A_393 = arith.constant 64 : i32
        %mul3A_394 = arith.muli %scan3A_249, %mul3A_393 : i32
        %add3A_395 = vector.broadcast %mul3A_394 : i32 to vector<16xi32>
        %add3A_396 = arith.addi %add3A_395, %iota3A : vector<16xi32>
        %mul3A_397 = arith.constant 16 : i32
        %mul3A_398 = arith.muli %scan3A_368, %mul3A_397 : i32
        %add3A_399 = vector.broadcast %mul3A_398 : i32 to vector<16xi32>
        %add3A_400 = arith.addi %add3A_396, %add3A_399 : vector<16xi32>
        tpu.vector_store_idx %arg15[%add3A_400], %sub3A_377 : memref<2048xf32, #tpu.memory_space<vmem>>[vector<16xi32>], vector<16xf32>,
        %add3A_401 = arith.constant 512 : i32
        %add3A_402 = vector.broadcast %add3A_401 : i32 to vector<16xi32>
        %add3A_403 = arith.addi %add3A_400, %add3A_402 : vector<16xi32>
        tpu.vector_store_idx %arg15[%add3A_403], %sub3A_382 : memref<2048xf32, #tpu.memory_space<vmem>>[vector<16xi32>], vector<16xf32>,
        %add3A_404 = arith.constant 1024 : i32
        %add3A_405 = vector.broadcast %add3A_404 : i32 to vector<16xi32>
        %add3A_406 = arith.addi %add3A_400, %add3A_405 : vector<16xi32>
        tpu.vector_store_idx %arg15[%add3A_406], %sub3A_387 : memref<2048xf32, #tpu.memory_space<vmem>>[vector<16xi32>], vector<16xf32>,
        %add3A_407 = arith.constant 1536 : i32
        %add3A_408 = vector.broadcast %add3A_407 : i32 to vector<16xi32>
        %add3A_409 = arith.addi %add3A_400, %add3A_408 : vector<16xi32>
        tpu.vector_store_idx %arg15[%add3A_409], %add3A_392 : memref<2048xf32, #tpu.memory_space<vmem>>[vector<16xi32>], vector<16xf32>,
        %scan3A_410 = arith.constant 0 : i32
        %scan3A_411 = arith.constant 1 : i32
        %mul3A_412 = arith.constant 16 : i32
        %mul3A_413 = arith.muli %scan3A_411, %mul3A_412 : i32
        %get3A_414 = arith.index_cast %mul3A_413 : i32 to index
        %get3A_415 = tpu.vector_load %arg11[%get3A_414] {strides = array<i32>} : memref<64xi32, #tpu.memory_space<vmem>>, vector<16xi32>,
        %mul3A_416 = arith.constant 3 : i32
        %mul3A_417 = vector.broadcast %mul3A_416 : i32 to vector<16xi32>
        %mul3A_418 = arith.muli %get3A_415, %mul3A_417 : vector<16xi32>
        %gather3A_419 = tpu.vector_load_idx %arg6[%mul3A_418] : memref<6144xf32, #tpu.memory_space<vmem>>[vector<16xi32>], vector<16xf32>,
        %sub3A_420 = arith.subf %gather3A_419, %gather3A : vector<16xf32>
        %add3A_421 = arith.constant 1 : i32
        %add3A_422 = vector.broadcast %add3A_421 : i32 to vector<16xi32>
        %add3A_423 = arith.addi %mul3A_418, %add3A_422 : vector<16xi32>
        %gather3A_424 = tpu.vector_load_idx %arg6[%add3A_423] : memref<6144xf32, #tpu.memory_space<vmem>>[vector<16xi32>], vector<16xf32>,
        %sub3A_425 = arith.subf %gather3A_424, %gather3A_362 : vector<16xf32>
        %add3A_426 = arith.constant 2 : i32
        %add3A_427 = vector.broadcast %add3A_426 : i32 to vector<16xi32>
        %add3A_428 = arith.addi %mul3A_418, %add3A_427 : vector<16xi32>
        %gather3A_429 = tpu.vector_load_idx %arg6[%add3A_428] : memref<6144xf32, #tpu.memory_space<vmem>>[vector<16xi32>], vector<16xf32>,
        %sub3A_430 = arith.subf %gather3A_429, %gather3A_366 : vector<16xf32>
        %mul3A_431 = arith.mulf %sub3A_420, %sub3A_420 : vector<16xf32>
        %mul3A_432 = arith.mulf %sub3A_425, %sub3A_425 : vector<16xf32>
        %add3A_433 = arith.addf %mul3A_431, %mul3A_432 : vector<16xf32>
        %mul3A_434 = arith.mulf %sub3A_430, %sub3A_430 : vector<16xf32>
        %add3A_435 = arith.addf %add3A_433, %mul3A_434 : vector<16xf32>
        %mul3A_436 = arith.constant 64 : i32
        %mul3A_437 = arith.muli %scan3A_249, %mul3A_436 : i32
        %add3A_438 = vector.broadcast %mul3A_437 : i32 to vector<16xi32>
        %add3A_439 = arith.addi %add3A_438, %iota3A : vector<16xi32>
        %mul3A_440 = arith.constant 16 : i32
        %mul3A_441 = arith.muli %scan3A_411, %mul3A_440 : i32
        %add3A_442 = vector.broadcast %mul3A_441 : i32 to vector<16xi32>
        %add3A_443 = arith.addi %add3A_439, %add3A_442 : vector<16xi32>
        tpu.vector_store_idx %arg15[%add3A_443], %sub3A_420 : memref<2048xf32, #tpu.memory_space<vmem>>[vector<16xi32>], vector<16xf32>,
        %add3A_444 = arith.constant 512 : i32
        %add3A_445 = vector.broadcast %add3A_444 : i32 to vector<16xi32>
        %add3A_446 = arith.addi %add3A_443, %add3A_445 : vector<16xi32>
        tpu.vector_store_idx %arg15[%add3A_446], %sub3A_425 : memref<2048xf32, #tpu.memory_space<vmem>>[vector<16xi32>], vector<16xf32>,
        %add3A_447 = arith.constant 1024 : i32
        %add3A_448 = vector.broadcast %add3A_447 : i32 to vector<16xi32>
        %add3A_449 = arith.addi %add3A_443, %add3A_448 : vector<16xi32>
        tpu.vector_store_idx %arg15[%add3A_449], %sub3A_430 : memref<2048xf32, #tpu.memory_space<vmem>>[vector<16xi32>], vector<16xf32>,
        %add3A_450 = arith.constant 1536 : i32
        %add3A_451 = vector.broadcast %add3A_450 : i32 to vector<16xi32>
        %add3A_452 = arith.addi %add3A_443, %add3A_451 : vector<16xi32>
        tpu.vector_store_idx %arg15[%add3A_452], %add3A_435 : memref<2048xf32, #tpu.memory_space<vmem>>[vector<16xi32>], vector<16xf32>,
        %scan3A_453 = arith.constant 0 : i32
        %scan3A_454 = arith.constant 2 : i32
        %mul3A_455 = arith.constant 16 : i32
        %mul3A_456 = arith.muli %scan3A_454, %mul3A_455 : i32
        %get3A_457 = arith.index_cast %mul3A_456 : i32 to index
        %get3A_458 = tpu.vector_load %arg11[%get3A_457] {strides = array<i32>} : memref<64xi32, #tpu.memory_space<vmem>>, vector<16xi32>,
        %mul3A_459 = arith.constant 3 : i32
        %mul3A_460 = vector.broadcast %mul3A_459 : i32 to vector<16xi32>
        %mul3A_461 = arith.muli %get3A_458, %mul3A_460 : vector<16xi32>
        %gather3A_462 = tpu.vector_load_idx %arg6[%mul3A_461] : memref<6144xf32, #tpu.memory_space<vmem>>[vector<16xi32>], vector<16xf32>,
        %sub3A_463 = arith.subf %gather3A_462, %gather3A : vector<16xf32>
        %add3A_464 = arith.constant 1 : i32
        %add3A_465 = vector.broadcast %add3A_464 : i32 to vector<16xi32>
        %add3A_466 = arith.addi %mul3A_461, %add3A_465 : vector<16xi32>
        %gather3A_467 = tpu.vector_load_idx %arg6[%add3A_466] : memref<6144xf32, #tpu.memory_space<vmem>>[vector<16xi32>], vector<16xf32>,
        %sub3A_468 = arith.subf %gather3A_467, %gather3A_362 : vector<16xf32>
        %add3A_469 = arith.constant 2 : i32
        %add3A_470 = vector.broadcast %add3A_469 : i32 to vector<16xi32>
        %add3A_471 = arith.addi %mul3A_461, %add3A_470 : vector<16xi32>
        %gather3A_472 = tpu.vector_load_idx %arg6[%add3A_471] : memref<6144xf32, #tpu.memory_space<vmem>>[vector<16xi32>], vector<16xf32>,
        %sub3A_473 = arith.subf %gather3A_472, %gather3A_366 : vector<16xf32>
        %mul3A_474 = arith.mulf %sub3A_463, %sub3A_463 : vector<16xf32>
        %mul3A_475 = arith.mulf %sub3A_468, %sub3A_468 : vector<16xf32>
        %add3A_476 = arith.addf %mul3A_474, %mul3A_475 : vector<16xf32>
        %mul3A_477 = arith.mulf %sub3A_473, %sub3A_473 : vector<16xf32>
        %add3A_478 = arith.addf %add3A_476, %mul3A_477 : vector<16xf32>
        %mul3A_479 = arith.constant 64 : i32
        %mul3A_480 = arith.muli %scan3A_249, %mul3A_479 : i32
        %add3A_481 = vector.broadcast %mul3A_480 : i32 to vector<16xi32>
        %add3A_482 = arith.addi %add3A_481, %iota3A : vector<16xi32>
        %mul3A_483 = arith.constant 16 : i32
        %mul3A_484 = arith.muli %scan3A_454, %mul3A_483 : i32
        %add3A_485 = vector.broadcast %mul3A_484 : i32 to vector<16xi32>
        %add3A_486 = arith.addi %add3A_482, %add3A_485 : vector<16xi32>
        tpu.vector_store_idx %arg15[%add3A_486], %sub3A_463 : memref<2048xf32, #tpu.memory_space<vmem>>[vector<16xi32>], vector<16xf32>,
        %add3A_487 = arith.constant 512 : i32
        %add3A_488 = vector.broadcast %add3A_487 : i32 to vector<16xi32>
        %add3A_489 = arith.addi %add3A_486, %add3A_488 : vector<16xi32>
        tpu.vector_store_idx %arg15[%add3A_489], %sub3A_468 : memref<2048xf32, #tpu.memory_space<vmem>>[vector<16xi32>], vector<16xf32>,
        %add3A_490 = arith.constant 1024 : i32
        %add3A_491 = vector.broadcast %add3A_490 : i32 to vector<16xi32>
        %add3A_492 = arith.addi %add3A_486, %add3A_491 : vector<16xi32>
        tpu.vector_store_idx %arg15[%add3A_492], %sub3A_473 : memref<2048xf32, #tpu.memory_space<vmem>>[vector<16xi32>], vector<16xf32>,
        %add3A_493 = arith.constant 1536 : i32
        %add3A_494 = vector.broadcast %add3A_493 : i32 to vector<16xi32>
        %add3A_495 = arith.addi %add3A_486, %add3A_494 : vector<16xi32>
        tpu.vector_store_idx %arg15[%add3A_495], %add3A_478 : memref<2048xf32, #tpu.memory_space<vmem>>[vector<16xi32>], vector<16xf32>,
        %scan3A_496 = arith.constant 0 : i32
        %scan3A_497 = arith.constant 3 : i32
        %mul3A_498 = arith.constant 16 : i32
        %mul3A_499 = arith.muli %scan3A_497, %mul3A_498 : i32
        %get3A_500 = arith.index_cast %mul3A_499 : i32 to index
        %get3A_501 = tpu.vector_load %arg11[%get3A_500] {strides = array<i32>} : memref<64xi32, #tpu.memory_space<vmem>>, vector<16xi32>,
        %mul3A_502 = arith.constant 3 : i32
        %mul3A_503 = vector.broadcast %mul3A_502 : i32 to vector<16xi32>
        %mul3A_504 = arith.muli %get3A_501, %mul3A_503 : vector<16xi32>
        %gather3A_505 = tpu.vector_load_idx %arg6[%mul3A_504] : memref<6144xf32, #tpu.memory_space<vmem>>[vector<16xi32>], vector<16xf32>,
        %sub3A_506 = arith.subf %gather3A_505, %gather3A : vector<16xf32>
        %add3A_507 = arith.constant 1 : i32
        %add3A_508 = vector.broadcast %add3A_507 : i32 to vector<16xi32>
        %add3A_509 = arith.addi %mul3A_504, %add3A_508 : vector<16xi32>
        %gather3A_510 = tpu.vector_load_idx %arg6[%add3A_509] : memref<6144xf32, #tpu.memory_space<vmem>>[vector<16xi32>], vector<16xf32>,
        %sub3A_511 = arith.subf %gather3A_510, %gather3A_362 : vector<16xf32>
        %add3A_512 = arith.constant 2 : i32
        %add3A_513 = vector.broadcast %add3A_512 : i32 to vector<16xi32>
        %add3A_514 = arith.addi %mul3A_504, %add3A_513 : vector<16xi32>
        %gather3A_515 = tpu.vector_load_idx %arg6[%add3A_514] : memref<6144xf32, #tpu.memory_space<vmem>>[vector<16xi32>], vector<16xf32>,
        %sub3A_516 = arith.subf %gather3A_515, %gather3A_366 : vector<16xf32>
        %mul3A_517 = arith.mulf %sub3A_506, %sub3A_506 : vector<16xf32>
        %mul3A_518 = arith.mulf %sub3A_511, %sub3A_511 : vector<16xf32>
        %add3A_519 = arith.addf %mul3A_517, %mul3A_518 : vector<16xf32>
        %mul3A_520 = arith.mulf %sub3A_516, %sub3A_516 : vector<16xf32>
        %add3A_521 = arith.addf %add3A_519, %mul3A_520 : vector<16xf32>
        %mul3A_522 = arith.constant 64 : i32
        %mul3A_523 = arith.muli %scan3A_249, %mul3A_522 : i32
        %add3A_524 = vector.broadcast %mul3A_523 : i32 to vector<16xi32>
        %add3A_525 = arith.addi %add3A_524, %iota3A : vector<16xi32>
        %mul3A_526 = arith.constant 16 : i32
        %mul3A_527 = arith.muli %scan3A_497, %mul3A_526 : i32
        %add3A_528 = vector.broadcast %mul3A_527 : i32 to vector<16xi32>
        %add3A_529 = arith.addi %add3A_525, %add3A_528 : vector<16xi32>
        tpu.vector_store_idx %arg15[%add3A_529], %sub3A_506 : memref<2048xf32, #tpu.memory_space<vmem>>[vector<16xi32>], vector<16xf32>,
        %add3A_530 = arith.constant 512 : i32
        %add3A_531 = vector.broadcast %add3A_530 : i32 to vector<16xi32>
        %add3A_532 = arith.addi %add3A_529, %add3A_531 : vector<16xi32>
        tpu.vector_store_idx %arg15[%add3A_532], %sub3A_511 : memref<2048xf32, #tpu.memory_space<vmem>>[vector<16xi32>], vector<16xf32>,
        %add3A_533 = arith.constant 1024 : i32
        %add3A_534 = vector.broadcast %add3A_533 : i32 to vector<16xi32>
        %add3A_535 = arith.addi %add3A_529, %add3A_534 : vector<16xi32>
        tpu.vector_store_idx %arg15[%add3A_535], %sub3A_516 : memref<2048xf32, #tpu.memory_space<vmem>>[vector<16xi32>], vector<16xf32>,
        %add3A_536 = arith.constant 1536 : i32
        %add3A_537 = vector.broadcast %add3A_536 : i32 to vector<16xi32>
        %add3A_538 = arith.addi %add3A_529, %add3A_537 : vector<16xi32>
        tpu.vector_store_idx %arg15[%add3A_538], %add3A_521 : memref<2048xf32, #tpu.memory_space<vmem>>[vector<16xi32>], vector<16xf32>,
        %scan3A_539 = arith.constant 0 : i32
        %scan3A_540 = arith.constant 4 : i32
        %scan3A_541 = arith.constant 0 : i32
        scf.yield %scan3A_541 : i32
      }
      %scan3A_102 = arith.constant 8 : i32
      %mul3A_103 = arith.constant 8 : i32
      %mul3A_104 = arith.muli %add3A_82, %mul3A_103 : i32
      %add3A_105 = arith.addi %add3A_38, %mul3A_104 : i32
      %mul3A_106 = arith.constant 64 : i32
      %mul3A_107 = arith.muli %add3A_105, %mul3A_106 : i32
      %add3A_108 = arith.constant 0 : i32
      %add3A_109 = arith.addi %add3A_108, %mul3A_107 : i32
      %dma_start3A_110 = arith.constant 0 : i32
      %dma_start3A_111 = tpu.memref_slice %arg15[%dma_start3A_110] : memref<2048xf32, #tpu.memory_space<vmem>> -> memref<512xf32, #tpu.memory_space<vmem>>
      %dma_start3A_112 = tpu.memref_slice %arg4[%add3A_109] : memref<2097152xf32, #tpu.memory_space<hbm>> -> memref<512xf32, #tpu.memory_space<hbm>>
      %dma_start3A_113 = tpu.memref_slice %arg4[%add3A_109] : memref<2097152xf32, #tpu.memory_space<hbm>> -> memref<512xf32, #tpu.memory_space<hbm>>
      %dma_start3A_114 = arith.constant 0 : i32
      %dma_start3A_115 = tpu.memref_slice %arg15[%dma_start3A_114] : memref<2048xf32, #tpu.memory_space<vmem>> -> memref<512xf32, #tpu.memory_space<vmem>>
      tpu.enqueue_dma source(%dma_start3A_115 : memref<512xf32, #tpu.memory_space<vmem>>) target(%dma_start3A_113 : memref<512xf32, #tpu.memory_space<hbm>>) target_semaphore(%arg19 : memref<!tpu.dma_semaphore, #tpu.memory_space<semaphore_mem>>)
      %mul3A_116 = arith.constant 8 : i32
      %mul3A_117 = arith.muli %add3A_82, %mul3A_116 : i32
      %add3A_118 = arith.addi %add3A_38, %mul3A_117 : i32
      %mul3A_119 = arith.constant 64 : i32
      %mul3A_120 = arith.muli %add3A_118, %mul3A_119 : i32
      %add3A_121 = arith.constant 524288 : i32
      %add3A_122 = arith.addi %add3A_121, %mul3A_120 : i32
      %dma_start3A_123 = arith.constant 512 : i32
      %dma_start3A_124 = tpu.memref_slice %arg15[%dma_start3A_123] : memref<2048xf32, #tpu.memory_space<vmem>> -> memref<512xf32, #tpu.memory_space<vmem>>
      %dma_start3A_125 = tpu.memref_slice %arg4[%add3A_122] : memref<2097152xf32, #tpu.memory_space<hbm>> -> memref<512xf32, #tpu.memory_space<hbm>>
      %dma_start3A_126 = tpu.memref_slice %arg4[%add3A_122] : memref<2097152xf32, #tpu.memory_space<hbm>> -> memref<512xf32, #tpu.memory_space<hbm>>
      %dma_start3A_127 = arith.constant 512 : i32
      %dma_start3A_128 = tpu.memref_slice %arg15[%dma_start3A_127] : memref<2048xf32, #tpu.memory_space<vmem>> -> memref<512xf32, #tpu.memory_space<vmem>>
      tpu.enqueue_dma source(%dma_start3A_128 : memref<512xf32, #tpu.memory_space<vmem>>) target(%dma_start3A_126 : memref<512xf32, #tpu.memory_space<hbm>>) target_semaphore(%arg19 : memref<!tpu.dma_semaphore, #tpu.memory_space<semaphore_mem>>)
      %mul3A_129 = arith.constant 8 : i32
      %mul3A_130 = arith.muli %add3A_82, %mul3A_129 : i32
      %add3A_131 = arith.addi %add3A_38, %mul3A_130 : i32
      %mul3A_132 = arith.constant 64 : i32
      %mul3A_133 = arith.muli %add3A_131, %mul3A_132 : i32
      %add3A_134 = arith.constant 1048576 : i32
      %add3A_135 = arith.addi %add3A_134, %mul3A_133 : i32
      %dma_start3A_136 = arith.constant 1024 : i32
      %dma_start3A_137 = tpu.memref_slice %arg15[%dma_start3A_136] : memref<2048xf32, #tpu.memory_space<vmem>> -> memref<512xf32, #tpu.memory_space<vmem>>
      %dma_start3A_138 = tpu.memref_slice %arg4[%add3A_135] : memref<2097152xf32, #tpu.memory_space<hbm>> -> memref<512xf32, #tpu.memory_space<hbm>>
      %dma_start3A_139 = tpu.memref_slice %arg4[%add3A_135] : memref<2097152xf32, #tpu.memory_space<hbm>> -> memref<512xf32, #tpu.memory_space<hbm>>
      %dma_start3A_140 = arith.constant 1024 : i32
      %dma_start3A_141 = tpu.memref_slice %arg15[%dma_start3A_140] : memref<2048xf32, #tpu.memory_space<vmem>> -> memref<512xf32, #tpu.memory_space<vmem>>
      tpu.enqueue_dma source(%dma_start3A_141 : memref<512xf32, #tpu.memory_space<vmem>>) target(%dma_start3A_139 : memref<512xf32, #tpu.memory_space<hbm>>) target_semaphore(%arg19 : memref<!tpu.dma_semaphore, #tpu.memory_space<semaphore_mem>>)
      %mul3A_142 = arith.constant 8 : i32
      %mul3A_143 = arith.muli %add3A_82, %mul3A_142 : i32
      %add3A_144 = arith.addi %add3A_38, %mul3A_143 : i32
      %mul3A_145 = arith.constant 64 : i32
      %mul3A_146 = arith.muli %add3A_144, %mul3A_145 : i32
      %add3A_147 = arith.constant 1572864 : i32
      %add3A_148 = arith.addi %add3A_147, %mul3A_146 : i32
      %dma_start3A_149 = arith.constant 1536 : i32
      %dma_start3A_150 = tpu.memref_slice %arg15[%dma_start3A_149] : memref<2048xf32, #tpu.memory_space<vmem>> -> memref<512xf32, #tpu.memory_space<vmem>>
      %dma_start3A_151 = tpu.memref_slice %arg4[%add3A_148] : memref<2097152xf32, #tpu.memory_space<hbm>> -> memref<512xf32, #tpu.memory_space<hbm>>
      %dma_start3A_152 = tpu.memref_slice %arg4[%add3A_148] : memref<2097152xf32, #tpu.memory_space<hbm>> -> memref<512xf32, #tpu.memory_space<hbm>>
      %dma_start3A_153 = arith.constant 1536 : i32
      %dma_start3A_154 = tpu.memref_slice %arg15[%dma_start3A_153] : memref<2048xf32, #tpu.memory_space<vmem>> -> memref<512xf32, #tpu.memory_space<vmem>>
      tpu.enqueue_dma source(%dma_start3A_154 : memref<512xf32, #tpu.memory_space<vmem>>) target(%dma_start3A_152 : memref<512xf32, #tpu.memory_space<hbm>>) target_semaphore(%arg19 : memref<!tpu.dma_semaphore, #tpu.memory_space<semaphore_mem>>)
      %add3A_155 = arith.constant 2 : i32
      %add3A_156 = arith.addi %add3A_82, %add3A_155 : i32
      %lt3A_157 = arith.constant 32 : i32
      %lt3A_158 = arith.cmpi slt, %add3A_156, %lt3A_157 : i32
      %convert_element_type3A_159 = arith.extui %lt3A_158 : i1 to i32
      %cond3A_160 = arith.constant 0 : i32
      %cond3A_161 = arith.cmpi ne, %convert_element_type3A_159, %cond3A_160 : i32
      scf.if %cond3A_161 {
        %add3A_249 = arith.constant 2 : i32
        %add3A_250 = arith.addi %add3A_82, %add3A_249 : i32
        %mul3A_251 = arith.constant 8 : i32
        %mul3A_252 = arith.muli %add3A_250, %mul3A_251 : i32
        %add3A_253 = arith.addi %add3A_38, %mul3A_252 : i32
        %mul3A_254 = arith.constant 2048 : i32
        %mul3A_255 = arith.muli %add3A_253, %mul3A_254 : i32
        %dma_start3A_256 = arith.constant 0 : i32
        %dma_start3A_257 = arith.constant 0 : i32
        %dma_start3A_258 = tpu.memref_slice %arg5[%dma_start3A_256, %dma_start3A_257] : memref<2x16384xf32, #tpu.memory_space<vmem>> -> memref<1x16384xf32, #tpu.memory_space<vmem>>
        %dma_start3A_259 = tpu.memref_squeeze %dma_start3A_258 : memref<1x16384xf32, #tpu.memory_space<vmem>> -> memref<16384xf32, #tpu.memory_space<vmem>>
        %dma_start3A_260 = tpu.memref_slice %arg2[%mul3A_255] : memref<16777216xf32, #tpu.memory_space<hbm>> -> memref<16384xf32, #tpu.memory_space<hbm>>
        %dma_start3A_261 = arith.constant 0 : i32
        %dma_start3A_262 = tpu.memref_slice %arg5[%dma_start3A_256, %dma_start3A_261] : memref<2x16384xf32, #tpu.memory_space<vmem>> -> memref<1x16384xf32, #tpu.memory_space<vmem>>
        %dma_start3A_263 = tpu.memref_squeeze %dma_start3A_262 : memref<1x16384xf32, #tpu.memory_space<vmem>> -> memref<16384xf32, #tpu.memory_space<vmem>>
        %dma_start3A_264 = tpu.memref_slice %arg2[%mul3A_255] : memref<16777216xf32, #tpu.memory_space<hbm>> -> memref<16384xf32, #tpu.memory_space<hbm>>
        tpu.enqueue_dma source(%dma_start3A_264 : memref<16384xf32, #tpu.memory_space<hbm>>) target(%dma_start3A_263 : memref<16384xf32, #tpu.memory_space<vmem>>) target_semaphore(%arg17 : memref<!tpu.dma_semaphore, #tpu.memory_space<semaphore_mem>>)
      } else {
      }
      %mul3A_162 = arith.constant 2 : i32
      %mul3A_163 = arith.muli %scan3A_77, %mul3A_162 : i32
      %add3A_164 = arith.constant 1 : i32
      %add3A_165 = arith.addi %mul3A_163, %add3A_164 : i32
      %dma_wait3A_166 = arith.constant 1 : i32
      %dma_wait3A_167 = arith.constant 0 : i32
      %dma_wait3A_168 = tpu.memref_slice %arg5[%dma_wait3A_166, %dma_wait3A_167] : memref<2x16384xf32, #tpu.memory_space<vmem>> -> memref<1x16384xf32, #tpu.memory_space<vmem>>
      %dma_wait3A_169 = tpu.memref_squeeze %dma_wait3A_168 : memref<1x16384xf32, #tpu.memory_space<vmem>> -> memref<16384xf32, #tpu.memory_space<vmem>>
      %dma_wait3A_170 = arith.constant 0 : i32
      %dma_wait3A_171 = tpu.memref_slice %arg2[%dma_wait3A_170] : memref<16777216xf32, #tpu.memory_space<hbm>> -> memref<16384xf32, #tpu.memory_space<hbm>>
      %dma_wait3A_172 = arith.constant 0 : i32
      %dma_wait3A_173 = tpu.memref_slice %arg5[%dma_wait3A_166, %dma_wait3A_172] : memref<2x16384xf32, #tpu.memory_space<vmem>> -> memref<1x16384xf32, #tpu.memory_space<vmem>>
      %dma_wait3A_174 = tpu.memref_squeeze %dma_wait3A_173 : memref<1x16384xf32, #tpu.memory_space<vmem>> -> memref<16384xf32, #tpu.memory_space<vmem>>
      %dma_wait3A_175 = arith.constant 0 : i32
      %dma_wait3A_176 = tpu.memref_slice %arg2[%dma_wait3A_175] : memref<16777216xf32, #tpu.memory_space<hbm>> -> memref<16384xf32, #tpu.memory_space<hbm>>
      tpu.wait_dma2 semaphore(%arg18 : memref<!tpu.dma_semaphore, #tpu.memory_space<semaphore_mem>>) src(%dma_wait3A_176 : memref<16384xf32, #tpu.memory_space<hbm>>) dst(%dma_wait3A_174 : memref<16384xf32, #tpu.memory_space<vmem>>)
      %ge3A_177 = arith.constant 2 : i32
      %ge3A_178 = arith.cmpi sge, %add3A_165, %ge3A_177 : i32
      %convert_element_type3A_179 = arith.extui %ge3A_178 : i1 to i32
      %cond3A_180 = arith.constant 0 : i32
      %cond3A_181 = arith.cmpi ne, %convert_element_type3A_179, %cond3A_180 : i32
      scf.if %cond3A_181 {
        %dma_wait3A_249 = arith.constant 0 : i32
        %dma_wait3A_250 = tpu.memref_slice %arg4[%dma_wait3A_249] : memref<2097152xf32, #tpu.memory_space<hbm>> -> memref<2048xf32, #tpu.memory_space<hbm>>
        %dma_wait3A_251 = arith.constant 0 : i32
        %dma_wait3A_252 = tpu.memref_slice %arg4[%dma_wait3A_251] : memref<2097152xf32, #tpu.memory_space<hbm>> -> memref<2048xf32, #tpu.memory_space<hbm>>
        tpu.wait_dma2 semaphore(%arg20 : memref<!tpu.dma_semaphore, #tpu.memory_space<semaphore_mem>>) src(%arg16 : memref<2048xf32, #tpu.memory_space<vmem>>) dst(%dma_wait3A_252 : memref<2048xf32, #tpu.memory_space<hbm>>)
      } else {
      }
      %scan3A_182 = arith.constant 0 : i32
      %scan3A_183 = arith.constant 0 : i32
      %scan3A_184 = arith.constant 8 : i32
      %scan3A_185 = arith.addi %scan3A_183, %scan3A_184 : i32
      %scan3A_186 = arith.constant 1 : i32
      %scan3A_187 = scf.for %scan3A_249 = %scan3A_183 to %scan3A_185 step %scan3A_186 iter_args(%scan3A_250 = %scan3A_182) -> (i32)  : i32 {
        %mul3A_251 = arith.constant 8 : i32
        %mul3A_252 = arith.muli %add3A_165, %mul3A_251 : i32
        %add3A_253 = arith.addi %mul3A_252, %scan3A_249 : i32
        %add3A_254 = arith.addi %mul3A_35, %add3A_253 : i32
        %scan3A_255 = arith.constant 6.250000e-02 : f32
        %scan3A_256 = arith.constant 0 : i32
        %scan3A_257 = arith.constant 128 : i32
        %scan3A_258 = arith.addi %scan3A_256, %scan3A_257 : i32
        %scan3A_259 = arith.constant 8 : i32
        %scan3A_260 = scf.for %scan3A_542 = %scan3A_256 to %scan3A_258 step %scan3A_259 iter_args(%scan3A_543 = %broadcast_in_dim3A_0) -> (vector<16xi32>)  : i32 {
          %mul3A_544 = arith.constant 2048 : i32
          %mul3A_545 = arith.muli %scan3A_249, %mul3A_544 : i32
          %mul3A_546 = arith.constant 16 : i32
          %mul3A_547 = arith.muli %scan3A_542, %mul3A_546 : i32
          %add3A_548 = arith.addi %mul3A_545, %mul3A_547 : i32
          %get3A_549 = arith.constant 1 : i32
          %get3A_550 = arith.index_cast %get3A_549 : i32 to index
          %get3A_551 = arith.index_cast %add3A_548 : i32 to index
          %get3A_552 = tpu.vector_load %arg5[%get3A_550, %get3A_551] {strides = array<i32>} : memref<2x16384xf32, #tpu.memory_space<vmem>>, vector<16xf32>,
          %lt3A_553 = vector.broadcast %scan3A_255 : f32 to vector<16xf32>
          %lt3A_554 = arith.cmpf olt, %get3A_552, %lt3A_553 : vector<16xf32>
          %convert_element_type3A_555 = arith.extui %lt3A_554 : vector<16xi1> to vector<16xi32>
          %cumsum3A_556 = arith.constant true
          %cumsum3A_557 = vector.broadcast %cumsum3A_556 : i1 to vector<16xi1>
          %cumsum3A_558 = tpu.scan <sum>, %convert_element_type3A_555 masked %cumsum3A_557 : vector<16xi32>, vector<16xi1> -> vector<16xi32>
          %all_reduce_population_count3A = tpu.all_reduce %lt3A_554 {dim = 0 : i64, kind = #tpu.reduction_kind<sum>} : vector<16xi1> -> vector<16xi32>
          %add3A_559 = arith.addi %scan3A_543, %cumsum3A_558 : vector<16xi32>
          %sub3A_560 = arith.constant 1 : i32
          %sub3A_561 = vector.broadcast %sub3A_560 : i32 to vector<16xi32>
          %sub3A_562 = arith.subi %add3A_559, %sub3A_561 : vector<16xi32>
          %mul3A_563 = arith.constant 16 : i32
          %mul3A_564 = arith.muli %scan3A_542, %mul3A_563 : i32
          %add3A_565 = vector.broadcast %mul3A_564 : i32 to vector<16xi32>
          %add3A_566 = arith.addi %iota3A, %add3A_565 : vector<16xi32>
          tpu.vector_store_idx %arg7[%sub3A_562], %get3A_552 masked %lt3A_554 : memref<2064xf32, #tpu.memory_space<vmem>>[vector<16xi32>], vector<16xf32>, vector<16xi1>
          tpu.vector_store_idx %arg8[%sub3A_562], %add3A_566 masked %lt3A_554 : memref<2064xi32, #tpu.memory_space<vmem>>[vector<16xi32>], vector<16xi32>, vector<16xi1>
          %add3A_567 = arith.addi %scan3A_543, %all_reduce_population_count3A : vector<16xi32>
          %scan3A_568 = arith.constant 1 : i32
          %scan3A_569 = arith.addi %scan3A_542, %scan3A_568 : i32
          %mul3A_570 = arith.constant 2048 : i32
          %mul3A_571 = arith.muli %scan3A_249, %mul3A_570 : i32
          %mul3A_572 = arith.constant 16 : i32
          %mul3A_573 = arith.muli %scan3A_569, %mul3A_572 : i32
          %add3A_574 = arith.addi %mul3A_571, %mul3A_573 : i32
          %get3A_575 = arith.constant 1 : i32
          %get3A_576 = arith.index_cast %get3A_575 : i32 to index
          %get3A_577 = arith.index_cast %add3A_574 : i32 to index
          %get3A_578 = tpu.vector_load %arg5[%get3A_576, %get3A_577] {strides = array<i32>} : memref<2x16384xf32, #tpu.memory_space<vmem>>, vector<16xf32>,
          %lt3A_579 = vector.broadcast %scan3A_255 : f32 to vector<16xf32>
          %lt3A_580 = arith.cmpf olt, %get3A_578, %lt3A_579 : vector<16xf32>
          %convert_element_type3A_581 = arith.extui %lt3A_580 : vector<16xi1> to vector<16xi32>
          %cumsum3A_582 = arith.constant true
          %cumsum3A_583 = vector.broadcast %cumsum3A_582 : i1 to vector<16xi1>
          %cumsum3A_584 = tpu.scan <sum>, %convert_element_type3A_581 masked %cumsum3A_583 : vector<16xi32>, vector<16xi1> -> vector<16xi32>
          %all_reduce_population_count3A_585 = tpu.all_reduce %lt3A_580 {dim = 0 : i64, kind = #tpu.reduction_kind<sum>} : vector<16xi1> -> vector<16xi32>
          %add3A_586 = arith.addi %add3A_567, %cumsum3A_584 : vector<16xi32>
          %sub3A_587 = arith.constant 1 : i32
          %sub3A_588 = vector.broadcast %sub3A_587 : i32 to vector<16xi32>
          %sub3A_589 = arith.subi %add3A_586, %sub3A_588 : vector<16xi32>
          %mul3A_590 = arith.constant 16 : i32
          %mul3A_591 = arith.muli %scan3A_569, %mul3A_590 : i32
          %add3A_592 = vector.broadcast %mul3A_591 : i32 to vector<16xi32>
          %add3A_593 = arith.addi %iota3A, %add3A_592 : vector<16xi32>
          tpu.vector_store_idx %arg7[%sub3A_589], %get3A_578 masked %lt3A_580 : memref<2064xf32, #tpu.memory_space<vmem>>[vector<16xi32>], vector<16xf32>, vector<16xi1>
          tpu.vector_store_idx %arg8[%sub3A_589], %add3A_593 masked %lt3A_580 : memref<2064xi32, #tpu.memory_space<vmem>>[vector<16xi32>], vector<16xi32>, vector<16xi1>
          %add3A_594 = arith.addi %add3A_567, %all_reduce_population_count3A_585 : vector<16xi32>
          %scan3A_595 = arith.constant 2 : i32
          %scan3A_596 = arith.addi %scan3A_542, %scan3A_595 : i32
          %mul3A_597 = arith.constant 2048 : i32
          %mul3A_598 = arith.muli %scan3A_249, %mul3A_597 : i32
          %mul3A_599 = arith.constant 16 : i32
          %mul3A_600 = arith.muli %scan3A_596, %mul3A_599 : i32
          %add3A_601 = arith.addi %mul3A_598, %mul3A_600 : i32
          %get3A_602 = arith.constant 1 : i32
          %get3A_603 = arith.index_cast %get3A_602 : i32 to index
          %get3A_604 = arith.index_cast %add3A_601 : i32 to index
          %get3A_605 = tpu.vector_load %arg5[%get3A_603, %get3A_604] {strides = array<i32>} : memref<2x16384xf32, #tpu.memory_space<vmem>>, vector<16xf32>,
          %lt3A_606 = vector.broadcast %scan3A_255 : f32 to vector<16xf32>
          %lt3A_607 = arith.cmpf olt, %get3A_605, %lt3A_606 : vector<16xf32>
          %convert_element_type3A_608 = arith.extui %lt3A_607 : vector<16xi1> to vector<16xi32>
          %cumsum3A_609 = arith.constant true
          %cumsum3A_610 = vector.broadcast %cumsum3A_609 : i1 to vector<16xi1>
          %cumsum3A_611 = tpu.scan <sum>, %convert_element_type3A_608 masked %cumsum3A_610 : vector<16xi32>, vector<16xi1> -> vector<16xi32>
          %all_reduce_population_count3A_612 = tpu.all_reduce %lt3A_607 {dim = 0 : i64, kind = #tpu.reduction_kind<sum>} : vector<16xi1> -> vector<16xi32>
          %add3A_613 = arith.addi %add3A_594, %cumsum3A_611 : vector<16xi32>
          %sub3A_614 = arith.constant 1 : i32
          %sub3A_615 = vector.broadcast %sub3A_614 : i32 to vector<16xi32>
          %sub3A_616 = arith.subi %add3A_613, %sub3A_615 : vector<16xi32>
          %mul3A_617 = arith.constant 16 : i32
          %mul3A_618 = arith.muli %scan3A_596, %mul3A_617 : i32
          %add3A_619 = vector.broadcast %mul3A_618 : i32 to vector<16xi32>
          %add3A_620 = arith.addi %iota3A, %add3A_619 : vector<16xi32>
          tpu.vector_store_idx %arg7[%sub3A_616], %get3A_605 masked %lt3A_607 : memref<2064xf32, #tpu.memory_space<vmem>>[vector<16xi32>], vector<16xf32>, vector<16xi1>
          tpu.vector_store_idx %arg8[%sub3A_616], %add3A_620 masked %lt3A_607 : memref<2064xi32, #tpu.memory_space<vmem>>[vector<16xi32>], vector<16xi32>, vector<16xi1>
          %add3A_621 = arith.addi %add3A_594, %all_reduce_population_count3A_612 : vector<16xi32>
          %scan3A_622 = arith.constant 3 : i32
          %scan3A_623 = arith.addi %scan3A_542, %scan3A_622 : i32
          %mul3A_624 = arith.constant 2048 : i32
          %mul3A_625 = arith.muli %scan3A_249, %mul3A_624 : i32
          %mul3A_626 = arith.constant 16 : i32
          %mul3A_627 = arith.muli %scan3A_623, %mul3A_626 : i32
          %add3A_628 = arith.addi %mul3A_625, %mul3A_627 : i32
          %get3A_629 = arith.constant 1 : i32
          %get3A_630 = arith.index_cast %get3A_629 : i32 to index
          %get3A_631 = arith.index_cast %add3A_628 : i32 to index
          %get3A_632 = tpu.vector_load %arg5[%get3A_630, %get3A_631] {strides = array<i32>} : memref<2x16384xf32, #tpu.memory_space<vmem>>, vector<16xf32>,
          %lt3A_633 = vector.broadcast %scan3A_255 : f32 to vector<16xf32>
          %lt3A_634 = arith.cmpf olt, %get3A_632, %lt3A_633 : vector<16xf32>
          %convert_element_type3A_635 = arith.extui %lt3A_634 : vector<16xi1> to vector<16xi32>
          %cumsum3A_636 = arith.constant true
          %cumsum3A_637 = vector.broadcast %cumsum3A_636 : i1 to vector<16xi1>
          %cumsum3A_638 = tpu.scan <sum>, %convert_element_type3A_635 masked %cumsum3A_637 : vector<16xi32>, vector<16xi1> -> vector<16xi32>
          %all_reduce_population_count3A_639 = tpu.all_reduce %lt3A_634 {dim = 0 : i64, kind = #tpu.reduction_kind<sum>} : vector<16xi1> -> vector<16xi32>
          %add3A_640 = arith.addi %add3A_621, %cumsum3A_638 : vector<16xi32>
          %sub3A_641 = arith.constant 1 : i32
          %sub3A_642 = vector.broadcast %sub3A_641 : i32 to vector<16xi32>
          %sub3A_643 = arith.subi %add3A_640, %sub3A_642 : vector<16xi32>
          %mul3A_644 = arith.constant 16 : i32
          %mul3A_645 = arith.muli %scan3A_623, %mul3A_644 : i32
          %add3A_646 = vector.broadcast %mul3A_645 : i32 to vector<16xi32>
          %add3A_647 = arith.addi %iota3A, %add3A_646 : vector<16xi32>
          tpu.vector_store_idx %arg7[%sub3A_643], %get3A_632 masked %lt3A_634 : memref<2064xf32, #tpu.memory_space<vmem>>[vector<16xi32>], vector<16xf32>, vector<16xi1>
          tpu.vector_store_idx %arg8[%sub3A_643], %add3A_647 masked %lt3A_634 : memref<2064xi32, #tpu.memory_space<vmem>>[vector<16xi32>], vector<16xi32>, vector<16xi1>
          %add3A_648 = arith.addi %add3A_621, %all_reduce_population_count3A_639 : vector<16xi32>
          %scan3A_649 = arith.constant 4 : i32
          %scan3A_650 = arith.addi %scan3A_542, %scan3A_649 : i32
          %mul3A_651 = arith.constant 2048 : i32
          %mul3A_652 = arith.muli %scan3A_249, %mul3A_651 : i32
          %mul3A_653 = arith.constant 16 : i32
          %mul3A_654 = arith.muli %scan3A_650, %mul3A_653 : i32
          %add3A_655 = arith.addi %mul3A_652, %mul3A_654 : i32
          %get3A_656 = arith.constant 1 : i32
          %get3A_657 = arith.index_cast %get3A_656 : i32 to index
          %get3A_658 = arith.index_cast %add3A_655 : i32 to index
          %get3A_659 = tpu.vector_load %arg5[%get3A_657, %get3A_658] {strides = array<i32>} : memref<2x16384xf32, #tpu.memory_space<vmem>>, vector<16xf32>,
          %lt3A_660 = vector.broadcast %scan3A_255 : f32 to vector<16xf32>
          %lt3A_661 = arith.cmpf olt, %get3A_659, %lt3A_660 : vector<16xf32>
          %convert_element_type3A_662 = arith.extui %lt3A_661 : vector<16xi1> to vector<16xi32>
          %cumsum3A_663 = arith.constant true
          %cumsum3A_664 = vector.broadcast %cumsum3A_663 : i1 to vector<16xi1>
          %cumsum3A_665 = tpu.scan <sum>, %convert_element_type3A_662 masked %cumsum3A_664 : vector<16xi32>, vector<16xi1> -> vector<16xi32>
          %all_reduce_population_count3A_666 = tpu.all_reduce %lt3A_661 {dim = 0 : i64, kind = #tpu.reduction_kind<sum>} : vector<16xi1> -> vector<16xi32>
          %add3A_667 = arith.addi %add3A_648, %cumsum3A_665 : vector<16xi32>
          %sub3A_668 = arith.constant 1 : i32
          %sub3A_669 = vector.broadcast %sub3A_668 : i32 to vector<16xi32>
          %sub3A_670 = arith.subi %add3A_667, %sub3A_669 : vector<16xi32>
          %mul3A_671 = arith.constant 16 : i32
          %mul3A_672 = arith.muli %scan3A_650, %mul3A_671 : i32
          %add3A_673 = vector.broadcast %mul3A_672 : i32 to vector<16xi32>
          %add3A_674 = arith.addi %iota3A, %add3A_673 : vector<16xi32>
          tpu.vector_store_idx %arg7[%sub3A_670], %get3A_659 masked %lt3A_661 : memref<2064xf32, #tpu.memory_space<vmem>>[vector<16xi32>], vector<16xf32>, vector<16xi1>
          tpu.vector_store_idx %arg8[%sub3A_670], %add3A_674 masked %lt3A_661 : memref<2064xi32, #tpu.memory_space<vmem>>[vector<16xi32>], vector<16xi32>, vector<16xi1>
          %add3A_675 = arith.addi %add3A_648, %all_reduce_population_count3A_666 : vector<16xi32>
          %scan3A_676 = arith.constant 5 : i32
          %scan3A_677 = arith.addi %scan3A_542, %scan3A_676 : i32
          %mul3A_678 = arith.constant 2048 : i32
          %mul3A_679 = arith.muli %scan3A_249, %mul3A_678 : i32
          %mul3A_680 = arith.constant 16 : i32
          %mul3A_681 = arith.muli %scan3A_677, %mul3A_680 : i32
          %add3A_682 = arith.addi %mul3A_679, %mul3A_681 : i32
          %get3A_683 = arith.constant 1 : i32
          %get3A_684 = arith.index_cast %get3A_683 : i32 to index
          %get3A_685 = arith.index_cast %add3A_682 : i32 to index
          %get3A_686 = tpu.vector_load %arg5[%get3A_684, %get3A_685] {strides = array<i32>} : memref<2x16384xf32, #tpu.memory_space<vmem>>, vector<16xf32>,
          %lt3A_687 = vector.broadcast %scan3A_255 : f32 to vector<16xf32>
          %lt3A_688 = arith.cmpf olt, %get3A_686, %lt3A_687 : vector<16xf32>
          %convert_element_type3A_689 = arith.extui %lt3A_688 : vector<16xi1> to vector<16xi32>
          %cumsum3A_690 = arith.constant true
          %cumsum3A_691 = vector.broadcast %cumsum3A_690 : i1 to vector<16xi1>
          %cumsum3A_692 = tpu.scan <sum>, %convert_element_type3A_689 masked %cumsum3A_691 : vector<16xi32>, vector<16xi1> -> vector<16xi32>
          %all_reduce_population_count3A_693 = tpu.all_reduce %lt3A_688 {dim = 0 : i64, kind = #tpu.reduction_kind<sum>} : vector<16xi1> -> vector<16xi32>
          %add3A_694 = arith.addi %add3A_675, %cumsum3A_692 : vector<16xi32>
          %sub3A_695 = arith.constant 1 : i32
          %sub3A_696 = vector.broadcast %sub3A_695 : i32 to vector<16xi32>
          %sub3A_697 = arith.subi %add3A_694, %sub3A_696 : vector<16xi32>
          %mul3A_698 = arith.constant 16 : i32
          %mul3A_699 = arith.muli %scan3A_677, %mul3A_698 : i32
          %add3A_700 = vector.broadcast %mul3A_699 : i32 to vector<16xi32>
          %add3A_701 = arith.addi %iota3A, %add3A_700 : vector<16xi32>
          tpu.vector_store_idx %arg7[%sub3A_697], %get3A_686 masked %lt3A_688 : memref<2064xf32, #tpu.memory_space<vmem>>[vector<16xi32>], vector<16xf32>, vector<16xi1>
          tpu.vector_store_idx %arg8[%sub3A_697], %add3A_701 masked %lt3A_688 : memref<2064xi32, #tpu.memory_space<vmem>>[vector<16xi32>], vector<16xi32>, vector<16xi1>
          %add3A_702 = arith.addi %add3A_675, %all_reduce_population_count3A_693 : vector<16xi32>
          %scan3A_703 = arith.constant 6 : i32
          %scan3A_704 = arith.addi %scan3A_542, %scan3A_703 : i32
          %mul3A_705 = arith.constant 2048 : i32
          %mul3A_706 = arith.muli %scan3A_249, %mul3A_705 : i32
          %mul3A_707 = arith.constant 16 : i32
          %mul3A_708 = arith.muli %scan3A_704, %mul3A_707 : i32
          %add3A_709 = arith.addi %mul3A_706, %mul3A_708 : i32
          %get3A_710 = arith.constant 1 : i32
          %get3A_711 = arith.index_cast %get3A_710 : i32 to index
          %get3A_712 = arith.index_cast %add3A_709 : i32 to index
          %get3A_713 = tpu.vector_load %arg5[%get3A_711, %get3A_712] {strides = array<i32>} : memref<2x16384xf32, #tpu.memory_space<vmem>>, vector<16xf32>,
          %lt3A_714 = vector.broadcast %scan3A_255 : f32 to vector<16xf32>
          %lt3A_715 = arith.cmpf olt, %get3A_713, %lt3A_714 : vector<16xf32>
          %convert_element_type3A_716 = arith.extui %lt3A_715 : vector<16xi1> to vector<16xi32>
          %cumsum3A_717 = arith.constant true
          %cumsum3A_718 = vector.broadcast %cumsum3A_717 : i1 to vector<16xi1>
          %cumsum3A_719 = tpu.scan <sum>, %convert_element_type3A_716 masked %cumsum3A_718 : vector<16xi32>, vector<16xi1> -> vector<16xi32>
          %all_reduce_population_count3A_720 = tpu.all_reduce %lt3A_715 {dim = 0 : i64, kind = #tpu.reduction_kind<sum>} : vector<16xi1> -> vector<16xi32>
          %add3A_721 = arith.addi %add3A_702, %cumsum3A_719 : vector<16xi32>
          %sub3A_722 = arith.constant 1 : i32
          %sub3A_723 = vector.broadcast %sub3A_722 : i32 to vector<16xi32>
          %sub3A_724 = arith.subi %add3A_721, %sub3A_723 : vector<16xi32>
          %mul3A_725 = arith.constant 16 : i32
          %mul3A_726 = arith.muli %scan3A_704, %mul3A_725 : i32
          %add3A_727 = vector.broadcast %mul3A_726 : i32 to vector<16xi32>
          %add3A_728 = arith.addi %iota3A, %add3A_727 : vector<16xi32>
          tpu.vector_store_idx %arg7[%sub3A_724], %get3A_713 masked %lt3A_715 : memref<2064xf32, #tpu.memory_space<vmem>>[vector<16xi32>], vector<16xf32>, vector<16xi1>
          tpu.vector_store_idx %arg8[%sub3A_724], %add3A_728 masked %lt3A_715 : memref<2064xi32, #tpu.memory_space<vmem>>[vector<16xi32>], vector<16xi32>, vector<16xi1>
          %add3A_729 = arith.addi %add3A_702, %all_reduce_population_count3A_720 : vector<16xi32>
          %scan3A_730 = arith.constant 7 : i32
          %scan3A_731 = arith.addi %scan3A_542, %scan3A_730 : i32
          %mul3A_732 = arith.constant 2048 : i32
          %mul3A_733 = arith.muli %scan3A_249, %mul3A_732 : i32
          %mul3A_734 = arith.constant 16 : i32
          %mul3A_735 = arith.muli %scan3A_731, %mul3A_734 : i32
          %add3A_736 = arith.addi %mul3A_733, %mul3A_735 : i32
          %get3A_737 = arith.constant 1 : i32
          %get3A_738 = arith.index_cast %get3A_737 : i32 to index
          %get3A_739 = arith.index_cast %add3A_736 : i32 to index
          %get3A_740 = tpu.vector_load %arg5[%get3A_738, %get3A_739] {strides = array<i32>} : memref<2x16384xf32, #tpu.memory_space<vmem>>, vector<16xf32>,
          %lt3A_741 = vector.broadcast %scan3A_255 : f32 to vector<16xf32>
          %lt3A_742 = arith.cmpf olt, %get3A_740, %lt3A_741 : vector<16xf32>
          %convert_element_type3A_743 = arith.extui %lt3A_742 : vector<16xi1> to vector<16xi32>
          %cumsum3A_744 = arith.constant true
          %cumsum3A_745 = vector.broadcast %cumsum3A_744 : i1 to vector<16xi1>
          %cumsum3A_746 = tpu.scan <sum>, %convert_element_type3A_743 masked %cumsum3A_745 : vector<16xi32>, vector<16xi1> -> vector<16xi32>
          %all_reduce_population_count3A_747 = tpu.all_reduce %lt3A_742 {dim = 0 : i64, kind = #tpu.reduction_kind<sum>} : vector<16xi1> -> vector<16xi32>
          %add3A_748 = arith.addi %add3A_729, %cumsum3A_746 : vector<16xi32>
          %sub3A_749 = arith.constant 1 : i32
          %sub3A_750 = vector.broadcast %sub3A_749 : i32 to vector<16xi32>
          %sub3A_751 = arith.subi %add3A_748, %sub3A_750 : vector<16xi32>
          %mul3A_752 = arith.constant 16 : i32
          %mul3A_753 = arith.muli %scan3A_731, %mul3A_752 : i32
          %add3A_754 = vector.broadcast %mul3A_753 : i32 to vector<16xi32>
          %add3A_755 = arith.addi %iota3A, %add3A_754 : vector<16xi32>
          tpu.vector_store_idx %arg7[%sub3A_751], %get3A_740 masked %lt3A_742 : memref<2064xf32, #tpu.memory_space<vmem>>[vector<16xi32>], vector<16xf32>, vector<16xi1>
          tpu.vector_store_idx %arg8[%sub3A_751], %add3A_755 masked %lt3A_742 : memref<2064xi32, #tpu.memory_space<vmem>>[vector<16xi32>], vector<16xi32>, vector<16xi1>
          %add3A_756 = arith.addi %add3A_729, %all_reduce_population_count3A_747 : vector<16xi32>
          scf.yield %add3A_756 : vector<16xi32>
        }
        %scan3A_261 = arith.constant 128 : i32
        %while3A = arith.constant 6.250000e-02 : f32
        %while3A_262 = arith.constant 4.096000e+03 : f32
        %while3A_263:3 = scf.while (%while3A_542 = %while3A, %while3A_543 = %while3A_262, %while3A_544 = %scan3A_260) : (f32, f32, vector<16xi32>) -> (f32, f32, vector<16xi32>) {
          %reduce_max3A_545 = arith.constant true
          %reduce_max3A_546 = vector.broadcast %reduce_max3A_545 : i1 to vector<16xi1>
          %reduce_max3A_547 = arith.constant -2147483648 : i32
          %reduce_max3A_548 = vector.broadcast %reduce_max3A_547 : i32 to vector<16xi32>
          %reduce_max3A_549 = arith.xori %while3A_544, %reduce_max3A_548 : vector<16xi32>
          %reduce_max3A_550 = tpu.scan <max>, %reduce_max3A_549 masked %reduce_max3A_546 : vector<16xi32>, vector<16xi1> -> vector<16xi32>
          %reduce_max3A_551 = arith.xori %reduce_max3A_550, %reduce_max3A_548 : vector<16xi32>
          %reduce_max3A_552 = vector.extract %reduce_max3A_551[15] : i32 from vector<16xi32>
          %lt3A_553 = arith.constant 64 : i32
          %lt3A_554 = arith.cmpi slt, %reduce_max3A_552, %lt3A_553 : i32
          scf.condition(%lt3A_554) %while3A_542, %while3A_543, %while3A_544 : f32, f32, vector<16xi32>
        } do {
        ^bb0(%while3A_542: f32, %while3A_543: f32, %while3A_544: vector<16xi32>):
          %mul3A_545 = arith.constant 6.400000e+01 : f32
          %mul3A_546 = arith.mulf %while3A_542, %mul3A_545 : f32
          %mul3A_547 = arith.constant 1.562500e-02 : f32
          %mul3A_548 = arith.mulf %while3A_543, %mul3A_547 : f32
          %scan3A_549 = arith.constant 0 : i32
          %scan3A_550 = arith.constant 128 : i32
          %scan3A_551 = arith.addi %scan3A_549, %scan3A_550 : i32
          %scan3A_552 = arith.constant 8 : i32
          %scan3A_553 = scf.for %scan3A_555 = %scan3A_549 to %scan3A_551 step %scan3A_552 iter_args(%scan3A_556 = %broadcast_in_dim3A_0) -> (vector<16xi32>)  : i32 {
            %mul3A_557 = arith.constant 2048 : i32
            %mul3A_558 = arith.muli %scan3A_249, %mul3A_557 : i32
            %mul3A_559 = arith.constant 16 : i32
            %mul3A_560 = arith.muli %scan3A_555, %mul3A_559 : i32
            %add3A_561 = arith.addi %mul3A_558, %mul3A_560 : i32
            %get3A_562 = arith.constant 1 : i32
            %get3A_563 = arith.index_cast %get3A_562 : i32 to index
            %get3A_564 = arith.index_cast %add3A_561 : i32 to index
            %get3A_565 = tpu.vector_load %arg5[%get3A_563, %get3A_564] {strides = array<i32>} : memref<2x16384xf32, #tpu.memory_space<vmem>>, vector<16xf32>,
            %lt3A_566 = vector.broadcast %mul3A_546 : f32 to vector<16xf32>
            %lt3A_567 = arith.cmpf olt, %get3A_565, %lt3A_566 : vector<16xf32>
            %convert_element_type3A_568 = arith.extui %lt3A_567 : vector<16xi1> to vector<16xi32>
            %cumsum3A_569 = arith.constant true
            %cumsum3A_570 = vector.broadcast %cumsum3A_569 : i1 to vector<16xi1>
            %cumsum3A_571 = tpu.scan <sum>, %convert_element_type3A_568 masked %cumsum3A_570 : vector<16xi32>, vector<16xi1> -> vector<16xi32>
            %all_reduce_population_count3A = tpu.all_reduce %lt3A_567 {dim = 0 : i64, kind = #tpu.reduction_kind<sum>} : vector<16xi1> -> vector<16xi32>
            %add3A_572 = arith.addi %scan3A_556, %cumsum3A_571 : vector<16xi32>
            %sub3A_573 = arith.constant 1 : i32
            %sub3A_574 = vector.broadcast %sub3A_573 : i32 to vector<16xi32>
            %sub3A_575 = arith.subi %add3A_572, %sub3A_574 : vector<16xi32>
            %mul3A_576 = arith.constant 16 : i32
            %mul3A_577 = arith.muli %scan3A_555, %mul3A_576 : i32
            %add3A_578 = vector.broadcast %mul3A_577 : i32 to vector<16xi32>
            %add3A_579 = arith.addi %iota3A, %add3A_578 : vector<16xi32>
            tpu.vector_store_idx %arg7[%sub3A_575], %get3A_565 masked %lt3A_567 : memref<2064xf32, #tpu.memory_space<vmem>>[vector<16xi32>], vector<16xf32>, vector<16xi1>
            tpu.vector_store_idx %arg8[%sub3A_575], %add3A_579 masked %lt3A_567 : memref<2064xi32, #tpu.memory_space<vmem>>[vector<16xi32>], vector<16xi32>, vector<16xi1>
            %add3A_580 = arith.addi %scan3A_556, %all_reduce_population_count3A : vector<16xi32>
            %scan3A_581 = arith.constant 1 : i32
            %scan3A_582 = arith.addi %scan3A_555, %scan3A_581 : i32
            %mul3A_583 = arith.constant 2048 : i32
            %mul3A_584 = arith.muli %scan3A_249, %mul3A_583 : i32
            %mul3A_585 = arith.constant 16 : i32
            %mul3A_586 = arith.muli %scan3A_582, %mul3A_585 : i32
            %add3A_587 = arith.addi %mul3A_584, %mul3A_586 : i32
            %get3A_588 = arith.constant 1 : i32
            %get3A_589 = arith.index_cast %get3A_588 : i32 to index
            %get3A_590 = arith.index_cast %add3A_587 : i32 to index
            %get3A_591 = tpu.vector_load %arg5[%get3A_589, %get3A_590] {strides = array<i32>} : memref<2x16384xf32, #tpu.memory_space<vmem>>, vector<16xf32>,
            %lt3A_592 = vector.broadcast %mul3A_546 : f32 to vector<16xf32>
            %lt3A_593 = arith.cmpf olt, %get3A_591, %lt3A_592 : vector<16xf32>
            %convert_element_type3A_594 = arith.extui %lt3A_593 : vector<16xi1> to vector<16xi32>
            %cumsum3A_595 = arith.constant true
            %cumsum3A_596 = vector.broadcast %cumsum3A_595 : i1 to vector<16xi1>
            %cumsum3A_597 = tpu.scan <sum>, %convert_element_type3A_594 masked %cumsum3A_596 : vector<16xi32>, vector<16xi1> -> vector<16xi32>
            %all_reduce_population_count3A_598 = tpu.all_reduce %lt3A_593 {dim = 0 : i64, kind = #tpu.reduction_kind<sum>} : vector<16xi1> -> vector<16xi32>
            %add3A_599 = arith.addi %add3A_580, %cumsum3A_597 : vector<16xi32>
            %sub3A_600 = arith.constant 1 : i32
            %sub3A_601 = vector.broadcast %sub3A_600 : i32 to vector<16xi32>
            %sub3A_602 = arith.subi %add3A_599, %sub3A_601 : vector<16xi32>
            %mul3A_603 = arith.constant 16 : i32
            %mul3A_604 = arith.muli %scan3A_582, %mul3A_603 : i32
            %add3A_605 = vector.broadcast %mul3A_604 : i32 to vector<16xi32>
            %add3A_606 = arith.addi %iota3A, %add3A_605 : vector<16xi32>
            tpu.vector_store_idx %arg7[%sub3A_602], %get3A_591 masked %lt3A_593 : memref<2064xf32, #tpu.memory_space<vmem>>[vector<16xi32>], vector<16xf32>, vector<16xi1>
            tpu.vector_store_idx %arg8[%sub3A_602], %add3A_606 masked %lt3A_593 : memref<2064xi32, #tpu.memory_space<vmem>>[vector<16xi32>], vector<16xi32>, vector<16xi1>
            %add3A_607 = arith.addi %add3A_580, %all_reduce_population_count3A_598 : vector<16xi32>
            %scan3A_608 = arith.constant 2 : i32
            %scan3A_609 = arith.addi %scan3A_555, %scan3A_608 : i32
            %mul3A_610 = arith.constant 2048 : i32
            %mul3A_611 = arith.muli %scan3A_249, %mul3A_610 : i32
            %mul3A_612 = arith.constant 16 : i32
            %mul3A_613 = arith.muli %scan3A_609, %mul3A_612 : i32
            %add3A_614 = arith.addi %mul3A_611, %mul3A_613 : i32
            %get3A_615 = arith.constant 1 : i32
            %get3A_616 = arith.index_cast %get3A_615 : i32 to index
            %get3A_617 = arith.index_cast %add3A_614 : i32 to index
            %get3A_618 = tpu.vector_load %arg5[%get3A_616, %get3A_617] {strides = array<i32>} : memref<2x16384xf32, #tpu.memory_space<vmem>>, vector<16xf32>,
            %lt3A_619 = vector.broadcast %mul3A_546 : f32 to vector<16xf32>
            %lt3A_620 = arith.cmpf olt, %get3A_618, %lt3A_619 : vector<16xf32>
            %convert_element_type3A_621 = arith.extui %lt3A_620 : vector<16xi1> to vector<16xi32>
            %cumsum3A_622 = arith.constant true
            %cumsum3A_623 = vector.broadcast %cumsum3A_622 : i1 to vector<16xi1>
            %cumsum3A_624 = tpu.scan <sum>, %convert_element_type3A_621 masked %cumsum3A_623 : vector<16xi32>, vector<16xi1> -> vector<16xi32>
            %all_reduce_population_count3A_625 = tpu.all_reduce %lt3A_620 {dim = 0 : i64, kind = #tpu.reduction_kind<sum>} : vector<16xi1> -> vector<16xi32>
            %add3A_626 = arith.addi %add3A_607, %cumsum3A_624 : vector<16xi32>
            %sub3A_627 = arith.constant 1 : i32
            %sub3A_628 = vector.broadcast %sub3A_627 : i32 to vector<16xi32>
            %sub3A_629 = arith.subi %add3A_626, %sub3A_628 : vector<16xi32>
            %mul3A_630 = arith.constant 16 : i32
            %mul3A_631 = arith.muli %scan3A_609, %mul3A_630 : i32
            %add3A_632 = vector.broadcast %mul3A_631 : i32 to vector<16xi32>
            %add3A_633 = arith.addi %iota3A, %add3A_632 : vector<16xi32>
            tpu.vector_store_idx %arg7[%sub3A_629], %get3A_618 masked %lt3A_620 : memref<2064xf32, #tpu.memory_space<vmem>>[vector<16xi32>], vector<16xf32>, vector<16xi1>
            tpu.vector_store_idx %arg8[%sub3A_629], %add3A_633 masked %lt3A_620 : memref<2064xi32, #tpu.memory_space<vmem>>[vector<16xi32>], vector<16xi32>, vector<16xi1>
            %add3A_634 = arith.addi %add3A_607, %all_reduce_population_count3A_625 : vector<16xi32>
            %scan3A_635 = arith.constant 3 : i32
            %scan3A_636 = arith.addi %scan3A_555, %scan3A_635 : i32
            %mul3A_637 = arith.constant 2048 : i32
            %mul3A_638 = arith.muli %scan3A_249, %mul3A_637 : i32
            %mul3A_639 = arith.constant 16 : i32
            %mul3A_640 = arith.muli %scan3A_636, %mul3A_639 : i32
            %add3A_641 = arith.addi %mul3A_638, %mul3A_640 : i32
            %get3A_642 = arith.constant 1 : i32
            %get3A_643 = arith.index_cast %get3A_642 : i32 to index
            %get3A_644 = arith.index_cast %add3A_641 : i32 to index
            %get3A_645 = tpu.vector_load %arg5[%get3A_643, %get3A_644] {strides = array<i32>} : memref<2x16384xf32, #tpu.memory_space<vmem>>, vector<16xf32>,
            %lt3A_646 = vector.broadcast %mul3A_546 : f32 to vector<16xf32>
            %lt3A_647 = arith.cmpf olt, %get3A_645, %lt3A_646 : vector<16xf32>
            %convert_element_type3A_648 = arith.extui %lt3A_647 : vector<16xi1> to vector<16xi32>
            %cumsum3A_649 = arith.constant true
            %cumsum3A_650 = vector.broadcast %cumsum3A_649 : i1 to vector<16xi1>
            %cumsum3A_651 = tpu.scan <sum>, %convert_element_type3A_648 masked %cumsum3A_650 : vector<16xi32>, vector<16xi1> -> vector<16xi32>
            %all_reduce_population_count3A_652 = tpu.all_reduce %lt3A_647 {dim = 0 : i64, kind = #tpu.reduction_kind<sum>} : vector<16xi1> -> vector<16xi32>
            %add3A_653 = arith.addi %add3A_634, %cumsum3A_651 : vector<16xi32>
            %sub3A_654 = arith.constant 1 : i32
            %sub3A_655 = vector.broadcast %sub3A_654 : i32 to vector<16xi32>
            %sub3A_656 = arith.subi %add3A_653, %sub3A_655 : vector<16xi32>
            %mul3A_657 = arith.constant 16 : i32
            %mul3A_658 = arith.muli %scan3A_636, %mul3A_657 : i32
            %add3A_659 = vector.broadcast %mul3A_658 : i32 to vector<16xi32>
            %add3A_660 = arith.addi %iota3A, %add3A_659 : vector<16xi32>
            tpu.vector_store_idx %arg7[%sub3A_656], %get3A_645 masked %lt3A_647 : memref<2064xf32, #tpu.memory_space<vmem>>[vector<16xi32>], vector<16xf32>, vector<16xi1>
            tpu.vector_store_idx %arg8[%sub3A_656], %add3A_660 masked %lt3A_647 : memref<2064xi32, #tpu.memory_space<vmem>>[vector<16xi32>], vector<16xi32>, vector<16xi1>
            %add3A_661 = arith.addi %add3A_634, %all_reduce_population_count3A_652 : vector<16xi32>
            %scan3A_662 = arith.constant 4 : i32
            %scan3A_663 = arith.addi %scan3A_555, %scan3A_662 : i32
            %mul3A_664 = arith.constant 2048 : i32
            %mul3A_665 = arith.muli %scan3A_249, %mul3A_664 : i32
            %mul3A_666 = arith.constant 16 : i32
            %mul3A_667 = arith.muli %scan3A_663, %mul3A_666 : i32
            %add3A_668 = arith.addi %mul3A_665, %mul3A_667 : i32
            %get3A_669 = arith.constant 1 : i32
            %get3A_670 = arith.index_cast %get3A_669 : i32 to index
            %get3A_671 = arith.index_cast %add3A_668 : i32 to index
            %get3A_672 = tpu.vector_load %arg5[%get3A_670, %get3A_671] {strides = array<i32>} : memref<2x16384xf32, #tpu.memory_space<vmem>>, vector<16xf32>,
            %lt3A_673 = vector.broadcast %mul3A_546 : f32 to vector<16xf32>
            %lt3A_674 = arith.cmpf olt, %get3A_672, %lt3A_673 : vector<16xf32>
            %convert_element_type3A_675 = arith.extui %lt3A_674 : vector<16xi1> to vector<16xi32>
            %cumsum3A_676 = arith.constant true
            %cumsum3A_677 = vector.broadcast %cumsum3A_676 : i1 to vector<16xi1>
            %cumsum3A_678 = tpu.scan <sum>, %convert_element_type3A_675 masked %cumsum3A_677 : vector<16xi32>, vector<16xi1> -> vector<16xi32>
            %all_reduce_population_count3A_679 = tpu.all_reduce %lt3A_674 {dim = 0 : i64, kind = #tpu.reduction_kind<sum>} : vector<16xi1> -> vector<16xi32>
            %add3A_680 = arith.addi %add3A_661, %cumsum3A_678 : vector<16xi32>
            %sub3A_681 = arith.constant 1 : i32
            %sub3A_682 = vector.broadcast %sub3A_681 : i32 to vector<16xi32>
            %sub3A_683 = arith.subi %add3A_680, %sub3A_682 : vector<16xi32>
            %mul3A_684 = arith.constant 16 : i32
            %mul3A_685 = arith.muli %scan3A_663, %mul3A_684 : i32
            %add3A_686 = vector.broadcast %mul3A_685 : i32 to vector<16xi32>
            %add3A_687 = arith.addi %iota3A, %add3A_686 : vector<16xi32>
            tpu.vector_store_idx %arg7[%sub3A_683], %get3A_672 masked %lt3A_674 : memref<2064xf32, #tpu.memory_space<vmem>>[vector<16xi32>], vector<16xf32>, vector<16xi1>
            tpu.vector_store_idx %arg8[%sub3A_683], %add3A_687 masked %lt3A_674 : memref<2064xi32, #tpu.memory_space<vmem>>[vector<16xi32>], vector<16xi32>, vector<16xi1>
            %add3A_688 = arith.addi %add3A_661, %all_reduce_population_count3A_679 : vector<16xi32>
            %scan3A_689 = arith.constant 5 : i32
            %scan3A_690 = arith.addi %scan3A_555, %scan3A_689 : i32
            %mul3A_691 = arith.constant 2048 : i32
            %mul3A_692 = arith.muli %scan3A_249, %mul3A_691 : i32
            %mul3A_693 = arith.constant 16 : i32
            %mul3A_694 = arith.muli %scan3A_690, %mul3A_693 : i32
            %add3A_695 = arith.addi %mul3A_692, %mul3A_694 : i32
            %get3A_696 = arith.constant 1 : i32
            %get3A_697 = arith.index_cast %get3A_696 : i32 to index
            %get3A_698 = arith.index_cast %add3A_695 : i32 to index
            %get3A_699 = tpu.vector_load %arg5[%get3A_697, %get3A_698] {strides = array<i32>} : memref<2x16384xf32, #tpu.memory_space<vmem>>, vector<16xf32>,
            %lt3A_700 = vector.broadcast %mul3A_546 : f32 to vector<16xf32>
            %lt3A_701 = arith.cmpf olt, %get3A_699, %lt3A_700 : vector<16xf32>
            %convert_element_type3A_702 = arith.extui %lt3A_701 : vector<16xi1> to vector<16xi32>
            %cumsum3A_703 = arith.constant true
            %cumsum3A_704 = vector.broadcast %cumsum3A_703 : i1 to vector<16xi1>
            %cumsum3A_705 = tpu.scan <sum>, %convert_element_type3A_702 masked %cumsum3A_704 : vector<16xi32>, vector<16xi1> -> vector<16xi32>
            %all_reduce_population_count3A_706 = tpu.all_reduce %lt3A_701 {dim = 0 : i64, kind = #tpu.reduction_kind<sum>} : vector<16xi1> -> vector<16xi32>
            %add3A_707 = arith.addi %add3A_688, %cumsum3A_705 : vector<16xi32>
            %sub3A_708 = arith.constant 1 : i32
            %sub3A_709 = vector.broadcast %sub3A_708 : i32 to vector<16xi32>
            %sub3A_710 = arith.subi %add3A_707, %sub3A_709 : vector<16xi32>
            %mul3A_711 = arith.constant 16 : i32
            %mul3A_712 = arith.muli %scan3A_690, %mul3A_711 : i32
            %add3A_713 = vector.broadcast %mul3A_712 : i32 to vector<16xi32>
            %add3A_714 = arith.addi %iota3A, %add3A_713 : vector<16xi32>
            tpu.vector_store_idx %arg7[%sub3A_710], %get3A_699 masked %lt3A_701 : memref<2064xf32, #tpu.memory_space<vmem>>[vector<16xi32>], vector<16xf32>, vector<16xi1>
            tpu.vector_store_idx %arg8[%sub3A_710], %add3A_714 masked %lt3A_701 : memref<2064xi32, #tpu.memory_space<vmem>>[vector<16xi32>], vector<16xi32>, vector<16xi1>
            %add3A_715 = arith.addi %add3A_688, %all_reduce_population_count3A_706 : vector<16xi32>
            %scan3A_716 = arith.constant 6 : i32
            %scan3A_717 = arith.addi %scan3A_555, %scan3A_716 : i32
            %mul3A_718 = arith.constant 2048 : i32
            %mul3A_719 = arith.muli %scan3A_249, %mul3A_718 : i32
            %mul3A_720 = arith.constant 16 : i32
            %mul3A_721 = arith.muli %scan3A_717, %mul3A_720 : i32
            %add3A_722 = arith.addi %mul3A_719, %mul3A_721 : i32
            %get3A_723 = arith.constant 1 : i32
            %get3A_724 = arith.index_cast %get3A_723 : i32 to index
            %get3A_725 = arith.index_cast %add3A_722 : i32 to index
            %get3A_726 = tpu.vector_load %arg5[%get3A_724, %get3A_725] {strides = array<i32>} : memref<2x16384xf32, #tpu.memory_space<vmem>>, vector<16xf32>,
            %lt3A_727 = vector.broadcast %mul3A_546 : f32 to vector<16xf32>
            %lt3A_728 = arith.cmpf olt, %get3A_726, %lt3A_727 : vector<16xf32>
            %convert_element_type3A_729 = arith.extui %lt3A_728 : vector<16xi1> to vector<16xi32>
            %cumsum3A_730 = arith.constant true
            %cumsum3A_731 = vector.broadcast %cumsum3A_730 : i1 to vector<16xi1>
            %cumsum3A_732 = tpu.scan <sum>, %convert_element_type3A_729 masked %cumsum3A_731 : vector<16xi32>, vector<16xi1> -> vector<16xi32>
            %all_reduce_population_count3A_733 = tpu.all_reduce %lt3A_728 {dim = 0 : i64, kind = #tpu.reduction_kind<sum>} : vector<16xi1> -> vector<16xi32>
            %add3A_734 = arith.addi %add3A_715, %cumsum3A_732 : vector<16xi32>
            %sub3A_735 = arith.constant 1 : i32
            %sub3A_736 = vector.broadcast %sub3A_735 : i32 to vector<16xi32>
            %sub3A_737 = arith.subi %add3A_734, %sub3A_736 : vector<16xi32>
            %mul3A_738 = arith.constant 16 : i32
            %mul3A_739 = arith.muli %scan3A_717, %mul3A_738 : i32
            %add3A_740 = vector.broadcast %mul3A_739 : i32 to vector<16xi32>
            %add3A_741 = arith.addi %iota3A, %add3A_740 : vector<16xi32>
            tpu.vector_store_idx %arg7[%sub3A_737], %get3A_726 masked %lt3A_728 : memref<2064xf32, #tpu.memory_space<vmem>>[vector<16xi32>], vector<16xf32>, vector<16xi1>
            tpu.vector_store_idx %arg8[%sub3A_737], %add3A_741 masked %lt3A_728 : memref<2064xi32, #tpu.memory_space<vmem>>[vector<16xi32>], vector<16xi32>, vector<16xi1>
            %add3A_742 = arith.addi %add3A_715, %all_reduce_population_count3A_733 : vector<16xi32>
            %scan3A_743 = arith.constant 7 : i32
            %scan3A_744 = arith.addi %scan3A_555, %scan3A_743 : i32
            %mul3A_745 = arith.constant 2048 : i32
            %mul3A_746 = arith.muli %scan3A_249, %mul3A_745 : i32
            %mul3A_747 = arith.constant 16 : i32
            %mul3A_748 = arith.muli %scan3A_744, %mul3A_747 : i32
            %add3A_749 = arith.addi %mul3A_746, %mul3A_748 : i32
            %get3A_750 = arith.constant 1 : i32
            %get3A_751 = arith.index_cast %get3A_750 : i32 to index
            %get3A_752 = arith.index_cast %add3A_749 : i32 to index
            %get3A_753 = tpu.vector_load %arg5[%get3A_751, %get3A_752] {strides = array<i32>} : memref<2x16384xf32, #tpu.memory_space<vmem>>, vector<16xf32>,
            %lt3A_754 = vector.broadcast %mul3A_546 : f32 to vector<16xf32>
            %lt3A_755 = arith.cmpf olt, %get3A_753, %lt3A_754 : vector<16xf32>
            %convert_element_type3A_756 = arith.extui %lt3A_755 : vector<16xi1> to vector<16xi32>
            %cumsum3A_757 = arith.constant true
            %cumsum3A_758 = vector.broadcast %cumsum3A_757 : i1 to vector<16xi1>
            %cumsum3A_759 = tpu.scan <sum>, %convert_element_type3A_756 masked %cumsum3A_758 : vector<16xi32>, vector<16xi1> -> vector<16xi32>
            %all_reduce_population_count3A_760 = tpu.all_reduce %lt3A_755 {dim = 0 : i64, kind = #tpu.reduction_kind<sum>} : vector<16xi1> -> vector<16xi32>
            %add3A_761 = arith.addi %add3A_742, %cumsum3A_759 : vector<16xi32>
            %sub3A_762 = arith.constant 1 : i32
            %sub3A_763 = vector.broadcast %sub3A_762 : i32 to vector<16xi32>
            %sub3A_764 = arith.subi %add3A_761, %sub3A_763 : vector<16xi32>
            %mul3A_765 = arith.constant 16 : i32
            %mul3A_766 = arith.muli %scan3A_744, %mul3A_765 : i32
            %add3A_767 = vector.broadcast %mul3A_766 : i32 to vector<16xi32>
            %add3A_768 = arith.addi %iota3A, %add3A_767 : vector<16xi32>
            tpu.vector_store_idx %arg7[%sub3A_764], %get3A_753 masked %lt3A_755 : memref<2064xf32, #tpu.memory_space<vmem>>[vector<16xi32>], vector<16xf32>, vector<16xi1>
            tpu.vector_store_idx %arg8[%sub3A_764], %add3A_768 masked %lt3A_755 : memref<2064xi32, #tpu.memory_space<vmem>>[vector<16xi32>], vector<16xi32>, vector<16xi1>
            %add3A_769 = arith.addi %add3A_742, %all_reduce_population_count3A_760 : vector<16xi32>
            scf.yield %add3A_769 : vector<16xi32>
          }
          %scan3A_554 = arith.constant 128 : i32
          scf.yield %mul3A_546, %mul3A_548, %scan3A_553 : f32, f32, vector<16xi32>
        }
        %reduce_max3A = arith.constant true
        %reduce_max3A_264 = vector.broadcast %reduce_max3A : i1 to vector<16xi1>
        %reduce_max3A_265 = arith.constant -2147483648 : i32
        %reduce_max3A_266 = vector.broadcast %reduce_max3A_265 : i32 to vector<16xi32>
        %reduce_max3A_267 = arith.xori %while3A_263#2, %reduce_max3A_266 : vector<16xi32>
        %reduce_max3A_268 = tpu.scan <max>, %reduce_max3A_267 masked %reduce_max3A_264 : vector<16xi32>, vector<16xi1> -> vector<16xi32>
        %reduce_max3A_269 = arith.xori %reduce_max3A_268, %reduce_max3A_266 : vector<16xi32>
        %reduce_max3A_270 = vector.extract %reduce_max3A_269[15] : i32 from vector<16xi32>
        %add3A_271 = arith.constant 15 : i32
        %add3A_272 = arith.addi %reduce_max3A_270, %add3A_271 : i32
        %shift_right_arithmetic3A = arith.constant 4 : i32
        %shift_right_arithmetic3A_273 = arith.shrsi %add3A_272, %shift_right_arithmetic3A : i32
        %scan3A_274 = arith.constant 0 : i32
        %scan3A_275 = arith.constant 0 : i32
        %scan3A_276 = arith.constant 16 : i32
        %scan3A_277 = arith.addi %scan3A_275, %scan3A_276 : i32
        %scan3A_278 = arith.constant 4 : i32
        %scan3A_279 = scf.for %scan3A_542 = %scan3A_275 to %scan3A_277 step %scan3A_278 iter_args(%scan3A_543 = %scan3A_274) -> (i32)  : i32 {
          %mul3A_544 = arith.constant 16 : i32
          %mul3A_545 = arith.muli %scan3A_542, %mul3A_544 : i32
          %swap3A_546 = arith.index_cast %mul3A_545 : i32 to index
          %swap3A_547 = tpu.vector_load %arg12[%swap3A_546] {strides = array<i32>} : memref<256xi32, #tpu.memory_space<vmem>>, vector<16xi32>,
          tpu.vector_store %arg12[%swap3A_546], %broadcast_in_dim3A_0 {strides = array<i32>} : memref<256xi32, #tpu.memory_space<vmem>>, vector<16xi32>,
          %scan3A_548 = arith.constant 0 : i32
          %scan3A_549 = arith.constant 1 : i32
          %scan3A_550 = arith.addi %scan3A_542, %scan3A_549 : i32
          %mul3A_551 = arith.constant 16 : i32
          %mul3A_552 = arith.muli %scan3A_550, %mul3A_551 : i32
          %swap3A_553 = arith.index_cast %mul3A_552 : i32 to index
          %swap3A_554 = tpu.vector_load %arg12[%swap3A_553] {strides = array<i32>} : memref<256xi32, #tpu.memory_space<vmem>>, vector<16xi32>,
          tpu.vector_store %arg12[%swap3A_553], %broadcast_in_dim3A_0 {strides = array<i32>} : memref<256xi32, #tpu.memory_space<vmem>>, vector<16xi32>,
          %scan3A_555 = arith.constant 0 : i32
          %scan3A_556 = arith.constant 2 : i32
          %scan3A_557 = arith.addi %scan3A_542, %scan3A_556 : i32
          %mul3A_558 = arith.constant 16 : i32
          %mul3A_559 = arith.muli %scan3A_557, %mul3A_558 : i32
          %swap3A_560 = arith.index_cast %mul3A_559 : i32 to index
          %swap3A_561 = tpu.vector_load %arg12[%swap3A_560] {strides = array<i32>} : memref<256xi32, #tpu.memory_space<vmem>>, vector<16xi32>,
          tpu.vector_store %arg12[%swap3A_560], %broadcast_in_dim3A_0 {strides = array<i32>} : memref<256xi32, #tpu.memory_space<vmem>>, vector<16xi32>,
          %scan3A_562 = arith.constant 0 : i32
          %scan3A_563 = arith.constant 3 : i32
          %scan3A_564 = arith.addi %scan3A_542, %scan3A_563 : i32
          %mul3A_565 = arith.constant 16 : i32
          %mul3A_566 = arith.muli %scan3A_564, %mul3A_565 : i32
          %swap3A_567 = arith.index_cast %mul3A_566 : i32 to index
          %swap3A_568 = tpu.vector_load %arg12[%swap3A_567] {strides = array<i32>} : memref<256xi32, #tpu.memory_space<vmem>>, vector<16xi32>,
          tpu.vector_store %arg12[%swap3A_567], %broadcast_in_dim3A_0 {strides = array<i32>} : memref<256xi32, #tpu.memory_space<vmem>>, vector<16xi32>,
          %scan3A_569 = arith.constant 0 : i32
          scf.yield %scan3A_569 : i32
        }
        %scan3A_280 = arith.constant 16 : i32
        %add3A_281 = arith.constant 1 : i32
        %add3A_282 = arith.addi %shift_right_arithmetic3A_273, %add3A_281 : i32
        %shift_right_arithmetic3A_283 = arith.constant 1 : i32
        %shift_right_arithmetic3A_284 = arith.shrsi %add3A_282, %shift_right_arithmetic3A_283 : i32
        %while3A_285 = arith.constant 0 : i32
        %while3A_286 = arith.constant 0 : i32
        %while3A_287 = arith.subi %shift_right_arithmetic3A_284, %while3A_285 : i32
        %while3A_288 = arith.addi %while3A_285, %while3A_287 : i32
        %while3A_289 = arith.constant 1 : i32
        %while3A_290 = arith.divsi %while3A_287, %while3A_289 : i32
        %while3A_291 = arith.muli %while3A_290, %while3A_289 : i32
        %while3A_292 = arith.addi %while3A_285, %while3A_291 : i32
        %while3A_293 = arith.constant 1 : i32
        %while3A_294 = scf.for %while3A_542 = %while3A_285 to %while3A_292 step %while3A_293 iter_args(%while3A_543 = %while3A_286) -> (i32)  : i32 {
          %mul3A_544 = arith.constant 32 : i32
          %mul3A_545 = arith.muli %while3A_542, %mul3A_544 : i32
          %add3A_546 = arith.constant 0 : i32
          %add3A_547 = arith.addi %mul3A_545, %add3A_546 : i32
          %get3A_548 = arith.index_cast %add3A_547 : i32 to index
          %get3A_549 = tpu.vector_load %arg7[%get3A_548] {strides = array<i32>} : memref<2064xf32, #tpu.memory_space<vmem>>, vector<16xf32>,
          %mul3A_550 = arith.constant 32 : i32
          %mul3A_551 = arith.muli %while3A_542, %mul3A_550 : i32
          %add3A_552 = arith.constant 0 : i32
          %add3A_553 = arith.addi %mul3A_551, %add3A_552 : i32
          %add3A_554 = vector.broadcast %add3A_553 : i32 to vector<16xi32>
          %add3A_555 = arith.addi %iota3A, %add3A_554 : vector<16xi32>
          %lt3A_556 = arith.cmpi slt, %add3A_555, %while3A_263#2 : vector<16xi32>
          %mul3A_557 = vector.broadcast %while3A_263#1 : f32 to vector<16xf32>
          %mul3A_558 = arith.mulf %get3A_549, %mul3A_557 : vector<16xf32>
          %convert_element_type3A_559 = arith.fptosi %mul3A_558 : vector<16xf32> to vector<16xi32>
          %jit3A_560 = arith.constant 0 : i32
          %jit3A_561 = arith.constant 255 : i32
          %max3A = vector.broadcast %jit3A_560 : i32 to vector<16xi32>
          %max3A_562 = arith.maxsi %max3A, %convert_element_type3A_559 : vector<16xi32>
          %min3A = vector.broadcast %jit3A_561 : i32 to vector<16xi32>
          %min3A_563 = arith.minsi %min3A, %max3A_562 : vector<16xi32>
          tpu.vector_store_idx %arg12[%min3A_563], %broadcast_in_dim3A_2 masked %lt3A_556 {add = true} : memref<256xi32, #tpu.memory_space<vmem>>[vector<16xi32>], vector<16xi32>, vector<16xi1>
          %mul3A_564 = arith.constant 32 : i32
          %mul3A_565 = arith.muli %while3A_542, %mul3A_564 : i32
          %add3A_566 = arith.constant 16 : i32
          %add3A_567 = arith.addi %mul3A_565, %add3A_566 : i32
          %get3A_568 = arith.index_cast %add3A_567 : i32 to index
          %get3A_569 = tpu.vector_load %arg7[%get3A_568] {strides = array<i32>} : memref<2064xf32, #tpu.memory_space<vmem>>, vector<16xf32>,
          %mul3A_570 = arith.constant 32 : i32
          %mul3A_571 = arith.muli %while3A_542, %mul3A_570 : i32
          %add3A_572 = arith.constant 16 : i32
          %add3A_573 = arith.addi %mul3A_571, %add3A_572 : i32
          %add3A_574 = vector.broadcast %add3A_573 : i32 to vector<16xi32>
          %add3A_575 = arith.addi %iota3A, %add3A_574 : vector<16xi32>
          %lt3A_576 = arith.cmpi slt, %add3A_575, %while3A_263#2 : vector<16xi32>
          %mul3A_577 = vector.broadcast %while3A_263#1 : f32 to vector<16xf32>
          %mul3A_578 = arith.mulf %get3A_569, %mul3A_577 : vector<16xf32>
          %convert_element_type3A_579 = arith.fptosi %mul3A_578 : vector<16xf32> to vector<16xi32>
          %jit3A_580 = arith.constant 0 : i32
          %jit3A_581 = arith.constant 255 : i32
          %max3A_582 = vector.broadcast %jit3A_580 : i32 to vector<16xi32>
          %max3A_583 = arith.maxsi %max3A_582, %convert_element_type3A_579 : vector<16xi32>
          %min3A_584 = vector.broadcast %jit3A_581 : i32 to vector<16xi32>
          %min3A_585 = arith.minsi %min3A_584, %max3A_583 : vector<16xi32>
          tpu.vector_store_idx %arg12[%min3A_585], %broadcast_in_dim3A_2 masked %lt3A_576 {add = true} : memref<256xi32, #tpu.memory_space<vmem>>[vector<16xi32>], vector<16xi32>, vector<16xi1>
          %while3A_586 = arith.constant 0 : i32
          scf.yield %while3A_586 : i32
        }
        %while3A_295 = arith.constant 1 : i32
        %while3A_296 = scf.for %while3A_542 = %while3A_292 to %while3A_288 step %while3A_295 iter_args(%while3A_543 = %while3A_294) -> (i32)  : i32 {
          %mul3A_544 = arith.constant 32 : i32
          %mul3A_545 = arith.muli %while3A_542, %mul3A_544 : i32
          %add3A_546 = arith.constant 0 : i32
          %add3A_547 = arith.addi %mul3A_545, %add3A_546 : i32
          %get3A_548 = arith.index_cast %add3A_547 : i32 to index
          %get3A_549 = tpu.vector_load %arg7[%get3A_548] {strides = array<i32>} : memref<2064xf32, #tpu.memory_space<vmem>>, vector<16xf32>,
          %mul3A_550 = arith.constant 32 : i32
          %mul3A_551 = arith.muli %while3A_542, %mul3A_550 : i32
          %add3A_552 = arith.constant 0 : i32
          %add3A_553 = arith.addi %mul3A_551, %add3A_552 : i32
          %add3A_554 = vector.broadcast %add3A_553 : i32 to vector<16xi32>
          %add3A_555 = arith.addi %iota3A, %add3A_554 : vector<16xi32>
          %lt3A_556 = arith.cmpi slt, %add3A_555, %while3A_263#2 : vector<16xi32>
          %mul3A_557 = vector.broadcast %while3A_263#1 : f32 to vector<16xf32>
          %mul3A_558 = arith.mulf %get3A_549, %mul3A_557 : vector<16xf32>
          %convert_element_type3A_559 = arith.fptosi %mul3A_558 : vector<16xf32> to vector<16xi32>
          %jit3A_560 = arith.constant 0 : i32
          %jit3A_561 = arith.constant 255 : i32
          %max3A = vector.broadcast %jit3A_560 : i32 to vector<16xi32>
          %max3A_562 = arith.maxsi %max3A, %convert_element_type3A_559 : vector<16xi32>
          %min3A = vector.broadcast %jit3A_561 : i32 to vector<16xi32>
          %min3A_563 = arith.minsi %min3A, %max3A_562 : vector<16xi32>
          tpu.vector_store_idx %arg12[%min3A_563], %broadcast_in_dim3A_2 masked %lt3A_556 {add = true} : memref<256xi32, #tpu.memory_space<vmem>>[vector<16xi32>], vector<16xi32>, vector<16xi1>
          %mul3A_564 = arith.constant 32 : i32
          %mul3A_565 = arith.muli %while3A_542, %mul3A_564 : i32
          %add3A_566 = arith.constant 16 : i32
          %add3A_567 = arith.addi %mul3A_565, %add3A_566 : i32
          %get3A_568 = arith.index_cast %add3A_567 : i32 to index
          %get3A_569 = tpu.vector_load %arg7[%get3A_568] {strides = array<i32>} : memref<2064xf32, #tpu.memory_space<vmem>>, vector<16xf32>,
          %mul3A_570 = arith.constant 32 : i32
          %mul3A_571 = arith.muli %while3A_542, %mul3A_570 : i32
          %add3A_572 = arith.constant 16 : i32
          %add3A_573 = arith.addi %mul3A_571, %add3A_572 : i32
          %add3A_574 = vector.broadcast %add3A_573 : i32 to vector<16xi32>
          %add3A_575 = arith.addi %iota3A, %add3A_574 : vector<16xi32>
          %lt3A_576 = arith.cmpi slt, %add3A_575, %while3A_263#2 : vector<16xi32>
          %mul3A_577 = vector.broadcast %while3A_263#1 : f32 to vector<16xf32>
          %mul3A_578 = arith.mulf %get3A_569, %mul3A_577 : vector<16xf32>
          %convert_element_type3A_579 = arith.fptosi %mul3A_578 : vector<16xf32> to vector<16xi32>
          %jit3A_580 = arith.constant 0 : i32
          %jit3A_581 = arith.constant 255 : i32
          %max3A_582 = vector.broadcast %jit3A_580 : i32 to vector<16xi32>
          %max3A_583 = arith.maxsi %max3A_582, %convert_element_type3A_579 : vector<16xi32>
          %min3A_584 = vector.broadcast %jit3A_581 : i32 to vector<16xi32>
          %min3A_585 = arith.minsi %min3A_584, %max3A_583 : vector<16xi32>
          tpu.vector_store_idx %arg12[%min3A_585], %broadcast_in_dim3A_2 masked %lt3A_576 {add = true} : memref<256xi32, #tpu.memory_space<vmem>>[vector<16xi32>], vector<16xi32>, vector<16xi1>
          %while3A_586 = arith.constant 0 : i32
          scf.yield %while3A_586 : i32
        }
        %scan3A_297 = arith.constant 0 : i32
        %scan3A_298 = arith.constant 0 : i32
        %scan3A_299 = arith.constant 16 : i32
        %scan3A_300 = arith.addi %scan3A_298, %scan3A_299 : i32
        %scan3A_301 = arith.constant 4 : i32
        %scan3A_302 = scf.for %scan3A_542 = %scan3A_298 to %scan3A_300 step %scan3A_301 iter_args(%scan3A_543 = %scan3A_297) -> (i32)  : i32 {
          %mul3A_544 = arith.constant 16 : i32
          %mul3A_545 = arith.muli %scan3A_542, %mul3A_544 : i32
          %get3A_546 = arith.index_cast %mul3A_545 : i32 to index
          %get3A_547 = tpu.vector_load %arg12[%get3A_546] {strides = array<i32>} : memref<256xi32, #tpu.memory_space<vmem>>, vector<16xi32>,
          %reduce_sum3A = arith.constant true
          %reduce_sum3A_548 = vector.broadcast %reduce_sum3A : i1 to vector<16xi1>
          %reduce_sum3A_549 = tpu.scan <sum>, %get3A_547 masked %reduce_sum3A_548 : vector<16xi32>, vector<16xi1> -> vector<16xi32>
          %reduce_sum3A_550 = vector.extract %reduce_sum3A_549[15] : i32 from vector<16xi32>
          %mul3A_551 = arith.constant 0 : i32
          %mul3A_552 = vector.broadcast %mul3A_551 : i32 to vector<16xi32>
          %mul3A_553 = arith.muli %iota3A, %mul3A_552 : vector<16xi32>
          %add3A_554 = vector.broadcast %scan3A_542 : i32 to vector<16xi32>
          %add3A_555 = arith.addi %mul3A_553, %add3A_554 : vector<16xi32>
          %broadcast_in_dim3A_556 = vector.broadcast %reduce_sum3A_550 : i32 to vector<16xi32>
          %eq3A_557 = arith.constant 0 : i32
          %eq3A_558 = vector.broadcast %eq3A_557 : i32 to vector<16xi32>
          %eq3A_559 = arith.cmpi eq, %iota3A, %eq3A_558 : vector<16xi32>
          tpu.vector_store_idx %arg13[%add3A_555], %broadcast_in_dim3A_556 masked %eq3A_559 : memref<16xi32, #tpu.memory_space<vmem>>[vector<16xi32>], vector<16xi32>, vector<16xi1>
          %scan3A_560 = arith.constant 0 : i32
          %scan3A_561 = arith.constant 1 : i32
          %scan3A_562 = arith.addi %scan3A_542, %scan3A_561 : i32
          %mul3A_563 = arith.constant 16 : i32
          %mul3A_564 = arith.muli %scan3A_562, %mul3A_563 : i32
          %get3A_565 = arith.index_cast %mul3A_564 : i32 to index
          %get3A_566 = tpu.vector_load %arg12[%get3A_565] {strides = array<i32>} : memref<256xi32, #tpu.memory_space<vmem>>, vector<16xi32>,
          %reduce_sum3A_567 = arith.constant true
          %reduce_sum3A_568 = vector.broadcast %reduce_sum3A_567 : i1 to vector<16xi1>
          %reduce_sum3A_569 = tpu.scan <sum>, %get3A_566 masked %reduce_sum3A_568 : vector<16xi32>, vector<16xi1> -> vector<16xi32>
          %reduce_sum3A_570 = vector.extract %reduce_sum3A_569[15] : i32 from vector<16xi32>
          %mul3A_571 = arith.constant 0 : i32
          %mul3A_572 = vector.broadcast %mul3A_571 : i32 to vector<16xi32>
          %mul3A_573 = arith.muli %iota3A, %mul3A_572 : vector<16xi32>
          %add3A_574 = vector.broadcast %scan3A_562 : i32 to vector<16xi32>
          %add3A_575 = arith.addi %mul3A_573, %add3A_574 : vector<16xi32>
          %broadcast_in_dim3A_576 = vector.broadcast %reduce_sum3A_570 : i32 to vector<16xi32>
          %eq3A_577 = arith.constant 0 : i32
          %eq3A_578 = vector.broadcast %eq3A_577 : i32 to vector<16xi32>
          %eq3A_579 = arith.cmpi eq, %iota3A, %eq3A_578 : vector<16xi32>
          tpu.vector_store_idx %arg13[%add3A_575], %broadcast_in_dim3A_576 masked %eq3A_579 : memref<16xi32, #tpu.memory_space<vmem>>[vector<16xi32>], vector<16xi32>, vector<16xi1>
          %scan3A_580 = arith.constant 0 : i32
          %scan3A_581 = arith.constant 2 : i32
          %scan3A_582 = arith.addi %scan3A_542, %scan3A_581 : i32
          %mul3A_583 = arith.constant 16 : i32
          %mul3A_584 = arith.muli %scan3A_582, %mul3A_583 : i32
          %get3A_585 = arith.index_cast %mul3A_584 : i32 to index
          %get3A_586 = tpu.vector_load %arg12[%get3A_585] {strides = array<i32>} : memref<256xi32, #tpu.memory_space<vmem>>, vector<16xi32>,
          %reduce_sum3A_587 = arith.constant true
          %reduce_sum3A_588 = vector.broadcast %reduce_sum3A_587 : i1 to vector<16xi1>
          %reduce_sum3A_589 = tpu.scan <sum>, %get3A_586 masked %reduce_sum3A_588 : vector<16xi32>, vector<16xi1> -> vector<16xi32>
          %reduce_sum3A_590 = vector.extract %reduce_sum3A_589[15] : i32 from vector<16xi32>
          %mul3A_591 = arith.constant 0 : i32
          %mul3A_592 = vector.broadcast %mul3A_591 : i32 to vector<16xi32>
          %mul3A_593 = arith.muli %iota3A, %mul3A_592 : vector<16xi32>
          %add3A_594 = vector.broadcast %scan3A_582 : i32 to vector<16xi32>
          %add3A_595 = arith.addi %mul3A_593, %add3A_594 : vector<16xi32>
          %broadcast_in_dim3A_596 = vector.broadcast %reduce_sum3A_590 : i32 to vector<16xi32>
          %eq3A_597 = arith.constant 0 : i32
          %eq3A_598 = vector.broadcast %eq3A_597 : i32 to vector<16xi32>
          %eq3A_599 = arith.cmpi eq, %iota3A, %eq3A_598 : vector<16xi32>
          tpu.vector_store_idx %arg13[%add3A_595], %broadcast_in_dim3A_596 masked %eq3A_599 : memref<16xi32, #tpu.memory_space<vmem>>[vector<16xi32>], vector<16xi32>, vector<16xi1>
          %scan3A_600 = arith.constant 0 : i32
          %scan3A_601 = arith.constant 3 : i32
          %scan3A_602 = arith.addi %scan3A_542, %scan3A_601 : i32
          %mul3A_603 = arith.constant 16 : i32
          %mul3A_604 = arith.muli %scan3A_602, %mul3A_603 : i32
          %get3A_605 = arith.index_cast %mul3A_604 : i32 to index
          %get3A_606 = tpu.vector_load %arg12[%get3A_605] {strides = array<i32>} : memref<256xi32, #tpu.memory_space<vmem>>, vector<16xi32>,
          %reduce_sum3A_607 = arith.constant true
          %reduce_sum3A_608 = vector.broadcast %reduce_sum3A_607 : i1 to vector<16xi1>
          %reduce_sum3A_609 = tpu.scan <sum>, %get3A_606 masked %reduce_sum3A_608 : vector<16xi32>, vector<16xi1> -> vector<16xi32>
          %reduce_sum3A_610 = vector.extract %reduce_sum3A_609[15] : i32 from vector<16xi32>
          %mul3A_611 = arith.constant 0 : i32
          %mul3A_612 = vector.broadcast %mul3A_611 : i32 to vector<16xi32>
          %mul3A_613 = arith.muli %iota3A, %mul3A_612 : vector<16xi32>
          %add3A_614 = vector.broadcast %scan3A_602 : i32 to vector<16xi32>
          %add3A_615 = arith.addi %mul3A_613, %add3A_614 : vector<16xi32>
          %broadcast_in_dim3A_616 = vector.broadcast %reduce_sum3A_610 : i32 to vector<16xi32>
          %eq3A_617 = arith.constant 0 : i32
          %eq3A_618 = vector.broadcast %eq3A_617 : i32 to vector<16xi32>
          %eq3A_619 = arith.cmpi eq, %iota3A, %eq3A_618 : vector<16xi32>
          tpu.vector_store_idx %arg13[%add3A_615], %broadcast_in_dim3A_616 masked %eq3A_619 : memref<16xi32, #tpu.memory_space<vmem>>[vector<16xi32>], vector<16xi32>, vector<16xi1>
          %scan3A_620 = arith.constant 0 : i32
          scf.yield %scan3A_620 : i32
        }
        %scan3A_303 = arith.constant 16 : i32
        %get3A = arith.constant 0 : index
        %get3A_304 = tpu.vector_load %arg13[%get3A] {strides = array<i32>} : memref<16xi32, #tpu.memory_space<vmem>>, vector<16xi32>,
        %cumsum3A = arith.constant true
        %cumsum3A_305 = vector.broadcast %cumsum3A : i1 to vector<16xi1>
        %cumsum3A_306 = tpu.scan <sum>, %get3A_304 masked %cumsum3A_305 : vector<16xi32>, vector<16xi1> -> vector<16xi32>
        %sub3A_307 = arith.subi %cumsum3A_306, %get3A_304 : vector<16xi32>
        %swap3A = arith.constant 0 : index
        %swap3A_308 = tpu.vector_load %arg14[%swap3A] {strides = array<i32>} : memref<16xi32, #tpu.memory_space<vmem>>, vector<16xi32>,
        tpu.vector_store %arg14[%swap3A], %sub3A_307 {strides = array<i32>} : memref<16xi32, #tpu.memory_space<vmem>>, vector<16xi32>,
        %scan3A_309 = arith.constant 0 : i32
        %scan3A_310 = arith.constant 16 : i32
        %scan3A_311 = arith.addi %scan3A_309, %scan3A_310 : i32
        %scan3A_312 = arith.constant 4 : i32
        %scan3A_313:2 = scf.for %scan3A_542 = %scan3A_309 to %scan3A_311 step %scan3A_312 iter_args(%scan3A_543 = %broadcast_in_dim3A_0, %scan3A_544 = %broadcast_in_dim3A_0) -> (vector<16xi32>, vector<16xi32>)  : i32 {
          %mul3A_545 = arith.constant 16 : i32
          %mul3A_546 = arith.muli %scan3A_542, %mul3A_545 : i32
          %get3A_547 = arith.index_cast %mul3A_546 : i32 to index
          %get3A_548 = tpu.vector_load %arg12[%get3A_547] {strides = array<i32>} : memref<256xi32, #tpu.memory_space<vmem>>, vector<16xi32>,
          %mul3A_549 = arith.constant 0 : i32
          %mul3A_550 = vector.broadcast %mul3A_549 : i32 to vector<16xi32>
          %mul3A_551 = arith.muli %iota3A, %mul3A_550 : vector<16xi32>
          %add3A_552 = vector.broadcast %scan3A_542 : i32 to vector<16xi32>
          %add3A_553 = arith.addi %mul3A_551, %add3A_552 : vector<16xi32>
          %gather3A_554 = tpu.vector_load_idx %arg14[%add3A_553] : memref<16xi32, #tpu.memory_space<vmem>>[vector<16xi32>], vector<16xi32>,
          %cumsum3A_555 = arith.constant true
          %cumsum3A_556 = vector.broadcast %cumsum3A_555 : i1 to vector<16xi1>
          %cumsum3A_557 = tpu.scan <sum>, %get3A_548 masked %cumsum3A_556 : vector<16xi32>, vector<16xi1> -> vector<16xi32>
          %add3A_558 = arith.addi %cumsum3A_557, %gather3A_554 : vector<16xi32>
          %lt3A_559 = arith.constant 64 : i32
          %lt3A_560 = vector.broadcast %lt3A_559 : i32 to vector<16xi32>
          %lt3A_561 = arith.cmpi slt, %add3A_558, %lt3A_560 : vector<16xi32>
          %all_reduce_population_count3A = tpu.all_reduce %lt3A_561 {dim = 0 : i64, kind = #tpu.reduction_kind<sum>} : vector<16xi1> -> vector<16xi32>
          %add3A_562 = arith.addi %scan3A_543, %all_reduce_population_count3A : vector<16xi32>
          %jit3A_563 = arith.constant 0 : i32
          %broadcast_in_dim3A_564 = vector.broadcast %jit3A_563 : i32 to vector<16xi32>
          %select_n3A_565 = arith.select %lt3A_561, %add3A_558, %broadcast_in_dim3A_564 : vector<16xi1>, vector<16xi32>
          %max3A = arith.maxsi %scan3A_544, %select_n3A_565 : vector<16xi32>
          %scan3A_566 = arith.constant 1 : i32
          %scan3A_567 = arith.addi %scan3A_542, %scan3A_566 : i32
          %mul3A_568 = arith.constant 16 : i32
          %mul3A_569 = arith.muli %scan3A_567, %mul3A_568 : i32
          %get3A_570 = arith.index_cast %mul3A_569 : i32 to index
          %get3A_571 = tpu.vector_load %arg12[%get3A_570] {strides = array<i32>} : memref<256xi32, #tpu.memory_space<vmem>>, vector<16xi32>,
          %mul3A_572 = arith.constant 0 : i32
          %mul3A_573 = vector.broadcast %mul3A_572 : i32 to vector<16xi32>
          %mul3A_574 = arith.muli %iota3A, %mul3A_573 : vector<16xi32>
          %add3A_575 = vector.broadcast %scan3A_567 : i32 to vector<16xi32>
          %add3A_576 = arith.addi %mul3A_574, %add3A_575 : vector<16xi32>
          %gather3A_577 = tpu.vector_load_idx %arg14[%add3A_576] : memref<16xi32, #tpu.memory_space<vmem>>[vector<16xi32>], vector<16xi32>,
          %cumsum3A_578 = arith.constant true
          %cumsum3A_579 = vector.broadcast %cumsum3A_578 : i1 to vector<16xi1>
          %cumsum3A_580 = tpu.scan <sum>, %get3A_571 masked %cumsum3A_579 : vector<16xi32>, vector<16xi1> -> vector<16xi32>
          %add3A_581 = arith.addi %cumsum3A_580, %gather3A_577 : vector<16xi32>
          %lt3A_582 = arith.constant 64 : i32
          %lt3A_583 = vector.broadcast %lt3A_582 : i32 to vector<16xi32>
          %lt3A_584 = arith.cmpi slt, %add3A_581, %lt3A_583 : vector<16xi32>
          %all_reduce_population_count3A_585 = tpu.all_reduce %lt3A_584 {dim = 0 : i64, kind = #tpu.reduction_kind<sum>} : vector<16xi1> -> vector<16xi32>
          %add3A_586 = arith.addi %add3A_562, %all_reduce_population_count3A_585 : vector<16xi32>
          %jit3A_587 = arith.constant 0 : i32
          %broadcast_in_dim3A_588 = vector.broadcast %jit3A_587 : i32 to vector<16xi32>
          %select_n3A_589 = arith.select %lt3A_584, %add3A_581, %broadcast_in_dim3A_588 : vector<16xi1>, vector<16xi32>
          %max3A_590 = arith.maxsi %max3A, %select_n3A_589 : vector<16xi32>
          %scan3A_591 = arith.constant 2 : i32
          %scan3A_592 = arith.addi %scan3A_542, %scan3A_591 : i32
          %mul3A_593 = arith.constant 16 : i32
          %mul3A_594 = arith.muli %scan3A_592, %mul3A_593 : i32
          %get3A_595 = arith.index_cast %mul3A_594 : i32 to index
          %get3A_596 = tpu.vector_load %arg12[%get3A_595] {strides = array<i32>} : memref<256xi32, #tpu.memory_space<vmem>>, vector<16xi32>,
          %mul3A_597 = arith.constant 0 : i32
          %mul3A_598 = vector.broadcast %mul3A_597 : i32 to vector<16xi32>
          %mul3A_599 = arith.muli %iota3A, %mul3A_598 : vector<16xi32>
          %add3A_600 = vector.broadcast %scan3A_592 : i32 to vector<16xi32>
          %add3A_601 = arith.addi %mul3A_599, %add3A_600 : vector<16xi32>
          %gather3A_602 = tpu.vector_load_idx %arg14[%add3A_601] : memref<16xi32, #tpu.memory_space<vmem>>[vector<16xi32>], vector<16xi32>,
          %cumsum3A_603 = arith.constant true
          %cumsum3A_604 = vector.broadcast %cumsum3A_603 : i1 to vector<16xi1>
          %cumsum3A_605 = tpu.scan <sum>, %get3A_596 masked %cumsum3A_604 : vector<16xi32>, vector<16xi1> -> vector<16xi32>
          %add3A_606 = arith.addi %cumsum3A_605, %gather3A_602 : vector<16xi32>
          %lt3A_607 = arith.constant 64 : i32
          %lt3A_608 = vector.broadcast %lt3A_607 : i32 to vector<16xi32>
          %lt3A_609 = arith.cmpi slt, %add3A_606, %lt3A_608 : vector<16xi32>
          %all_reduce_population_count3A_610 = tpu.all_reduce %lt3A_609 {dim = 0 : i64, kind = #tpu.reduction_kind<sum>} : vector<16xi1> -> vector<16xi32>
          %add3A_611 = arith.addi %add3A_586, %all_reduce_population_count3A_610 : vector<16xi32>
          %jit3A_612 = arith.constant 0 : i32
          %broadcast_in_dim3A_613 = vector.broadcast %jit3A_612 : i32 to vector<16xi32>
          %select_n3A_614 = arith.select %lt3A_609, %add3A_606, %broadcast_in_dim3A_613 : vector<16xi1>, vector<16xi32>
          %max3A_615 = arith.maxsi %max3A_590, %select_n3A_614 : vector<16xi32>
          %scan3A_616 = arith.constant 3 : i32
          %scan3A_617 = arith.addi %scan3A_542, %scan3A_616 : i32
          %mul3A_618 = arith.constant 16 : i32
          %mul3A_619 = arith.muli %scan3A_617, %mul3A_618 : i32
          %get3A_620 = arith.index_cast %mul3A_619 : i32 to index
          %get3A_621 = tpu.vector_load %arg12[%get3A_620] {strides = array<i32>} : memref<256xi32, #tpu.memory_space<vmem>>, vector<16xi32>,
          %mul3A_622 = arith.constant 0 : i32
          %mul3A_623 = vector.broadcast %mul3A_622 : i32 to vector<16xi32>
          %mul3A_624 = arith.muli %iota3A, %mul3A_623 : vector<16xi32>
          %add3A_625 = vector.broadcast %scan3A_617 : i32 to vector<16xi32>
          %add3A_626 = arith.addi %mul3A_624, %add3A_625 : vector<16xi32>
          %gather3A_627 = tpu.vector_load_idx %arg14[%add3A_626] : memref<16xi32, #tpu.memory_space<vmem>>[vector<16xi32>], vector<16xi32>,
          %cumsum3A_628 = arith.constant true
          %cumsum3A_629 = vector.broadcast %cumsum3A_628 : i1 to vector<16xi1>
          %cumsum3A_630 = tpu.scan <sum>, %get3A_621 masked %cumsum3A_629 : vector<16xi32>, vector<16xi1> -> vector<16xi32>
          %add3A_631 = arith.addi %cumsum3A_630, %gather3A_627 : vector<16xi32>
          %lt3A_632 = arith.constant 64 : i32
          %lt3A_633 = vector.broadcast %lt3A_632 : i32 to vector<16xi32>
          %lt3A_634 = arith.cmpi slt, %add3A_631, %lt3A_633 : vector<16xi32>
          %all_reduce_population_count3A_635 = tpu.all_reduce %lt3A_634 {dim = 0 : i64, kind = #tpu.reduction_kind<sum>} : vector<16xi1> -> vector<16xi32>
          %add3A_636 = arith.addi %add3A_611, %all_reduce_population_count3A_635 : vector<16xi32>
          %jit3A_637 = arith.constant 0 : i32
          %broadcast_in_dim3A_638 = vector.broadcast %jit3A_637 : i32 to vector<16xi32>
          %select_n3A_639 = arith.select %lt3A_634, %add3A_631, %broadcast_in_dim3A_638 : vector<16xi1>, vector<16xi32>
          %max3A_640 = arith.maxsi %max3A_615, %select_n3A_639 : vector<16xi32>
          scf.yield %add3A_636, %max3A_640 : vector<16xi32>, vector<16xi32>
        }
        %scan3A_314 = arith.constant 16 : i32
        %reduce_max3A_315 = arith.constant true
        %reduce_max3A_316 = vector.broadcast %reduce_max3A_315 : i1 to vector<16xi1>
        %reduce_max3A_317 = arith.constant -2147483648 : i32
        %reduce_max3A_318 = vector.broadcast %reduce_max3A_317 : i32 to vector<16xi32>
        %reduce_max3A_319 = arith.xori %scan3A_313#1, %reduce_max3A_318 : vector<16xi32>
        %reduce_max3A_320 = tpu.scan <max>, %reduce_max3A_319 masked %reduce_max3A_316 : vector<16xi32>, vector<16xi1> -> vector<16xi32>
        %reduce_max3A_321 = arith.xori %reduce_max3A_320, %reduce_max3A_318 : vector<16xi32>
        %reduce_max3A_322 = vector.extract %reduce_max3A_321[15] : i32 from vector<16xi32>
        %sub3A_323 = arith.constant 64 : i32
        %sub3A_324 = arith.subi %sub3A_323, %reduce_max3A_322 : i32
        %add3A_325 = arith.constant 1 : i32
        %add3A_326 = arith.addi %shift_right_arithmetic3A_273, %add3A_325 : i32
        %shift_right_arithmetic3A_327 = arith.constant 1 : i32
        %shift_right_arithmetic3A_328 = arith.shrsi %add3A_326, %shift_right_arithmetic3A_327 : i32
        %while3A_329 = arith.constant 0 : i32
        %while3A_330 = arith.subi %shift_right_arithmetic3A_328, %while3A_329 : i32
        %while3A_331 = arith.addi %while3A_329, %while3A_330 : i32
        %while3A_332 = arith.constant 1 : i32
        %while3A_333 = arith.divsi %while3A_330, %while3A_332 : i32
        %while3A_334 = arith.muli %while3A_333, %while3A_332 : i32
        %while3A_335 = arith.addi %while3A_329, %while3A_334 : i32
        %while3A_336 = arith.constant 1 : i32
        %while3A_337:2 = scf.for %while3A_542 = %while3A_329 to %while3A_335 step %while3A_336 iter_args(%while3A_543 = %broadcast_in_dim3A_0, %while3A_544 = %broadcast_in_dim3A_0) -> (vector<16xi32>, vector<16xi32>)  : i32 {
          %mul3A_545 = arith.constant 32 : i32
          %mul3A_546 = arith.muli %while3A_542, %mul3A_545 : i32
          %add3A_547 = arith.constant 0 : i32
          %add3A_548 = arith.addi %mul3A_546, %add3A_547 : i32
          %get3A_549 = arith.index_cast %add3A_548 : i32 to index
          %get3A_550 = tpu.vector_load %arg7[%get3A_549] {strides = array<i32>} : memref<2064xf32, #tpu.memory_space<vmem>>, vector<16xf32>,
          %mul3A_551 = arith.constant 32 : i32
          %mul3A_552 = arith.muli %while3A_542, %mul3A_551 : i32
          %add3A_553 = arith.constant 0 : i32
          %add3A_554 = arith.addi %mul3A_552, %add3A_553 : i32
          %get3A_555 = arith.index_cast %add3A_554 : i32 to index
          %get3A_556 = tpu.vector_load %arg8[%get3A_555] {strides = array<i32>} : memref<2064xi32, #tpu.memory_space<vmem>>, vector<16xi32>,
          %mul3A_557 = arith.constant 32 : i32
          %mul3A_558 = arith.muli %while3A_542, %mul3A_557 : i32
          %add3A_559 = arith.constant 0 : i32
          %add3A_560 = arith.addi %mul3A_558, %add3A_559 : i32
          %add3A_561 = vector.broadcast %add3A_560 : i32 to vector<16xi32>
          %add3A_562 = arith.addi %iota3A, %add3A_561 : vector<16xi32>
          %lt3A_563 = arith.cmpi slt, %add3A_562, %while3A_263#2 : vector<16xi32>
          %mul3A_564 = vector.broadcast %while3A_263#1 : f32 to vector<16xf32>
          %mul3A_565 = arith.mulf %get3A_550, %mul3A_564 : vector<16xf32>
          %convert_element_type3A_566 = arith.fptosi %mul3A_565 : vector<16xf32> to vector<16xi32>
          %jit3A_567 = arith.constant 0 : i32
          %jit3A_568 = arith.constant 255 : i32
          %max3A = vector.broadcast %jit3A_567 : i32 to vector<16xi32>
          %max3A_569 = arith.maxsi %max3A, %convert_element_type3A_566 : vector<16xi32>
          %min3A = vector.broadcast %jit3A_568 : i32 to vector<16xi32>
          %min3A_570 = arith.minsi %min3A, %max3A_569 : vector<16xi32>
          %lt3A_571 = arith.cmpi slt, %min3A_570, %scan3A_313#0 : vector<16xi32>
          %and3A_572 = arith.andi %lt3A_563, %lt3A_571 : vector<16xi1>
          %eq3A_573 = arith.cmpi eq, %min3A_570, %scan3A_313#0 : vector<16xi32>
          %and3A_574 = arith.andi %lt3A_563, %eq3A_573 : vector<16xi1>
          %convert_element_type3A_575 = arith.extui %and3A_572 : vector<16xi1> to vector<16xi32>
          %cumsum3A_576 = arith.constant true
          %cumsum3A_577 = vector.broadcast %cumsum3A_576 : i1 to vector<16xi1>
          %cumsum3A_578 = tpu.scan <sum>, %convert_element_type3A_575 masked %cumsum3A_577 : vector<16xi32>, vector<16xi1> -> vector<16xi32>
          %convert_element_type3A_579 = arith.extui %and3A_574 : vector<16xi1> to vector<16xi32>
          %cumsum3A_580 = arith.constant true
          %cumsum3A_581 = vector.broadcast %cumsum3A_580 : i1 to vector<16xi1>
          %cumsum3A_582 = tpu.scan <sum>, %convert_element_type3A_579 masked %cumsum3A_581 : vector<16xi32>, vector<16xi1> -> vector<16xi32>
          %add3A_583 = arith.addi %while3A_543, %cumsum3A_578 : vector<16xi32>
          %sub3A_584 = arith.constant 1 : i32
          %sub3A_585 = vector.broadcast %sub3A_584 : i32 to vector<16xi32>
          %sub3A_586 = arith.subi %add3A_583, %sub3A_585 : vector<16xi32>
          tpu.vector_store_idx %arg11[%sub3A_586], %get3A_556 masked %and3A_572 : memref<64xi32, #tpu.memory_space<vmem>>[vector<16xi32>], vector<16xi32>, vector<16xi1>
          %add3A_587 = arith.addi %while3A_544, %cumsum3A_582 : vector<16xi32>
          %sub3A_588 = arith.constant 1 : i32
          %sub3A_589 = vector.broadcast %sub3A_588 : i32 to vector<16xi32>
          %sub3A_590 = arith.subi %add3A_587, %sub3A_589 : vector<16xi32>
          tpu.vector_store_idx %arg9[%sub3A_590], %get3A_550 masked %and3A_574 : memref<2064xf32, #tpu.memory_space<vmem>>[vector<16xi32>], vector<16xf32>, vector<16xi1>
          %add3A_591 = arith.addi %while3A_544, %cumsum3A_582 : vector<16xi32>
          %sub3A_592 = arith.constant 1 : i32
          %sub3A_593 = vector.broadcast %sub3A_592 : i32 to vector<16xi32>
          %sub3A_594 = arith.subi %add3A_591, %sub3A_593 : vector<16xi32>
          tpu.vector_store_idx %arg10[%sub3A_594], %get3A_556 masked %and3A_574 : memref<2064xi32, #tpu.memory_space<vmem>>[vector<16xi32>], vector<16xi32>, vector<16xi1>
          %all_reduce_population_count3A = tpu.all_reduce %and3A_572 {dim = 0 : i64, kind = #tpu.reduction_kind<sum>} : vector<16xi1> -> vector<16xi32>
          %add3A_595 = arith.addi %while3A_543, %all_reduce_population_count3A : vector<16xi32>
          %all_reduce_population_count3A_596 = tpu.all_reduce %and3A_574 {dim = 0 : i64, kind = #tpu.reduction_kind<sum>} : vector<16xi1> -> vector<16xi32>
          %add3A_597 = arith.addi %while3A_544, %all_reduce_population_count3A_596 : vector<16xi32>
          %mul3A_598 = arith.constant 32 : i32
          %mul3A_599 = arith.muli %while3A_542, %mul3A_598 : i32
          %add3A_600 = arith.constant 16 : i32
          %add3A_601 = arith.addi %mul3A_599, %add3A_600 : i32
          %get3A_602 = arith.index_cast %add3A_601 : i32 to index
          %get3A_603 = tpu.vector_load %arg7[%get3A_602] {strides = array<i32>} : memref<2064xf32, #tpu.memory_space<vmem>>, vector<16xf32>,
          %mul3A_604 = arith.constant 32 : i32
          %mul3A_605 = arith.muli %while3A_542, %mul3A_604 : i32
          %add3A_606 = arith.constant 16 : i32
          %add3A_607 = arith.addi %mul3A_605, %add3A_606 : i32
          %get3A_608 = arith.index_cast %add3A_607 : i32 to index
          %get3A_609 = tpu.vector_load %arg8[%get3A_608] {strides = array<i32>} : memref<2064xi32, #tpu.memory_space<vmem>>, vector<16xi32>,
          %mul3A_610 = arith.constant 32 : i32
          %mul3A_611 = arith.muli %while3A_542, %mul3A_610 : i32
          %add3A_612 = arith.constant 16 : i32
          %add3A_613 = arith.addi %mul3A_611, %add3A_612 : i32
          %add3A_614 = vector.broadcast %add3A_613 : i32 to vector<16xi32>
          %add3A_615 = arith.addi %iota3A, %add3A_614 : vector<16xi32>
          %lt3A_616 = arith.cmpi slt, %add3A_615, %while3A_263#2 : vector<16xi32>
          %mul3A_617 = vector.broadcast %while3A_263#1 : f32 to vector<16xf32>
          %mul3A_618 = arith.mulf %get3A_603, %mul3A_617 : vector<16xf32>
          %convert_element_type3A_619 = arith.fptosi %mul3A_618 : vector<16xf32> to vector<16xi32>
          %jit3A_620 = arith.constant 0 : i32
          %jit3A_621 = arith.constant 255 : i32
          %max3A_622 = vector.broadcast %jit3A_620 : i32 to vector<16xi32>
          %max3A_623 = arith.maxsi %max3A_622, %convert_element_type3A_619 : vector<16xi32>
          %min3A_624 = vector.broadcast %jit3A_621 : i32 to vector<16xi32>
          %min3A_625 = arith.minsi %min3A_624, %max3A_623 : vector<16xi32>
          %lt3A_626 = arith.cmpi slt, %min3A_625, %scan3A_313#0 : vector<16xi32>
          %and3A_627 = arith.andi %lt3A_616, %lt3A_626 : vector<16xi1>
          %eq3A_628 = arith.cmpi eq, %min3A_625, %scan3A_313#0 : vector<16xi32>
          %and3A_629 = arith.andi %lt3A_616, %eq3A_628 : vector<16xi1>
          %convert_element_type3A_630 = arith.extui %and3A_627 : vector<16xi1> to vector<16xi32>
          %cumsum3A_631 = arith.constant true
          %cumsum3A_632 = vector.broadcast %cumsum3A_631 : i1 to vector<16xi1>
          %cumsum3A_633 = tpu.scan <sum>, %convert_element_type3A_630 masked %cumsum3A_632 : vector<16xi32>, vector<16xi1> -> vector<16xi32>
          %convert_element_type3A_634 = arith.extui %and3A_629 : vector<16xi1> to vector<16xi32>
          %cumsum3A_635 = arith.constant true
          %cumsum3A_636 = vector.broadcast %cumsum3A_635 : i1 to vector<16xi1>
          %cumsum3A_637 = tpu.scan <sum>, %convert_element_type3A_634 masked %cumsum3A_636 : vector<16xi32>, vector<16xi1> -> vector<16xi32>
          %add3A_638 = arith.addi %add3A_595, %cumsum3A_633 : vector<16xi32>
          %sub3A_639 = arith.constant 1 : i32
          %sub3A_640 = vector.broadcast %sub3A_639 : i32 to vector<16xi32>
          %sub3A_641 = arith.subi %add3A_638, %sub3A_640 : vector<16xi32>
          tpu.vector_store_idx %arg11[%sub3A_641], %get3A_609 masked %and3A_627 : memref<64xi32, #tpu.memory_space<vmem>>[vector<16xi32>], vector<16xi32>, vector<16xi1>
          %add3A_642 = arith.addi %add3A_597, %cumsum3A_637 : vector<16xi32>
          %sub3A_643 = arith.constant 1 : i32
          %sub3A_644 = vector.broadcast %sub3A_643 : i32 to vector<16xi32>
          %sub3A_645 = arith.subi %add3A_642, %sub3A_644 : vector<16xi32>
          tpu.vector_store_idx %arg9[%sub3A_645], %get3A_603 masked %and3A_629 : memref<2064xf32, #tpu.memory_space<vmem>>[vector<16xi32>], vector<16xf32>, vector<16xi1>
          %add3A_646 = arith.addi %add3A_597, %cumsum3A_637 : vector<16xi32>
          %sub3A_647 = arith.constant 1 : i32
          %sub3A_648 = vector.broadcast %sub3A_647 : i32 to vector<16xi32>
          %sub3A_649 = arith.subi %add3A_646, %sub3A_648 : vector<16xi32>
          tpu.vector_store_idx %arg10[%sub3A_649], %get3A_609 masked %and3A_629 : memref<2064xi32, #tpu.memory_space<vmem>>[vector<16xi32>], vector<16xi32>, vector<16xi1>
          %all_reduce_population_count3A_650 = tpu.all_reduce %and3A_627 {dim = 0 : i64, kind = #tpu.reduction_kind<sum>} : vector<16xi1> -> vector<16xi32>
          %add3A_651 = arith.addi %add3A_595, %all_reduce_population_count3A_650 : vector<16xi32>
          %all_reduce_population_count3A_652 = tpu.all_reduce %and3A_629 {dim = 0 : i64, kind = #tpu.reduction_kind<sum>} : vector<16xi1> -> vector<16xi32>
          %add3A_653 = arith.addi %add3A_597, %all_reduce_population_count3A_652 : vector<16xi32>
          scf.yield %add3A_651, %add3A_653 : vector<16xi32>, vector<16xi32>
        }
        %while3A_338 = arith.constant 1 : i32
        %while3A_339:2 = scf.for %while3A_542 = %while3A_335 to %while3A_331 step %while3A_338 iter_args(%while3A_543 = %while3A_337#0, %while3A_544 = %while3A_337#1) -> (vector<16xi32>, vector<16xi32>)  : i32 {
          %mul3A_545 = arith.constant 32 : i32
          %mul3A_546 = arith.muli %while3A_542, %mul3A_545 : i32
          %add3A_547 = arith.constant 0 : i32
          %add3A_548 = arith.addi %mul3A_546, %add3A_547 : i32
          %get3A_549 = arith.index_cast %add3A_548 : i32 to index
          %get3A_550 = tpu.vector_load %arg7[%get3A_549] {strides = array<i32>} : memref<2064xf32, #tpu.memory_space<vmem>>, vector<16xf32>,
          %mul3A_551 = arith.constant 32 : i32
          %mul3A_552 = arith.muli %while3A_542, %mul3A_551 : i32
          %add3A_553 = arith.constant 0 : i32
          %add3A_554 = arith.addi %mul3A_552, %add3A_553 : i32
          %get3A_555 = arith.index_cast %add3A_554 : i32 to index
          %get3A_556 = tpu.vector_load %arg8[%get3A_555] {strides = array<i32>} : memref<2064xi32, #tpu.memory_space<vmem>>, vector<16xi32>,
          %mul3A_557 = arith.constant 32 : i32
          %mul3A_558 = arith.muli %while3A_542, %mul3A_557 : i32
          %add3A_559 = arith.constant 0 : i32
          %add3A_560 = arith.addi %mul3A_558, %add3A_559 : i32
          %add3A_561 = vector.broadcast %add3A_560 : i32 to vector<16xi32>
          %add3A_562 = arith.addi %iota3A, %add3A_561 : vector<16xi32>
          %lt3A_563 = arith.cmpi slt, %add3A_562, %while3A_263#2 : vector<16xi32>
          %mul3A_564 = vector.broadcast %while3A_263#1 : f32 to vector<16xf32>
          %mul3A_565 = arith.mulf %get3A_550, %mul3A_564 : vector<16xf32>
          %convert_element_type3A_566 = arith.fptosi %mul3A_565 : vector<16xf32> to vector<16xi32>
          %jit3A_567 = arith.constant 0 : i32
          %jit3A_568 = arith.constant 255 : i32
          %max3A = vector.broadcast %jit3A_567 : i32 to vector<16xi32>
          %max3A_569 = arith.maxsi %max3A, %convert_element_type3A_566 : vector<16xi32>
          %min3A = vector.broadcast %jit3A_568 : i32 to vector<16xi32>
          %min3A_570 = arith.minsi %min3A, %max3A_569 : vector<16xi32>
          %lt3A_571 = arith.cmpi slt, %min3A_570, %scan3A_313#0 : vector<16xi32>
          %and3A_572 = arith.andi %lt3A_563, %lt3A_571 : vector<16xi1>
          %eq3A_573 = arith.cmpi eq, %min3A_570, %scan3A_313#0 : vector<16xi32>
          %and3A_574 = arith.andi %lt3A_563, %eq3A_573 : vector<16xi1>
          %convert_element_type3A_575 = arith.extui %and3A_572 : vector<16xi1> to vector<16xi32>
          %cumsum3A_576 = arith.constant true
          %cumsum3A_577 = vector.broadcast %cumsum3A_576 : i1 to vector<16xi1>
          %cumsum3A_578 = tpu.scan <sum>, %convert_element_type3A_575 masked %cumsum3A_577 : vector<16xi32>, vector<16xi1> -> vector<16xi32>
          %convert_element_type3A_579 = arith.extui %and3A_574 : vector<16xi1> to vector<16xi32>
          %cumsum3A_580 = arith.constant true
          %cumsum3A_581 = vector.broadcast %cumsum3A_580 : i1 to vector<16xi1>
          %cumsum3A_582 = tpu.scan <sum>, %convert_element_type3A_579 masked %cumsum3A_581 : vector<16xi32>, vector<16xi1> -> vector<16xi32>
          %add3A_583 = arith.addi %while3A_543, %cumsum3A_578 : vector<16xi32>
          %sub3A_584 = arith.constant 1 : i32
          %sub3A_585 = vector.broadcast %sub3A_584 : i32 to vector<16xi32>
          %sub3A_586 = arith.subi %add3A_583, %sub3A_585 : vector<16xi32>
          tpu.vector_store_idx %arg11[%sub3A_586], %get3A_556 masked %and3A_572 : memref<64xi32, #tpu.memory_space<vmem>>[vector<16xi32>], vector<16xi32>, vector<16xi1>
          %add3A_587 = arith.addi %while3A_544, %cumsum3A_582 : vector<16xi32>
          %sub3A_588 = arith.constant 1 : i32
          %sub3A_589 = vector.broadcast %sub3A_588 : i32 to vector<16xi32>
          %sub3A_590 = arith.subi %add3A_587, %sub3A_589 : vector<16xi32>
          tpu.vector_store_idx %arg9[%sub3A_590], %get3A_550 masked %and3A_574 : memref<2064xf32, #tpu.memory_space<vmem>>[vector<16xi32>], vector<16xf32>, vector<16xi1>
          %add3A_591 = arith.addi %while3A_544, %cumsum3A_582 : vector<16xi32>
          %sub3A_592 = arith.constant 1 : i32
          %sub3A_593 = vector.broadcast %sub3A_592 : i32 to vector<16xi32>
          %sub3A_594 = arith.subi %add3A_591, %sub3A_593 : vector<16xi32>
          tpu.vector_store_idx %arg10[%sub3A_594], %get3A_556 masked %and3A_574 : memref<2064xi32, #tpu.memory_space<vmem>>[vector<16xi32>], vector<16xi32>, vector<16xi1>
          %all_reduce_population_count3A = tpu.all_reduce %and3A_572 {dim = 0 : i64, kind = #tpu.reduction_kind<sum>} : vector<16xi1> -> vector<16xi32>
          %add3A_595 = arith.addi %while3A_543, %all_reduce_population_count3A : vector<16xi32>
          %all_reduce_population_count3A_596 = tpu.all_reduce %and3A_574 {dim = 0 : i64, kind = #tpu.reduction_kind<sum>} : vector<16xi1> -> vector<16xi32>
          %add3A_597 = arith.addi %while3A_544, %all_reduce_population_count3A_596 : vector<16xi32>
          %mul3A_598 = arith.constant 32 : i32
          %mul3A_599 = arith.muli %while3A_542, %mul3A_598 : i32
          %add3A_600 = arith.constant 16 : i32
          %add3A_601 = arith.addi %mul3A_599, %add3A_600 : i32
          %get3A_602 = arith.index_cast %add3A_601 : i32 to index
          %get3A_603 = tpu.vector_load %arg7[%get3A_602] {strides = array<i32>} : memref<2064xf32, #tpu.memory_space<vmem>>, vector<16xf32>,
          %mul3A_604 = arith.constant 32 : i32
          %mul3A_605 = arith.muli %while3A_542, %mul3A_604 : i32
          %add3A_606 = arith.constant 16 : i32
          %add3A_607 = arith.addi %mul3A_605, %add3A_606 : i32
          %get3A_608 = arith.index_cast %add3A_607 : i32 to index
          %get3A_609 = tpu.vector_load %arg8[%get3A_608] {strides = array<i32>} : memref<2064xi32, #tpu.memory_space<vmem>>, vector<16xi32>,
          %mul3A_610 = arith.constant 32 : i32
          %mul3A_611 = arith.muli %while3A_542, %mul3A_610 : i32
          %add3A_612 = arith.constant 16 : i32
          %add3A_613 = arith.addi %mul3A_611, %add3A_612 : i32
          %add3A_614 = vector.broadcast %add3A_613 : i32 to vector<16xi32>
          %add3A_615 = arith.addi %iota3A, %add3A_614 : vector<16xi32>
          %lt3A_616 = arith.cmpi slt, %add3A_615, %while3A_263#2 : vector<16xi32>
          %mul3A_617 = vector.broadcast %while3A_263#1 : f32 to vector<16xf32>
          %mul3A_618 = arith.mulf %get3A_603, %mul3A_617 : vector<16xf32>
          %convert_element_type3A_619 = arith.fptosi %mul3A_618 : vector<16xf32> to vector<16xi32>
          %jit3A_620 = arith.constant 0 : i32
          %jit3A_621 = arith.constant 255 : i32
          %max3A_622 = vector.broadcast %jit3A_620 : i32 to vector<16xi32>
          %max3A_623 = arith.maxsi %max3A_622, %convert_element_type3A_619 : vector<16xi32>
          %min3A_624 = vector.broadcast %jit3A_621 : i32 to vector<16xi32>
          %min3A_625 = arith.minsi %min3A_624, %max3A_623 : vector<16xi32>
          %lt3A_626 = arith.cmpi slt, %min3A_625, %scan3A_313#0 : vector<16xi32>
          %and3A_627 = arith.andi %lt3A_616, %lt3A_626 : vector<16xi1>
          %eq3A_628 = arith.cmpi eq, %min3A_625, %scan3A_313#0 : vector<16xi32>
          %and3A_629 = arith.andi %lt3A_616, %eq3A_628 : vector<16xi1>
          %convert_element_type3A_630 = arith.extui %and3A_627 : vector<16xi1> to vector<16xi32>
          %cumsum3A_631 = arith.constant true
          %cumsum3A_632 = vector.broadcast %cumsum3A_631 : i1 to vector<16xi1>
          %cumsum3A_633 = tpu.scan <sum>, %convert_element_type3A_630 masked %cumsum3A_632 : vector<16xi32>, vector<16xi1> -> vector<16xi32>
          %convert_element_type3A_634 = arith.extui %and3A_629 : vector<16xi1> to vector<16xi32>
          %cumsum3A_635 = arith.constant true
          %cumsum3A_636 = vector.broadcast %cumsum3A_635 : i1 to vector<16xi1>
          %cumsum3A_637 = tpu.scan <sum>, %convert_element_type3A_634 masked %cumsum3A_636 : vector<16xi32>, vector<16xi1> -> vector<16xi32>
          %add3A_638 = arith.addi %add3A_595, %cumsum3A_633 : vector<16xi32>
          %sub3A_639 = arith.constant 1 : i32
          %sub3A_640 = vector.broadcast %sub3A_639 : i32 to vector<16xi32>
          %sub3A_641 = arith.subi %add3A_638, %sub3A_640 : vector<16xi32>
          tpu.vector_store_idx %arg11[%sub3A_641], %get3A_609 masked %and3A_627 : memref<64xi32, #tpu.memory_space<vmem>>[vector<16xi32>], vector<16xi32>, vector<16xi1>
          %add3A_642 = arith.addi %add3A_597, %cumsum3A_637 : vector<16xi32>
          %sub3A_643 = arith.constant 1 : i32
          %sub3A_644 = vector.broadcast %sub3A_643 : i32 to vector<16xi32>
          %sub3A_645 = arith.subi %add3A_642, %sub3A_644 : vector<16xi32>
          tpu.vector_store_idx %arg9[%sub3A_645], %get3A_603 masked %and3A_629 : memref<2064xf32, #tpu.memory_space<vmem>>[vector<16xi32>], vector<16xf32>, vector<16xi1>
          %add3A_646 = arith.addi %add3A_597, %cumsum3A_637 : vector<16xi32>
          %sub3A_647 = arith.constant 1 : i32
          %sub3A_648 = vector.broadcast %sub3A_647 : i32 to vector<16xi32>
          %sub3A_649 = arith.subi %add3A_646, %sub3A_648 : vector<16xi32>
          tpu.vector_store_idx %arg10[%sub3A_649], %get3A_609 masked %and3A_629 : memref<2064xi32, #tpu.memory_space<vmem>>[vector<16xi32>], vector<16xi32>, vector<16xi1>
          %all_reduce_population_count3A_650 = tpu.all_reduce %and3A_627 {dim = 0 : i64, kind = #tpu.reduction_kind<sum>} : vector<16xi1> -> vector<16xi32>
          %add3A_651 = arith.addi %add3A_595, %all_reduce_population_count3A_650 : vector<16xi32>
          %all_reduce_population_count3A_652 = tpu.all_reduce %and3A_629 {dim = 0 : i64, kind = #tpu.reduction_kind<sum>} : vector<16xi1> -> vector<16xi32>
          %add3A_653 = arith.addi %add3A_597, %all_reduce_population_count3A_652 : vector<16xi32>
          scf.yield %add3A_651, %add3A_653 : vector<16xi32>, vector<16xi32>
        }
        %reduce_max3A_340 = arith.constant true
        %reduce_max3A_341 = vector.broadcast %reduce_max3A_340 : i1 to vector<16xi1>
        %reduce_max3A_342 = arith.constant -2147483648 : i32
        %reduce_max3A_343 = vector.broadcast %reduce_max3A_342 : i32 to vector<16xi32>
        %reduce_max3A_344 = arith.xori %while3A_339#1, %reduce_max3A_343 : vector<16xi32>
        %reduce_max3A_345 = tpu.scan <max>, %reduce_max3A_344 masked %reduce_max3A_341 : vector<16xi32>, vector<16xi1> -> vector<16xi32>
        %reduce_max3A_346 = arith.xori %reduce_max3A_345, %reduce_max3A_343 : vector<16xi32>
        %reduce_max3A_347 = vector.extract %reduce_max3A_346[15] : i32 from vector<16xi32>
        %broadcast_in_dim3A_348 = vector.broadcast %reduce_max3A_322 : i32 to vector<16xi32>
        %broadcast_in_dim3A_349 = vector.broadcast %sub3A_324 : i32 to vector<16xi32>
        %le3A = arith.constant 16 : i32
        %le3A_350 = arith.cmpi sle, %reduce_max3A_347, %le3A : i32
        %convert_element_type3A_351 = arith.extui %le3A_350 : i1 to i32
        %cond3A_352 = arith.constant 0 : i32
        %cond3A_353 = arith.constant 0 : i32
        %cond3A_354 = arith.cmpi ne, %convert_element_type3A_351, %cond3A_353 : i32
        %cond3A_355 = scf.if %cond3A_354 -> (i32) {
          %get3A_542 = arith.constant 0 : index
          %get3A_543 = tpu.vector_load %arg9[%get3A_542] {strides = array<i32>} : memref<2064xf32, #tpu.memory_space<vmem>>, vector<16xf32>,
          %get3A_544 = arith.constant 0 : index
          %get3A_545 = tpu.vector_load %arg10[%get3A_544] {strides = array<i32>} : memref<2064xi32, #tpu.memory_space<vmem>>, vector<16xi32>,
          %lt3A_546 = arith.cmpi slt, %iota3A, %while3A_339#1 : vector<16xi32>
          %jit3A_547 = arith.constant 1.000000e+30 : f32
          %broadcast_in_dim3A_548 = vector.broadcast %jit3A_547 : f32 to vector<16xf32>
          %select_n3A_549 = arith.select %lt3A_546, %get3A_543, %broadcast_in_dim3A_548 : vector<16xi1>, vector<16xf32>
          %masked_sort3A = arith.constant dense<true> : vector<16xi1>
          %masked_sort3A_550, %masked_sort3A_551, %masked_sort3A_552 = tpu.sort %select_n3A_549, %get3A_545 masked %masked_sort3A : (vector<16xf32>, vector<16xi32>, vector<16xi1>) -> (vector<16xi1>, vector<16xf32>, vector<16xi32>)
          %add3A_553 = arith.addi %broadcast_in_dim3A_348, %iota3A : vector<16xi32>
          %lt3A_554 = arith.cmpi slt, %iota3A, %broadcast_in_dim3A_349 : vector<16xi32>
          tpu.vector_store_idx %arg11[%add3A_553], %masked_sort3A_552 masked %lt3A_554 : memref<64xi32, #tpu.memory_space<vmem>>[vector<16xi32>], vector<16xi32>, vector<16xi1>
          %cond3A_555 = arith.constant 0 : i32
          scf.yield %cond3A_555 : i32
        } else {
          %add3A_542 = arith.constant 15 : i32
          %add3A_543 = arith.addi %reduce_max3A_347, %add3A_542 : i32
          %shift_right_arithmetic3A_544 = arith.constant 4 : i32
          %shift_right_arithmetic3A_545 = arith.shrsi %add3A_543, %shift_right_arithmetic3A_544 : i32
          %while3A_546 = arith.constant 0 : i32
          %while3A_547 = arith.constant 0 : i32
          %while3A_548 = arith.subi %sub3A_324, %while3A_546 : i32
          %while3A_549 = arith.addi %while3A_546, %while3A_548 : i32
          %while3A_550 = arith.constant 1 : i32
          %while3A_551 = arith.divsi %while3A_548, %while3A_550 : i32
          %while3A_552 = arith.muli %while3A_551, %while3A_550 : i32
          %while3A_553 = arith.addi %while3A_546, %while3A_552 : i32
          %while3A_554 = arith.constant 1 : i32
          %while3A_555 = scf.for %while3A_559 = %while3A_546 to %while3A_553 step %while3A_554 iter_args(%while3A_560 = %while3A_547) -> (i32)  : i32 {
            %broadcast_in_dim3A_561 = arith.constant 1.000000e+30 : f32
            %broadcast_in_dim3A_562 = vector.broadcast %broadcast_in_dim3A_561 : f32 to vector<16xf32>
            %while3A_563 = arith.constant 0 : i32
            %while3A_564 = arith.subi %shift_right_arithmetic3A_545, %while3A_563 : i32
            %while3A_565 = arith.addi %while3A_563, %while3A_564 : i32
            %while3A_566 = arith.constant 1 : i32
            %while3A_567 = arith.divsi %while3A_564, %while3A_566 : i32
            %while3A_568 = arith.muli %while3A_567, %while3A_566 : i32
            %while3A_569 = arith.addi %while3A_563, %while3A_568 : i32
            %while3A_570 = arith.constant 1 : i32
            %while3A_571 = scf.for %while3A_618 = %while3A_563 to %while3A_569 step %while3A_570 iter_args(%while3A_619 = %broadcast_in_dim3A_562) -> (vector<16xf32>)  : i32 {
              %mul3A_620 = arith.constant 16 : i32
              %mul3A_621 = arith.muli %while3A_618, %mul3A_620 : i32
              %get3A_622 = arith.index_cast %mul3A_621 : i32 to index
              %get3A_623 = tpu.vector_load %arg9[%get3A_622] {strides = array<i32>} : memref<2064xf32, #tpu.memory_space<vmem>>, vector<16xf32>,
              %mul3A_624 = arith.constant 16 : i32
              %mul3A_625 = arith.muli %while3A_618, %mul3A_624 : i32
              %add3A_626 = vector.broadcast %mul3A_625 : i32 to vector<16xi32>
              %add3A_627 = arith.addi %iota3A, %add3A_626 : vector<16xi32>
              %lt3A_628 = arith.cmpi slt, %add3A_627, %while3A_339#1 : vector<16xi32>
              %jit3A_629 = arith.constant 1.000000e+30 : f32
              %broadcast_in_dim3A_630 = vector.broadcast %jit3A_629 : f32 to vector<16xf32>
              %select_n3A_631 = arith.select %lt3A_628, %get3A_623, %broadcast_in_dim3A_630 : vector<16xi1>, vector<16xf32>
              %min3A = arith.minimumf %while3A_619, %select_n3A_631 : vector<16xf32>
              scf.yield %min3A : vector<16xf32>
            }
            %while3A_572 = arith.constant 1 : i32
            %while3A_573 = scf.for %while3A_618 = %while3A_569 to %while3A_565 step %while3A_572 iter_args(%while3A_619 = %while3A_571) -> (vector<16xf32>)  : i32 {
              %mul3A_620 = arith.constant 16 : i32
              %mul3A_621 = arith.muli %while3A_618, %mul3A_620 : i32
              %get3A_622 = arith.index_cast %mul3A_621 : i32 to index
              %get3A_623 = tpu.vector_load %arg9[%get3A_622] {strides = array<i32>} : memref<2064xf32, #tpu.memory_space<vmem>>, vector<16xf32>,
              %mul3A_624 = arith.constant 16 : i32
              %mul3A_625 = arith.muli %while3A_618, %mul3A_624 : i32
              %add3A_626 = vector.broadcast %mul3A_625 : i32 to vector<16xi32>
              %add3A_627 = arith.addi %iota3A, %add3A_626 : vector<16xi32>
              %lt3A_628 = arith.cmpi slt, %add3A_627, %while3A_339#1 : vector<16xi32>
              %jit3A_629 = arith.constant 1.000000e+30 : f32
              %broadcast_in_dim3A_630 = vector.broadcast %jit3A_629 : f32 to vector<16xf32>
              %select_n3A_631 = arith.select %lt3A_628, %get3A_623, %broadcast_in_dim3A_630 : vector<16xi1>, vector<16xf32>
              %min3A = arith.minimumf %while3A_619, %select_n3A_631 : vector<16xf32>
              scf.yield %min3A : vector<16xf32>
            }
            %reduce_min3A = arith.constant true
            %reduce_min3A_574 = vector.broadcast %reduce_min3A : i1 to vector<16xi1>
            %reduce_min3A_575 = tpu.scan <min>, %while3A_573 masked %reduce_min3A_574 : vector<16xf32>, vector<16xi1> -> vector<16xf32>
            %reduce_min3A_576 = vector.extract %reduce_min3A_575[15] : f32 from vector<16xf32>
            %broadcast_in_dim3A_577 = vector.broadcast %reduce_min3A_576 : f32 to vector<16xf32>
            %broadcast_in_dim3A_578 = arith.constant 1073741824 : i32
            %broadcast_in_dim3A_579 = vector.broadcast %broadcast_in_dim3A_578 : i32 to vector<16xi32>
            %while3A_580 = arith.constant 0 : i32
            %while3A_581 = arith.subi %shift_right_arithmetic3A_545, %while3A_580 : i32
            %while3A_582 = arith.addi %while3A_580, %while3A_581 : i32
            %while3A_583 = arith.constant 1 : i32
            %while3A_584 = arith.divsi %while3A_581, %while3A_583 : i32
            %while3A_585 = arith.muli %while3A_584, %while3A_583 : i32
            %while3A_586 = arith.addi %while3A_580, %while3A_585 : i32
            %while3A_587 = arith.constant 1 : i32
            %while3A_588 = scf.for %while3A_618 = %while3A_580 to %while3A_586 step %while3A_587 iter_args(%while3A_619 = %broadcast_in_dim3A_579) -> (vector<16xi32>)  : i32 {
              %mul3A_620 = arith.constant 16 : i32
              %mul3A_621 = arith.muli %while3A_618, %mul3A_620 : i32
              %get3A_622 = arith.index_cast %mul3A_621 : i32 to index
              %get3A_623 = tpu.vector_load %arg9[%get3A_622] {strides = array<i32>} : memref<2064xf32, #tpu.memory_space<vmem>>, vector<16xf32>,
              %mul3A_624 = arith.constant 16 : i32
              %mul3A_625 = arith.muli %while3A_618, %mul3A_624 : i32
              %get3A_626 = arith.index_cast %mul3A_625 : i32 to index
              %get3A_627 = tpu.vector_load %arg10[%get3A_626] {strides = array<i32>} : memref<2064xi32, #tpu.memory_space<vmem>>, vector<16xi32>,
              %mul3A_628 = arith.constant 16 : i32
              %mul3A_629 = arith.muli %while3A_618, %mul3A_628 : i32
              %add3A_630 = vector.broadcast %mul3A_629 : i32 to vector<16xi32>
              %add3A_631 = arith.addi %iota3A, %add3A_630 : vector<16xi32>
              %lt3A_632 = arith.cmpi slt, %add3A_631, %while3A_339#1 : vector<16xi32>
              %eq3A_633 = arith.cmpf oeq, %get3A_623, %broadcast_in_dim3A_577 : vector<16xf32>
              %and3A_634 = arith.andi %lt3A_632, %eq3A_633 : vector<16xi1>
              %jit3A_635 = arith.constant 1073741824 : i32
              %broadcast_in_dim3A_636 = vector.broadcast %jit3A_635 : i32 to vector<16xi32>
              %select_n3A_637 = arith.select %and3A_634, %get3A_627, %broadcast_in_dim3A_636 : vector<16xi1>, vector<16xi32>
              %min3A = arith.minsi %while3A_619, %select_n3A_637 : vector<16xi32>
              scf.yield %min3A : vector<16xi32>
            }
            %while3A_589 = arith.constant 1 : i32
            %while3A_590 = scf.for %while3A_618 = %while3A_586 to %while3A_582 step %while3A_589 iter_args(%while3A_619 = %while3A_588) -> (vector<16xi32>)  : i32 {
              %mul3A_620 = arith.constant 16 : i32
              %mul3A_621 = arith.muli %while3A_618, %mul3A_620 : i32
              %get3A_622 = arith.index_cast %mul3A_621 : i32 to index
              %get3A_623 = tpu.vector_load %arg9[%get3A_622] {strides = array<i32>} : memref<2064xf32, #tpu.memory_space<vmem>>, vector<16xf32>,
              %mul3A_624 = arith.constant 16 : i32
              %mul3A_625 = arith.muli %while3A_618, %mul3A_624 : i32
              %get3A_626 = arith.index_cast %mul3A_625 : i32 to index
              %get3A_627 = tpu.vector_load %arg10[%get3A_626] {strides = array<i32>} : memref<2064xi32, #tpu.memory_space<vmem>>, vector<16xi32>,
              %mul3A_628 = arith.constant 16 : i32
              %mul3A_629 = arith.muli %while3A_618, %mul3A_628 : i32
              %add3A_630 = vector.broadcast %mul3A_629 : i32 to vector<16xi32>
              %add3A_631 = arith.addi %iota3A, %add3A_630 : vector<16xi32>
              %lt3A_632 = arith.cmpi slt, %add3A_631, %while3A_339#1 : vector<16xi32>
              %eq3A_633 = arith.cmpf oeq, %get3A_623, %broadcast_in_dim3A_577 : vector<16xf32>
              %and3A_634 = arith.andi %lt3A_632, %eq3A_633 : vector<16xi1>
              %jit3A_635 = arith.constant 1073741824 : i32
              %broadcast_in_dim3A_636 = vector.broadcast %jit3A_635 : i32 to vector<16xi32>
              %select_n3A_637 = arith.select %and3A_634, %get3A_627, %broadcast_in_dim3A_636 : vector<16xi1>, vector<16xi32>
              %min3A = arith.minsi %while3A_619, %select_n3A_637 : vector<16xi32>
              scf.yield %min3A : vector<16xi32>
            }
            %reduce_min3A_591 = arith.constant true
            %reduce_min3A_592 = vector.broadcast %reduce_min3A_591 : i1 to vector<16xi1>
            %reduce_min3A_593 = arith.constant -2147483648 : i32
            %reduce_min3A_594 = vector.broadcast %reduce_min3A_593 : i32 to vector<16xi32>
            %reduce_min3A_595 = arith.xori %while3A_590, %reduce_min3A_594 : vector<16xi32>
            %reduce_min3A_596 = tpu.scan <min>, %reduce_min3A_595 masked %reduce_min3A_592 : vector<16xi32>, vector<16xi1> -> vector<16xi32>
            %reduce_min3A_597 = arith.xori %reduce_min3A_596, %reduce_min3A_594 : vector<16xi32>
            %reduce_min3A_598 = vector.extract %reduce_min3A_597[15] : i32 from vector<16xi32>
            %broadcast_in_dim3A_599 = vector.broadcast %reduce_min3A_598 : i32 to vector<16xi32>
            %while3A_600 = arith.constant 0 : i32
            %while3A_601 = arith.constant 0 : i32
            %while3A_602 = arith.subi %shift_right_arithmetic3A_545, %while3A_600 : i32
            %while3A_603 = arith.addi %while3A_600, %while3A_602 : i32
            %while3A_604 = arith.constant 1 : i32
            %while3A_605 = arith.divsi %while3A_602, %while3A_604 : i32
            %while3A_606 = arith.muli %while3A_605, %while3A_604 : i32
            %while3A_607 = arith.addi %while3A_600, %while3A_606 : i32
            %while3A_608 = arith.constant 1 : i32
            %while3A_609 = scf.for %while3A_618 = %while3A_600 to %while3A_607 step %while3A_608 iter_args(%while3A_619 = %while3A_601) -> (i32)  : i32 {
              %mul3A_620 = arith.constant 16 : i32
              %mul3A_621 = arith.muli %while3A_618, %mul3A_620 : i32
              %get3A_622 = arith.index_cast %mul3A_621 : i32 to index
              %get3A_623 = tpu.vector_load %arg9[%get3A_622] {strides = array<i32>} : memref<2064xf32, #tpu.memory_space<vmem>>, vector<16xf32>,
              %mul3A_624 = arith.constant 16 : i32
              %mul3A_625 = arith.muli %while3A_618, %mul3A_624 : i32
              %get3A_626 = arith.index_cast %mul3A_625 : i32 to index
              %get3A_627 = tpu.vector_load %arg10[%get3A_626] {strides = array<i32>} : memref<2064xi32, #tpu.memory_space<vmem>>, vector<16xi32>,
              %eq3A_628 = arith.cmpi eq, %get3A_627, %broadcast_in_dim3A_599 : vector<16xi32>
              %jit3A_629 = arith.constant 1.000000e+30 : f32
              %broadcast_in_dim3A_630 = vector.broadcast %jit3A_629 : f32 to vector<16xf32>
              %select_n3A_631 = arith.select %eq3A_628, %broadcast_in_dim3A_630, %get3A_623 : vector<16xi1>, vector<16xf32>
              %mul3A_632 = arith.constant 16 : i32
              %mul3A_633 = arith.muli %while3A_618, %mul3A_632 : i32
              %swap3A_634 = arith.index_cast %mul3A_633 : i32 to index
              %swap3A_635 = tpu.vector_load %arg9[%swap3A_634] {strides = array<i32>} : memref<2064xf32, #tpu.memory_space<vmem>>, vector<16xf32>,
              tpu.vector_store %arg9[%swap3A_634], %select_n3A_631 {strides = array<i32>} : memref<2064xf32, #tpu.memory_space<vmem>>, vector<16xf32>,
              %while3A_636 = arith.constant 0 : i32
              scf.yield %while3A_636 : i32
            }
            %while3A_610 = arith.constant 1 : i32
            %while3A_611 = scf.for %while3A_618 = %while3A_607 to %while3A_603 step %while3A_610 iter_args(%while3A_619 = %while3A_609) -> (i32)  : i32 {
              %mul3A_620 = arith.constant 16 : i32
              %mul3A_621 = arith.muli %while3A_618, %mul3A_620 : i32
              %get3A_622 = arith.index_cast %mul3A_621 : i32 to index
              %get3A_623 = tpu.vector_load %arg9[%get3A_622] {strides = array<i32>} : memref<2064xf32, #tpu.memory_space<vmem>>, vector<16xf32>,
              %mul3A_624 = arith.constant 16 : i32
              %mul3A_625 = arith.muli %while3A_618, %mul3A_624 : i32
              %get3A_626 = arith.index_cast %mul3A_625 : i32 to index
              %get3A_627 = tpu.vector_load %arg10[%get3A_626] {strides = array<i32>} : memref<2064xi32, #tpu.memory_space<vmem>>, vector<16xi32>,
              %eq3A_628 = arith.cmpi eq, %get3A_627, %broadcast_in_dim3A_599 : vector<16xi32>
              %jit3A_629 = arith.constant 1.000000e+30 : f32
              %broadcast_in_dim3A_630 = vector.broadcast %jit3A_629 : f32 to vector<16xf32>
              %select_n3A_631 = arith.select %eq3A_628, %broadcast_in_dim3A_630, %get3A_623 : vector<16xi1>, vector<16xf32>
              %mul3A_632 = arith.constant 16 : i32
              %mul3A_633 = arith.muli %while3A_618, %mul3A_632 : i32
              %swap3A_634 = arith.index_cast %mul3A_633 : i32 to index
              %swap3A_635 = tpu.vector_load %arg9[%swap3A_634] {strides = array<i32>} : memref<2064xf32, #tpu.memory_space<vmem>>, vector<16xf32>,
              tpu.vector_store %arg9[%swap3A_634], %select_n3A_631 {strides = array<i32>} : memref<2064xf32, #tpu.memory_space<vmem>>, vector<16xf32>,
              %while3A_636 = arith.constant 0 : i32
              scf.yield %while3A_636 : i32
            }
            %add3A_612 = vector.broadcast %while3A_559 : i32 to vector<16xi32>
            %add3A_613 = arith.addi %broadcast_in_dim3A_348, %add3A_612 : vector<16xi32>
            %eq3A_614 = arith.constant 0 : i32
            %eq3A_615 = vector.broadcast %eq3A_614 : i32 to vector<16xi32>
            %eq3A_616 = arith.cmpi eq, %iota3A, %eq3A_615 : vector<16xi32>
            tpu.vector_store_idx %arg11[%add3A_613], %broadcast_in_dim3A_599 masked %eq3A_616 : memref<64xi32, #tpu.memory_space<vmem>>[vector<16xi32>], vector<16xi32>, vector<16xi1>
            %while3A_617 = arith.constant 0 : i32
            scf.yield %while3A_617 : i32
          }
          %while3A_556 = arith.constant 1 : i32
          %while3A_557 = scf.for %while3A_559 = %while3A_553 to %while3A_549 step %while3A_556 iter_args(%while3A_560 = %while3A_555) -> (i32)  : i32 {
            %broadcast_in_dim3A_561 = arith.constant 1.000000e+30 : f32
            %broadcast_in_dim3A_562 = vector.broadcast %broadcast_in_dim3A_561 : f32 to vector<16xf32>
            %while3A_563 = arith.constant 0 : i32
            %while3A_564 = arith.subi %shift_right_arithmetic3A_545, %while3A_563 : i32
            %while3A_565 = arith.addi %while3A_563, %while3A_564 : i32
            %while3A_566 = arith.constant 1 : i32
            %while3A_567 = arith.divsi %while3A_564, %while3A_566 : i32
            %while3A_568 = arith.muli %while3A_567, %while3A_566 : i32
            %while3A_569 = arith.addi %while3A_563, %while3A_568 : i32
            %while3A_570 = arith.constant 1 : i32
            %while3A_571 = scf.for %while3A_618 = %while3A_563 to %while3A_569 step %while3A_570 iter_args(%while3A_619 = %broadcast_in_dim3A_562) -> (vector<16xf32>)  : i32 {
              %mul3A_620 = arith.constant 16 : i32
              %mul3A_621 = arith.muli %while3A_618, %mul3A_620 : i32
              %get3A_622 = arith.index_cast %mul3A_621 : i32 to index
              %get3A_623 = tpu.vector_load %arg9[%get3A_622] {strides = array<i32>} : memref<2064xf32, #tpu.memory_space<vmem>>, vector<16xf32>,
              %mul3A_624 = arith.constant 16 : i32
              %mul3A_625 = arith.muli %while3A_618, %mul3A_624 : i32
              %add3A_626 = vector.broadcast %mul3A_625 : i32 to vector<16xi32>
              %add3A_627 = arith.addi %iota3A, %add3A_626 : vector<16xi32>
              %lt3A_628 = arith.cmpi slt, %add3A_627, %while3A_339#1 : vector<16xi32>
              %jit3A_629 = arith.constant 1.000000e+30 : f32
              %broadcast_in_dim3A_630 = vector.broadcast %jit3A_629 : f32 to vector<16xf32>
              %select_n3A_631 = arith.select %lt3A_628, %get3A_623, %broadcast_in_dim3A_630 : vector<16xi1>, vector<16xf32>
              %min3A = arith.minimumf %while3A_619, %select_n3A_631 : vector<16xf32>
              scf.yield %min3A : vector<16xf32>
            }
            %while3A_572 = arith.constant 1 : i32
            %while3A_573 = scf.for %while3A_618 = %while3A_569 to %while3A_565 step %while3A_572 iter_args(%while3A_619 = %while3A_571) -> (vector<16xf32>)  : i32 {
              %mul3A_620 = arith.constant 16 : i32
              %mul3A_621 = arith.muli %while3A_618, %mul3A_620 : i32
              %get3A_622 = arith.index_cast %mul3A_621 : i32 to index
              %get3A_623 = tpu.vector_load %arg9[%get3A_622] {strides = array<i32>} : memref<2064xf32, #tpu.memory_space<vmem>>, vector<16xf32>,
              %mul3A_624 = arith.constant 16 : i32
              %mul3A_625 = arith.muli %while3A_618, %mul3A_624 : i32
              %add3A_626 = vector.broadcast %mul3A_625 : i32 to vector<16xi32>
              %add3A_627 = arith.addi %iota3A, %add3A_626 : vector<16xi32>
              %lt3A_628 = arith.cmpi slt, %add3A_627, %while3A_339#1 : vector<16xi32>
              %jit3A_629 = arith.constant 1.000000e+30 : f32
              %broadcast_in_dim3A_630 = vector.broadcast %jit3A_629 : f32 to vector<16xf32>
              %select_n3A_631 = arith.select %lt3A_628, %get3A_623, %broadcast_in_dim3A_630 : vector<16xi1>, vector<16xf32>
              %min3A = arith.minimumf %while3A_619, %select_n3A_631 : vector<16xf32>
              scf.yield %min3A : vector<16xf32>
            }
            %reduce_min3A = arith.constant true
            %reduce_min3A_574 = vector.broadcast %reduce_min3A : i1 to vector<16xi1>
            %reduce_min3A_575 = tpu.scan <min>, %while3A_573 masked %reduce_min3A_574 : vector<16xf32>, vector<16xi1> -> vector<16xf32>
            %reduce_min3A_576 = vector.extract %reduce_min3A_575[15] : f32 from vector<16xf32>
            %broadcast_in_dim3A_577 = vector.broadcast %reduce_min3A_576 : f32 to vector<16xf32>
            %broadcast_in_dim3A_578 = arith.constant 1073741824 : i32
            %broadcast_in_dim3A_579 = vector.broadcast %broadcast_in_dim3A_578 : i32 to vector<16xi32>
            %while3A_580 = arith.constant 0 : i32
            %while3A_581 = arith.subi %shift_right_arithmetic3A_545, %while3A_580 : i32
            %while3A_582 = arith.addi %while3A_580, %while3A_581 : i32
            %while3A_583 = arith.constant 1 : i32
            %while3A_584 = arith.divsi %while3A_581, %while3A_583 : i32
            %while3A_585 = arith.muli %while3A_584, %while3A_583 : i32
            %while3A_586 = arith.addi %while3A_580, %while3A_585 : i32
            %while3A_587 = arith.constant 1 : i32
            %while3A_588 = scf.for %while3A_618 = %while3A_580 to %while3A_586 step %while3A_587 iter_args(%while3A_619 = %broadcast_in_dim3A_579) -> (vector<16xi32>)  : i32 {
              %mul3A_620 = arith.constant 16 : i32
              %mul3A_621 = arith.muli %while3A_618, %mul3A_620 : i32
              %get3A_622 = arith.index_cast %mul3A_621 : i32 to index
              %get3A_623 = tpu.vector_load %arg9[%get3A_622] {strides = array<i32>} : memref<2064xf32, #tpu.memory_space<vmem>>, vector<16xf32>,
              %mul3A_624 = arith.constant 16 : i32
              %mul3A_625 = arith.muli %while3A_618, %mul3A_624 : i32
              %get3A_626 = arith.index_cast %mul3A_625 : i32 to index
              %get3A_627 = tpu.vector_load %arg10[%get3A_626] {strides = array<i32>} : memref<2064xi32, #tpu.memory_space<vmem>>, vector<16xi32>,
              %mul3A_628 = arith.constant 16 : i32
              %mul3A_629 = arith.muli %while3A_618, %mul3A_628 : i32
              %add3A_630 = vector.broadcast %mul3A_629 : i32 to vector<16xi32>
              %add3A_631 = arith.addi %iota3A, %add3A_630 : vector<16xi32>
              %lt3A_632 = arith.cmpi slt, %add3A_631, %while3A_339#1 : vector<16xi32>
              %eq3A_633 = arith.cmpf oeq, %get3A_623, %broadcast_in_dim3A_577 : vector<16xf32>
              %and3A_634 = arith.andi %lt3A_632, %eq3A_633 : vector<16xi1>
              %jit3A_635 = arith.constant 1073741824 : i32
              %broadcast_in_dim3A_636 = vector.broadcast %jit3A_635 : i32 to vector<16xi32>
              %select_n3A_637 = arith.select %and3A_634, %get3A_627, %broadcast_in_dim3A_636 : vector<16xi1>, vector<16xi32>
              %min3A = arith.minsi %while3A_619, %select_n3A_637 : vector<16xi32>
              scf.yield %min3A : vector<16xi32>
            }
            %while3A_589 = arith.constant 1 : i32
            %while3A_590 = scf.for %while3A_618 = %while3A_586 to %while3A_582 step %while3A_589 iter_args(%while3A_619 = %while3A_588) -> (vector<16xi32>)  : i32 {
              %mul3A_620 = arith.constant 16 : i32
              %mul3A_621 = arith.muli %while3A_618, %mul3A_620 : i32
              %get3A_622 = arith.index_cast %mul3A_621 : i32 to index
              %get3A_623 = tpu.vector_load %arg9[%get3A_622] {strides = array<i32>} : memref<2064xf32, #tpu.memory_space<vmem>>, vector<16xf32>,
              %mul3A_624 = arith.constant 16 : i32
              %mul3A_625 = arith.muli %while3A_618, %mul3A_624 : i32
              %get3A_626 = arith.index_cast %mul3A_625 : i32 to index
              %get3A_627 = tpu.vector_load %arg10[%get3A_626] {strides = array<i32>} : memref<2064xi32, #tpu.memory_space<vmem>>, vector<16xi32>,
              %mul3A_628 = arith.constant 16 : i32
              %mul3A_629 = arith.muli %while3A_618, %mul3A_628 : i32
              %add3A_630 = vector.broadcast %mul3A_629 : i32 to vector<16xi32>
              %add3A_631 = arith.addi %iota3A, %add3A_630 : vector<16xi32>
              %lt3A_632 = arith.cmpi slt, %add3A_631, %while3A_339#1 : vector<16xi32>
              %eq3A_633 = arith.cmpf oeq, %get3A_623, %broadcast_in_dim3A_577 : vector<16xf32>
              %and3A_634 = arith.andi %lt3A_632, %eq3A_633 : vector<16xi1>
              %jit3A_635 = arith.constant 1073741824 : i32
              %broadcast_in_dim3A_636 = vector.broadcast %jit3A_635 : i32 to vector<16xi32>
              %select_n3A_637 = arith.select %and3A_634, %get3A_627, %broadcast_in_dim3A_636 : vector<16xi1>, vector<16xi32>
              %min3A = arith.minsi %while3A_619, %select_n3A_637 : vector<16xi32>
              scf.yield %min3A : vector<16xi32>
            }
            %reduce_min3A_591 = arith.constant true
            %reduce_min3A_592 = vector.broadcast %reduce_min3A_591 : i1 to vector<16xi1>
            %reduce_min3A_593 = arith.constant -2147483648 : i32
            %reduce_min3A_594 = vector.broadcast %reduce_min3A_593 : i32 to vector<16xi32>
            %reduce_min3A_595 = arith.xori %while3A_590, %reduce_min3A_594 : vector<16xi32>
            %reduce_min3A_596 = tpu.scan <min>, %reduce_min3A_595 masked %reduce_min3A_592 : vector<16xi32>, vector<16xi1> -> vector<16xi32>
            %reduce_min3A_597 = arith.xori %reduce_min3A_596, %reduce_min3A_594 : vector<16xi32>
            %reduce_min3A_598 = vector.extract %reduce_min3A_597[15] : i32 from vector<16xi32>
            %broadcast_in_dim3A_599 = vector.broadcast %reduce_min3A_598 : i32 to vector<16xi32>
            %while3A_600 = arith.constant 0 : i32
            %while3A_601 = arith.constant 0 : i32
            %while3A_602 = arith.subi %shift_right_arithmetic3A_545, %while3A_600 : i32
            %while3A_603 = arith.addi %while3A_600, %while3A_602 : i32
            %while3A_604 = arith.constant 1 : i32
            %while3A_605 = arith.divsi %while3A_602, %while3A_604 : i32
            %while3A_606 = arith.muli %while3A_605, %while3A_604 : i32
            %while3A_607 = arith.addi %while3A_600, %while3A_606 : i32
            %while3A_608 = arith.constant 1 : i32
            %while3A_609 = scf.for %while3A_618 = %while3A_600 to %while3A_607 step %while3A_608 iter_args(%while3A_619 = %while3A_601) -> (i32)  : i32 {
              %mul3A_620 = arith.constant 16 : i32
              %mul3A_621 = arith.muli %while3A_618, %mul3A_620 : i32
              %get3A_622 = arith.index_cast %mul3A_621 : i32 to index
              %get3A_623 = tpu.vector_load %arg9[%get3A_622] {strides = array<i32>} : memref<2064xf32, #tpu.memory_space<vmem>>, vector<16xf32>,
              %mul3A_624 = arith.constant 16 : i32
              %mul3A_625 = arith.muli %while3A_618, %mul3A_624 : i32
              %get3A_626 = arith.index_cast %mul3A_625 : i32 to index
              %get3A_627 = tpu.vector_load %arg10[%get3A_626] {strides = array<i32>} : memref<2064xi32, #tpu.memory_space<vmem>>, vector<16xi32>,
              %eq3A_628 = arith.cmpi eq, %get3A_627, %broadcast_in_dim3A_599 : vector<16xi32>
              %jit3A_629 = arith.constant 1.000000e+30 : f32
              %broadcast_in_dim3A_630 = vector.broadcast %jit3A_629 : f32 to vector<16xf32>
              %select_n3A_631 = arith.select %eq3A_628, %broadcast_in_dim3A_630, %get3A_623 : vector<16xi1>, vector<16xf32>
              %mul3A_632 = arith.constant 16 : i32
              %mul3A_633 = arith.muli %while3A_618, %mul3A_632 : i32
              %swap3A_634 = arith.index_cast %mul3A_633 : i32 to index
              %swap3A_635 = tpu.vector_load %arg9[%swap3A_634] {strides = array<i32>} : memref<2064xf32, #tpu.memory_space<vmem>>, vector<16xf32>,
              tpu.vector_store %arg9[%swap3A_634], %select_n3A_631 {strides = array<i32>} : memref<2064xf32, #tpu.memory_space<vmem>>, vector<16xf32>,
              %while3A_636 = arith.constant 0 : i32
              scf.yield %while3A_636 : i32
            }
            %while3A_610 = arith.constant 1 : i32
            %while3A_611 = scf.for %while3A_618 = %while3A_607 to %while3A_603 step %while3A_610 iter_args(%while3A_619 = %while3A_609) -> (i32)  : i32 {
              %mul3A_620 = arith.constant 16 : i32
              %mul3A_621 = arith.muli %while3A_618, %mul3A_620 : i32
              %get3A_622 = arith.index_cast %mul3A_621 : i32 to index
              %get3A_623 = tpu.vector_load %arg9[%get3A_622] {strides = array<i32>} : memref<2064xf32, #tpu.memory_space<vmem>>, vector<16xf32>,
              %mul3A_624 = arith.constant 16 : i32
              %mul3A_625 = arith.muli %while3A_618, %mul3A_624 : i32
              %get3A_626 = arith.index_cast %mul3A_625 : i32 to index
              %get3A_627 = tpu.vector_load %arg10[%get3A_626] {strides = array<i32>} : memref<2064xi32, #tpu.memory_space<vmem>>, vector<16xi32>,
              %eq3A_628 = arith.cmpi eq, %get3A_627, %broadcast_in_dim3A_599 : vector<16xi32>
              %jit3A_629 = arith.constant 1.000000e+30 : f32
              %broadcast_in_dim3A_630 = vector.broadcast %jit3A_629 : f32 to vector<16xf32>
              %select_n3A_631 = arith.select %eq3A_628, %broadcast_in_dim3A_630, %get3A_623 : vector<16xi1>, vector<16xf32>
              %mul3A_632 = arith.constant 16 : i32
              %mul3A_633 = arith.muli %while3A_618, %mul3A_632 : i32
              %swap3A_634 = arith.index_cast %mul3A_633 : i32 to index
              %swap3A_635 = tpu.vector_load %arg9[%swap3A_634] {strides = array<i32>} : memref<2064xf32, #tpu.memory_space<vmem>>, vector<16xf32>,
              tpu.vector_store %arg9[%swap3A_634], %select_n3A_631 {strides = array<i32>} : memref<2064xf32, #tpu.memory_space<vmem>>, vector<16xf32>,
              %while3A_636 = arith.constant 0 : i32
              scf.yield %while3A_636 : i32
            }
            %add3A_612 = vector.broadcast %while3A_559 : i32 to vector<16xi32>
            %add3A_613 = arith.addi %broadcast_in_dim3A_348, %add3A_612 : vector<16xi32>
            %eq3A_614 = arith.constant 0 : i32
            %eq3A_615 = vector.broadcast %eq3A_614 : i32 to vector<16xi32>
            %eq3A_616 = arith.cmpi eq, %iota3A, %eq3A_615 : vector<16xi32>
            tpu.vector_store_idx %arg11[%add3A_613], %broadcast_in_dim3A_599 masked %eq3A_616 : memref<64xi32, #tpu.memory_space<vmem>>[vector<16xi32>], vector<16xi32>, vector<16xi1>
            %while3A_617 = arith.constant 0 : i32
            scf.yield %while3A_617 : i32
          }
          %cond3A_558 = arith.constant 0 : i32
          scf.yield %cond3A_558 : i32
        }
        %mul3A_356 = arith.constant 3 : i32
        %mul3A_357 = arith.muli %add3A_254, %mul3A_356 : i32
        %broadcast_in_dim3A_358 = vector.broadcast %mul3A_357 : i32 to vector<16xi32>
        %gather3A = tpu.vector_load_idx %arg6[%broadcast_in_dim3A_358] : memref<6144xf32, #tpu.memory_space<vmem>>[vector<16xi32>], vector<16xf32>,
        %add3A_359 = arith.constant 1 : i32
        %add3A_360 = vector.broadcast %add3A_359 : i32 to vector<16xi32>
        %add3A_361 = arith.addi %broadcast_in_dim3A_358, %add3A_360 : vector<16xi32>
        %gather3A_362 = tpu.vector_load_idx %arg6[%add3A_361] : memref<6144xf32, #tpu.memory_space<vmem>>[vector<16xi32>], vector<16xf32>,
        %add3A_363 = arith.constant 2 : i32
        %add3A_364 = vector.broadcast %add3A_363 : i32 to vector<16xi32>
        %add3A_365 = arith.addi %broadcast_in_dim3A_358, %add3A_364 : vector<16xi32>
        %gather3A_366 = tpu.vector_load_idx %arg6[%add3A_365] : memref<6144xf32, #tpu.memory_space<vmem>>[vector<16xi32>], vector<16xf32>,
        %scan3A_367 = arith.constant 0 : i32
        %scan3A_368 = arith.constant 0 : i32
        %mul3A_369 = arith.constant 16 : i32
        %mul3A_370 = arith.muli %scan3A_368, %mul3A_369 : i32
        %get3A_371 = arith.index_cast %mul3A_370 : i32 to index
        %get3A_372 = tpu.vector_load %arg11[%get3A_371] {strides = array<i32>} : memref<64xi32, #tpu.memory_space<vmem>>, vector<16xi32>,
        %mul3A_373 = arith.constant 3 : i32
        %mul3A_374 = vector.broadcast %mul3A_373 : i32 to vector<16xi32>
        %mul3A_375 = arith.muli %get3A_372, %mul3A_374 : vector<16xi32>
        %gather3A_376 = tpu.vector_load_idx %arg6[%mul3A_375] : memref<6144xf32, #tpu.memory_space<vmem>>[vector<16xi32>], vector<16xf32>,
        %sub3A_377 = arith.subf %gather3A_376, %gather3A : vector<16xf32>
        %add3A_378 = arith.constant 1 : i32
        %add3A_379 = vector.broadcast %add3A_378 : i32 to vector<16xi32>
        %add3A_380 = arith.addi %mul3A_375, %add3A_379 : vector<16xi32>
        %gather3A_381 = tpu.vector_load_idx %arg6[%add3A_380] : memref<6144xf32, #tpu.memory_space<vmem>>[vector<16xi32>], vector<16xf32>,
        %sub3A_382 = arith.subf %gather3A_381, %gather3A_362 : vector<16xf32>
        %add3A_383 = arith.constant 2 : i32
        %add3A_384 = vector.broadcast %add3A_383 : i32 to vector<16xi32>
        %add3A_385 = arith.addi %mul3A_375, %add3A_384 : vector<16xi32>
        %gather3A_386 = tpu.vector_load_idx %arg6[%add3A_385] : memref<6144xf32, #tpu.memory_space<vmem>>[vector<16xi32>], vector<16xf32>,
        %sub3A_387 = arith.subf %gather3A_386, %gather3A_366 : vector<16xf32>
        %mul3A_388 = arith.mulf %sub3A_377, %sub3A_377 : vector<16xf32>
        %mul3A_389 = arith.mulf %sub3A_382, %sub3A_382 : vector<16xf32>
        %add3A_390 = arith.addf %mul3A_388, %mul3A_389 : vector<16xf32>
        %mul3A_391 = arith.mulf %sub3A_387, %sub3A_387 : vector<16xf32>
        %add3A_392 = arith.addf %add3A_390, %mul3A_391 : vector<16xf32>
        %mul3A_393 = arith.constant 64 : i32
        %mul3A_394 = arith.muli %scan3A_249, %mul3A_393 : i32
        %add3A_395 = vector.broadcast %mul3A_394 : i32 to vector<16xi32>
        %add3A_396 = arith.addi %add3A_395, %iota3A : vector<16xi32>
        %mul3A_397 = arith.constant 16 : i32
        %mul3A_398 = arith.muli %scan3A_368, %mul3A_397 : i32
        %add3A_399 = vector.broadcast %mul3A_398 : i32 to vector<16xi32>
        %add3A_400 = arith.addi %add3A_396, %add3A_399 : vector<16xi32>
        tpu.vector_store_idx %arg16[%add3A_400], %sub3A_377 : memref<2048xf32, #tpu.memory_space<vmem>>[vector<16xi32>], vector<16xf32>,
        %add3A_401 = arith.constant 512 : i32
        %add3A_402 = vector.broadcast %add3A_401 : i32 to vector<16xi32>
        %add3A_403 = arith.addi %add3A_400, %add3A_402 : vector<16xi32>
        tpu.vector_store_idx %arg16[%add3A_403], %sub3A_382 : memref<2048xf32, #tpu.memory_space<vmem>>[vector<16xi32>], vector<16xf32>,
        %add3A_404 = arith.constant 1024 : i32
        %add3A_405 = vector.broadcast %add3A_404 : i32 to vector<16xi32>
        %add3A_406 = arith.addi %add3A_400, %add3A_405 : vector<16xi32>
        tpu.vector_store_idx %arg16[%add3A_406], %sub3A_387 : memref<2048xf32, #tpu.memory_space<vmem>>[vector<16xi32>], vector<16xf32>,
        %add3A_407 = arith.constant 1536 : i32
        %add3A_408 = vector.broadcast %add3A_407 : i32 to vector<16xi32>
        %add3A_409 = arith.addi %add3A_400, %add3A_408 : vector<16xi32>
        tpu.vector_store_idx %arg16[%add3A_409], %add3A_392 : memref<2048xf32, #tpu.memory_space<vmem>>[vector<16xi32>], vector<16xf32>,
        %scan3A_410 = arith.constant 0 : i32
        %scan3A_411 = arith.constant 1 : i32
        %mul3A_412 = arith.constant 16 : i32
        %mul3A_413 = arith.muli %scan3A_411, %mul3A_412 : i32
        %get3A_414 = arith.index_cast %mul3A_413 : i32 to index
        %get3A_415 = tpu.vector_load %arg11[%get3A_414] {strides = array<i32>} : memref<64xi32, #tpu.memory_space<vmem>>, vector<16xi32>,
        %mul3A_416 = arith.constant 3 : i32
        %mul3A_417 = vector.broadcast %mul3A_416 : i32 to vector<16xi32>
        %mul3A_418 = arith.muli %get3A_415, %mul3A_417 : vector<16xi32>
        %gather3A_419 = tpu.vector_load_idx %arg6[%mul3A_418] : memref<6144xf32, #tpu.memory_space<vmem>>[vector<16xi32>], vector<16xf32>,
        %sub3A_420 = arith.subf %gather3A_419, %gather3A : vector<16xf32>
        %add3A_421 = arith.constant 1 : i32
        %add3A_422 = vector.broadcast %add3A_421 : i32 to vector<16xi32>
        %add3A_423 = arith.addi %mul3A_418, %add3A_422 : vector<16xi32>
        %gather3A_424 = tpu.vector_load_idx %arg6[%add3A_423] : memref<6144xf32, #tpu.memory_space<vmem>>[vector<16xi32>], vector<16xf32>,
        %sub3A_425 = arith.subf %gather3A_424, %gather3A_362 : vector<16xf32>
        %add3A_426 = arith.constant 2 : i32
        %add3A_427 = vector.broadcast %add3A_426 : i32 to vector<16xi32>
        %add3A_428 = arith.addi %mul3A_418, %add3A_427 : vector<16xi32>
        %gather3A_429 = tpu.vector_load_idx %arg6[%add3A_428] : memref<6144xf32, #tpu.memory_space<vmem>>[vector<16xi32>], vector<16xf32>,
        %sub3A_430 = arith.subf %gather3A_429, %gather3A_366 : vector<16xf32>
        %mul3A_431 = arith.mulf %sub3A_420, %sub3A_420 : vector<16xf32>
        %mul3A_432 = arith.mulf %sub3A_425, %sub3A_425 : vector<16xf32>
        %add3A_433 = arith.addf %mul3A_431, %mul3A_432 : vector<16xf32>
        %mul3A_434 = arith.mulf %sub3A_430, %sub3A_430 : vector<16xf32>
        %add3A_435 = arith.addf %add3A_433, %mul3A_434 : vector<16xf32>
        %mul3A_436 = arith.constant 64 : i32
        %mul3A_437 = arith.muli %scan3A_249, %mul3A_436 : i32
        %add3A_438 = vector.broadcast %mul3A_437 : i32 to vector<16xi32>
        %add3A_439 = arith.addi %add3A_438, %iota3A : vector<16xi32>
        %mul3A_440 = arith.constant 16 : i32
        %mul3A_441 = arith.muli %scan3A_411, %mul3A_440 : i32
        %add3A_442 = vector.broadcast %mul3A_441 : i32 to vector<16xi32>
        %add3A_443 = arith.addi %add3A_439, %add3A_442 : vector<16xi32>
        tpu.vector_store_idx %arg16[%add3A_443], %sub3A_420 : memref<2048xf32, #tpu.memory_space<vmem>>[vector<16xi32>], vector<16xf32>,
        %add3A_444 = arith.constant 512 : i32
        %add3A_445 = vector.broadcast %add3A_444 : i32 to vector<16xi32>
        %add3A_446 = arith.addi %add3A_443, %add3A_445 : vector<16xi32>
        tpu.vector_store_idx %arg16[%add3A_446], %sub3A_425 : memref<2048xf32, #tpu.memory_space<vmem>>[vector<16xi32>], vector<16xf32>,
        %add3A_447 = arith.constant 1024 : i32
        %add3A_448 = vector.broadcast %add3A_447 : i32 to vector<16xi32>
        %add3A_449 = arith.addi %add3A_443, %add3A_448 : vector<16xi32>
        tpu.vector_store_idx %arg16[%add3A_449], %sub3A_430 : memref<2048xf32, #tpu.memory_space<vmem>>[vector<16xi32>], vector<16xf32>,
        %add3A_450 = arith.constant 1536 : i32
        %add3A_451 = vector.broadcast %add3A_450 : i32 to vector<16xi32>
        %add3A_452 = arith.addi %add3A_443, %add3A_451 : vector<16xi32>
        tpu.vector_store_idx %arg16[%add3A_452], %add3A_435 : memref<2048xf32, #tpu.memory_space<vmem>>[vector<16xi32>], vector<16xf32>,
        %scan3A_453 = arith.constant 0 : i32
        %scan3A_454 = arith.constant 2 : i32
        %mul3A_455 = arith.constant 16 : i32
        %mul3A_456 = arith.muli %scan3A_454, %mul3A_455 : i32
        %get3A_457 = arith.index_cast %mul3A_456 : i32 to index
        %get3A_458 = tpu.vector_load %arg11[%get3A_457] {strides = array<i32>} : memref<64xi32, #tpu.memory_space<vmem>>, vector<16xi32>,
        %mul3A_459 = arith.constant 3 : i32
        %mul3A_460 = vector.broadcast %mul3A_459 : i32 to vector<16xi32>
        %mul3A_461 = arith.muli %get3A_458, %mul3A_460 : vector<16xi32>
        %gather3A_462 = tpu.vector_load_idx %arg6[%mul3A_461] : memref<6144xf32, #tpu.memory_space<vmem>>[vector<16xi32>], vector<16xf32>,
        %sub3A_463 = arith.subf %gather3A_462, %gather3A : vector<16xf32>
        %add3A_464 = arith.constant 1 : i32
        %add3A_465 = vector.broadcast %add3A_464 : i32 to vector<16xi32>
        %add3A_466 = arith.addi %mul3A_461, %add3A_465 : vector<16xi32>
        %gather3A_467 = tpu.vector_load_idx %arg6[%add3A_466] : memref<6144xf32, #tpu.memory_space<vmem>>[vector<16xi32>], vector<16xf32>,
        %sub3A_468 = arith.subf %gather3A_467, %gather3A_362 : vector<16xf32>
        %add3A_469 = arith.constant 2 : i32
        %add3A_470 = vector.broadcast %add3A_469 : i32 to vector<16xi32>
        %add3A_471 = arith.addi %mul3A_461, %add3A_470 : vector<16xi32>
        %gather3A_472 = tpu.vector_load_idx %arg6[%add3A_471] : memref<6144xf32, #tpu.memory_space<vmem>>[vector<16xi32>], vector<16xf32>,
        %sub3A_473 = arith.subf %gather3A_472, %gather3A_366 : vector<16xf32>
        %mul3A_474 = arith.mulf %sub3A_463, %sub3A_463 : vector<16xf32>
        %mul3A_475 = arith.mulf %sub3A_468, %sub3A_468 : vector<16xf32>
        %add3A_476 = arith.addf %mul3A_474, %mul3A_475 : vector<16xf32>
        %mul3A_477 = arith.mulf %sub3A_473, %sub3A_473 : vector<16xf32>
        %add3A_478 = arith.addf %add3A_476, %mul3A_477 : vector<16xf32>
        %mul3A_479 = arith.constant 64 : i32
        %mul3A_480 = arith.muli %scan3A_249, %mul3A_479 : i32
        %add3A_481 = vector.broadcast %mul3A_480 : i32 to vector<16xi32>
        %add3A_482 = arith.addi %add3A_481, %iota3A : vector<16xi32>
        %mul3A_483 = arith.constant 16 : i32
        %mul3A_484 = arith.muli %scan3A_454, %mul3A_483 : i32
        %add3A_485 = vector.broadcast %mul3A_484 : i32 to vector<16xi32>
        %add3A_486 = arith.addi %add3A_482, %add3A_485 : vector<16xi32>
        tpu.vector_store_idx %arg16[%add3A_486], %sub3A_463 : memref<2048xf32, #tpu.memory_space<vmem>>[vector<16xi32>], vector<16xf32>,
        %add3A_487 = arith.constant 512 : i32
        %add3A_488 = vector.broadcast %add3A_487 : i32 to vector<16xi32>
        %add3A_489 = arith.addi %add3A_486, %add3A_488 : vector<16xi32>
        tpu.vector_store_idx %arg16[%add3A_489], %sub3A_468 : memref<2048xf32, #tpu.memory_space<vmem>>[vector<16xi32>], vector<16xf32>,
        %add3A_490 = arith.constant 1024 : i32
        %add3A_491 = vector.broadcast %add3A_490 : i32 to vector<16xi32>
        %add3A_492 = arith.addi %add3A_486, %add3A_491 : vector<16xi32>
        tpu.vector_store_idx %arg16[%add3A_492], %sub3A_473 : memref<2048xf32, #tpu.memory_space<vmem>>[vector<16xi32>], vector<16xf32>,
        %add3A_493 = arith.constant 1536 : i32
        %add3A_494 = vector.broadcast %add3A_493 : i32 to vector<16xi32>
        %add3A_495 = arith.addi %add3A_486, %add3A_494 : vector<16xi32>
        tpu.vector_store_idx %arg16[%add3A_495], %add3A_478 : memref<2048xf32, #tpu.memory_space<vmem>>[vector<16xi32>], vector<16xf32>,
        %scan3A_496 = arith.constant 0 : i32
        %scan3A_497 = arith.constant 3 : i32
        %mul3A_498 = arith.constant 16 : i32
        %mul3A_499 = arith.muli %scan3A_497, %mul3A_498 : i32
        %get3A_500 = arith.index_cast %mul3A_499 : i32 to index
        %get3A_501 = tpu.vector_load %arg11[%get3A_500] {strides = array<i32>} : memref<64xi32, #tpu.memory_space<vmem>>, vector<16xi32>,
        %mul3A_502 = arith.constant 3 : i32
        %mul3A_503 = vector.broadcast %mul3A_502 : i32 to vector<16xi32>
        %mul3A_504 = arith.muli %get3A_501, %mul3A_503 : vector<16xi32>
        %gather3A_505 = tpu.vector_load_idx %arg6[%mul3A_504] : memref<6144xf32, #tpu.memory_space<vmem>>[vector<16xi32>], vector<16xf32>,
        %sub3A_506 = arith.subf %gather3A_505, %gather3A : vector<16xf32>
        %add3A_507 = arith.constant 1 : i32
        %add3A_508 = vector.broadcast %add3A_507 : i32 to vector<16xi32>
        %add3A_509 = arith.addi %mul3A_504, %add3A_508 : vector<16xi32>
        %gather3A_510 = tpu.vector_load_idx %arg6[%add3A_509] : memref<6144xf32, #tpu.memory_space<vmem>>[vector<16xi32>], vector<16xf32>,
        %sub3A_511 = arith.subf %gather3A_510, %gather3A_362 : vector<16xf32>
        %add3A_512 = arith.constant 2 : i32
        %add3A_513 = vector.broadcast %add3A_512 : i32 to vector<16xi32>
        %add3A_514 = arith.addi %mul3A_504, %add3A_513 : vector<16xi32>
        %gather3A_515 = tpu.vector_load_idx %arg6[%add3A_514] : memref<6144xf32, #tpu.memory_space<vmem>>[vector<16xi32>], vector<16xf32>,
        %sub3A_516 = arith.subf %gather3A_515, %gather3A_366 : vector<16xf32>
        %mul3A_517 = arith.mulf %sub3A_506, %sub3A_506 : vector<16xf32>
        %mul3A_518 = arith.mulf %sub3A_511, %sub3A_511 : vector<16xf32>
        %add3A_519 = arith.addf %mul3A_517, %mul3A_518 : vector<16xf32>
        %mul3A_520 = arith.mulf %sub3A_516, %sub3A_516 : vector<16xf32>
        %add3A_521 = arith.addf %add3A_519, %mul3A_520 : vector<16xf32>
        %mul3A_522 = arith.constant 64 : i32
        %mul3A_523 = arith.muli %scan3A_249, %mul3A_522 : i32
        %add3A_524 = vector.broadcast %mul3A_523 : i32 to vector<16xi32>
        %add3A_525 = arith.addi %add3A_524, %iota3A : vector<16xi32>
        %mul3A_526 = arith.constant 16 : i32
        %mul3A_527 = arith.muli %scan3A_497, %mul3A_526 : i32
        %add3A_528 = vector.broadcast %mul3A_527 : i32 to vector<16xi32>
        %add3A_529 = arith.addi %add3A_525, %add3A_528 : vector<16xi32>
        tpu.vector_store_idx %arg16[%add3A_529], %sub3A_506 : memref<2048xf32, #tpu.memory_space<vmem>>[vector<16xi32>], vector<16xf32>,
        %add3A_530 = arith.constant 512 : i32
        %add3A_531 = vector.broadcast %add3A_530 : i32 to vector<16xi32>
        %add3A_532 = arith.addi %add3A_529, %add3A_531 : vector<16xi32>
        tpu.vector_store_idx %arg16[%add3A_532], %sub3A_511 : memref<2048xf32, #tpu.memory_space<vmem>>[vector<16xi32>], vector<16xf32>,
        %add3A_533 = arith.constant 1024 : i32
        %add3A_534 = vector.broadcast %add3A_533 : i32 to vector<16xi32>
        %add3A_535 = arith.addi %add3A_529, %add3A_534 : vector<16xi32>
        tpu.vector_store_idx %arg16[%add3A_535], %sub3A_516 : memref<2048xf32, #tpu.memory_space<vmem>>[vector<16xi32>], vector<16xf32>,
        %add3A_536 = arith.constant 1536 : i32
        %add3A_537 = vector.broadcast %add3A_536 : i32 to vector<16xi32>
        %add3A_538 = arith.addi %add3A_529, %add3A_537 : vector<16xi32>
        tpu.vector_store_idx %arg16[%add3A_538], %add3A_521 : memref<2048xf32, #tpu.memory_space<vmem>>[vector<16xi32>], vector<16xf32>,
        %scan3A_539 = arith.constant 0 : i32
        %scan3A_540 = arith.constant 4 : i32
        %scan3A_541 = arith.constant 0 : i32
        scf.yield %scan3A_541 : i32
      }
      %scan3A_188 = arith.constant 8 : i32
      %mul3A_189 = arith.constant 8 : i32
      %mul3A_190 = arith.muli %add3A_165, %mul3A_189 : i32
      %add3A_191 = arith.addi %add3A_38, %mul3A_190 : i32
      %mul3A_192 = arith.constant 64 : i32
      %mul3A_193 = arith.muli %add3A_191, %mul3A_192 : i32
      %add3A_194 = arith.constant 0 : i32
      %add3A_195 = arith.addi %add3A_194, %mul3A_193 : i32
      %dma_start3A_196 = arith.constant 0 : i32
      %dma_start3A_197 = tpu.memref_slice %arg16[%dma_start3A_196] : memref<2048xf32, #tpu.memory_space<vmem>> -> memref<512xf32, #tpu.memory_space<vmem>>
      %dma_start3A_198 = tpu.memref_slice %arg4[%add3A_195] : memref<2097152xf32, #tpu.memory_space<hbm>> -> memref<512xf32, #tpu.memory_space<hbm>>
      %dma_start3A_199 = tpu.memref_slice %arg4[%add3A_195] : memref<2097152xf32, #tpu.memory_space<hbm>> -> memref<512xf32, #tpu.memory_space<hbm>>
      %dma_start3A_200 = arith.constant 0 : i32
      %dma_start3A_201 = tpu.memref_slice %arg16[%dma_start3A_200] : memref<2048xf32, #tpu.memory_space<vmem>> -> memref<512xf32, #tpu.memory_space<vmem>>
      tpu.enqueue_dma source(%dma_start3A_201 : memref<512xf32, #tpu.memory_space<vmem>>) target(%dma_start3A_199 : memref<512xf32, #tpu.memory_space<hbm>>) target_semaphore(%arg20 : memref<!tpu.dma_semaphore, #tpu.memory_space<semaphore_mem>>)
      %mul3A_202 = arith.constant 8 : i32
      %mul3A_203 = arith.muli %add3A_165, %mul3A_202 : i32
      %add3A_204 = arith.addi %add3A_38, %mul3A_203 : i32
      %mul3A_205 = arith.constant 64 : i32
      %mul3A_206 = arith.muli %add3A_204, %mul3A_205 : i32
      %add3A_207 = arith.constant 524288 : i32
      %add3A_208 = arith.addi %add3A_207, %mul3A_206 : i32
      %dma_start3A_209 = arith.constant 512 : i32
      %dma_start3A_210 = tpu.memref_slice %arg16[%dma_start3A_209] : memref<2048xf32, #tpu.memory_space<vmem>> -> memref<512xf32, #tpu.memory_space<vmem>>
      %dma_start3A_211 = tpu.memref_slice %arg4[%add3A_208] : memref<2097152xf32, #tpu.memory_space<hbm>> -> memref<512xf32, #tpu.memory_space<hbm>>
      %dma_start3A_212 = tpu.memref_slice %arg4[%add3A_208] : memref<2097152xf32, #tpu.memory_space<hbm>> -> memref<512xf32, #tpu.memory_space<hbm>>
      %dma_start3A_213 = arith.constant 512 : i32
      %dma_start3A_214 = tpu.memref_slice %arg16[%dma_start3A_213] : memref<2048xf32, #tpu.memory_space<vmem>> -> memref<512xf32, #tpu.memory_space<vmem>>
      tpu.enqueue_dma source(%dma_start3A_214 : memref<512xf32, #tpu.memory_space<vmem>>) target(%dma_start3A_212 : memref<512xf32, #tpu.memory_space<hbm>>) target_semaphore(%arg20 : memref<!tpu.dma_semaphore, #tpu.memory_space<semaphore_mem>>)
      %mul3A_215 = arith.constant 8 : i32
      %mul3A_216 = arith.muli %add3A_165, %mul3A_215 : i32
      %add3A_217 = arith.addi %add3A_38, %mul3A_216 : i32
      %mul3A_218 = arith.constant 64 : i32
      %mul3A_219 = arith.muli %add3A_217, %mul3A_218 : i32
      %add3A_220 = arith.constant 1048576 : i32
      %add3A_221 = arith.addi %add3A_220, %mul3A_219 : i32
      %dma_start3A_222 = arith.constant 1024 : i32
      %dma_start3A_223 = tpu.memref_slice %arg16[%dma_start3A_222] : memref<2048xf32, #tpu.memory_space<vmem>> -> memref<512xf32, #tpu.memory_space<vmem>>
      %dma_start3A_224 = tpu.memref_slice %arg4[%add3A_221] : memref<2097152xf32, #tpu.memory_space<hbm>> -> memref<512xf32, #tpu.memory_space<hbm>>
      %dma_start3A_225 = tpu.memref_slice %arg4[%add3A_221] : memref<2097152xf32, #tpu.memory_space<hbm>> -> memref<512xf32, #tpu.memory_space<hbm>>
      %dma_start3A_226 = arith.constant 1024 : i32
      %dma_start3A_227 = tpu.memref_slice %arg16[%dma_start3A_226] : memref<2048xf32, #tpu.memory_space<vmem>> -> memref<512xf32, #tpu.memory_space<vmem>>
      tpu.enqueue_dma source(%dma_start3A_227 : memref<512xf32, #tpu.memory_space<vmem>>) target(%dma_start3A_225 : memref<512xf32, #tpu.memory_space<hbm>>) target_semaphore(%arg20 : memref<!tpu.dma_semaphore, #tpu.memory_space<semaphore_mem>>)
      %mul3A_228 = arith.constant 8 : i32
      %mul3A_229 = arith.muli %add3A_165, %mul3A_228 : i32
      %add3A_230 = arith.addi %add3A_38, %mul3A_229 : i32
      %mul3A_231 = arith.constant 64 : i32
      %mul3A_232 = arith.muli %add3A_230, %mul3A_231 : i32
      %add3A_233 = arith.constant 1572864 : i32
      %add3A_234 = arith.addi %add3A_233, %mul3A_232 : i32
      %dma_start3A_235 = arith.constant 1536 : i32
      %dma_start3A_236 = tpu.memref_slice %arg16[%dma_start3A_235] : memref<2048xf32, #tpu.memory_space<vmem>> -> memref<512xf32, #tpu.memory_space<vmem>>
      %dma_start3A_237 = tpu.memref_slice %arg4[%add3A_234] : memref<2097152xf32, #tpu.memory_space<hbm>> -> memref<512xf32, #tpu.memory_space<hbm>>
      %dma_start3A_238 = tpu.memref_slice %arg4[%add3A_234] : memref<2097152xf32, #tpu.memory_space<hbm>> -> memref<512xf32, #tpu.memory_space<hbm>>
      %dma_start3A_239 = arith.constant 1536 : i32
      %dma_start3A_240 = tpu.memref_slice %arg16[%dma_start3A_239] : memref<2048xf32, #tpu.memory_space<vmem>> -> memref<512xf32, #tpu.memory_space<vmem>>
      tpu.enqueue_dma source(%dma_start3A_240 : memref<512xf32, #tpu.memory_space<vmem>>) target(%dma_start3A_238 : memref<512xf32, #tpu.memory_space<hbm>>) target_semaphore(%arg20 : memref<!tpu.dma_semaphore, #tpu.memory_space<semaphore_mem>>)
      %add3A_241 = arith.constant 2 : i32
      %add3A_242 = arith.addi %add3A_165, %add3A_241 : i32
      %lt3A_243 = arith.constant 32 : i32
      %lt3A_244 = arith.cmpi slt, %add3A_242, %lt3A_243 : i32
      %convert_element_type3A_245 = arith.extui %lt3A_244 : i1 to i32
      %cond3A_246 = arith.constant 0 : i32
      %cond3A_247 = arith.cmpi ne, %convert_element_type3A_245, %cond3A_246 : i32
      scf.if %cond3A_247 {
        %add3A_249 = arith.constant 2 : i32
        %add3A_250 = arith.addi %add3A_165, %add3A_249 : i32
        %mul3A_251 = arith.constant 8 : i32
        %mul3A_252 = arith.muli %add3A_250, %mul3A_251 : i32
        %add3A_253 = arith.addi %add3A_38, %mul3A_252 : i32
        %mul3A_254 = arith.constant 2048 : i32
        %mul3A_255 = arith.muli %add3A_253, %mul3A_254 : i32
        %dma_start3A_256 = arith.constant 1 : i32
        %dma_start3A_257 = arith.constant 0 : i32
        %dma_start3A_258 = tpu.memref_slice %arg5[%dma_start3A_256, %dma_start3A_257] : memref<2x16384xf32, #tpu.memory_space<vmem>> -> memref<1x16384xf32, #tpu.memory_space<vmem>>
        %dma_start3A_259 = tpu.memref_squeeze %dma_start3A_258 : memref<1x16384xf32, #tpu.memory_space<vmem>> -> memref<16384xf32, #tpu.memory_space<vmem>>
        %dma_start3A_260 = tpu.memref_slice %arg2[%mul3A_255] : memref<16777216xf32, #tpu.memory_space<hbm>> -> memref<16384xf32, #tpu.memory_space<hbm>>
        %dma_start3A_261 = arith.constant 0 : i32
        %dma_start3A_262 = tpu.memref_slice %arg5[%dma_start3A_256, %dma_start3A_261] : memref<2x16384xf32, #tpu.memory_space<vmem>> -> memref<1x16384xf32, #tpu.memory_space<vmem>>
        %dma_start3A_263 = tpu.memref_squeeze %dma_start3A_262 : memref<1x16384xf32, #tpu.memory_space<vmem>> -> memref<16384xf32, #tpu.memory_space<vmem>>
        %dma_start3A_264 = tpu.memref_slice %arg2[%mul3A_255] : memref<16777216xf32, #tpu.memory_space<hbm>> -> memref<16384xf32, #tpu.memory_space<hbm>>
        tpu.enqueue_dma source(%dma_start3A_264 : memref<16384xf32, #tpu.memory_space<hbm>>) target(%dma_start3A_263 : memref<16384xf32, #tpu.memory_space<vmem>>) target_semaphore(%arg18 : memref<!tpu.dma_semaphore, #tpu.memory_space<semaphore_mem>>)
      } else {
      }
      %scan3A_248 = arith.constant 0 : i32
      scf.yield %scan3A_248 : i32
    }
    %scan3A_69 = arith.constant 16 : i32
    %dma_wait3A = arith.constant 0 : i32
    %dma_wait3A_70 = tpu.memref_slice %arg4[%dma_wait3A] : memref<2097152xf32, #tpu.memory_space<hbm>> -> memref<2048xf32, #tpu.memory_space<hbm>>
    %dma_wait3A_71 = arith.constant 0 : i32
    %dma_wait3A_72 = tpu.memref_slice %arg4[%dma_wait3A_71] : memref<2097152xf32, #tpu.memory_space<hbm>> -> memref<2048xf32, #tpu.memory_space<hbm>>
    tpu.wait_dma2 semaphore(%arg19 : memref<!tpu.dma_semaphore, #tpu.memory_space<semaphore_mem>>) src(%arg15 : memref<2048xf32, #tpu.memory_space<vmem>>) dst(%dma_wait3A_72 : memref<2048xf32, #tpu.memory_space<hbm>>)
    %dma_wait3A_73 = arith.constant 0 : i32
    %dma_wait3A_74 = tpu.memref_slice %arg4[%dma_wait3A_73] : memref<2097152xf32, #tpu.memory_space<hbm>> -> memref<2048xf32, #tpu.memory_space<hbm>>
    %dma_wait3A_75 = arith.constant 0 : i32
    %dma_wait3A_76 = tpu.memref_slice %arg4[%dma_wait3A_75] : memref<2097152xf32, #tpu.memory_space<hbm>> -> memref<2048xf32, #tpu.memory_space<hbm>>
    tpu.wait_dma2 semaphore(%arg20 : memref<!tpu.dma_semaphore, #tpu.memory_space<semaphore_mem>>) src(%arg16 : memref<2048xf32, #tpu.memory_space<vmem>>) dst(%dma_wait3A_76 : memref<2048xf32, #tpu.memory_space<hbm>>)
    return
  }
}

module attributes {stable_mosaic.version = 14 : i64} {
  func.func @_mlp_body(%arg0: i32, %arg1: memref<4x8192xf32, #tpu.memory_space<vmem>>, %arg2: memref<8192x128xf32, #tpu.memory_space<vmem>>, %arg3: memref<32x3xf32, #tpu.memory_space<vmem>>, %arg4: memref<32x1xf32, #tpu.memory_space<vmem>>, %arg5: memref<64x32xf32, #tpu.memory_space<vmem>>, %arg6: memref<64x1xf32, #tpu.memory_space<vmem>>, %arg7: memref<32x64xf32, #tpu.memory_space<vmem>>, %arg8: memref<32x1xf32, #tpu.memory_space<vmem>>, %arg9: memref<32x32xf32, #tpu.memory_space<vmem>>, %arg10: memref<32x1xf32, #tpu.memory_space<vmem>>, %arg11: memref<32x128xf32, #tpu.memory_space<vmem>>) attributes {dimension_semantics = [#tpu.dimension_semantics<arbitrary>], iteration_bounds = array<i64: 64>, scalar_prefetch = 0 : i64, scratch_operands = 0 : i64, tpu.core_type = #tpu.core_type<tc>, window_params = [{transform_indices = @transform_0, window_bounds = array<i64: 4, 8192>}, {pipeline_mode = #tpu.pipeline_mode<synchronous>, transform_indices = @transform_1, window_bounds = array<i64: 8192, 128>}, {pipeline_mode = #tpu.pipeline_mode<synchronous>, transform_indices = @transform_2, window_bounds = array<i64: 32, 3>}, {pipeline_mode = #tpu.pipeline_mode<synchronous>, transform_indices = @transform_3, window_bounds = array<i64: 32, 1>}, {pipeline_mode = #tpu.pipeline_mode<synchronous>, transform_indices = @transform_4, window_bounds = array<i64: 64, 32>}, {pipeline_mode = #tpu.pipeline_mode<synchronous>, transform_indices = @transform_5, window_bounds = array<i64: 64, 1>}, {pipeline_mode = #tpu.pipeline_mode<synchronous>, transform_indices = @transform_6, window_bounds = array<i64: 32, 64>}, {pipeline_mode = #tpu.pipeline_mode<synchronous>, transform_indices = @transform_7, window_bounds = array<i64: 32, 1>}, {pipeline_mode = #tpu.pipeline_mode<synchronous>, transform_indices = @transform_8, window_bounds = array<i64: 32, 32>}, {pipeline_mode = #tpu.pipeline_mode<synchronous>, transform_indices = @transform_9, window_bounds = array<i64: 32, 1>}, {transform_indices = @transform_10, window_bounds = array<i64: 32, 128>}]} {
    %get3A = arith.constant 0 : index
    %get3A_0 = arith.constant 0 : index
    %get3A_1 = vector.load %arg1[%get3A, %get3A_0] : memref<4x8192xf32, #tpu.memory_space<vmem>>, vector<3x8192xf32>
    %get3A_2 = arith.constant 3 : index
    %get3A_3 = arith.constant 0 : index
    %get3A_4 = vector.load %arg1[%get3A_2, %get3A_3] : memref<4x8192xf32, #tpu.memory_space<vmem>>, vector<1x8192xf32>
    %sqrt3A = math.sqrt %get3A_4 : vector<1x8192xf32>
    %get3A_5 = arith.constant 0 : index
    %get3A_6 = arith.constant 0 : index
    %get3A_7 = vector.load %arg3[%get3A_5, %get3A_6] : memref<32x3xf32, #tpu.memory_space<vmem>>, vector<32x3xf32>
    %dot_general3A = arith.constant dense<0.000000e+00> : vector<32x8192xf32>
    %dot_general3A_8 = tpu.matmul %get3A_7, %get3A_1, %dot_general3A {dimension_numbers = #tpu.dot_dimension_numbers<[1], [0], [0], [1], [0, 0, 1, 1], [], []>, transpose_lhs_hint = false} : vector<32x3xf32>, vector<3x8192xf32>, vector<32x8192xf32> -> vector<32x8192xf32>
    %get3A_9 = arith.constant 0 : index
    %get3A_10 = arith.constant 0 : index
    %get3A_11 = vector.load %arg4[%get3A_9, %get3A_10] : memref<32x1xf32, #tpu.memory_space<vmem>>, vector<32x1xf32>
    %add3A = vector.broadcast %get3A_11 : vector<32x1xf32> to vector<32x8192xf32>
    %add3A_12 = arith.addf %dot_general3A_8, %add3A : vector<32x8192xf32>
    %max3A = arith.constant 0.000000e+00 : f32
    %max3A_13 = vector.broadcast %max3A : f32 to vector<32x8192xf32>
    %max3A_14 = arith.maximumf %add3A_12, %max3A_13 : vector<32x8192xf32>
    %get3A_15 = arith.constant 0 : index
    %get3A_16 = arith.constant 0 : index
    %get3A_17 = vector.load %arg5[%get3A_15, %get3A_16] : memref<64x32xf32, #tpu.memory_space<vmem>>, vector<64x32xf32>
    %dot_general3A_18 = arith.constant dense<0.000000e+00> : vector<64x8192xf32>
    %dot_general3A_19 = tpu.matmul %get3A_17, %max3A_14, %dot_general3A_18 {dimension_numbers = #tpu.dot_dimension_numbers<[1], [0], [0], [1], [0, 0, 1, 1], [], []>, transpose_lhs_hint = false} : vector<64x32xf32>, vector<32x8192xf32>, vector<64x8192xf32> -> vector<64x8192xf32>
    %get3A_20 = arith.constant 0 : index
    %get3A_21 = arith.constant 0 : index
    %get3A_22 = vector.load %arg6[%get3A_20, %get3A_21] : memref<64x1xf32, #tpu.memory_space<vmem>>, vector<64x1xf32>
    %add3A_23 = vector.broadcast %get3A_22 : vector<64x1xf32> to vector<64x8192xf32>
    %add3A_24 = arith.addf %dot_general3A_19, %add3A_23 : vector<64x8192xf32>
    %max3A_25 = arith.constant 0.000000e+00 : f32
    %max3A_26 = vector.broadcast %max3A_25 : f32 to vector<64x8192xf32>
    %max3A_27 = arith.maximumf %add3A_24, %max3A_26 : vector<64x8192xf32>
    %mul3A = vector.broadcast %sqrt3A : vector<1x8192xf32> to vector<64x8192xf32>
    %mul3A_28 = arith.mulf %max3A_27, %mul3A : vector<64x8192xf32>
    %concatenate3A = tpu.concatenate %mul3A_28, %sqrt3A in 0 : vector<64x8192xf32>, vector<1x8192xf32> -> vector<65x8192xf32>
    %get3A_29 = arith.constant 0 : index
    %get3A_30 = arith.constant 0 : index
    %get3A_31 = vector.load %arg2[%get3A_29, %get3A_30] : memref<8192x128xf32, #tpu.memory_space<vmem>>, vector<8192x128xf32>
    %dot_general3A_32 = arith.constant dense<0.000000e+00> : vector<65x128xf32>
    %dot_general3A_33 = tpu.matmul %concatenate3A, %get3A_31, %dot_general3A_32 {dimension_numbers = #tpu.dot_dimension_numbers<[1], [0], [0], [1], [0, 0, 1, 1], [], []>, transpose_lhs_hint = false} : vector<65x8192xf32>, vector<8192x128xf32>, vector<65x128xf32> -> vector<65x128xf32>
    %slice3A = vector.extract_strided_slice %dot_general3A_33 {offsets = [0, 0], sizes = [64, 128], strides = [1, 1]} : vector<65x128xf32> to vector<64x128xf32>
    %slice3A_34 = vector.extract_strided_slice %dot_general3A_33 {offsets = [64, 0], sizes = [1, 128], strides = [1, 1]} : vector<65x128xf32> to vector<1x128xf32>
    %get3A_35 = arith.constant 0 : index
    %get3A_36 = arith.constant 0 : index
    %get3A_37 = vector.load %arg9[%get3A_35, %get3A_36] : memref<32x32xf32, #tpu.memory_space<vmem>>, vector<32x32xf32>
    %get3A_38 = arith.constant 0 : index
    %get3A_39 = arith.constant 0 : index
    %get3A_40 = vector.load %arg7[%get3A_38, %get3A_39] : memref<32x64xf32, #tpu.memory_space<vmem>>, vector<32x64xf32>
    %dot_general3A_41 = arith.constant dense<0.000000e+00> : vector<32x64xf32>
    %dot_general3A_42 = tpu.matmul %get3A_37, %get3A_40, %dot_general3A_41 {dimension_numbers = #tpu.dot_dimension_numbers<[1], [0], [0], [1], [0, 0, 1, 1], [], []>, transpose_lhs_hint = false} : vector<32x32xf32>, vector<32x64xf32>, vector<32x64xf32> -> vector<32x64xf32>
    %get3A_43 = arith.constant 0 : index
    %get3A_44 = arith.constant 0 : index
    %get3A_45 = vector.load %arg9[%get3A_43, %get3A_44] : memref<32x32xf32, #tpu.memory_space<vmem>>, vector<32x32xf32>
    %get3A_46 = arith.constant 0 : index
    %get3A_47 = arith.constant 0 : index
    %get3A_48 = vector.load %arg8[%get3A_46, %get3A_47] : memref<32x1xf32, #tpu.memory_space<vmem>>, vector<32x1xf32>
    %dot_general3A_49 = arith.constant dense<0.000000e+00> : vector<32x1xf32>
    %dot_general3A_50 = tpu.matmul %get3A_45, %get3A_48, %dot_general3A_49 {dimension_numbers = #tpu.dot_dimension_numbers<[1], [0], [0], [1], [0, 0, 1, 1], [], []>, transpose_lhs_hint = false} : vector<32x32xf32>, vector<32x1xf32>, vector<32x1xf32> -> vector<32x1xf32>
    %dot_general3A_51 = arith.constant dense<0.000000e+00> : vector<32x128xf32>
    %dot_general3A_52 = tpu.matmul %dot_general3A_42, %slice3A, %dot_general3A_51 {dimension_numbers = #tpu.dot_dimension_numbers<[1], [0], [0], [1], [0, 0, 1, 1], [], []>, transpose_lhs_hint = false} : vector<32x64xf32>, vector<64x128xf32>, vector<32x128xf32> -> vector<32x128xf32>
    %mul3A_53 = vector.broadcast %dot_general3A_50 : vector<32x1xf32> to vector<32x128xf32>
    %mul3A_54 = vector.broadcast %slice3A_34 : vector<1x128xf32> to vector<32x128xf32>
    %mul3A_55 = arith.mulf %mul3A_53, %mul3A_54 : vector<32x128xf32>
    %add3A_56 = arith.addf %dot_general3A_52, %mul3A_55 : vector<32x128xf32>
    %mul3A_57 = arith.constant 1.562500e-02 : f32
    %mul3A_58 = vector.broadcast %mul3A_57 : f32 to vector<32x128xf32>
    %mul3A_59 = arith.mulf %add3A_56, %mul3A_58 : vector<32x128xf32>
    %get3A_60 = arith.constant 0 : index
    %get3A_61 = arith.constant 0 : index
    %get3A_62 = vector.load %arg10[%get3A_60, %get3A_61] : memref<32x1xf32, #tpu.memory_space<vmem>>, vector<32x1xf32>
    %add3A_63 = vector.broadcast %get3A_62 : vector<32x1xf32> to vector<32x128xf32>
    %add3A_64 = arith.addf %mul3A_59, %add3A_63 : vector<32x128xf32>
    %max3A_65 = arith.constant 0.000000e+00 : f32
    %max3A_66 = vector.broadcast %max3A_65 : f32 to vector<32x128xf32>
    %max3A_67 = arith.maximumf %add3A_64, %max3A_66 : vector<32x128xf32>
    %swap3A = arith.constant 0 : index
    %swap3A_68 = arith.constant 0 : index
    %swap3A_69 = vector.load %arg11[%swap3A, %swap3A_68] : memref<32x128xf32, #tpu.memory_space<vmem>>, vector<32x128xf32>
    tpu.vector_store %arg11[%swap3A, %swap3A_68], %max3A_67 {strides = array<i32>} : memref<32x128xf32, #tpu.memory_space<vmem>>, vector<32x128xf32>,
    return
  }
  func.func @transform_0(%arg0: i32) -> (i32, i32) {
    %c0_i32 = arith.constant 0 : i32
    %c0_i32_0 = arith.constant 0 : i32
    return %c0_i32, %arg0 : i32, i32
  }
  func.func @transform_1(%arg0: i32) -> (i32, i32) {
    %c0_i32 = arith.constant 0 : i32
    %c0_i32_0 = arith.constant 0 : i32
    %c0_i32_1 = arith.constant 0 : i32
    return %c0_i32, %c0_i32_0 : i32, i32
  }
  func.func @transform_2(%arg0: i32) -> (i32, i32) {
    %c0_i32 = arith.constant 0 : i32
    %c0_i32_0 = arith.constant 0 : i32
    %c0_i32_1 = arith.constant 0 : i32
    return %c0_i32, %c0_i32_0 : i32, i32
  }
  func.func @transform_3(%arg0: i32) -> (i32, i32) {
    %c0_i32 = arith.constant 0 : i32
    %c0_i32_0 = arith.constant 0 : i32
    %c0_i32_1 = arith.constant 0 : i32
    return %c0_i32, %c0_i32_0 : i32, i32
  }
  func.func @transform_4(%arg0: i32) -> (i32, i32) {
    %c0_i32 = arith.constant 0 : i32
    %c0_i32_0 = arith.constant 0 : i32
    %c0_i32_1 = arith.constant 0 : i32
    return %c0_i32, %c0_i32_0 : i32, i32
  }
  func.func @transform_5(%arg0: i32) -> (i32, i32) {
    %c0_i32 = arith.constant 0 : i32
    %c0_i32_0 = arith.constant 0 : i32
    %c0_i32_1 = arith.constant 0 : i32
    return %c0_i32, %c0_i32_0 : i32, i32
  }
  func.func @transform_6(%arg0: i32) -> (i32, i32) {
    %c0_i32 = arith.constant 0 : i32
    %c0_i32_0 = arith.constant 0 : i32
    %c0_i32_1 = arith.constant 0 : i32
    return %c0_i32, %c0_i32_0 : i32, i32
  }
  func.func @transform_7(%arg0: i32) -> (i32, i32) {
    %c0_i32 = arith.constant 0 : i32
    %c0_i32_0 = arith.constant 0 : i32
    %c0_i32_1 = arith.constant 0 : i32
    return %c0_i32, %c0_i32_0 : i32, i32
  }
  func.func @transform_8(%arg0: i32) -> (i32, i32) {
    %c0_i32 = arith.constant 0 : i32
    %c0_i32_0 = arith.constant 0 : i32
    %c0_i32_1 = arith.constant 0 : i32
    return %c0_i32, %c0_i32_0 : i32, i32
  }
  func.func @transform_9(%arg0: i32) -> (i32, i32) {
    %c0_i32 = arith.constant 0 : i32
    %c0_i32_0 = arith.constant 0 : i32
    %c0_i32_1 = arith.constant 0 : i32
    return %c0_i32, %c0_i32_0 : i32, i32
  }
  func.func @transform_10(%arg0: i32) -> (i32, i32) {
    %c0_i32 = arith.constant 0 : i32
    %c0_i32_0 = arith.constant 0 : i32
    return %c0_i32, %arg0 : i32, i32
  }
}

module attributes {stable_mosaic.version = 14 : i64} {
  func.func @_glob_body(%arg0: i32, %arg1: memref<32x2048xf32, #tpu.memory_space<vmem>>, %arg2: memref<8x32xf32, #tpu.memory_space<vmem>>, %arg3: memref<8x1xf32, #tpu.memory_space<vmem>>, %arg4: memref<1x2048x40xf32, #tpu.memory_space<vmem>>) attributes {dimension_semantics = [#tpu.dimension_semantics<arbitrary>], iteration_bounds = array<i64: 4>, scalar_prefetch = 0 : i64, scratch_operands = 0 : i64, tpu.core_type = #tpu.core_type<tc>, window_params = [{transform_indices = @transform_0, window_bounds = array<i64: 32, 2048>}, {pipeline_mode = #tpu.pipeline_mode<synchronous>, transform_indices = @transform_1, window_bounds = array<i64: 8, 32>}, {pipeline_mode = #tpu.pipeline_mode<synchronous>, transform_indices = @transform_2, window_bounds = array<i64: 8, 1>}, {transform_indices = @transform_3, window_bounds = array<i64: 1, 2048, 40>}]} {
    %get3A = arith.constant 0 : index
    %get3A_0 = arith.constant 0 : index
    %get3A_1 = vector.load %arg1[%get3A, %get3A_0] : memref<32x2048xf32, #tpu.memory_space<vmem>>, vector<32x2048xf32>
    %get3A_2 = arith.constant 0 : index
    %get3A_3 = arith.constant 0 : index
    %get3A_4 = vector.load %arg2[%get3A_2, %get3A_3] : memref<8x32xf32, #tpu.memory_space<vmem>>, vector<8x32xf32>
    %dot_general3A = arith.constant dense<0.000000e+00> : vector<8x2048xf32>
    %dot_general3A_5 = tpu.matmul %get3A_4, %get3A_1, %dot_general3A {dimension_numbers = #tpu.dot_dimension_numbers<[1], [0], [0], [1], [0, 0, 1, 1], [], []>, transpose_lhs_hint = false} : vector<8x32xf32>, vector<32x2048xf32>, vector<8x2048xf32> -> vector<8x2048xf32>
    %get3A_6 = arith.constant 0 : index
    %get3A_7 = arith.constant 0 : index
    %get3A_8 = vector.load %arg3[%get3A_6, %get3A_7] : memref<8x1xf32, #tpu.memory_space<vmem>>, vector<8x1xf32>
    %add3A = vector.broadcast %get3A_8 : vector<8x1xf32> to vector<8x2048xf32>
    %add3A_9 = arith.addf %dot_general3A_5, %add3A : vector<8x2048xf32>
    %reduce_max3A = arith.constant dense<0xFF800000> : vector<8xf32>
    %reduce_max3A_10 = vector.multi_reduction <maximumf>, %add3A_9, %reduce_max3A [1] : vector<8x2048xf32> to vector<8xf32>
    %broadcast_in_dim3A = vector.shape_cast %reduce_max3A_10 : vector<8xf32> to vector<8x1xf32>
    %transpose3A = tpu.transpose %get3A_1, [1, 0] : vector<32x2048xf32> -> vector<2048x32xf32>
    %transpose3A_11 = tpu.transpose %broadcast_in_dim3A, [1, 0] : vector<8x1xf32> -> vector<1x8xf32>
    %broadcast_in_dim3A_12 = vector.shape_cast %transpose3A_11 : vector<1x8xf32> to vector<1x8xf32>
    %broadcast_in_dim3A_13 = vector.broadcast %broadcast_in_dim3A_12 : vector<1x8xf32> to vector<2048x8xf32>
    %concatenate3A = tpu.concatenate %transpose3A, %broadcast_in_dim3A_13 in 1 : vector<2048x32xf32>, vector<2048x8xf32> -> vector<2048x40xf32>
    %swap3A = arith.constant 0 : index
    %swap3A_14 = arith.constant 0 : index
    %swap3A_15 = arith.constant 0 : index
    %swap3A_16 = vector.load %arg4[%swap3A, %swap3A_14, %swap3A_15] : memref<1x2048x40xf32, #tpu.memory_space<vmem>>, vector<1x2048x40xf32>
    %swap3A_17 = vector.shape_cast %swap3A_16 : vector<1x2048x40xf32> to vector<2048x40xf32>
    %swap3A_18 = vector.shape_cast %concatenate3A : vector<2048x40xf32> to vector<1x2048x40xf32>
    tpu.vector_store %arg4[%swap3A, %swap3A_14, %swap3A_15], %swap3A_18 {strides = array<i32>} : memref<1x2048x40xf32, #tpu.memory_space<vmem>>, vector<1x2048x40xf32>,
    return
  }
  func.func @transform_0(%arg0: i32) -> (i32, i32) {
    %c0_i32 = arith.constant 0 : i32
    %c0_i32_0 = arith.constant 0 : i32
    return %c0_i32, %arg0 : i32, i32
  }
  func.func @transform_1(%arg0: i32) -> (i32, i32) {
    %c0_i32 = arith.constant 0 : i32
    %c0_i32_0 = arith.constant 0 : i32
    %c0_i32_1 = arith.constant 0 : i32
    return %c0_i32, %c0_i32_0 : i32, i32
  }
  func.func @transform_2(%arg0: i32) -> (i32, i32) {
    %c0_i32 = arith.constant 0 : i32
    %c0_i32_0 = arith.constant 0 : i32
    %c0_i32_1 = arith.constant 0 : i32
    return %c0_i32, %c0_i32_0 : i32, i32
  }
  func.func @transform_3(%arg0: i32) -> (i32, i32, i32) {
    %c0_i32 = arith.constant 0 : i32
    %c0_i32_0 = arith.constant 0 : i32
    %c0_i32_1 = arith.constant 0 : i32
    return %arg0, %c0_i32, %c0_i32_0 : i32, i32, i32
  }
}

</mosaic_0001>

<sc_bundles>
// kernel: kernel.5.cloned.1.call-start
scs
__scs_entry_jumppad:
0x0: {  	(pc) =	sbr.rel $0x88, $3  }
0x1: {  	(tag) =	ssettag $0x0;
	lr =	simm.s32 $0x1  }
0x2: {  	[smem:$0x3F95] =	sst lr;
	_ =	strace $0xD0000000  }
0x3: {  	_ = 	snop  }
0x4: {  	_ = 	snop  }
0x5: {  	_ = 	snop  }
0x6: {  	_ = 	snop  }
0x7: {  	_ = 	snop  }
__scs_overlays_trampoline_lowered:
0x8: {  	[smem:$0x3FA4] =	sst s0  }
0x9: {  	[smem:$0x3FA5] =	sst s1  }
0xa: {  	[smem:$0x3FA6] =	sst s2  }
0xb: {  	[smem:$0x3FA7] =	sst s3  }
0xc: {  	[smem:$0x3FA8] =	sst s4  }
0xd: {  	[smem:$0x3FA9] =	sst s5  }
0xe: {  	[smem:$0x3FAA] =	sst s6  }
0xf: {  	[smem:$0x3FAB] =	sst s7  }
0x10: {  	[smem:$0x3FAC] =	sst s8  }
0x11: {  	[smem:$0x3FAD] =	sst s9;
	s0 =	simm.s32 @!p0 $0x0  }
0x12: {  	s1 =	sld [smem:$0x3F93];
	s0 =	simm.s32 @p0 $0x1  }
0x13: {  	[smem:$0x3FAE] =	sst s0;
	s0 =	simm.s32 @!p1 $0x0  }
0x14: {  	s2 =	sld [smem:$0x3F92];
	s0 =	simm.s32 @p1 $0x1  }
0x15: {  	[smem:$0x3FAF] =	sst s0;
	s0 =	simm.s32 @!p2 $0x0  }
0x16: {  	s3 =	sld [smem:$0x3FDB];
	s0 =	simm.s32 @p2 $0x1  }
0x17: {  	s4 =	simm.s32 $0x1BF5;
	[smem:$0x3FB1] =	sst s0  }
0x18: {  	s0 =	sld [smem:$0x3F94];
	_ =	swait.ge [sflag:s4], $0x0  }
0x19: {  	s7 =	sld [smem:$0x3F95]  }
0x1a: {  	s8 =	sadd.s32 $0xFFFFE003, lr  }
0x1b: {  	s9 =	sadd.s32 $0xFFFFFEF7, lr;
	s5 =	simm.s32 $0xFFFFFFFF;
	p2 =	slt.u32 s8, $0xFFFFF086  }
0x1c: {  	p1 =	slt.u32 s9, $0xF7A;
	s5 =	simm.s32 @!p2 $0x0  }
0x1d: {  	s5 =	simm.s32 @p1 $0x1;
	p0 =	seq.s32 s7, s2  }
0x1e: {  	s7 =	smul.u32 @!p0 $0xF7A, s2;
	p2 =	seq.s32 @!p0 s5, $0x0  }
0x1f: {  	s9 =	smul.u32 $0xF7A, s1;
	s8 =	simm.s32 @!p0 $0x1BF5;
	p2 =	por !p2, p0  }
0x20: {  	[sflag:s8] =	ssyncset.s32 @!p0 $0xFFFFF086;
	s6 =	sadd.s32 @!p0 s3, s7;
	s7 =	simm.s32 @!p0 $0x108  }
0x21: {  	s3 =	sadd.s32 s3, s9;
	s6 =	sadd.s32 @!p0 $0x88, s6;
	s7 =	simm.s32 @p2 $0x1082  }
0x22: {  	[simem:s7], [sflag:s8] =	dma.local @!p0 [hbm:s6], $0xF7A  }
0x23: {  	s9 =	sor.u32 $0xD0000000, s2;
	s6 =	simm.s32 $0x108;
	_ =	swait.ge @!p0 [sflag:s8], $0x0  }
0x24: {  	s3 =	sadd.s32 $0x88, s3;
	s6 =	simm.s32 @!p1 $0x1082;
	[sflag:s4] =	ssyncset.s32 $0xFFFFF086  }
0x25: {  	[simem:s6], [sflag:s4] =	dma.local [hbm:s3], $0xF7A  }
0x26: {  	[smem:$0x3F95] =	sst s1;
	(tag) =	ssettag s2;
	_ =	strace s9  }
0x27: {  	s1 =	sld [smem:$0x3FA5]  }
0x28: {  	s2 =	sld [smem:$0x3FA6]  }
0x29: {  	s4 =	sld [smem:$0x3FA8]  }
0x2a: {  	p0 =	seq.s32 s5, $0x0;
	s5 =	sld [smem:$0x3FA9]  }
0x2b: {  	s6 =	sld [smem:$0x3FAA]  }
0x2c: {  	s7 =	sld [smem:$0x3FAB]  }
0x2d: {  	s3 =	simm.s32 $0x108;
	s8 =	sld [smem:$0x3FAC]  }
0x2e: {  	s3 =	simm.s32 @!p0 $0x1082;
	s9 =	sld [smem:$0x3FAD]  }
0x2f: {  	lr =	sadd.s32 s0, s3;
	s0 =	sld [smem:$0x3FA4]  }
0x30: {  	s3 =	sld [smem:$0x3FA7]  }
0x31: {  	[smem:$0x3FB0] =	sst s10  }
0x32: {  	s10 =	sld [smem:$0x3FAE];
	_ =	sdelay $0x3  }
0x33: {  	p0 =	seq.s32 s10, $0x1;
	s10 =	sld [smem:$0x3FB0];
	_ =	sdelay $0x3  }
0x34: {  	[smem:$0x3FB0] =	sst s10  }
0x35: {  	s10 =	sld [smem:$0x3FAF];
	_ =	sdelay $0x3  }
0x36: {  	p1 =	seq.s32 s10, $0x1;
	s10 =	sld [smem:$0x3FB0];
	_ =	sdelay $0x3  }
0x37: {  	[smem:$0x3FB0] =	sst s10  }
0x38: {  	s10 =	sld [smem:$0x3FB1]  }
0x39: {  	_ = 	snop;
	(pc) =	sbr.ind lr, $3  }
0x3a: {  	_ = 	snop  }
0x3b: {  	_ = 	snop  }
0x3c: {  	p2 =	seq.s32 s10, $0x1;
	s10 =	sld [smem:$0x3FB0]  }
0x3d: {  	_ =	shalt  }
0x3e: {  	_ =	shalt  }
0x3f: {  	_ =	shalt  }
0x40: {  	_ =	shalt  }
0x41: {  	_ =	shalt  }
0x42: {  	_ =	shalt  }
0x43: {  	_ =	shalt  }
0x44: {  	_ =	shalt  }
0x45: {  	_ =	shalt  }
0x46: {  	_ =	shalt  }
0x47: {  	_ =	shalt  }
0x48: {  	_ =	shalt  }
0x49: {  	_ =	shalt  }
0x4a: {  	_ =	shalt  }
0x4b: {  	_ =	shalt  }
0x4c: {  	_ =	shalt  }
0x4d: {  	_ =	shalt  }
0x4e: {  	_ =	shalt  }
0x4f: {  	_ =	shalt  }
0x50: {  	_ =	shalt  }
0x51: {  	_ =	shalt  }
0x52: {  	_ =	shalt  }
0x53: {  	_ =	shalt  }
0x54: {  	_ =	shalt  }
0x55: {  	_ =	shalt  }
0x56: {  	_ =	shalt  }
0x57: {  	_ =	shalt  }
0x58: {  	_ =	shalt  }
0x59: {  	_ =	shalt  }
0x5a: {  	_ =	shalt  }
0x5b: {  	_ =	shalt  }
0x5c: {  	_ =	shalt  }
0x5d: {  	_ =	shalt  }
0x5e: {  	_ =	shalt  }
0x5f: {  	_ =	shalt  }
0x60: {  	_ =	shalt  }
0x61: {  	_ =	shalt  }
0x62: {  	_ =	shalt  }
0x63: {  	_ =	shalt  }
0x64: {  	_ =	shalt  }
0x65: {  	_ =	shalt  }
0x66: {  	_ =	shalt  }
0x67: {  	_ =	shalt  }
0x68: {  	_ =	shalt  }
0x69: {  	_ =	shalt  }
0x6a: {  	_ =	shalt  }
0x6b: {  	_ =	shalt  }
0x6c: {  	_ =	shalt  }
0x6d: {  	_ =	shalt  }
0x6e: {  	_ =	shalt  }
0x6f: {  	_ =	shalt  }
0x70: {  	_ =	shalt  }
0x71: {  	_ =	shalt  }
0x72: {  	_ =	shalt  }
0x73: {  	_ =	shalt  }
0x74: {  	_ =	shalt  }
0x75: {  	_ =	shalt  }
0x76: {  	_ =	shalt  }
0x77: {  	_ =	shalt  }
0x78: {  	_ =	shalt  }
0x79: {  	_ =	shalt  }
0x7a: {  	_ =	shalt  }
0x7b: {  	_ =	shalt  }
0x7c: {  	_ =	shalt  }
0x7d: {  	_ =	shalt  }
0x7e: {  	_ =	shalt  }
0x7f: {  	_ =	shalt  }
0x80: {  	_ =	shalt  }
0x81: {  	_ =	shalt  }
0x82: {  	_ =	shalt  }
0x83: {  	_ =	shalt  }
0x84: {  	_ =	shalt  }
0x85: {  	_ =	shalt  }
0x86: {  	_ =	shalt  }
0x87: {  	_ =	shalt  }
.Lfunc_end0:
.L_simem_size_0:
called_computation.1_lowered:
.L_overlay_start_0:
0x88: {  	s2 =	sld [smem:$0x3FD9]  }
0x89: {  	s3 =	sld [smem:$0x3FFE];
	_ =	sdelay $0x1  }
0x8a: {  	s1 =	srdreg.scid  }
0x8b: {  	s0 =	sand.u32 $0x1, s1  }
0x8c: {  	s17 =	sshll.u32 s0, $0xA;
	s2 =	sadd.s32 s3, s2  }
0x8d: {  	s2 =	sadd.s32 s2, s17  }
0x8e: {  	[smem:$0x3FBC] =	sst s2  }
0x8f: {  	_ = 	snop  }
0x90: {  	s2 =	sld [smem:$0x3FD0];
	(tm) =	ssettm $0x1  }
0x91: {  	s18 =	sld [smem:$0x3FFB];
	_ =	sdelay $0x3  }
0x92: {  	_ =	strace s18  }
0x93: {  	s3 =	sld [smem:$0x3FFC];
	_ =	sdelay $0x3  }
0x94: {  	_ =	strace s3  }
0x95: {  	s3 =	sld [smem:$0x3FFD];
	_ =	sdelay $0x3  }
0x96: {  	_ =	strace s3  }
0x97: {  	_ =	strace $0x8FFFFFFF  }
0x98: {  	s19 =	sld [smem:$0x3FDB];
	_ =	sdelay $0x1  }
0x99: {  	s4 =	simm.s32 $_scs_section_size  }
0x9a: {  	s5 =	simm.s32 $_size__tile_overlayer_lowered;
	s6 =	simm.s32 $_tile_overlayer_lowered  }
0x9b: {  	s22 =	simm.s32 $0x1BFF;
	s21 =	sshll.u32 s6, $0x1;
	s3 =	sadd.s32 s4, s19  }
0x9c: {  	s7 =	simm.s32 $0x0;
	s20 =	sshll.u32 s5, $0x1;
	s5 =	sadd.s32 s21, s3  }
0x9d: {  	[timem:s7], [sflag:s22] =	dma.local [hbm:s5], s20  }
0x9e: {  	_ =	swait.ge [sflag:s22], s20  }
0x9f: {  	s4 =	ssub.s32 $0x0, s20;
	[sflag:s22] =	ssyncset.done $0x0  }
0xa0: {  	[sflag:s22] =	ssyncadd.s32 s4;
	_ =	sdelay $0x1  }
0xa1: {  	s23 =	simm.s32 $0x1B8B  }
0xa2: {  	_ =	swait.ge [sflag:s23], $0x1  }
0xa3: {  	[sflag:s23] =	ssyncset.done $0x0  }
0xa4: {  	s25 =	simm.s32 $0x1B8E;
	s24 =	sld [smem:$0x3FFE];
	[sflag:s23] =	ssyncadd.s32 $0xFFFFFFFF  }
0xa5: {  	s26 =	simm.s32 $execute0_lowered;
	[smem:$0x3FD2] =	sst s25  }
0xa6: {  	s5 =	sshll.u32 s26, $0x1;
	_ =	strace $0x80000049;
	[dreg:$0x1] =	wrdreg $0xFFFFFFFF  }
0xa7: {  	s28 =	simm.s32 $_size_execute0_lowered;
	s3 =	sadd.s32 s3, s5;
	[dreg:$0x0] =	wrdreg $0x0  }
0xa8: {  	s5 =	sshll.u32 s28, $0x1;
	[dreg:$0x2] =	wrdreg s3  }
0xa9: {  	[dreg:$0x3] =	wrdreg s5  }
0xaa: {  	[dreg:$0x4] =	wrdreg $0xC0  }
0xab: {  	_ =	task [dreg:s7], $0x5FFFF  }
0xac: {  	[dreg:$0x1] =	wrdreg $0xFFFFFFFF  }
0xad: {  	[dreg:$0x0] =	wrdreg $0x60  }
0xae: {  	[dreg:$0x2] =	wrdreg s24  }
0xaf: {  	[dreg:$0x3] =	wrdreg s2  }
0xb0: {  	[dreg:$0x4] =	wrdreg $0x9  }
0xb1: {  	_ =	task.clear_ibuf [dreg:s7], $0x5FFFF;
	_ =	strace $0x90000049  }
0xb2: {  	s29 =	simm.s32 $0x9;
	_ =	strace $0x8000004B  }
0xb3: {  	_ =	swait.ge [sflag:s29], $0x1  }
0xb4: {  	[sflag:s29] =	ssyncadd.s32 $0xFFFFFFFF  }
0xb5: {  	_ =	strace $0x9000004B  }
0xb6: {  	_ =	sfence  }
0xb7: {  	s30 =	sld [smem:$0x0];
	_ =	sdelay $0x2  }
0xb8: {  	s31 =	sshll.u32 s1, $0xD;
	s1 =	sshrl.u32 s1, $0x2  }
0xb9: {  	s3 =	sand.u32 $0x4000, s31;
	s1 =	sadd.s32 s1, s30  }
0xba: {  	s0 =	sor.u32 s3, s0;
	s1 =	sshll.u32 s1, $0x11  }
0xbb: {  	s0 =	sor.u32 s1, s0  }
0xbc: {  	s0 =	sadd.s32 $0x8F2B, s0  }
0xbd: {  	[sflag:s0] =	ssyncadd.remote.s32 $0x1  }
0xbe: {  	_ =	sfence.sel $0xFFFF  }
0xbf: {  	[dreg:$0x0] =	wrdreg $0xFFFFFFFF;
	(pc) =	sbr.abs _section_cstart, $3  }
0xc0: {  	[dreg:$0x1] =	wrdreg $0xFFFFFFFF  }
0xc1: {  	_ =	task.clear_ibuf [dreg:s7], $0x2FFFF;
	_ =	strace $0x9FFFFFFF  }
0xc2: {  	(tm) =	ssettm $0x7FFFFFFF  }
0xc3: {  	_ =	shalt  }
tec
execute0_lowered:
.L_overlay_start_1:
0x0: {  	(tag) =	ssettag $0x1  }
0x1: {  	s0 =	rddreg [dreg:$0x0];
	s1 =	simm.s32 $0x0  }
0x2: {  	[smem:$0x7FF] =	sst s1  }
0x3: {  	s2 =	rddreg [dreg:$0x1];
	v0 =	vimm.s32 $0xC0000000;
	_ =	strace $0x8000004A  }
0x4: {  	(xrf0) =	vmin.scan.msk.u32 $0xffff, v0;
	_ =	sdelay $0x5  }
0x5: {  	v0, _, _ =	vpop (xrf0)  }
0x6: {  	(v2sf) =	vpush v0, $0xF;
	_ =	sdelay $0x2  }
0x7: {  	s5 =	stileid.u32;
	s3 =	srdreg.scid;
	s12 =	simm.s32 $0x8000  }
0x8: {  	s15 =	simm.s32 $0x9800;
	s16 =	simm.s32 $0xA080;
	s17 =	simm.s32 $0xBA80  }
0x9: {  	s18 =	simm.s32 $0xBB80;
	s19 =	simm.s32 $0xBC00;
	s20 =	simm.s32 $0xBA00  }
0xa: {  	s21 =	simm.s32 $0xA900;
	s22 =	simm.s32 $0xB180;
	s4 =	sshll.u32 s5, $0x1  }
0xb: {  	s3 =	sand.u32 $0x1, s3;
	s5 =	sshrl.u32 s5, $0x2;
	s4 =	sand.u32 $0x6, s4  }
0xc: {  	s23 =	simm.s32 $0xBC80;
	s24 =	sshll.u32 s5, $0xB;
	s4 =	sor.u32 s3, s4  }
0xd: {  	s5 =	smul.u32 $0x300, s5;
	s3 =	ssub.s32 $0x2, s3;
	s6 =	sshll.u32 s4, $0x8  }
0xe: {  	s29 =	simm.s32 $0xC480;
	s25 =	sshrl.u32 s3, $0x1;
	s8 =	sor.u32 s24, s6  }
0xf: {  	s2 =	sadd.s32 s2, s5;
	[dreg:$0x3] =	wrdreg s6;
	s4 =	sshll.u32 s8, $0x8  }
0x10: {  	[dreg:$0x4] =	wrdreg s2;
	s26 =	sshll.u32 s8, $0x6;
	s9 =	sadd.s32 s4, s0  }
.Ltmp0:
0x11: {  	s4 =	sadd.s32 $0x202000, s0;
	s0 =	ssub.s32 s3, s25;
	(pc) =	sbr.rel .LBB2_1-.Ltmp0, $4  }
0x12: {  	[dreg:$0x5] =	wrdreg s26;
	s3 =	simm.s32 $0x0;
	s28 =	sadd.s32 $0x3000, s9  }
0x13: {  	s0 =	smax.u32 s0, $0x1;
	[dreg:$0x6] =	wrdreg s28;
	s31 =	spop (v2sf)  }
0x14: {  	v1 =	vimm.s32 $0x0;
	s30 =	sadd.s32 $0x3800, s9;
	[dreg:$0x8] =	wrdreg s0;
	s0 =	sxor.u32 $0x80000000, s31  }
0x15: {  	v2 =	vlaneseq.u32;
	v3 =	vimm.s32 $0x1;
	s6 =	sadd.s32 $0x2000, s9;
	s7 =	sadd.s32 $0x2800, s9;
	[dreg:$0x7] =	wrdreg s30;
	v0 =	vmov s0  }
.LBB2_76:
0x16: {  	s0 =	simm.s32 $0x3  }
0x17: {  	_ =	swait.ge [sflag:s0], $0x800  }
0x18: {  	[sflag:s0] =	ssyncset.done $0x0  }
0x19: {  	s2 =	simm.s32 $0x4;
	[sflag:s0] =	ssyncadd.s32 $0xFFFFF800  }
0x1a: {  	_ =	swait.ge [sflag:s2], $0x800  }
0x1b: {  	s3 =	rddreg [dreg:$0x9]  }
0x1c: {  	s31 =	rddreg [dreg:$0x8];
	s3 =	sadd.s32 $0x1, s3  }
0x1d: {  	p0 =	sne.s32 s3, s31  }
.Ltmp1:
0x1e: {  	_ = 	snop;
	(pc) =	sbr.rel @!p0 .LBB2_77-.Ltmp1, $3  }
0x1f: {  	_ =	sdelay $0x1  }
0x20: {  	[sflag:s2] =	ssyncset.done $0x0  }
0x21: {  	[sflag:s2] =	ssyncadd.s32 $0xFFFFF800  }
.LBB2_1:
0x22: {  	[dreg:$0x9] =	wrdreg s3  }
0x23: {  	s0 =	rddreg [dreg:$0x4];
	s31 =	simm.s32 $0x5  }
0x24: {  	[tilespmem:s12], [sflag:$0x5] =	stream.linear.gather [hbm4b:s0+s1], $0x1800, $0x38;
	[tilespmem:$0xCC80] =	vst v63  }
0x25: {  	_ =	swait.ge [sflag:s31], $0x1800  }
0x26: {  	s5 =	sadd.s32 $0x0, s6;
	s2 =	simm.s32 $0x100;
	[sflag:s31] =	ssyncset.done $0x0  }
0x27: {  	s3 =	simm.s32 $0x0;
	s0 =	simm.s32 $0x10;
	[sflag:s31] =	ssyncadd.s32 $0xFFFFE800  }
.LBB2_2:
0x28: {  	[tilespmem:s3], [sflag:$0x1] =	stream.linear.gather [hbm4b:s5+s1], $0x80, $0x38;
	[tilespmem:$0xCC80] =	vst v63  }
0x29: {  	s5 =	smov.u32 s0;
	s3 =	smov.u32 s2;
	p0 =	sne.s32 s0, $0x7F0  }
.Ltmp2:
0x2a: {  	s0 =	sadd.s32 $0x10, s0;
	(pc) =	sbr.rel @p0 .LBB2_2-.Ltmp2, $2  }
0x2b: {  	_ =	sdelay $0x2  }
0x2c: {  	s2 =	sadd.s32 $0x100, s2;
	s5 =	sadd.s32 s5, s6  }
0x2d: {  	[tilespmem:s3], [sflag:$0x1] =	stream.linear.gather [hbm4b:s5+s1], $0x80, $0x38;
	[tilespmem:$0xCC80] =	vst v63  }
0x2e: {  	s13 =	simm.s32 $0x0;
	s0 =	simm.s32 $0x80  }
0x2f: {  	s2 =	simm.s32 $0x10;
	s5 =	sadd.s32 $0x0, s7;
	s3 =	simm.s32 $0x180  }
.LBB2_4:
0x30: {  	[tilespmem:s0], [sflag:$0x2] =	stream.linear.gather [hbm4b:s5+s13], $0x80, $0x38;
	[tilespmem:$0xCC80] =	vst v63  }
0x31: {  	s5 =	smov.u32 s2;
	s0 =	smov.u32 s3;
	p0 =	sne.s32 s2, $0x7F0  }
.Ltmp3:
0x32: {  	s2 =	sadd.s32 $0x10, s2;
	(pc) =	sbr.rel @p0 .LBB2_4-.Ltmp3, $2  }
0x33: {  	_ =	sdelay $0x2  }
0x34: {  	s3 =	sadd.s32 $0x100, s3;
	s5 =	sadd.s32 s5, s7  }
0x35: {  	[tilespmem:s0], [sflag:$0x2] =	stream.linear.gather [hbm4b:s5+s13], $0x80, $0x38;
	[tilespmem:$0xCC80] =	vst v63  }
.LBB2_6:
0x36: {  	s0 =	simm.s32 $0x1  }
0x37: {  	_ =	swait.ge [sflag:s0], $0x4000  }
.Ltmp4:
0x38: {  	p0 =	seq.s32 s13, $0x0;
	[sflag:s0] =	ssyncset.done $0x0;
	(pc) =	sbr.rel .LBB2_7-.Ltmp4, $4  }
0x39: {  	[sflag:s0] =	ssyncadd.s32 $0xFFFFC000;
	s0 =	simm.s32 @!p0 $0x3  }
0x3a: {  	s2 =	sshll.u32 s13, $0x1;
	s31 =	sshll.u32 s13, $0x4;
	_ =	swait.ge @!p0 [sflag:s0], $0x800  }
0x3b: {  	s11 =	simm.s32 $0x0;
	[sflag:s0] =	ssyncset.done @!p0 $0x0;
	s3 =	rddreg [dreg:$0x3]  }
0x3c: {  	s9 =	simm.s32 $0x40;
	[sflag:s0] =	ssyncadd.s32 @!p0 $0xFFFFF800;
	s5 =	sadd.s32 s3, s31  }
.LBB2_21:
0x3d: {  	v4 =	vld [tilespmem:$0xA900]  }
0x3e: {  	v5 =	vld [tilespmem:$0xB180];
	_ =	sdelay $0x2  }
0x3f: {  	vm0 =	vgt.s32 v6, v2  }
0x40: {  	v4 =	vnsel vm0, $0x7149F2CA, v4  }
0x41: {  	(xrf1) =	vsort.ascd.msk.f32 $0xffff, v4, v5;
	_ =	sdelay $0x6  }
0x42: {  	v4 =	vmov s25  }
0x43: {  	v5 =	vmov s26;
	v4 =	vbroadcast v4, $0x0  }
0x44: {  	vm15 =	vgt.s32 v5, v2  }
0x45: {  	v4 =	vadd.s32 v2, v4;
	_ =	sdelay $0x3  }
0x46: {  	_, v5, _ =	vpop (xrf1)  }
0x47: {  	[tilespmem:v4+s20+$0x0] =	vst.idx.msk vm15, v5  }
.LBB2_36:
0x48: {  	v4 =	vld [tilespmem:$0xBA00]  }
0x49: {  	s0 =	smul.u32 $0x3, s24;
	_ =	sdelay $0x1  }
0x4a: {  	v5 =	vmov s0  }
0x4b: {  	v6 =	vadd.s32 $0x1, v5  }
0x4c: {  	v7 =	vadd.s32 $0x2, v5;
	v4 =	vmul.u32 $0x3, v4;
	_ =	sdelay $0x1  }
0x4d: {  	v8 =	vadd.s32 $0x1, v4  }
0x4e: {  	v15 =	vld.idx.msk [tilespmem:v5+s12+$0x0], $0xffff;
	v5 =	vadd.s32 $0x2, v4  }
0x4f: {  	v16 =	vld.idx.msk [tilespmem:v6+s12+$0x0], $0xffff  }
0x50: {  	v17 =	vld.idx.msk [tilespmem:v7+s12+$0x0], $0xffff  }
0x51: {  	v4 =	vld.idx.msk [tilespmem:v4+s12+$0x0], $0xffff  }
0x52: {  	v6 =	vld.idx.msk [tilespmem:v8+s12+$0x0], $0xffff  }
0x53: {  	v5 =	vld.idx.msk [tilespmem:v5+s12+$0x0], $0xffff;
	_ =	sdelay $0x2  }
0x54: {  	s31 =	sshll.u32 s11, $0x6  }
0x55: {  	v10 =	vor.u32 s31, v2;
	v7 =	vsub.f32 v4, v15  }
0x56: {  	v4 =	vor.u32 $0x200, v2;
	v8 =	vsub.f32 v6, v16;
	v9 =	vsub.f32 v5, v17  }
0x57: {  	v12 =	vor.u32 s31, v4;
	v5 =	vor.u32 $0x400, v2;
	v6 =	vor.u32 $0x600, v2  }
0x58: {  	v11 =	vmul.f32 v7, v7;
	v14 =	vor.u32 s31, v5;
	v13 =	vmul.f32 v8, v8  }
0x59: {  	v18 =	vor.u32 s31, v6  }
0x5a: {  	v11 =	vadd.f32 v13, v11;
	v13 =	vmul.f32 v9, v9  }
0x5b: {  	[tilespmem:v10+s23+$0x0] =	vst.idx.msk $0xffff, v7  }
0x5c: {  	[tilespmem:v12+s23+$0x0] =	vst.idx.msk $0xffff, v8;
	v7 =	vadd.f32 v13, v11  }
0x5d: {  	[tilespmem:v14+s23+$0x0] =	vst.idx.msk $0xffff, v9  }
0x5e: {  	[tilespmem:v18+s23+$0x0] =	vst.idx.msk $0xffff, v7  }
0x5f: {  	v7 =	vld [tilespmem:$0xBA10];
	_ =	sdelay $0x4  }
0x60: {  	v7 =	vmul.u32 $0x3, v7;
	_ =	sdelay $0x1  }
0x61: {  	v8 =	vadd.s32 $0x1, v7  }
0x62: {  	v9 =	vadd.s32 $0x2, v7;
	_ =	sdelay $0x2  }
0x63: {  	v7 =	vld.idx.msk [tilespmem:v7+s12+$0x0], $0xffff  }
0x64: {  	v8 =	vld.idx.msk [tilespmem:v8+s12+$0x0], $0xffff  }
0x65: {  	v9 =	vld.idx.msk [tilespmem:v9+s12+$0x0], $0xffff;
	_ =	sdelay $0x2  }
0x66: {  	v10 =	vor.u32 $0x610, v2;
	v11 =	vsub.f32 v7, v15;
	v7 =	vor.u32 $0x10, v2  }
0x67: {  	v12 =	vsub.f32 v8, v16;
	v14 =	vor.u32 s31, v7;
	v8 =	vor.u32 $0x210, v2  }
0x68: {  	v13 =	vsub.f32 v9, v17;
	v9 =	vor.u32 $0x410, v2;
	v19 =	vor.u32 s31, v8  }
0x69: {  	v18 =	vmul.f32 v11, v11;
	v21 =	vor.u32 s31, v9;
	v20 =	vmul.f32 v12, v12  }
0x6a: {  	v22 =	vor.u32 s31, v10  }
0x6b: {  	v18 =	vadd.f32 v20, v18;
	v20 =	vmul.f32 v13, v13  }
0x6c: {  	[tilespmem:v14+s23+$0x0] =	vst.idx.msk $0xffff, v11  }
0x6d: {  	v11 =	vadd.f32 v20, v18;
	[tilespmem:v19+s23+$0x0] =	vst.idx.msk $0xffff, v12  }
0x6e: {  	[tilespmem:v21+s23+$0x0] =	vst.idx.msk $0xffff, v13  }
0x6f: {  	[tilespmem:v22+s23+$0x0] =	vst.idx.msk $0xffff, v11  }
0x70: {  	v11 =	vld [tilespmem:$0xBA20];
	_ =	sdelay $0x4  }
0x71: {  	v11 =	vmul.u32 $0x3, v11;
	_ =	sdelay $0x1  }
0x72: {  	v12 =	vadd.s32 $0x1, v11  }
0x73: {  	v13 =	vadd.s32 $0x2, v11;
	_ =	sdelay $0x2  }
0x74: {  	v11 =	vld.idx.msk [tilespmem:v11+s12+$0x0], $0xffff  }
0x75: {  	v12 =	vld.idx.msk [tilespmem:v12+s12+$0x0], $0xffff  }
0x76: {  	v13 =	vld.idx.msk [tilespmem:v13+s12+$0x0], $0xffff;
	_ =	sdelay $0x2  }
0x77: {  	v14 =	vor.u32 $0x620, v2;
	v18 =	vsub.f32 v11, v15;
	v11 =	vor.u32 $0x20, v2  }
0x78: {  	v19 =	vsub.f32 v12, v16;
	v54 =	vor.u32 s31, v11;
	v12 =	vor.u32 $0x220, v2  }
0x79: {  	v20 =	vsub.f32 v13, v17;
	v13 =	vor.u32 $0x420, v2;
	v23 =	vor.u32 s31, v12  }
0x7a: {  	v55 =	vmul.f32 v18, v18;
	v25 =	vor.u32 s31, v13;
	v24 =	vmul.f32 v19, v19  }
0x7b: {  	v26 =	vor.u32 s31, v14  }
0x7c: {  	v56 =	vmul.f32 v20, v20;
	v22 =	vadd.f32 v24, v55  }
0x7d: {  	[tilespmem:v54+s23+$0x0] =	vst.idx.msk $0xffff, v18  }
0x7e: {  	v18 =	vadd.f32 v56, v22;
	[tilespmem:v23+s23+$0x0] =	vst.idx.msk $0xffff, v19  }
0x7f: {  	[tilespmem:v25+s23+$0x0] =	vst.idx.msk $0xffff, v20  }
0x80: {  	[tilespmem:v26+s23+$0x0] =	vst.idx.msk $0xffff, v18  }
0x81: {  	v18 =	vld [tilespmem:$0xBA30];
	_ =	sdelay $0x4  }
0x82: {  	v18 =	vmul.u32 $0x3, v18;
	_ =	sdelay $0x1  }
0x83: {  	v19 =	vadd.s32 $0x1, v18  }
0x84: {  	v20 =	vadd.s32 $0x2, v18;
	_ =	sdelay $0x2  }
0x85: {  	v18 =	vld.idx.msk [tilespmem:v18+s12+$0x0], $0xffff  }
0x86: {  	v19 =	vld.idx.msk [tilespmem:v19+s12+$0x0], $0xffff  }
0x87: {  	v20 =	vld.idx.msk [tilespmem:v20+s12+$0x0], $0xffff;
	_ =	sdelay $0x2  }
0x88: {  	v57 =	vsub.f32 v18, v15;
	v15 =	vor.u32 $0x30, v2;
	v18 =	vor.u32 $0x630, v2  }
0x89: {  	v19 =	vsub.f32 v19, v16;
	v58 =	vor.u32 s31, v15;
	v16 =	vor.u32 $0x230, v2  }
0x8a: {  	v20 =	vsub.f32 v20, v17;
	v17 =	vor.u32 $0x430, v2;
	v60 =	vor.u32 s31, v16  }
0x8b: {  	s11 =	sadd.s32 $0x1, s11;
	v59 =	vmul.f32 v57, v57;
	v62 =	vor.u32 s31, v17;
	v61 =	vmul.f32 v19, v19  }
0x8c: {  	p1 =	sne.s32 s11, $0x8;
	v27 =	vor.u32 s31, v18  }
.Ltmp5:
0x8d: {  	v63 =	vmul.f32 v20, v20;
	v23 =	vadd.f32 v61, v59;
	(pc) =	sbr.rel @!p1 .LBB2_37-.Ltmp5, $4  }
0x8e: {  	[tilespmem:v58+s23+$0x0] =	vst.idx.msk $0xffff, v57  }
0x8f: {  	[tilespmem:v60+s23+$0x0] =	vst.idx.msk $0xffff, v19;
	v19 =	vadd.f32 v63, v23  }
0x90: {  	[tilespmem:v62+s23+$0x0] =	vst.idx.msk $0xffff, v20  }
0x91: {  	s9 =	sadd.s32 $0x1000, s9;
	[tilespmem:v27+s23+$0x0] =	vst.idx.msk $0xffff, v19  }
.LBB2_7:
0x92: {  	v4 =	vimm.s32 $0x0;
	s0 =	simm.s32 $0xFFFFFFF8;
	s10 =	simm.s32 $0x70;
	s24 =	smov.u32 s9  }
.LBB2_8:
0x93: {  	v5 =	vld [tilespmem:s24+$0xFFFFFFC0];
	_ =	sdelay $0x4  }
0x94: {  	vm0 =	vlt.f32 v5, $6.250000000e-02  }
0x95: {  	v6 =	vsel vm0, $0x1, v1  }
0x96: {  	(xrf0) =	vadd.scan.msk.s32 $0xffff, v6;
	_ =	sdelay $0x5  }
0x97: {  	v6, _, _ =	vpop (xrf0)  }
0x98: {  	v6 =	vadd.s32 v6, v4  }
0x99: {  	v6 =	vadd.s32 $0xFFFFFFFF, v6;
	_ =	sdelay $0x3  }
0x9a: {  	s3 =	sadd.s32 $0xFFFFFF90, s10  }
0x9b: {  	v7 =	vor.u32 s3, v2;
	[tilespmem:v6+s15+$0x0] =	vst.idx.msk vm0, v5  }
0x9c: {  	[tilespmem:v6+s16+$0x0] =	vst.idx.msk vm0, v7  }
0x9d: {  	v5 =	vld [tilespmem:s24+$0xFFFFFFD0];
	_ =	sdelay $0x4  }
0x9e: {  	vm1 =	vlt.f32 v5, $6.250000000e-02  }
0x9f: {  	v6 =	vsel vm1, $0x1, v1  }
0xa0: {  	(xrf0) =	vadd.scan.msk.s32 $0xffff, v6;
	_ =	sdelay $0x1  }
0xa1: {  	v6 =	vmpcnt.ones.xlane vm0;
	_ =	sdelay $0x3  }
0xa2: {  	v4 =	vadd.s32 v4, v6;
	v6, _, _ =	vpop (xrf0)  }
0xa3: {  	v6 =	vadd.s32 v6, v4  }
0xa4: {  	v6 =	vadd.s32 $0xFFFFFFFF, v6;
	_ =	sdelay $0x3  }
0xa5: {  	s14 =	sadd.s32 $0xFFFFFFA0, s10  }
0xa6: {  	v7 =	vor.u32 s14, v2;
	[tilespmem:v6+s15+$0x0] =	vst.idx.msk vm1, v5  }
0xa7: {  	[tilespmem:v6+s16+$0x0] =	vst.idx.msk vm1, v7  }
0xa8: {  	v5 =	vld [tilespmem:s24+$0xFFFFFFE0];
	_ =	sdelay $0x4  }
0xa9: {  	vm10 =	vlt.f32 v5, $6.250000000e-02  }
0xaa: {  	v6 =	vsel vm10, $0x1, v1  }
0xab: {  	(xrf0) =	vadd.scan.msk.s32 $0xffff, v6;
	_ =	sdelay $0x1  }
0xac: {  	v6 =	vmpcnt.ones.xlane vm1;
	_ =	sdelay $0x3  }
0xad: {  	v4 =	vadd.s32 v4, v6;
	v6, _, _ =	vpop (xrf0)  }
0xae: {  	v6 =	vadd.s32 v6, v4  }
0xaf: {  	v6 =	vadd.s32 $0xFFFFFFFF, v6;
	_ =	sdelay $0x3  }
0xb0: {  	s25 =	sadd.s32 $0xFFFFFFB0, s10  }
0xb1: {  	v7 =	vor.u32 s25, v2;
	[tilespmem:v6+s15+$0x0] =	vst.idx.msk vm10, v5  }
0xb2: {  	[tilespmem:v6+s16+$0x0] =	vst.idx.msk vm10, v7  }
0xb3: {  	v5 =	vld [tilespmem:s24+$0xFFFFFFF0];
	_ =	sdelay $0x4  }
0xb4: {  	vm11 =	vlt.f32 v5, $6.250000000e-02  }
0xb5: {  	v6 =	vsel vm11, $0x1, v1  }
0xb6: {  	(xrf0) =	vadd.scan.msk.s32 $0xffff, v6;
	_ =	sdelay $0x1  }
0xb7: {  	v6 =	vmpcnt.ones.xlane vm10;
	_ =	sdelay $0x3  }
0xb8: {  	v4 =	vadd.s32 v4, v6;
	v6, _, _ =	vpop (xrf0)  }
0xb9: {  	v6 =	vadd.s32 v6, v4  }
0xba: {  	v6 =	vadd.s32 $0xFFFFFFFF, v6;
	_ =	sdelay $0x3  }
0xbb: {  	s26 =	sadd.s32 $0xFFFFFFC0, s10  }
0xbc: {  	v7 =	vor.u32 s26, v2;
	[tilespmem:v6+s15+$0x0] =	vst.idx.msk vm11, v5  }
0xbd: {  	[tilespmem:v6+s16+$0x0] =	vst.idx.msk vm11, v7  }
0xbe: {  	v5 =	vld [tilespmem:s24+$0x0];
	_ =	sdelay $0x4  }
0xbf: {  	vm12 =	vlt.f32 v5, $6.250000000e-02  }
0xc0: {  	v6 =	vsel vm12, $0x1, v1  }
0xc1: {  	(xrf0) =	vadd.scan.msk.s32 $0xffff, v6;
	_ =	sdelay $0x1  }
0xc2: {  	v6 =	vmpcnt.ones.xlane vm11;
	_ =	sdelay $0x3  }
0xc3: {  	v4 =	vadd.s32 v4, v6;
	v6, _, _ =	vpop (xrf0)  }
0xc4: {  	v6 =	vadd.s32 v6, v4  }
0xc5: {  	v6 =	vadd.s32 $0xFFFFFFFF, v6;
	_ =	sdelay $0x3  }
0xc6: {  	s28 =	sadd.s32 $0xFFFFFFD0, s10  }
0xc7: {  	v7 =	vor.u32 s28, v2;
	[tilespmem:v6+s15+$0x0] =	vst.idx.msk vm12, v5  }
0xc8: {  	[tilespmem:v6+s16+$0x0] =	vst.idx.msk vm12, v7  }
0xc9: {  	v5 =	vld [tilespmem:s24+$0x10];
	_ =	sdelay $0x4  }
0xca: {  	vm13 =	vlt.f32 v5, $6.250000000e-02  }
0xcb: {  	v6 =	vsel vm13, $0x1, v1  }
0xcc: {  	(xrf0) =	vadd.scan.msk.s32 $0xffff, v6;
	_ =	sdelay $0x1  }
0xcd: {  	v6 =	vmpcnt.ones.xlane vm12;
	_ =	sdelay $0x3  }
0xce: {  	v4 =	vadd.s32 v4, v6;
	v6, _, _ =	vpop (xrf0)  }
0xcf: {  	v6 =	vadd.s32 v6, v4  }
0xd0: {  	v6 =	vadd.s32 $0xFFFFFFFF, v6;
	_ =	sdelay $0x3  }
0xd1: {  	s30 =	sadd.s32 $0xFFFFFFE0, s10  }
0xd2: {  	v7 =	vor.u32 s30, v2;
	[tilespmem:v6+s15+$0x0] =	vst.idx.msk vm13, v5  }
0xd3: {  	[tilespmem:v6+s16+$0x0] =	vst.idx.msk vm13, v7  }
0xd4: {  	v5 =	vld [tilespmem:s24+$0x20];
	_ =	sdelay $0x4  }
0xd5: {  	vm14 =	vlt.f32 v5, $6.250000000e-02  }
0xd6: {  	v6 =	vsel vm14, $0x1, v1  }
0xd7: {  	(xrf0) =	vadd.scan.msk.s32 $0xffff, v6;
	_ =	sdelay $0x1  }
0xd8: {  	v6 =	vmpcnt.ones.xlane vm13;
	_ =	sdelay $0x3  }
0xd9: {  	v4 =	vadd.s32 v4, v6;
	v6, _, _ =	vpop (xrf0)  }
0xda: {  	v6 =	vadd.s32 v6, v4  }
0xdb: {  	v6 =	vadd.s32 $0xFFFFFFFF, v6;
	_ =	sdelay $0x3  }
0xdc: {  	s31 =	sadd.s32 $0xFFFFFFF0, s10  }
0xdd: {  	v7 =	vor.u32 s31, v2;
	[tilespmem:v6+s15+$0x0] =	vst.idx.msk vm14, v5  }
0xde: {  	[tilespmem:v6+s16+$0x0] =	vst.idx.msk vm14, v7  }
0xdf: {  	v5 =	vld [tilespmem:s24+$0x30];
	_ =	sdelay $0x4  }
0xe0: {  	vm15 =	vlt.f32 v5, $6.250000000e-02  }
0xe1: {  	v6 =	vsel vm15, $0x1, v1  }
0xe2: {  	(xrf0) =	vadd.scan.msk.s32 $0xffff, v6;
	_ =	sdelay $0x1  }
0xe3: {  	v6 =	vmpcnt.ones.xlane vm14;
	_ =	sdelay $0x3  }
0xe4: {  	v4 =	vadd.s32 v4, v6;
	v6, _, _ =	vpop (xrf0)  }
0xe5: {  	v6 =	vadd.s32 v6, v4  }
0xe6: {  	s0 =	sadd.s32 $0x8, s0;
	v6 =	vadd.s32 $0xFFFFFFFF, v6  }
0xe7: {  	p1 =	slt.u32 s0, $0x78  }
.Ltmp6:
0xe8: {  	_ = 	snop;
	(pc) =	sbr.rel @p1 .LBB2_8-.Ltmp6, $4  }
0xe9: {  	_ = 	snop  }
0xea: {  	v7 =	vmpcnt.ones.xlane vm15  }
0xeb: {  	v8 =	vor.u32 s10, v2;
	[tilespmem:v6+s15+$0x0] =	vst.idx.msk vm15, v5  }
0xec: {  	s10 =	sadd.s32 $0x80, s10;
	s24 =	sadd.s32 $0x100, s24;
	v4 =	vadd.s32 v4, v7;
	[tilespmem:v6+s16+$0x0] =	vst.idx.msk vm15, v8  }
0xed: {  	v5 =	vxor.u32 $0x80000000, v4  }
0xee: {  	(xrf0) =	vmax.scan.msk.u32 $0xffff, v5;
	_ =	sdelay $0x5  }
0xef: {  	v5, _, _ =	vpop (xrf0)  }
0xf0: {  	(v2sf) =	vpush v5, $0xF;
	_ =	sdelay $0xe  }
0xf1: {  	s0 =	spop (v2sf)  }
0xf2: {  	p1 =	slt.u32 s0, $0x80000040  }
.Ltmp7:
0xf3: {  	_ = 	snop;
	(pc) =	sbr.rel @!p1 .LBB2_10-.Ltmp7, $2  }
0xf4: {  	_ =	sdelay $0x2  }
0xf5: {  	s25 =	simm.f32 $6.250000000e-02;
	s24 =	simm.f32 $4.096000000e+03  }
.LBB2_23:
0xf6: {  	s25 =	smul.f32 $6.400000000e+01, s25;
	_ =	sdelay $0x1  }
0xf7: {  	v4 =	vimm.s32 $0x0;
	s0 =	simm.s32 $0xFFFFFFF8;
	s10 =	simm.s32 $0x70;
	s26 =	smov.u32 s9;
	v5 =	vmov s25  }
.LBB2_24:
0xf8: {  	v6 =	vld [tilespmem:s26+$0xFFFFFFC0];
	_ =	sdelay $0x4  }
0xf9: {  	vm0 =	vlt.f32 v6, v5  }
0xfa: {  	v7 =	vsel vm0, $0x1, v1  }
0xfb: {  	(xrf0) =	vadd.scan.msk.s32 $0xffff, v7;
	_ =	sdelay $0x5  }
0xfc: {  	v7, _, _ =	vpop (xrf0)  }
0xfd: {  	v7 =	vadd.s32 v7, v4  }
0xfe: {  	v7 =	vadd.s32 $0xFFFFFFFF, v7;
	_ =	sdelay $0x3  }
0xff: {  	s3 =	sadd.s32 $0xFFFFFF90, s10  }
0x100: {  	v8 =	vor.u32 s3, v2;
	[tilespmem:v7+s15+$0x0] =	vst.idx.msk vm0, v6  }
0x101: {  	[tilespmem:v7+s16+$0x0] =	vst.idx.msk vm0, v8  }
0x102: {  	v6 =	vld [tilespmem:s26+$0xFFFFFFD0];
	_ =	sdelay $0x4  }
0x103: {  	vm1 =	vlt.f32 v6, v5  }
0x104: {  	v7 =	vsel vm1, $0x1, v1  }
0x105: {  	(xrf0) =	vadd.scan.msk.s32 $0xffff, v7;
	_ =	sdelay $0x1  }
0x106: {  	v7 =	vmpcnt.ones.xlane vm0;
	_ =	sdelay $0x3  }
0x107: {  	v4 =	vadd.s32 v4, v7;
	v7, _, _ =	vpop (xrf0)  }
0x108: {  	v7 =	vadd.s32 v7, v4  }
0x109: {  	v7 =	vadd.s32 $0xFFFFFFFF, v7;
	_ =	sdelay $0x3  }
0x10a: {  	s31 =	sadd.s32 $0xFFFFFFA0, s10  }
0x10b: {  	v57 =	vor.u32 s31, v2;
	[tilespmem:v7+s15+$0x0] =	vst.idx.msk vm1, v6  }
0x10c: {  	[tilespmem:v7+s16+$0x0] =	vst.idx.msk vm1, v57  }
0x10d: {  	v6 =	vld [tilespmem:s26+$0xFFFFFFE0];
	_ =	sdelay $0x4  }
0x10e: {  	vm10 =	vlt.f32 v6, v5  }
0x10f: {  	v7 =	vsel vm10, $0x1, v1  }
0x110: {  	(xrf0) =	vadd.scan.msk.s32 $0xffff, v7;
	_ =	sdelay $0x1  }
0x111: {  	v7 =	vmpcnt.ones.xlane vm1;
	_ =	sdelay $0x3  }
0x112: {  	v4 =	vadd.s32 v4, v7;
	v7, _, _ =	vpop (xrf0)  }
0x113: {  	v7 =	vadd.s32 v7, v4  }
0x114: {  	v7 =	vadd.s32 $0xFFFFFFFF, v7;
	_ =	sdelay $0x3  }
0x115: {  	s8 =	sadd.s32 $0xFFFFFFB0, s10  }
0x116: {  	v58 =	vor.u32 s8, v2;
	[tilespmem:v7+s15+$0x0] =	vst.idx.msk vm10, v6  }
0x117: {  	[tilespmem:v7+s16+$0x0] =	vst.idx.msk vm10, v58  }
0x118: {  	v6 =	vld [tilespmem:s26+$0xFFFFFFF0];
	_ =	sdelay $0x4  }
0x119: {  	vm11 =	vlt.f32 v6, v5  }
0x11a: {  	v7 =	vsel vm11, $0x1, v1  }
0x11b: {  	(xrf0) =	vadd.scan.msk.s32 $0xffff, v7;
	_ =	sdelay $0x1  }
0x11c: {  	v7 =	vmpcnt.ones.xlane vm10;
	_ =	sdelay $0x3  }
0x11d: {  	v4 =	vadd.s32 v4, v7;
	v7, _, _ =	vpop (xrf0)  }
0x11e: {  	v7 =	vadd.s32 v7, v4  }
0x11f: {  	v7 =	vadd.s32 $0xFFFFFFFF, v7;
	_ =	sdelay $0x3  }
0x120: {  	s14 =	sadd.s32 $0xFFFFFFC0, s10  }
0x121: {  	v59 =	vor.u32 s14, v2;
	[tilespmem:v7+s15+$0x0] =	vst.idx.msk vm11, v6  }
0x122: {  	[tilespmem:v7+s16+$0x0] =	vst.idx.msk vm11, v59  }
0x123: {  	v6 =	vld [tilespmem:s26+$0x0];
	_ =	sdelay $0x4  }
0x124: {  	vm12 =	vlt.f32 v6, v5  }
0x125: {  	v7 =	vsel vm12, $0x1, v1  }
0x126: {  	(xrf0) =	vadd.scan.msk.s32 $0xffff, v7;
	_ =	sdelay $0x1  }
0x127: {  	v7 =	vmpcnt.ones.xlane vm11;
	_ =	sdelay $0x3  }
0x128: {  	v4 =	vadd.s32 v4, v7;
	v7, _, _ =	vpop (xrf0)  }
0x129: {  	v7 =	vadd.s32 v7, v4  }
0x12a: {  	v7 =	vadd.s32 $0xFFFFFFFF, v7;
	_ =	sdelay $0x3  }
0x12b: {  	s28 =	sadd.s32 $0xFFFFFFD0, s10  }
0x12c: {  	v60 =	vor.u32 s28, v2;
	[tilespmem:v7+s15+$0x0] =	vst.idx.msk vm12, v6  }
0x12d: {  	[tilespmem:v7+s16+$0x0] =	vst.idx.msk vm12, v60  }
0x12e: {  	v6 =	vld [tilespmem:s26+$0x10];
	_ =	sdelay $0x4  }
0x12f: {  	vm13 =	vlt.f32 v6, v5  }
0x130: {  	v7 =	vsel vm13, $0x1, v1  }
0x131: {  	(xrf0) =	vadd.scan.msk.s32 $0xffff, v7;
	_ =	sdelay $0x1  }
0x132: {  	v7 =	vmpcnt.ones.xlane vm12;
	_ =	sdelay $0x3  }
0x133: {  	v4 =	vadd.s32 v4, v7;
	v7, _, _ =	vpop (xrf0)  }
0x134: {  	v7 =	vadd.s32 v7, v4  }
0x135: {  	v7 =	vadd.s32 $0xFFFFFFFF, v7;
	_ =	sdelay $0x3  }
0x136: {  	s30 =	sadd.s32 $0xFFFFFFE0, s10  }
0x137: {  	v61 =	vor.u32 s30, v2;
	[tilespmem:v7+s15+$0x0] =	vst.idx.msk vm13, v6  }
0x138: {  	[tilespmem:v7+s16+$0x0] =	vst.idx.msk vm13, v61  }
0x139: {  	v6 =	vld [tilespmem:s26+$0x20];
	_ =	sdelay $0x4  }
0x13a: {  	vm14 =	vlt.f32 v6, v5  }
0x13b: {  	v7 =	vsel vm14, $0x1, v1  }
0x13c: {  	(xrf0) =	vadd.scan.msk.s32 $0xffff, v7;
	_ =	sdelay $0x1  }
0x13d: {  	v7 =	vmpcnt.ones.xlane vm13;
	_ =	sdelay $0x3  }
0x13e: {  	v4 =	vadd.s32 v4, v7;
	v7, _, _ =	vpop (xrf0)  }
0x13f: {  	v7 =	vadd.s32 v7, v4  }
0x140: {  	v7 =	vadd.s32 $0xFFFFFFFF, v7;
	_ =	sdelay $0x3  }
0x141: {  	s31 =	sadd.s32 $0xFFFFFFF0, s10  }
0x142: {  	v62 =	vor.u32 s31, v2;
	[tilespmem:v7+s15+$0x0] =	vst.idx.msk vm14, v6  }
0x143: {  	[tilespmem:v7+s16+$0x0] =	vst.idx.msk vm14, v62  }
0x144: {  	v6 =	vld [tilespmem:s26+$0x30];
	_ =	sdelay $0x4  }
0x145: {  	vm15 =	vlt.f32 v6, v5  }
0x146: {  	v7 =	vsel vm15, $0x1, v1  }
0x147: {  	(xrf0) =	vadd.scan.msk.s32 $0xffff, v7;
	_ =	sdelay $0x1  }
0x148: {  	v7 =	vmpcnt.ones.xlane vm14;
	_ =	sdelay $0x3  }
0x149: {  	v4 =	vadd.s32 v4, v7;
	v7, _, _ =	vpop (xrf0)  }
0x14a: {  	v7 =	vadd.s32 v7, v4  }
0x14b: {  	s0 =	sadd.s32 $0x8, s0;
	v7 =	vadd.s32 $0xFFFFFFFF, v7  }
0x14c: {  	p1 =	slt.u32 s0, $0x78  }
.Ltmp8:
0x14d: {  	_ = 	snop;
	(pc) =	sbr.rel @p1 .LBB2_24-.Ltmp8, $4  }
0x14e: {  	_ = 	snop  }
0x14f: {  	v63 =	vmpcnt.ones.xlane vm15  }
0x150: {  	v9 =	vor.u32 s10, v2;
	[tilespmem:v7+s15+$0x0] =	vst.idx.msk vm15, v6  }
0x151: {  	s10 =	sadd.s32 $0x80, s10;
	s26 =	sadd.s32 $0x100, s26;
	v4 =	vadd.s32 v4, v63;
	[tilespmem:v7+s16+$0x0] =	vst.idx.msk vm15, v9  }
0x152: {  	v5 =	vxor.u32 $0x80000000, v4  }
0x153: {  	(xrf0) =	vmax.scan.msk.u32 $0xffff, v5;
	_ =	sdelay $0x5  }
0x154: {  	v5, _, _ =	vpop (xrf0)  }
0x155: {  	(v2sf) =	vpush v5, $0xF;
	_ =	sdelay $0xe  }
0x156: {  	s0 =	spop (v2sf)  }
0x157: {  	p1 =	sgt.u32 s0, $0x8000003F  }
.Ltmp9:
0x158: {  	_ = 	snop;
	(pc) =	sbr.rel @!p1 .LBB2_23-.Ltmp9, $2  }
0x159: {  	_ =	sdelay $0x2  }
0x15a: {  	s24 =	smul.f32 $1.562500000e-02, s24  }
.LBB2_10:
0x15b: {  	[tilespmem:$0xBA80] =	vst v1  }
0x15c: {  	[tilespmem:$0xBA90] =	vst v1  }
0x15d: {  	[tilespmem:$0xBAA0] =	vst v1  }
0x15e: {  	[tilespmem:$0xBAB0] =	vst v1  }
0x15f: {  	[tilespmem:$0xBAC0] =	vst v1  }
0x160: {  	[tilespmem:$0xBAD0] =	vst v1  }
0x161: {  	[tilespmem:$0xBAE0] =	vst v1;
	s0 =	sadd.s32 $0x8000000F, s0  }
0x162: {  	[tilespmem:$0xBAF0] =	vst v1;
	s0 =	sshra.s32 s0, $0x4  }
0x163: {  	[tilespmem:$0xBB00] =	vst v1;
	s0 =	sadd.s32 $0x1, s0  }
0x164: {  	[tilespmem:$0xBB10] =	vst v1;
	s25 =	sshra.s32 s0, $0x1  }
0x165: {  	[tilespmem:$0xBB20] =	vst v1;
	p1 =	slt.s32 s25, $0x1  }
.Ltmp10:
0x166: {  	[tilespmem:$0xBB30] =	vst v1;
	(pc) =	sbr.rel @p1 .LBB2_13-.Ltmp10, $4  }
0x167: {  	[tilespmem:$0xBB40] =	vst v1  }
0x168: {  	[tilespmem:$0xBB50] =	vst v1  }
0x169: {  	[tilespmem:$0xBB60] =	vst v1  }
0x16a: {  	[tilespmem:$0xBB70] =	vst v1;
	v5 =	vmov s24  }
0x16b: {  	s0 =	simm.s32 $0x9810;
	s3 =	simm.s32 $0x10;
	s10 =	smov.u32 s25  }
.LBB2_12:
0x16c: {  	v6 =	vld [tilespmem:s0+$0xFFFFFFF0];
	_ =	sdelay $0x4  }
0x16d: {  	v6 =	vmul.f32 v6, v5;
	_ =	sdelay $0x1  }
0x16e: {  	v6 =	vtrunc.f32 v6  }
0x16f: {  	v6 =	vcvt.f32.s32 v6  }
0x170: {  	s8 =	sadd.s32 $0xFFFFFFF0, s3  }
0x171: {  	v7 =	vor.u32 s8, v2;
	vm0 =	vgt.s32 v6, $0x0  }
0x172: {  	vm1 =	vlt.s32 v7, v4;
	v6 =	vnsel vm0, $0x0, v6  }
0x173: {  	v6 =	vmin.u32 v6, $0xFF;
	_ =	sdelay $0x4  }
0x174: {  	[tilespmem:v6+s17+$0x0] =	vst.idx.add.s32.msk vm1, v3  }
0x175: {  	v6 =	vld [tilespmem:s0+$0x0];
	_ =	sdelay $0x4  }
0x176: {  	v6 =	vmul.f32 v6, v5;
	_ =	sdelay $0x1  }
0x177: {  	v6 =	vtrunc.f32 v6  }
0x178: {  	v6 =	vcvt.f32.s32 v6;
	_ =	sdelay $0x1  }
0x179: {  	v7 =	vor.u32 s3, v2;
	vm14 =	vgt.s32 v6, $0x0  }
0x17a: {  	vm15 =	vlt.s32 v7, v4;
	v6 =	vnsel vm14, $0x0, v6  }
0x17b: {  	p2 =	sne.s32 s10, $0x1;
	v6 =	vmin.u32 v6, $0xFF  }
.Ltmp11:
0x17c: {  	_ = 	snop;
	(pc) =	sbr.rel @p2 .LBB2_12-.Ltmp11, $2  }
0x17d: {  	_ =	sdelay $0x2  }
0x17e: {  	s10 =	sadd.s32 $0xFFFFFFFF, s10;
	s3 =	sadd.s32 $0x20, s3;
	s0 =	sadd.s32 $0x20, s0;
	[tilespmem:v6+s17+$0x0] =	vst.idx.add.s32.msk vm15, v3  }
.LBB2_13:
0x17f: {  	s26 =	simm.s32 $0xBAA0  }
0x180: {  	v6 =	vld [tilespmem:s26+$0xFFFFFFE0];
	_ =	sdelay $0x4  }
0x181: {  	s0 =	simm.s32 $0x0;
	(xrf0) =	vadd.scan.msk.s32 $0xffff, v6  }
0x182: {  	v6 =	vmov s0  }
0x183: {  	v6 =	vand.u32 $0xFFFFFFFC, v6  }
0x184: {  	v6 =	vbroadcast v6, $0x0;
	_ =	sdelay $0x2  }
0x185: {  	v7, _, _ =	vpop (xrf0)  }
0x186: {  	v7 =	vbroadcast v7, $0xF;
	_ =	sdelay $0x1  }
0x187: {  	[tilespmem:v6+s18+$0x0] =	vst.idx.msk $0x1, v7  }
0x188: {  	v6 =	vld [tilespmem:s26+$0xFFFFFFF0];
	_ =	sdelay $0x4  }
0x189: {  	s30 =	simm.s32 $0x1;
	(xrf0) =	vadd.scan.msk.s32 $0xffff, v6  }
0x18a: {  	v6 =	vmov s30  }
0x18b: {  	v6 =	vand.u32 $0xFFFFFFFD, v6  }
0x18c: {  	v6 =	vbroadcast v6, $0x0;
	_ =	sdelay $0x2  }
0x18d: {  	v7, _, _ =	vpop (xrf0)  }
0x18e: {  	v7 =	vbroadcast v7, $0xF;
	_ =	sdelay $0x1  }
0x18f: {  	[tilespmem:v6+s18+$0x0] =	vst.idx.msk $0x1, v7  }
0x190: {  	v6 =	vld [tilespmem:s26+$0x0];
	_ =	sdelay $0x4  }
0x191: {  	s31 =	simm.s32 $0x2;
	(xrf0) =	vadd.scan.msk.s32 $0xffff, v6  }
0x192: {  	v6 =	vmov s31  }
0x193: {  	v6 =	vand.u32 $0xFFFFFFFE, v6  }
0x194: {  	v6 =	vbroadcast v6, $0x0;
	_ =	sdelay $0x2  }
0x195: {  	v7, _, _ =	vpop (xrf0)  }
0x196: {  	v7 =	vbroadcast v7, $0xF;
	_ =	sdelay $0x1  }
0x197: {  	[tilespmem:v6+s18+$0x0] =	vst.idx.msk $0x1, v7  }
0x198: {  	v6 =	vld [tilespmem:s26+$0x10];
	_ =	sdelay $0x4  }
0x199: {  	(xrf0) =	vadd.scan.msk.s32 $0xffff, v6;
	_ =	sdelay $0x2  }
0x19a: {  	s3 =	simm.s32 $0x3  }
0x19b: {  	v6 =	vmov s3;
	_ =	sdelay $0x1  }
0x19c: {  	v7, _, _ =	vpop (xrf0)  }
0x19d: {  	s24 =	sadd.s32 s5, s11;
	s0 =	simm.s32 $0x4;
	v7 =	vbroadcast v7, $0xF  }
.LBB2_14:
0x19e: {  	p2 =	slt.u32 s0, $0xC  }
0x19f: {  	s26 =	sadd.s32 $0x40, s26;
	s10 =	smov.u32 s0;
	s0 =	sadd.s32 $0x4, s0;
	[tilespmem:v6+s18+$0x0] =	vst.idx.msk $0x1, v7  }
0x1a0: {  	v6 =	vld [tilespmem:s26+$0xFFFFFFE0];
	_ =	sdelay $0x4  }
0x1a1: {  	(xrf0) =	vadd.scan.msk.s32 $0xffff, v6  }
0x1a2: {  	v6 =	vmov s10  }
0x1a3: {  	v6 =	vand.u32 $0xFFFFFFFC, v6  }
0x1a4: {  	v6 =	vbroadcast v6, $0x0;
	_ =	sdelay $0x2  }
0x1a5: {  	v7, _, _ =	vpop (xrf0)  }
0x1a6: {  	v7 =	vbroadcast v7, $0xF;
	_ =	sdelay $0x1  }
0x1a7: {  	[tilespmem:v6+s18+$0x0] =	vst.idx.msk $0x1, v7  }
0x1a8: {  	v6 =	vld [tilespmem:s26+$0xFFFFFFF0];
	_ =	sdelay $0x4  }
0x1a9: {  	s3 =	sadd.s32 $0x1, s10;
	(xrf0) =	vadd.scan.msk.s32 $0xffff, v6  }
0x1aa: {  	v6 =	vmov s3  }
0x1ab: {  	v6 =	vand.u32 $0xFFFFFFFD, v6  }
0x1ac: {  	v6 =	vbroadcast v6, $0x0;
	_ =	sdelay $0x2  }
0x1ad: {  	v7, _, _ =	vpop (xrf0)  }
0x1ae: {  	v7 =	vbroadcast v7, $0xF;
	_ =	sdelay $0x1  }
0x1af: {  	[tilespmem:v6+s18+$0x0] =	vst.idx.msk $0x1, v7  }
0x1b0: {  	v6 =	vld [tilespmem:s26+$0x0];
	_ =	sdelay $0x4  }
0x1b1: {  	s3 =	sadd.s32 $0x2, s10;
	(xrf0) =	vadd.scan.msk.s32 $0xffff, v6  }
0x1b2: {  	v6 =	vmov s3  }
0x1b3: {  	v6 =	vand.u32 $0xFFFFFFFE, v6  }
0x1b4: {  	v6 =	vbroadcast v6, $0x0;
	_ =	sdelay $0x2  }
0x1b5: {  	v7, _, _ =	vpop (xrf0)  }
0x1b6: {  	v7 =	vbroadcast v7, $0xF;
	_ =	sdelay $0x1  }
0x1b7: {  	[tilespmem:v6+s18+$0x0] =	vst.idx.msk $0x1, v7  }
0x1b8: {  	v6 =	vld [tilespmem:s26+$0x10];
	_ =	sdelay $0x4  }
0x1b9: {  	(xrf0) =	vadd.scan.msk.s32 $0xffff, v6;
	_ =	sdelay $0x2  }
.Ltmp12:
0x1ba: {  	s3 =	sadd.s32 $0x3, s10;
	(pc) =	sbr.rel @p2 .LBB2_14-.Ltmp12, $3  }
0x1bb: {  	v6 =	vmov s3;
	_ =	sdelay $0x1  }
0x1bc: {  	v7, _, _ =	vpop (xrf0)  }
0x1bd: {  	v7 =	vbroadcast v7, $0xF  }
0x1be: {  	_ =	sdelay $0x3  }
0x1bf: {  	[tilespmem:v6+s18+$0x0] =	vst.idx.msk $0x1, v7  }
0x1c0: {  	v6 =	vld [tilespmem:$0xBB80];
	_ =	sdelay $0x4  }
0x1c1: {  	(xrf0) =	vadd.scan.msk.s32 $0xffff, v6;
	_ =	sdelay $0x5  }
0x1c2: {  	v7, _, _ =	vpop (xrf0)  }
0x1c3: {  	v6 =	vsub.s32 v7, v6  }
0x1c4: {  	s0 =	simm.s32 $0xBAA0;
	[tilespmem:$0xBC00] =	vst v6  }
0x1c5: {  	v6 =	vld [tilespmem:s0+$0x10];
	_ =	sdelay $0x1  }
0x1c6: {  	s3 =	simm.s32 $0x0;
	s14 =	simm.s32 $0x1;
	s8 =	simm.s32 $0x2  }
0x1c7: {  	s10 =	simm.s32 $0x3;
	v8 =	vmov s3;
	v9 =	vmov s14;
	v10 =	vmov s8  }
0x1c8: {  	v11 =	vmov s10;
	v8 =	vand.u32 $0xFFFFFFFC, v8;
	v9 =	vand.u32 $0xFFFFFFFD, v9;
	v7 =	vld [tilespmem:s0+$0xFFFFFFE0]  }
0x1c9: {  	v10 =	vand.u32 $0xFFFFFFFE, v10;
	v8 =	vbroadcast v8, $0x0;
	(xrf0) =	vadd.scan.msk.s32 $0xffff, v6;
	v6 =	vbroadcast v9, $0x0;
	v9 =	vld [tilespmem:s0+$0x0]  }
0x1ca: {  	v12 =	vbroadcast v10, $0x0;
	v14 =	vld [tilespmem:s0+$0xFFFFFFF0];
	_ =	sdelay $0x2  }
0x1cb: {  	(xrf0) =	vadd.scan.msk.s32 $0xffff, v7  }
0x1cc: {  	v7 =	vld.idx.msk [tilespmem:v11+s19+$0x0], $0xffff;
	(xrf0) =	vadd.scan.msk.s32 $0xffff, v9  }
0x1cd: {  	s28 =	simm.s32 $0x5;
	v11 =	vld.idx.msk [tilespmem:v8+s19+$0x0], $0xffff;
	v13, _, _ =	vpop (xrf0);
	(xrf0) =	vadd.scan.msk.s32 $0xffff, v14  }
0x1ce: {  	s26 =	simm.s32 $0x4;
	s30 =	simm.s32 $0x6;
	v17 =	vmov s28;
	v9 =	vld.idx.msk [tilespmem:v12+s19+$0x0], $0xffff  }
0x1cf: {  	v15 =	vmov s26;
	v18 =	vmov s30;
	v12 =	vld.idx.msk [tilespmem:v6+s19+$0x0], $0xffff  }
0x1d0: {  	s31 =	simm.s32 $0x7;
	v16 =	vand.u32 $0xFFFFFFFC, v15;
	v15 =	vand.u32 $0xFFFFFFFE, v18;
	v10 =	vimm.s32 $0x0  }
0x1d1: {  	s10 =	simm.s32 $0x8;
	s0 =	simm.s32 $0xBAE0;
	v8 =	vmov s31;
	v14 =	vand.u32 $0xFFFFFFFD, v17;
	v6 =	vimm.s32 $0x0;
	v17, _, _ =	vpop (xrf0)  }
.LBB2_16:
0x1d2: {  	p2 =	slt.u32 s10, $0xC;
	v16 =	vbroadcast v16, $0x0;
	v15 =	vbroadcast v15, $0x0;
	v18 =	vld [tilespmem:s0+$0x10];
	v11 =	vadd.s32 v11, v17;
	v17, _, _ =	vpop (xrf0)  }
0x1d3: {  	v14 =	vbroadcast v14, $0x0;
	v13 =	vadd.s32 v7, v13;
	v19 =	vld [tilespmem:s0+$0xFFFFFFE0];
	vm0 =	vlt.s32 v11, $0x40;
	v7, _, _ =	vpop (xrf0)  }
0x1d4: {  	v9 =	vadd.s32 v9, v17;
	v20 =	vld [tilespmem:s0+$0x0];
	v11 =	vnsel vm0, $0x0, v11;
	v7 =	vadd.s32 v12, v7  }
0x1d5: {  	vm3 =	vlt.s32 v13, $0x40;
	v12 =	vld [tilespmem:s0+$0xFFFFFFF0];
	vm1 =	vgt.s32 v10, v11;
	vm2 =	vlt.s32 v7, $0x40  }
0x1d6: {  	v10 =	vsel vm1, v10, v11;
	v11 =	vnsel vm2, $0x0, v7;
	vm1 =	vlt.s32 v9, $0x40  }
0x1d7: {  	v17 =	vmpcnt.ones.xlane vm0;
	(xrf0) =	vadd.scan.msk.s32 $0xffff, v18;
	vm0 =	vgt.s32 v10, v11;
	v18 =	vmpcnt.ones.xlane vm3  }
0x1d8: {  	v7 =	vld.idx.msk [tilespmem:v8+s19+$0x0], $0xffff;
	(xrf0) =	vadd.scan.msk.s32 $0xffff, v19;
	v8 =	vmpcnt.ones.xlane vm2;
	v10 =	vsel vm0, v10, v11;
	v19 =	vnsel vm1, $0x0, v9  }
0x1d9: {  	v6 =	vadd.s32 v6, v17;
	v11 =	vld.idx.msk [tilespmem:v16+s19+$0x0], $0xffff;
	(xrf0) =	vadd.scan.msk.s32 $0xffff, v20;
	v16 =	vmpcnt.ones.xlane vm1;
	vm0 =	vgt.s32 v10, v19  }
.Ltmp13:
0x1da: {  	v9 =	vld.idx.msk [tilespmem:v15+s19+$0x0], $0xffff;
	(xrf0) =	vadd.scan.msk.s32 $0xffff, v12;
	v6 =	vadd.s32 v8, v6;
	v8 =	vsel vm0, v10, v19;
	v10 =	vnsel vm3, $0x0, v13;
	(pc) =	sbr.rel @p2 .LBB2_16-.Ltmp13, $4  }
0x1db: {  	v12 =	vld.idx.msk [tilespmem:v14+s19+$0x0], $0xffff;
	v6 =	vadd.s32 v16, v6;
	vm0 =	vgt.s32 v8, v10  }
0x1dc: {  	s3 =	sadd.s32 $0x1, s10;
	s8 =	sadd.s32 $0x2, s10;
	s14 =	sadd.s32 $0x3, s10;
	v14 =	vmov s10;
	v6 =	vadd.s32 v18, v6;
	v10 =	vsel vm0, v8, v10  }
0x1dd: {  	v15 =	vmov s3;
	v18 =	vmov s8;
	v8 =	vmov s14;
	v13, _, _ =	vpop (xrf0)  }
0x1de: {  	s0 =	sadd.s32 $0x40, s0;
	s10 =	sadd.s32 $0x4, s10;
	v16 =	vand.u32 $0xFFFFFFFC, v14;
	v14 =	vand.u32 $0xFFFFFFFD, v15;
	v15 =	vand.u32 $0xFFFFFFFE, v18;
	v17, _, _ =	vpop (xrf0)  }
0x1df: {  	v18 =	vld [tilespmem:s0+$0x10]  }
0x1e0: {  	v19 =	vld [tilespmem:s0+$0xFFFFFFE0]  }
0x1e1: {  	v16 =	vbroadcast v16, $0x0;
	v20 =	vld [tilespmem:s0+$0x0]  }
0x1e2: {  	v21 =	vld [tilespmem:s0+$0xFFFFFFF0]  }
0x1e3: {  	v14 =	vbroadcast v14, $0x0  }
0x1e4: {  	v11 =	vadd.s32 v11, v17;
	v47, _, _ =	vpop (xrf0);
	(xrf0) =	vadd.scan.msk.s32 $0xffff, v18  }
0x1e5: {  	v15 =	vbroadcast v15, $0x0;
	vm0 =	vlt.s32 v11, $0x40;
	v48, _, _ =	vpop (xrf0);
	(xrf0) =	vadd.scan.msk.s32 $0xffff, v19  }
0x1e6: {  	v11 =	vnsel vm0, $0x0, v11;
	v12 =	vadd.s32 v12, v48;
	(xrf0) =	vadd.scan.msk.s32 $0xffff, v20  }
0x1e7: {  	vm2 =	vgt.s32 v10, v11;
	vm1 =	vlt.s32 v12, $0x40;
	v16 =	vld.idx.msk [tilespmem:v16+s19+$0x0], $0xffff;
	(xrf0) =	vadd.scan.msk.s32 $0xffff, v21  }
0x1e8: {  	v9 =	vadd.s32 v9, v47;
	v10 =	vsel vm2, v10, v11;
	v49 =	vnsel vm1, $0x0, v12  }
0x1e9: {  	vm12 =	vlt.s32 v9, $0x40;
	vm3 =	vgt.s32 v10, v49;
	v50 =	vld.idx.msk [tilespmem:v14+s19+$0x0], $0xffff  }
0x1ea: {  	v7 =	vadd.s32 v7, v13;
	v9 =	vnsel vm12, $0x0, v9;
	v10 =	vsel vm3, v10, v49;
	v51, _, _ =	vpop (xrf0)  }
0x1eb: {  	vm13 =	vlt.s32 v7, $0x40;
	v52 =	vld.idx.msk [tilespmem:v15+s19+$0x0], $0xffff;
	vm4 =	vgt.s32 v10, v9;
	v53, _, _ =	vpop (xrf0)  }
0x1ec: {  	v7 =	vnsel vm13, $0x0, v7;
	v9 =	vsel vm4, v10, v9;
	v54 =	vadd.s32 v16, v53;
	v55, _, _ =	vpop (xrf0)  }
0x1ed: {  	v8 =	vld.idx.msk [tilespmem:v8+s19+$0x0], $0xffff;
	vm4 =	vgt.s32 v9, v7;
	vm5 =	vlt.s32 v54, $0x40;
	v56, _, _ =	vpop (xrf0)  }
0x1ee: {  	v7 =	vsel vm4, v9, v7;
	v57 =	vnsel vm5, $0x0, v54;
	v58 =	vadd.s32 v50, v56  }
0x1ef: {  	vm4 =	vgt.s32 v7, v57;
	vm6 =	vlt.s32 v58, $0x40  }
0x1f0: {  	v59 =	vadd.s32 v52, v55;
	v7 =	vsel vm4, v7, v57;
	v60 =	vnsel vm6, $0x0, v58  }
0x1f1: {  	vm14 =	vlt.s32 v59, $0x40;
	vm7 =	vgt.s32 v7, v60  }
0x1f2: {  	v8 =	vadd.s32 v8, v51;
	v61 =	vnsel vm14, $0x0, v59;
	v7 =	vsel vm7, v7, v60  }
0x1f3: {  	vm15 =	vlt.s32 v8, $0x40;
	vm8 =	vgt.s32 v7, v61  }
0x1f4: {  	v8 =	vnsel vm15, $0x0, v8;
	v7 =	vsel vm8, v7, v61  }
0x1f5: {  	vm8 =	vgt.s32 v7, v8  }
0x1f6: {  	v7 =	vsel vm8, v7, v8  }
0x1f7: {  	v7 =	vxor.u32 $0x80000000, v7  }
0x1f8: {  	(xrf0) =	vmax.scan.msk.u32 $0xffff, v7;
	_ =	sdelay $0x5  }
0x1f9: {  	v7, _, _ =	vpop (xrf0)  }
0x1fa: {  	(v2sf) =	vpush v7, $0xF;
	_ =	sdelay $0x5  }
0x1fb: {  	v7 =	vmpcnt.ones.xlane vm0  }
0x1fc: {  	v8 =	vmpcnt.ones.xlane vm1  }
0x1fd: {  	v62 =	vmpcnt.ones.xlane vm12;
	v6 =	vadd.s32 v6, v7  }
0x1fe: {  	v7 =	vmpcnt.ones.xlane vm13;
	v6 =	vadd.s32 v8, v6  }
0x1ff: {  	v8 =	vmpcnt.ones.xlane vm5;
	v6 =	vadd.s32 v62, v6  }
.Ltmp14:
0x200: {  	v6 =	vadd.s32 v7, v6;
	v7 =	vmpcnt.ones.xlane vm6;
	(pc) =	sbr.rel @p1 .LBB2_20-.Ltmp14, $4  }
0x201: {  	v6 =	vadd.s32 v6, v8;
	v8 =	vmpcnt.ones.xlane vm14  }
0x202: {  	v63 =	vmpcnt.ones.xlane vm15;
	v6 =	vadd.s32 v7, v6  }
0x203: {  	v6 =	vadd.s32 v8, v6  }
0x204: {  	v7 =	vadd.s32 v63, v6;
	v6 =	vimm.s32 $0x0;
	s0 =	spop (v2sf)  }
0x205: {  	s10 =	simm.s32 $0x9810;
	s26 =	simm.s32 $0xA090;
	s30 =	simm.s32 $0x10;
	v8 =	vimm.s32 $0x0  }
.LBB2_19:
0x206: {  	v9 =	vld [tilespmem:s10+$0xFFFFFFF0];
	_ =	sdelay $0x4  }
0x207: {  	v10 =	vmul.f32 v9, v5;
	_ =	sdelay $0x1  }
0x208: {  	v10 =	vtrunc.f32 v10  }
0x209: {  	v10 =	vcvt.f32.s32 v10;
	_ =	sdelay $0x1  }
0x20a: {  	vm0 =	vgt.s32 v10, $0x0  }
0x20b: {  	s3 =	sadd.s32 $0xFFFFFFF0, s30;
	v10 =	vnsel vm0, $0x0, v10  }
0x20c: {  	v11 =	vor.u32 s3, v2;
	v10 =	vmin.u32 v10, $0xFF  }
0x20d: {  	vm1 =	vlt.s32 v11, v4;
	vm13 =	vlt.s32 v10, v7  }
0x20e: {  	vm2 =	veq.s32 v10, v7;
	vm0 =	vmand vm1, vm13  }
0x20f: {  	vm1 =	vmand vm1, vm2;
	v10 =	vsel vm0, $0x1, v1  }
0x210: {  	(xrf0) =	vadd.scan.msk.s32 $0xffff, v10;
	v10 =	vsel vm1, $0x1, v1  }
0x211: {  	(xrf0) =	vadd.scan.msk.s32 $0xffff, v10;
	_ =	sdelay $0x4  }
0x212: {  	v10, _, _ =	vpop (xrf0)  }
0x213: {  	v11, _, _ =	vpop (xrf0);
	v10 =	vadd.s32 v10, v8  }
0x214: {  	v12 =	vld [tilespmem:s26+$0xFFFFFFF0];
	v10 =	vadd.s32 $0xFFFFFFFF, v10;
	v11 =	vadd.s32 v11, v6  }
0x215: {  	v11 =	vadd.s32 $0xFFFFFFFF, v11;
	_ =	sdelay $0x3  }
0x216: {  	[tilespmem:v10+s20+$0x0] =	vst.idx.msk vm0, v12  }
0x217: {  	[tilespmem:v11+s21+$0x0] =	vst.idx.msk vm1, v9  }
0x218: {  	[tilespmem:v11+s22+$0x0] =	vst.idx.msk vm1, v12  }
0x219: {  	v9 =	vld [tilespmem:s10+$0x0];
	_ =	sdelay $0x4  }
0x21a: {  	v10 =	vmul.f32 v9, v5;
	_ =	sdelay $0x1  }
0x21b: {  	v10 =	vtrunc.f32 v10  }
0x21c: {  	v10 =	vcvt.f32.s32 v10;
	_ =	sdelay $0x1  }
0x21d: {  	vm14 =	vgt.s32 v10, $0x0  }
0x21e: {  	v10 =	vnsel vm14, $0x0, v10  }
0x21f: {  	v11 =	vor.u32 s30, v2;
	v10 =	vmin.u32 v10, $0xFF  }
0x220: {  	vm15 =	vlt.s32 v11, v4;
	vm3 =	vlt.s32 v10, v7  }
0x221: {  	vm4 =	veq.s32 v10, v7;
	vm3 =	vmand vm15, vm3  }
0x222: {  	vm2 =	vmand vm15, vm4;
	v10 =	vsel vm3, $0x1, v1  }
0x223: {  	(xrf0) =	vadd.scan.msk.s32 $0xffff, v10;
	v10 =	vsel vm2, $0x1, v1  }
0x224: {  	(xrf0) =	vadd.scan.msk.s32 $0xffff, v10;
	_ =	sdelay $0x1  }
0x225: {  	v10 =	vmpcnt.ones.xlane vm0;
	_ =	sdelay $0x1  }
0x226: {  	v11 =	vmpcnt.ones.xlane vm1  }
0x227: {  	v8 =	vadd.s32 v8, v10;
	v62, _, _ =	vpop (xrf0)  }
0x228: {  	v6 =	vadd.s32 v6, v11;
	v10, _, _ =	vpop (xrf0);
	v11 =	vadd.s32 v62, v8  }
0x229: {  	v63 =	vld [tilespmem:s26+$0x0];
	v11 =	vadd.s32 $0xFFFFFFFF, v11;
	v10 =	vadd.s32 v10, v6  }
0x22a: {  	v10 =	vadd.s32 $0xFFFFFFFF, v10  }
0x22b: {  	p1 =	sne.s32 s25, $0x1  }
.Ltmp15:
0x22c: {  	_ = 	snop;
	(pc) =	sbr.rel @p1 .LBB2_19-.Ltmp15, $4  }
0x22d: {  	_ = 	snop  }
0x22e: {  	v13 =	vmpcnt.ones.xlane vm2;
	[tilespmem:v11+s20+$0x0] =	vst.idx.msk vm3, v63;
	v11 =	vmpcnt.ones.xlane vm3  }
0x22f: {  	s25 =	sadd.s32 $0xFFFFFFFF, s25;
	[tilespmem:v10+s21+$0x0] =	vst.idx.msk vm2, v9  }
0x230: {  	s30 =	sadd.s32 $0x20, s30;
	s10 =	sadd.s32 $0x20, s10;
	s26 =	sadd.s32 $0x20, s26;
	v6 =	vadd.s32 v6, v13;
	[tilespmem:v10+s22+$0x0] =	vst.idx.msk vm2, v63;
	v8 =	vadd.s32 v8, v11  }
.LBB2_20:
0x231: {  	v4 =	vxor.u32 $0x80000000, v6  }
0x232: {  	(xrf0) =	vmax.scan.msk.u32 $0xffff, v4;
	_ =	sdelay $0x5  }
0x233: {  	v4, _, _ =	vpop (xrf0)  }
0x234: {  	(v2sf) =	vpush v4, $0xF;
	_ =	sdelay $0xe  }
0x235: {  	s3 =	spop (v2sf)  }
0x236: {  	p1 =	sgt.u32 s3, $0x80000010  }
.Ltmp16:
0x237: {  	_ = 	snop;
	(pc) =	sbr.rel @!p1 .LBB2_21-.Ltmp16, $3  }
0x238: {  	_ =	sdelay $0x1  }
0x239: {  	s25 =	sxor.u32 $0x80000000, s0  }
0x23a: {  	s26 =	ssub.s32 $0x40, s25  }
0x23b: {  	p1 =	slt.s32 s26, $0x1  }
.Ltmp17:
0x23c: {  	_ = 	snop;
	(pc) =	sbr.rel @p1 .LBB2_36-.Ltmp17, $1  }
0x23d: {  	_ =	sdelay $0x3  }
.Ltmp18:
0x23e: {  	(pc) =	sbr.rel .LBB2_27-.Ltmp18, $3  }
0x23f: {  	_ =	sdelay $0x1  }
0x240: {  	s0 =	sadd.s32 $0x8000000F, s3  }
0x241: {  	s31 =	simm.s32 $0x0;
	s30 =	sshra.s32 s0, $0x4;
	s0 =	simm.s32 $0x0  }
.LBB2_34:
0x242: {  	v7 =	vld [tilespmem:s3+$0x0];
	_ =	sdelay $0x3  }
0x243: {  	vm0 =	veq.s32 v5, v4  }
0x244: {  	v5 =	vsel vm0, $0x7149F2CA, v7  }
0x245: {  	[tilespmem:s3+$0x0] =	vst v5  }
.LBB2_35:
0x246: {  	s3 =	sadd.s32 s25, s0;
	s0 =	sadd.s32 $0x1, s0  }
0x247: {  	v5 =	vmov s3;
	p1 =	sne.s32 s0, s26  }
.Ltmp19:
0x248: {  	_ = 	snop;
	(pc) =	sbr.rel @!p1 .LBB2_36-.Ltmp19, $2  }
0x249: {  	_ =	sdelay $0x2  }
0x24a: {  	[tilespmem:v5+s20+$0x0] =	vst.idx.msk $0x1, v4  }
.LBB2_27:
0x24b: {  	p1 =	slt.s32 s30, $0x1  }
.Ltmp20:
0x24c: {  	_ = 	snop;
	(pc) =	sbr.rel @p1 .LBB2_35-.Ltmp20, $2  }
0x24d: {  	_ =	sdelay $0x2  }
0x24e: {  	v4 =	vmov v0  }
0x24f: {  	s10 =	simm.s32 $0xA900  }
0x250: {  	p1 =	sne.s32 s30, $0x1;
	v5 =	vld [tilespmem:s10+$0x0]  }
.Ltmp21:
0x251: {  	_ = 	snop;
	(pc) =	sbr.rel @!p1 .LBB2_30-.Ltmp21, $4  }
0x252: {  	_ = 	snop  }
0x253: {  	v4 =	vor.u32 s31, v2  }
0x254: {  	vm0 =	vlt.s32 v4, v6  }
0x255: {  	s3 =	sadd.s32 $0xFFFFFFFF, s30;
	s8 =	simm.s32 $0xA910;
	s14 =	simm.s32 $0x0;
	v4 =	vimm.f32 $1.000000020e+30;
	v5 =	vnsel vm0, $0x7149F2CA, v5  }
.LBB2_29:
0x256: {  	v7 =	vld [tilespmem:s8+$0x0];
	p2 =	sne.s32 s3, $0x1;
	s3 =	sadd.s32 $0xFFFFFFFF, s3;
	v4 =	vmin.f32 v4, v5  }
.Ltmp22:
0x257: {  	(pc) =	sbr.rel @p2 .LBB2_29-.Ltmp22, $4  }
0x258: {  	s14 =	sadd.s32 $0x10, s14  }
0x259: {  	v5 =	vor.u32 s14, v2  }
0x25a: {  	vm0 =	vlt.s32 v5, v6  }
0x25b: {  	s8 =	sadd.s32 $0x10, s8;
	v5 =	vnsel vm0, $0x7149F2CA, v7  }
.LBB2_30:
0x25c: {  	v4 =	vmin.f32 v4, v5  }
0x25d: {  	(xrf0) =	vmin.scan.msk.f32 $0xffff, v4;
	_ =	sdelay $0x3  }
0x25e: {  	v8 =	vld [tilespmem:s10+$0x0]  }
.Ltmp23:
0x25f: {  	s10 =	simm.s32 $0xB180;
	(pc) =	sbr.rel @!p1 .LBB2_32-.Ltmp23, $4  }
0x260: {  	v7 =	vld [tilespmem:s10+$0x0];
	v4, _, _ =	vpop (xrf0)  }
0x261: {  	s14 =	simm.s32 $0x0;
	v5 =	vbroadcast v4, $0xF  }
0x262: {  	v9 =	vor.u32 s14, v2  }
0x263: {  	s28 =	sadd.s32 $0xFFFFFFFF, s30;
	s3 =	simm.s32 $0xA910;
	s8 =	simm.s32 $0xB180;
	vm0 =	vlt.s32 v9, v6;
	v4 =	vimm.s32 $0x40000000;
	vm1 =	veq.f32 v8, v5  }
.LBB2_31:
0x264: {  	v8 =	vld [tilespmem:s3+$0x0];
	p2 =	sne.s32 s28, $0x1;
	s28 =	sadd.s32 $0xFFFFFFFF, s28;
	vm0 =	vmand vm0, vm1  }
.Ltmp24:
0x265: {  	s8 =	sadd.s32 $0x10, s8;
	v9 =	vnsel vm0, $0x40000000, v7;
	(pc) =	sbr.rel @p2 .LBB2_31-.Ltmp24, $4  }
0x266: {  	v7 =	vld [tilespmem:s8+$0x0];
	vm0 =	vlt.s32 v4, v9  }
0x267: {  	s14 =	sadd.s32 $0x10, s14;
	v4 =	vsel vm0, v4, v9  }
0x268: {  	v9 =	vor.u32 s14, v2  }
0x269: {  	s3 =	sadd.s32 $0x10, s3;
	vm0 =	vlt.s32 v9, v6;
	vm1 =	veq.f32 v8, v5  }
.LBB2_32:
0x26a: {  	vm0 =	vmand vm0, vm1  }
0x26b: {  	v5 =	vnsel vm0, $0x40000000, v7  }
0x26c: {  	vm0 =	vlt.s32 v4, v5  }
0x26d: {  	v4 =	vsel vm0, v4, v5  }
0x26e: {  	v4 =	vxor.u32 $0x80000000, v4  }
0x26f: {  	(xrf0) =	vmin.scan.msk.u32 $0xffff, v4;
	_ =	sdelay $0x5  }
0x270: {  	v4, _, _ =	vpop (xrf0)  }
0x271: {  	(v2sf) =	vpush v4, $0xF;
	_ =	sdelay $0xc  }
.Ltmp25:
0x272: {  	_ = 	snop;
	(pc) =	sbr.rel @!p1 .LBB2_34-.Ltmp25, $4  }
0x273: {  	_ = 	snop  }
0x274: {  	s3 =	spop (v2sf)  }
0x275: {  	s3 =	sxor.u32 $0x80000000, s3  }
0x276: {  	s8 =	sadd.s32 $0xFFFFFFFF, s30;
	v5 =	vld [tilespmem:s10+$0x0];
	v4 =	vmov s3;
	s3 =	simm.s32 $0xA900  }
.LBB2_33:
0x277: {  	p1 =	sne.s32 s8, $0x1;
	v7 =	vld [tilespmem:s3+$0x0];
	_ =	sdelay $0x2  }
.Ltmp26:
0x278: {  	(pc) =	sbr.rel @p1 .LBB2_33-.Ltmp26, $4  }
0x279: {  	vm0 =	veq.s32 v5, v4  }
0x27a: {  	v5 =	vsel vm0, $0x7149F2CA, v7  }
0x27b: {  	s10 =	sadd.s32 $0x10, s10;
	[tilespmem:s3+$0x0] =	vst v5  }
0x27c: {  	s8 =	sadd.s32 $0xFFFFFFFF, s8;
	s3 =	sadd.s32 $0x10, s3;
	v5 =	vld [tilespmem:s10+$0x0]  }
.Ltmp27:
0x27d: {  	_ = 	snop;
	(pc) =	sbr.rel .LBB2_34-.Ltmp27, $1  }
0x27e: {  	_ =	sdelay $0x3  }
.LBB2_37:
0x27f: {  	s0 =	sshll.u32 s13, $0xA;
	s3 =	rddreg [dreg:$0x5]  }
0x280: {  	s0 =	sadd.s32 s3, s0  }
0x281: {  	s0 =	sshrl.u32 s0, $0x3  }
0x282: {  	s25 =	sadd.s32 s4, s0;
	s26 =	sor.u32 $0x10000, s0  }
0x283: {  	[hbm4b:s25+s1] =	stream.linear.scatter [tilespmem:s23], [sflag:$0x3], $0x200, $0x38;
	[tilespmem:$0xCC80] =	vst v63  }
0x284: {  	s5 =	simm.s32 $0xBE80;
	p1 =	seq.s32 s13, $0xF;
	s3 =	sadd.s32 s4, s26  }
0x285: {  	[hbm4b:s3+s1] =	stream.linear.scatter [tilespmem:s5], [sflag:$0x3], $0x200, $0x38;
	[tilespmem:$0xCC80] =	vst v63  }
.Ltmp28:
0x286: {  	s28 =	sor.u32 $0x20000, s0;
	(pc) =	sbr.rel @p1 .LBB2_41-.Ltmp28, $4  }
0x287: {  	s30 =	simm.s32 $0xC080;
	s0 =	sor.u32 $0x30000, s0;
	s3 =	sadd.s32 s4, s28  }
0x288: {  	[hbm4b:s3+s1] =	stream.linear.scatter [tilespmem:s30], [sflag:$0x3], $0x200, $0x38;
	[tilespmem:$0xCC80] =	vst v63  }
0x289: {  	s31 =	simm.s32 $0xC280;
	s0 =	sadd.s32 s4, s0  }
0x28a: {  	[hbm4b:s0+s1] =	stream.linear.scatter [tilespmem:s31], [sflag:$0x3], $0x200, $0x38;
	[tilespmem:$0xCC80] =	vst v63  }
0x28b: {  	s0 =	sshll.u32 s13, $0xC;
	s3 =	rddreg [dreg:$0x6]  }
0x28c: {  	s5 =	simm.s32 $0x10;
	s0 =	sadd.s32 s0, s3  }
0x28d: {  	s8 =	simm.s32 $0x100;
	s3 =	simm.s32 $0x0;
	s9 =	sadd.s32 $0x0, s0  }
.LBB2_39:
0x28e: {  	[tilespmem:s3], [sflag:$0x1] =	stream.linear.gather [hbm4b:s9+s1], $0x80, $0x38;
	[tilespmem:$0xCC80] =	vst v63  }
0x28f: {  	s9 =	smov.u32 s5;
	s3 =	smov.u32 s8;
	p2 =	sne.s32 s5, $0x7F0  }
.Ltmp29:
0x290: {  	s5 =	sadd.s32 $0x10, s5;
	(pc) =	sbr.rel @p2 .LBB2_39-.Ltmp29, $2  }
0x291: {  	_ =	sdelay $0x2  }
0x292: {  	s8 =	sadd.s32 $0x100, s8;
	s9 =	sadd.s32 s9, s0  }
0x293: {  	[tilespmem:s3], [sflag:$0x1] =	stream.linear.gather [hbm4b:s9+s1], $0x80, $0x38;
	[tilespmem:$0xCC80] =	vst v63  }
.LBB2_41:
0x294: {  	s0 =	simm.s32 $0x2  }
0x295: {  	_ =	swait.ge [sflag:s0], $0x4000  }
.Ltmp30:
0x296: {  	s2 =	sor.u32 $0x1, s2;
	[sflag:s0] =	ssyncset.done $0x0;
	(pc) =	sbr.rel .LBB2_42-.Ltmp30, $4  }
0x297: {  	s9 =	simm.s32 $0x0;
	[sflag:s0] =	ssyncadd.s32 $0xFFFFC000;
	s0 =	simm.s32 @!p0 $0x4  }
0x298: {  	s11 =	simm.s32 $0xE0;
	_ =	swait.ge @!p0 [sflag:s0], $0x800;
	[dreg:$0xa] =	wrdreg s2  }
0x299: {  	s2 =	sshll.u32 s2, $0x3;
	[sflag:s0] =	ssyncset.done @!p0 $0x0;
	s31 =	rddreg [dreg:$0x3]  }
0x29a: {  	s24 =	simm.s32 $0xD0;
	[sflag:s0] =	ssyncadd.s32 @!p0 $0xFFFFF800;
	s5 =	sadd.s32 s31, s2  }
.LBB2_56:
0x29b: {  	v19 =	vld [tilespmem:$0xA900]  }
0x29c: {  	v20 =	vld [tilespmem:$0xB180];
	_ =	sdelay $0x2  }
0x29d: {  	vm0 =	vgt.s32 v21, v2  }
0x29e: {  	v19 =	vnsel vm0, $0x7149F2CA, v19  }
0x29f: {  	(xrf1) =	vsort.ascd.msk.f32 $0xffff, v19, v20;
	_ =	sdelay $0x6  }
0x2a0: {  	v19 =	vmov s26  }
0x2a1: {  	v20 =	vmov s30;
	v19 =	vbroadcast v19, $0x0  }
0x2a2: {  	vm15 =	vgt.s32 v20, v2  }
0x2a3: {  	v19 =	vadd.s32 v2, v19;
	_ =	sdelay $0x3  }
0x2a4: {  	_, v20, _ =	vpop (xrf1)  }
0x2a5: {  	[tilespmem:v19+s20+$0x0] =	vst.idx.msk vm15, v20  }
.LBB2_71:
0x2a6: {  	v19 =	vld [tilespmem:$0xBA00];
	_ =	sdelay $0x1  }
0x2a7: {  	s0 =	smul.u32 $0x3, s25;
	_ =	sdelay $0x1  }
0x2a8: {  	v20 =	vmov s0  }
0x2a9: {  	v21 =	vadd.s32 $0x1, v20;
	v19 =	vmul.u32 $0x3, v19;
	_ =	sdelay $0x1  }
0x2aa: {  	v23 =	vadd.s32 $0x1, v19  }
0x2ab: {  	v22 =	vadd.s32 $0x2, v20  }
0x2ac: {  	v20 =	vld.idx.msk [tilespmem:v20+s12+$0x0], $0xffff;
	v24 =	vadd.s32 $0x2, v19  }
0x2ad: {  	v21 =	vld.idx.msk [tilespmem:v21+s12+$0x0], $0xffff  }
0x2ae: {  	v19 =	vld.idx.msk [tilespmem:v19+s12+$0x0], $0xffff  }
0x2af: {  	v23 =	vld.idx.msk [tilespmem:v23+s12+$0x0], $0xffff  }
0x2b0: {  	v22 =	vld.idx.msk [tilespmem:v22+s12+$0x0], $0xffff  }
0x2b1: {  	v24 =	vld.idx.msk [tilespmem:v24+s12+$0x0], $0xffff;
	_ =	sdelay $0x1  }
0x2b2: {  	s31 =	sshll.u32 s9, $0x6  }
0x2b3: {  	v25 =	vor.u32 s31, v2;
	v19 =	vsub.f32 v19, v20;
	v23 =	vsub.f32 v23, v21  }
0x2b4: {  	v26 =	vor.u32 s31, v4;
	v29 =	vor.u32 s31, v5  }
0x2b5: {  	v24 =	vsub.f32 v24, v22;
	v27 =	vmul.f32 v19, v19;
	v28 =	vmul.f32 v23, v23  }
0x2b6: {  	v30 =	vor.u32 s31, v6  }
0x2b7: {  	v36 =	vmul.f32 v24, v24;
	v27 =	vadd.f32 v28, v27  }
0x2b8: {  	[tilespmem:v25+s29+$0x0] =	vst.idx.msk $0xffff, v19  }
0x2b9: {  	[tilespmem:v26+s29+$0x0] =	vst.idx.msk $0xffff, v23;
	v19 =	vadd.f32 v36, v27  }
0x2ba: {  	[tilespmem:v29+s29+$0x0] =	vst.idx.msk $0xffff, v24  }
0x2bb: {  	[tilespmem:v30+s29+$0x0] =	vst.idx.msk $0xffff, v19  }
0x2bc: {  	v19 =	vld [tilespmem:$0xBA10];
	_ =	sdelay $0x4  }
0x2bd: {  	v19 =	vmul.u32 $0x3, v19;
	_ =	sdelay $0x1  }
0x2be: {  	v37 =	vadd.s32 $0x1, v19;
	_ =	sdelay $0x1  }
0x2bf: {  	v38 =	vadd.s32 $0x2, v19;
	_ =	sdelay $0x1  }
0x2c0: {  	v19 =	vld.idx.msk [tilespmem:v19+s12+$0x0], $0xffff  }
0x2c1: {  	v23 =	vld.idx.msk [tilespmem:v37+s12+$0x0], $0xffff;
	_ =	sdelay $0x1  }
0x2c2: {  	v24 =	vld.idx.msk [tilespmem:v38+s12+$0x0], $0xffff;
	_ =	sdelay $0x2  }
0x2c3: {  	v39 =	vor.u32 s31, v7;
	v19 =	vsub.f32 v19, v20;
	v23 =	vsub.f32 v23, v21  }
0x2c4: {  	v40 =	vor.u32 s31, v8;
	v43 =	vor.u32 s31, v9  }
0x2c5: {  	v24 =	vsub.f32 v24, v22;
	v41 =	vmul.f32 v19, v19;
	v42 =	vmul.f32 v23, v23  }
0x2c6: {  	v44 =	vor.u32 s31, v10  }
0x2c7: {  	v45 =	vmul.f32 v24, v24;
	v27 =	vadd.f32 v42, v41  }
0x2c8: {  	[tilespmem:v39+s29+$0x0] =	vst.idx.msk $0xffff, v19  }
0x2c9: {  	[tilespmem:v40+s29+$0x0] =	vst.idx.msk $0xffff, v23;
	v19 =	vadd.f32 v45, v27  }
0x2ca: {  	[tilespmem:v43+s29+$0x0] =	vst.idx.msk $0xffff, v24  }
0x2cb: {  	[tilespmem:v44+s29+$0x0] =	vst.idx.msk $0xffff, v19  }
0x2cc: {  	v19 =	vld [tilespmem:$0xBA20];
	_ =	sdelay $0x4  }
0x2cd: {  	v19 =	vmul.u32 $0x3, v19;
	_ =	sdelay $0x1  }
0x2ce: {  	v46 =	vadd.s32 $0x1, v19;
	_ =	sdelay $0x1  }
0x2cf: {  	v47 =	vadd.s32 $0x2, v19;
	_ =	sdelay $0x1  }
0x2d0: {  	v19 =	vld.idx.msk [tilespmem:v19+s12+$0x0], $0xffff  }
0x2d1: {  	v23 =	vld.idx.msk [tilespmem:v46+s12+$0x0], $0xffff;
	_ =	sdelay $0x1  }
0x2d2: {  	v24 =	vld.idx.msk [tilespmem:v47+s12+$0x0], $0xffff;
	_ =	sdelay $0x2  }
0x2d3: {  	v48 =	vor.u32 s31, v11;
	v19 =	vsub.f32 v19, v20;
	v23 =	vsub.f32 v23, v21  }
0x2d4: {  	v49 =	vor.u32 s31, v12;
	v52 =	vor.u32 s31, v13  }
0x2d5: {  	v24 =	vsub.f32 v24, v22;
	v50 =	vmul.f32 v19, v19;
	v51 =	vmul.f32 v23, v23  }
0x2d6: {  	v53 =	vor.u32 s31, v14  }
0x2d7: {  	v54 =	vmul.f32 v24, v24;
	v27 =	vadd.f32 v51, v50  }
0x2d8: {  	[tilespmem:v48+s29+$0x0] =	vst.idx.msk $0xffff, v19  }
0x2d9: {  	[tilespmem:v49+s29+$0x0] =	vst.idx.msk $0xffff, v23;
	v19 =	vadd.f32 v54, v27  }
0x2da: {  	[tilespmem:v52+s29+$0x0] =	vst.idx.msk $0xffff, v24  }
0x2db: {  	[tilespmem:v53+s29+$0x0] =	vst.idx.msk $0xffff, v19  }
0x2dc: {  	v19 =	vld [tilespmem:$0xBA30];
	_ =	sdelay $0x4  }
0x2dd: {  	v19 =	vmul.u32 $0x3, v19;
	_ =	sdelay $0x1  }
0x2de: {  	v55 =	vadd.s32 $0x1, v19;
	_ =	sdelay $0x1  }
0x2df: {  	v56 =	vadd.s32 $0x2, v19;
	_ =	sdelay $0x1  }
0x2e0: {  	v19 =	vld.idx.msk [tilespmem:v19+s12+$0x0], $0xffff  }
0x2e1: {  	v23 =	vld.idx.msk [tilespmem:v55+s12+$0x0], $0xffff;
	_ =	sdelay $0x1  }
0x2e2: {  	v24 =	vld.idx.msk [tilespmem:v56+s12+$0x0], $0xffff;
	_ =	sdelay $0x2  }
0x2e3: {  	v57 =	vor.u32 s31, v15;
	v19 =	vsub.f32 v19, v20;
	v20 =	vsub.f32 v23, v21  }
0x2e4: {  	v58 =	vor.u32 s31, v16;
	v61 =	vor.u32 s31, v17  }
0x2e5: {  	s9 =	sadd.s32 $0x1, s9;
	v22 =	vsub.f32 v24, v22;
	v59 =	vmul.f32 v19, v19;
	v60 =	vmul.f32 v20, v20  }
0x2e6: {  	v62 =	vor.u32 s31, v18;
	p0 =	sne.s32 s9, $0x8  }
.Ltmp31:
0x2e7: {  	v63 =	vmul.f32 v22, v22;
	v24 =	vadd.f32 v60, v59;
	(pc) =	sbr.rel @!p0 .LBB2_72-.Ltmp31, $4  }
0x2e8: {  	[tilespmem:v57+s29+$0x0] =	vst.idx.msk $0xffff, v19  }
0x2e9: {  	[tilespmem:v58+s29+$0x0] =	vst.idx.msk $0xffff, v20;
	v19 =	vadd.f32 v63, v24  }
0x2ea: {  	[tilespmem:v61+s29+$0x0] =	vst.idx.msk $0xffff, v22  }
0x2eb: {  	s11 =	sadd.s32 $0x1000, s11;
	s24 =	sadd.s32 $0x1000, s24;
	[tilespmem:v62+s29+$0x0] =	vst.idx.msk $0xffff, v19  }
.LBB2_42:
0x2ec: {  	s0 =	simm.s32 $0xFFFFFFF8  }
0x2ed: {  	v19 =	vimm.s32 $0x0;
	s10 =	simm.s32 $0x70;
	s25 =	smov.u32 s24;
	s26 =	smov.u32 s11  }
.LBB2_43:
0x2ee: {  	v20 =	vld [tilespmem:s25+$0xFFFFFFB0];
	_ =	sdelay $0x4  }
0x2ef: {  	vm0 =	vlt.f32 v20, $6.250000000e-02  }
0x2f0: {  	v21 =	vsel vm0, $0x1, v1  }
0x2f1: {  	(xrf0) =	vadd.scan.msk.s32 $0xffff, v21;
	_ =	sdelay $0x5  }
0x2f2: {  	v21, _, _ =	vpop (xrf0)  }
0x2f3: {  	v21 =	vadd.s32 v21, v19  }
0x2f4: {  	v21 =	vadd.s32 $0xFFFFFFFF, v21;
	_ =	sdelay $0x3  }
0x2f5: {  	s2 =	sadd.s32 $0xFFFFFF90, s10  }
0x2f6: {  	v22 =	vor.u32 s2, v2;
	[tilespmem:v21+s15+$0x0] =	vst.idx.msk vm0, v20  }
0x2f7: {  	[tilespmem:v21+s16+$0x0] =	vst.idx.msk vm0, v22  }
0x2f8: {  	v20 =	vld [tilespmem:s25+$0xFFFFFFC0];
	_ =	sdelay $0x4  }
0x2f9: {  	vm1 =	vlt.f32 v20, $6.250000000e-02  }
0x2fa: {  	v36 =	vsel vm1, $0x1, v1  }
0x2fb: {  	(xrf0) =	vadd.scan.msk.s32 $0xffff, v36;
	_ =	sdelay $0x3  }
0x2fc: {  	v37 =	vmpcnt.ones.xlane vm0;
	_ =	sdelay $0x1  }
0x2fd: {  	v19 =	vadd.s32 v19, v37;
	v38, _, _ =	vpop (xrf0)  }
0x2fe: {  	v21 =	vadd.s32 v38, v19  }
0x2ff: {  	v21 =	vadd.s32 $0xFFFFFFFF, v21;
	_ =	sdelay $0x3  }
0x300: {  	s30 =	sadd.s32 $0xFFFFFFA0, s10  }
0x301: {  	v39 =	vor.u32 s30, v2;
	[tilespmem:v21+s15+$0x0] =	vst.idx.msk vm1, v20  }
0x302: {  	[tilespmem:v21+s16+$0x0] =	vst.idx.msk vm1, v39  }
0x303: {  	v20 =	vld [tilespmem:s25+$0xFFFFFFD0];
	_ =	sdelay $0x4  }
0x304: {  	vm10 =	vlt.f32 v20, $6.250000000e-02  }
0x305: {  	v40 =	vsel vm10, $0x1, v1  }
0x306: {  	(xrf0) =	vadd.scan.msk.s32 $0xffff, v40;
	_ =	sdelay $0x3  }
0x307: {  	v41 =	vmpcnt.ones.xlane vm1;
	_ =	sdelay $0x1  }
0x308: {  	v19 =	vadd.s32 v19, v41;
	v42, _, _ =	vpop (xrf0)  }
0x309: {  	v21 =	vadd.s32 v42, v19  }
0x30a: {  	v21 =	vadd.s32 $0xFFFFFFFF, v21;
	_ =	sdelay $0x3  }
0x30b: {  	s31 =	sadd.s32 $0xFFFFFFB0, s10  }
0x30c: {  	v43 =	vor.u32 s31, v2;
	[tilespmem:v21+s15+$0x0] =	vst.idx.msk vm10, v20  }
0x30d: {  	[tilespmem:v21+s16+$0x0] =	vst.idx.msk vm10, v43  }
0x30e: {  	v20 =	vld [tilespmem:s25+$0xFFFFFFE0];
	_ =	sdelay $0x4  }
0x30f: {  	vm11 =	vlt.f32 v20, $6.250000000e-02  }
0x310: {  	v44 =	vsel vm11, $0x1, v1  }
0x311: {  	(xrf0) =	vadd.scan.msk.s32 $0xffff, v44;
	_ =	sdelay $0x3  }
0x312: {  	v45 =	vmpcnt.ones.xlane vm10;
	_ =	sdelay $0x1  }
0x313: {  	v19 =	vadd.s32 v19, v45;
	v46, _, _ =	vpop (xrf0)  }
0x314: {  	v21 =	vadd.s32 v46, v19  }
0x315: {  	v21 =	vadd.s32 $0xFFFFFFFF, v21;
	_ =	sdelay $0x3  }
0x316: {  	s3 =	sadd.s32 $0xFFFFFFC0, s10  }
0x317: {  	v47 =	vor.u32 s3, v2;
	[tilespmem:v21+s15+$0x0] =	vst.idx.msk vm11, v20  }
0x318: {  	[tilespmem:v21+s16+$0x0] =	vst.idx.msk vm11, v47  }
0x319: {  	v20 =	vld [tilespmem:s25+$0xFFFFFFF0];
	_ =	sdelay $0x4  }
0x31a: {  	vm12 =	vlt.f32 v20, $6.250000000e-02  }
0x31b: {  	v48 =	vsel vm12, $0x1, v1  }
0x31c: {  	(xrf0) =	vadd.scan.msk.s32 $0xffff, v48;
	_ =	sdelay $0x3  }
0x31d: {  	v49 =	vmpcnt.ones.xlane vm11;
	_ =	sdelay $0x1  }
0x31e: {  	v19 =	vadd.s32 v19, v49;
	v50, _, _ =	vpop (xrf0)  }
0x31f: {  	v21 =	vadd.s32 v50, v19  }
0x320: {  	v21 =	vadd.s32 $0xFFFFFFFF, v21;
	_ =	sdelay $0x3  }
0x321: {  	s8 =	sadd.s32 $0xFFFFFFD0, s10  }
0x322: {  	v51 =	vor.u32 s8, v2;
	[tilespmem:v21+s15+$0x0] =	vst.idx.msk vm12, v20  }
0x323: {  	[tilespmem:v21+s16+$0x0] =	vst.idx.msk vm12, v51  }
0x324: {  	v20 =	vld [tilespmem:s25+$0x0];
	_ =	sdelay $0x4  }
0x325: {  	vm13 =	vlt.f32 v20, $6.250000000e-02  }
0x326: {  	v52 =	vsel vm13, $0x1, v1  }
0x327: {  	(xrf0) =	vadd.scan.msk.s32 $0xffff, v52;
	_ =	sdelay $0x3  }
0x328: {  	v53 =	vmpcnt.ones.xlane vm12;
	_ =	sdelay $0x1  }
0x329: {  	v19 =	vadd.s32 v19, v53;
	v54, _, _ =	vpop (xrf0)  }
0x32a: {  	v21 =	vadd.s32 v54, v19  }
0x32b: {  	v21 =	vadd.s32 $0xFFFFFFFF, v21;
	_ =	sdelay $0x3  }
0x32c: {  	s14 =	sadd.s32 $0xFFFFFFE0, s10  }
0x32d: {  	s28 =	sadd.s32 $0xFFFFFFE0, s26;
	v55 =	vor.u32 s14, v2;
	[tilespmem:v21+s15+$0x0] =	vst.idx.msk vm13, v20  }
0x32e: {  	s2 =	sor.u32 $0x60, s28;
	[tilespmem:v21+s16+$0x0] =	vst.idx.msk vm13, v55  }
0x32f: {  	v20 =	vld [tilespmem:s2+$0x0];
	_ =	sdelay $0x4  }
0x330: {  	vm14 =	vlt.f32 v20, $6.250000000e-02  }
0x331: {  	v56 =	vsel vm14, $0x1, v1  }
0x332: {  	(xrf0) =	vadd.scan.msk.s32 $0xffff, v56;
	_ =	sdelay $0x3  }
0x333: {  	v57 =	vmpcnt.ones.xlane vm13;
	_ =	sdelay $0x1  }
0x334: {  	v19 =	vadd.s32 v19, v57;
	v58, _, _ =	vpop (xrf0)  }
0x335: {  	v21 =	vadd.s32 v58, v19  }
0x336: {  	v21 =	vadd.s32 $0xFFFFFFFF, v21;
	_ =	sdelay $0x3  }
0x337: {  	s30 =	sadd.s32 $0xFFFFFFF0, s10  }
0x338: {  	v59 =	vor.u32 s30, v2;
	[tilespmem:v21+s15+$0x0] =	vst.idx.msk vm14, v20  }
0x339: {  	s31 =	sor.u32 $0x70, s26;
	[tilespmem:v21+s16+$0x0] =	vst.idx.msk vm14, v59  }
0x33a: {  	v20 =	vld [tilespmem:s31+$0x0];
	_ =	sdelay $0x4  }
0x33b: {  	vm15 =	vlt.f32 v20, $6.250000000e-02  }
0x33c: {  	v60 =	vsel vm15, $0x1, v1  }
0x33d: {  	(xrf0) =	vadd.scan.msk.s32 $0xffff, v60;
	_ =	sdelay $0x3  }
0x33e: {  	v61 =	vmpcnt.ones.xlane vm14;
	_ =	sdelay $0x1  }
0x33f: {  	v19 =	vadd.s32 v19, v61;
	v62, _, _ =	vpop (xrf0)  }
0x340: {  	v21 =	vadd.s32 v62, v19  }
0x341: {  	s0 =	sadd.s32 $0x8, s0;
	v21 =	vadd.s32 $0xFFFFFFFF, v21  }
0x342: {  	p0 =	slt.u32 s0, $0x78  }
.Ltmp32:
0x343: {  	_ = 	snop;
	(pc) =	sbr.rel @p0 .LBB2_43-.Ltmp32, $4  }
0x344: {  	_ = 	snop  }
0x345: {  	v63 =	vmpcnt.ones.xlane vm15  }
0x346: {  	v23 =	vor.u32 s10, v2;
	[tilespmem:v21+s15+$0x0] =	vst.idx.msk vm15, v20  }
0x347: {  	s10 =	sadd.s32 $0x80, s10;
	s26 =	sadd.s32 $0x100, s26;
	s25 =	sadd.s32 $0x100, s25;
	v19 =	vadd.s32 v19, v63;
	[tilespmem:v21+s16+$0x0] =	vst.idx.msk vm15, v23  }
0x348: {  	v20 =	vxor.u32 $0x80000000, v19  }
0x349: {  	(xrf0) =	vmax.scan.msk.u32 $0xffff, v20;
	_ =	sdelay $0x5  }
0x34a: {  	v20, _, _ =	vpop (xrf0)  }
0x34b: {  	(v2sf) =	vpush v20, $0xF;
	_ =	sdelay $0xe  }
0x34c: {  	s0 =	spop (v2sf)  }
0x34d: {  	p0 =	slt.u32 s0, $0x80000040  }
.Ltmp33:
0x34e: {  	_ = 	snop;
	(pc) =	sbr.rel @!p0 .LBB2_45-.Ltmp33, $2  }
0x34f: {  	_ =	sdelay $0x2  }
0x350: {  	s26 =	simm.f32 $6.250000000e-02;
	s25 =	simm.f32 $4.096000000e+03  }
.LBB2_58:
0x351: {  	s26 =	smul.f32 $6.400000000e+01, s26  }
0x352: {  	s0 =	simm.s32 $0xFFFFFFF8  }
0x353: {  	v19 =	vimm.s32 $0x0;
	s10 =	simm.s32 $0x70;
	s30 =	smov.u32 s24;
	s31 =	smov.u32 s11;
	v20 =	vmov s26  }
.LBB2_59:
0x354: {  	v21 =	vld [tilespmem:s30+$0xFFFFFFB0];
	_ =	sdelay $0x4  }
0x355: {  	vm0 =	vlt.f32 v21, v20  }
0x356: {  	v22 =	vsel vm0, $0x1, v1  }
0x357: {  	(xrf0) =	vadd.scan.msk.s32 $0xffff, v22;
	_ =	sdelay $0x5  }
0x358: {  	v22, _, _ =	vpop (xrf0)  }
0x359: {  	v22 =	vadd.s32 v22, v19  }
0x35a: {  	v22 =	vadd.s32 $0xFFFFFFFF, v22;
	_ =	sdelay $0x3  }
0x35b: {  	s2 =	sadd.s32 $0xFFFFFF90, s10  }
0x35c: {  	v23 =	vor.u32 s2, v2;
	[tilespmem:v22+s15+$0x0] =	vst.idx.msk vm0, v21  }
0x35d: {  	[tilespmem:v22+s16+$0x0] =	vst.idx.msk vm0, v23  }
0x35e: {  	v21 =	vld [tilespmem:s30+$0xFFFFFFC0];
	_ =	sdelay $0x4  }
0x35f: {  	vm1 =	vlt.f32 v21, v20  }
0x360: {  	v22 =	vsel vm1, $0x1, v1  }
0x361: {  	(xrf0) =	vadd.scan.msk.s32 $0xffff, v22;
	_ =	sdelay $0x1  }
0x362: {  	v22 =	vmpcnt.ones.xlane vm0;
	_ =	sdelay $0x3  }
0x363: {  	v19 =	vadd.s32 v19, v22;
	v22, _, _ =	vpop (xrf0)  }
0x364: {  	v22 =	vadd.s32 v22, v19  }
0x365: {  	v22 =	vadd.s32 $0xFFFFFFFF, v22;
	_ =	sdelay $0x3  }
0x366: {  	s3 =	sadd.s32 $0xFFFFFFA0, s10  }
0x367: {  	v23 =	vor.u32 s3, v2;
	[tilespmem:v22+s15+$0x0] =	vst.idx.msk vm1, v21  }
0x368: {  	[tilespmem:v22+s16+$0x0] =	vst.idx.msk vm1, v23  }
0x369: {  	v21 =	vld [tilespmem:s30+$0xFFFFFFD0];
	_ =	sdelay $0x4  }
0x36a: {  	vm10 =	vlt.f32 v21, v20  }
0x36b: {  	v22 =	vsel vm10, $0x1, v1  }
0x36c: {  	(xrf0) =	vadd.scan.msk.s32 $0xffff, v22;
	_ =	sdelay $0x1  }
0x36d: {  	v22 =	vmpcnt.ones.xlane vm1;
	_ =	sdelay $0x3  }
0x36e: {  	v19 =	vadd.s32 v19, v22;
	v22, _, _ =	vpop (xrf0)  }
0x36f: {  	v22 =	vadd.s32 v22, v19  }
0x370: {  	v22 =	vadd.s32 $0xFFFFFFFF, v22;
	_ =	sdelay $0x3  }
0x371: {  	s8 =	sadd.s32 $0xFFFFFFB0, s10  }
0x372: {  	v23 =	vor.u32 s8, v2;
	[tilespmem:v22+s15+$0x0] =	vst.idx.msk vm10, v21  }
0x373: {  	[tilespmem:v22+s16+$0x0] =	vst.idx.msk vm10, v23  }
0x374: {  	v21 =	vld [tilespmem:s30+$0xFFFFFFE0];
	_ =	sdelay $0x4  }
0x375: {  	vm11 =	vlt.f32 v21, v20  }
0x376: {  	v22 =	vsel vm11, $0x1, v1  }
0x377: {  	(xrf0) =	vadd.scan.msk.s32 $0xffff, v22;
	_ =	sdelay $0x1  }
0x378: {  	v22 =	vmpcnt.ones.xlane vm10;
	_ =	sdelay $0x3  }
0x379: {  	v19 =	vadd.s32 v19, v22;
	v22, _, _ =	vpop (xrf0)  }
0x37a: {  	v22 =	vadd.s32 v22, v19  }
0x37b: {  	v22 =	vadd.s32 $0xFFFFFFFF, v22;
	_ =	sdelay $0x3  }
0x37c: {  	s14 =	sadd.s32 $0xFFFFFFC0, s10  }
0x37d: {  	v23 =	vor.u32 s14, v2;
	[tilespmem:v22+s15+$0x0] =	vst.idx.msk vm11, v21  }
0x37e: {  	[tilespmem:v22+s16+$0x0] =	vst.idx.msk vm11, v23  }
0x37f: {  	v21 =	vld [tilespmem:s30+$0xFFFFFFF0];
	_ =	sdelay $0x4  }
0x380: {  	vm12 =	vlt.f32 v21, v20  }
0x381: {  	v22 =	vsel vm12, $0x1, v1  }
0x382: {  	(xrf0) =	vadd.scan.msk.s32 $0xffff, v22;
	_ =	sdelay $0x1  }
0x383: {  	v22 =	vmpcnt.ones.xlane vm11;
	_ =	sdelay $0x3  }
0x384: {  	v19 =	vadd.s32 v19, v22;
	v22, _, _ =	vpop (xrf0)  }
0x385: {  	v22 =	vadd.s32 v22, v19  }
0x386: {  	v22 =	vadd.s32 $0xFFFFFFFF, v22;
	_ =	sdelay $0x3  }
0x387: {  	s28 =	sadd.s32 $0xFFFFFFD0, s10  }
0x388: {  	v23 =	vor.u32 s28, v2;
	[tilespmem:v22+s15+$0x0] =	vst.idx.msk vm12, v21  }
0x389: {  	[tilespmem:v22+s16+$0x0] =	vst.idx.msk vm12, v23  }
0x38a: {  	v21 =	vld [tilespmem:s30+$0x0];
	_ =	sdelay $0x4  }
0x38b: {  	vm13 =	vlt.f32 v21, v20  }
0x38c: {  	v22 =	vsel vm13, $0x1, v1  }
0x38d: {  	(xrf0) =	vadd.scan.msk.s32 $0xffff, v22;
	_ =	sdelay $0x1  }
0x38e: {  	v22 =	vmpcnt.ones.xlane vm12;
	_ =	sdelay $0x3  }
0x38f: {  	v19 =	vadd.s32 v19, v22;
	v22, _, _ =	vpop (xrf0)  }
0x390: {  	v22 =	vadd.s32 v22, v19  }
0x391: {  	v22 =	vadd.s32 $0xFFFFFFFF, v22;
	_ =	sdelay $0x3  }
0x392: {  	s3 =	sadd.s32 $0xFFFFFFE0, s10  }
0x393: {  	s8 =	sadd.s32 $0xFFFFFFE0, s31;
	v23 =	vor.u32 s3, v2;
	[tilespmem:v22+s15+$0x0] =	vst.idx.msk vm13, v21  }
0x394: {  	s2 =	sor.u32 $0x60, s8;
	[tilespmem:v22+s16+$0x0] =	vst.idx.msk vm13, v23  }
0x395: {  	v21 =	vld [tilespmem:s2+$0x0];
	_ =	sdelay $0x4  }
0x396: {  	vm14 =	vlt.f32 v21, v20  }
0x397: {  	v22 =	vsel vm14, $0x1, v1  }
0x398: {  	(xrf0) =	vadd.scan.msk.s32 $0xffff, v22;
	_ =	sdelay $0x1  }
0x399: {  	v22 =	vmpcnt.ones.xlane vm13;
	_ =	sdelay $0x3  }
0x39a: {  	v19 =	vadd.s32 v19, v22;
	v22, _, _ =	vpop (xrf0)  }
0x39b: {  	v22 =	vadd.s32 v22, v19  }
0x39c: {  	v22 =	vadd.s32 $0xFFFFFFFF, v22;
	_ =	sdelay $0x3  }
0x39d: {  	s14 =	sadd.s32 $0xFFFFFFF0, s10  }
0x39e: {  	v23 =	vor.u32 s14, v2;
	[tilespmem:v22+s15+$0x0] =	vst.idx.msk vm14, v21  }
0x39f: {  	s28 =	sor.u32 $0x70, s31;
	[tilespmem:v22+s16+$0x0] =	vst.idx.msk vm14, v23  }
0x3a0: {  	v21 =	vld [tilespmem:s28+$0x0];
	_ =	sdelay $0x4  }
0x3a1: {  	vm15 =	vlt.f32 v21, v20  }
0x3a2: {  	v22 =	vsel vm15, $0x1, v1  }
0x3a3: {  	(xrf0) =	vadd.scan.msk.s32 $0xffff, v22;
	_ =	sdelay $0x1  }
0x3a4: {  	v22 =	vmpcnt.ones.xlane vm14;
	_ =	sdelay $0x3  }
0x3a5: {  	v19 =	vadd.s32 v19, v22;
	v22, _, _ =	vpop (xrf0)  }
0x3a6: {  	v22 =	vadd.s32 v22, v19  }
0x3a7: {  	s0 =	sadd.s32 $0x8, s0;
	v22 =	vadd.s32 $0xFFFFFFFF, v22  }
0x3a8: {  	p0 =	slt.u32 s0, $0x78  }
.Ltmp34:
0x3a9: {  	_ = 	snop;
	(pc) =	sbr.rel @p0 .LBB2_59-.Ltmp34, $4  }
0x3aa: {  	_ = 	snop  }
0x3ab: {  	v23 =	vmpcnt.ones.xlane vm15  }
0x3ac: {  	v24 =	vor.u32 s10, v2;
	[tilespmem:v22+s15+$0x0] =	vst.idx.msk vm15, v21  }
0x3ad: {  	s10 =	sadd.s32 $0x80, s10;
	s31 =	sadd.s32 $0x100, s31;
	s30 =	sadd.s32 $0x100, s30;
	v19 =	vadd.s32 v19, v23;
	[tilespmem:v22+s16+$0x0] =	vst.idx.msk vm15, v24  }
0x3ae: {  	v20 =	vxor.u32 $0x80000000, v19  }
0x3af: {  	(xrf0) =	vmax.scan.msk.u32 $0xffff, v20;
	_ =	sdelay $0x5  }
0x3b0: {  	v20, _, _ =	vpop (xrf0)  }
0x3b1: {  	(v2sf) =	vpush v20, $0xF;
	_ =	sdelay $0xe  }
0x3b2: {  	s0 =	spop (v2sf)  }
0x3b3: {  	p0 =	sgt.u32 s0, $0x8000003F  }
.Ltmp35:
0x3b4: {  	_ = 	snop;
	(pc) =	sbr.rel @!p0 .LBB2_58-.Ltmp35, $2  }
0x3b5: {  	_ =	sdelay $0x2  }
0x3b6: {  	s25 =	smul.f32 $1.562500000e-02, s25  }
.LBB2_45:
0x3b7: {  	[tilespmem:$0xBA80] =	vst v1  }
0x3b8: {  	[tilespmem:$0xBA90] =	vst v1  }
0x3b9: {  	[tilespmem:$0xBAA0] =	vst v1  }
0x3ba: {  	[tilespmem:$0xBAB0] =	vst v1  }
0x3bb: {  	[tilespmem:$0xBAC0] =	vst v1  }
0x3bc: {  	[tilespmem:$0xBAD0] =	vst v1  }
0x3bd: {  	[tilespmem:$0xBAE0] =	vst v1;
	s0 =	sadd.s32 $0x8000000F, s0  }
0x3be: {  	[tilespmem:$0xBAF0] =	vst v1;
	s0 =	sshra.s32 s0, $0x4  }
0x3bf: {  	[tilespmem:$0xBB00] =	vst v1;
	s0 =	sadd.s32 $0x1, s0  }
0x3c0: {  	[tilespmem:$0xBB10] =	vst v1;
	s26 =	sshra.s32 s0, $0x1  }
0x3c1: {  	[tilespmem:$0xBB20] =	vst v1;
	p0 =	slt.s32 s26, $0x1  }
.Ltmp36:
0x3c2: {  	[tilespmem:$0xBB30] =	vst v1;
	(pc) =	sbr.rel @p0 .LBB2_48-.Ltmp36, $4  }
0x3c3: {  	[tilespmem:$0xBB40] =	vst v1  }
0x3c4: {  	[tilespmem:$0xBB50] =	vst v1  }
0x3c5: {  	[tilespmem:$0xBB60] =	vst v1  }
0x3c6: {  	[tilespmem:$0xBB70] =	vst v1;
	v20 =	vmov s25  }
0x3c7: {  	s0 =	simm.s32 $0x9810;
	s3 =	simm.s32 $0x10;
	s10 =	smov.u32 s26  }
.LBB2_47:
0x3c8: {  	v21 =	vld [tilespmem:s0+$0xFFFFFFF0];
	_ =	sdelay $0x4  }
0x3c9: {  	v21 =	vmul.f32 v21, v20;
	_ =	sdelay $0x1  }
0x3ca: {  	v21 =	vtrunc.f32 v21  }
0x3cb: {  	v21 =	vcvt.f32.s32 v21  }
0x3cc: {  	s2 =	sadd.s32 $0xFFFFFFF0, s3  }
0x3cd: {  	v22 =	vor.u32 s2, v2;
	vm0 =	vgt.s32 v21, $0x0  }
0x3ce: {  	vm1 =	vlt.s32 v22, v19;
	v21 =	vnsel vm0, $0x0, v21  }
0x3cf: {  	v21 =	vmin.u32 v21, $0xFF;
	_ =	sdelay $0x4  }
0x3d0: {  	[tilespmem:v21+s17+$0x0] =	vst.idx.add.s32.msk vm1, v3  }
0x3d1: {  	v21 =	vld [tilespmem:s0+$0x0];
	_ =	sdelay $0x4  }
0x3d2: {  	v21 =	vmul.f32 v21, v20;
	_ =	sdelay $0x1  }
0x3d3: {  	v21 =	vtrunc.f32 v21  }
0x3d4: {  	v21 =	vcvt.f32.s32 v21;
	_ =	sdelay $0x1  }
0x3d5: {  	v22 =	vor.u32 s3, v2;
	vm14 =	vgt.s32 v21, $0x0  }
0x3d6: {  	vm15 =	vlt.s32 v22, v19;
	v21 =	vnsel vm14, $0x0, v21  }
0x3d7: {  	p2 =	sne.s32 s10, $0x1;
	v21 =	vmin.u32 v21, $0xFF  }
.Ltmp37:
0x3d8: {  	_ = 	snop;
	(pc) =	sbr.rel @p2 .LBB2_47-.Ltmp37, $2  }
0x3d9: {  	_ =	sdelay $0x2  }
0x3da: {  	s10 =	sadd.s32 $0xFFFFFFFF, s10;
	s3 =	sadd.s32 $0x20, s3;
	s0 =	sadd.s32 $0x20, s0;
	[tilespmem:v21+s17+$0x0] =	vst.idx.add.s32.msk vm15, v3  }
.LBB2_48:
0x3db: {  	s30 =	simm.s32 $0xBAA0  }
0x3dc: {  	v21 =	vld [tilespmem:s30+$0xFFFFFFE0];
	_ =	sdelay $0x4  }
0x3dd: {  	s0 =	simm.s32 $0x0;
	(xrf0) =	vadd.scan.msk.s32 $0xffff, v21  }
0x3de: {  	v21 =	vmov s0  }
0x3df: {  	v21 =	vand.u32 $0xFFFFFFFC, v21  }
0x3e0: {  	v21 =	vbroadcast v21, $0x0;
	_ =	sdelay $0x2  }
0x3e1: {  	v22, _, _ =	vpop (xrf0)  }
0x3e2: {  	v22 =	vbroadcast v22, $0xF;
	_ =	sdelay $0x1  }
0x3e3: {  	[tilespmem:v21+s18+$0x0] =	vst.idx.msk $0x1, v22  }
0x3e4: {  	v21 =	vld [tilespmem:s30+$0xFFFFFFF0];
	_ =	sdelay $0x4  }
0x3e5: {  	s28 =	simm.s32 $0x1;
	(xrf0) =	vadd.scan.msk.s32 $0xffff, v21  }
0x3e6: {  	v21 =	vmov s28  }
0x3e7: {  	v21 =	vand.u32 $0xFFFFFFFD, v21  }
0x3e8: {  	v21 =	vbroadcast v21, $0x0;
	_ =	sdelay $0x2  }
0x3e9: {  	v22, _, _ =	vpop (xrf0)  }
0x3ea: {  	v22 =	vbroadcast v22, $0xF;
	_ =	sdelay $0x1  }
0x3eb: {  	[tilespmem:v21+s18+$0x0] =	vst.idx.msk $0x1, v22  }
0x3ec: {  	v21 =	vld [tilespmem:s30+$0x0];
	_ =	sdelay $0x4  }
0x3ed: {  	s31 =	simm.s32 $0x2;
	(xrf0) =	vadd.scan.msk.s32 $0xffff, v21  }
0x3ee: {  	v21 =	vmov s31  }
0x3ef: {  	v21 =	vand.u32 $0xFFFFFFFE, v21  }
0x3f0: {  	v21 =	vbroadcast v21, $0x0;
	_ =	sdelay $0x2  }
0x3f1: {  	v22, _, _ =	vpop (xrf0)  }
0x3f2: {  	v22 =	vbroadcast v22, $0xF;
	_ =	sdelay $0x1  }
0x3f3: {  	[tilespmem:v21+s18+$0x0] =	vst.idx.msk $0x1, v22  }
0x3f4: {  	v21 =	vld [tilespmem:s30+$0x10];
	_ =	sdelay $0x4  }
0x3f5: {  	(xrf0) =	vadd.scan.msk.s32 $0xffff, v21;
	_ =	sdelay $0x2  }
0x3f6: {  	s2 =	simm.s32 $0x3  }
0x3f7: {  	v21 =	vmov s2;
	_ =	sdelay $0x1  }
0x3f8: {  	v22, _, _ =	vpop (xrf0)  }
0x3f9: {  	s25 =	sadd.s32 s5, s9;
	s0 =	simm.s32 $0x4;
	v22 =	vbroadcast v22, $0xF  }
.LBB2_49:
0x3fa: {  	p2 =	slt.u32 s0, $0xC  }
0x3fb: {  	s30 =	sadd.s32 $0x40, s30;
	s10 =	smov.u32 s0;
	s0 =	sadd.s32 $0x4, s0;
	[tilespmem:v21+s18+$0x0] =	vst.idx.msk $0x1, v22  }
0x3fc: {  	v21 =	vld [tilespmem:s30+$0xFFFFFFE0];
	_ =	sdelay $0x4  }
0x3fd: {  	(xrf0) =	vadd.scan.msk.s32 $0xffff, v21  }
0x3fe: {  	v21 =	vmov s10  }
0x3ff: {  	v21 =	vand.u32 $0xFFFFFFFC, v21  }
0x400: {  	v21 =	vbroadcast v21, $0x0;
	_ =	sdelay $0x2  }
0x401: {  	v22, _, _ =	vpop (xrf0)  }
0x402: {  	v22 =	vbroadcast v22, $0xF;
	_ =	sdelay $0x1  }
0x403: {  	[tilespmem:v21+s18+$0x0] =	vst.idx.msk $0x1, v22  }
0x404: {  	v21 =	vld [tilespmem:s30+$0xFFFFFFF0];
	_ =	sdelay $0x4  }
0x405: {  	s2 =	sadd.s32 $0x1, s10;
	(xrf0) =	vadd.scan.msk.s32 $0xffff, v21  }
0x406: {  	v21 =	vmov s2  }
0x407: {  	v21 =	vand.u32 $0xFFFFFFFD, v21  }
0x408: {  	v21 =	vbroadcast v21, $0x0;
	_ =	sdelay $0x2  }
0x409: {  	v22, _, _ =	vpop (xrf0)  }
0x40a: {  	v22 =	vbroadcast v22, $0xF;
	_ =	sdelay $0x1  }
0x40b: {  	[tilespmem:v21+s18+$0x0] =	vst.idx.msk $0x1, v22  }
0x40c: {  	v21 =	vld [tilespmem:s30+$0x0];
	_ =	sdelay $0x4  }
0x40d: {  	s2 =	sadd.s32 $0x2, s10;
	(xrf0) =	vadd.scan.msk.s32 $0xffff, v21  }
0x40e: {  	v21 =	vmov s2  }
0x40f: {  	v21 =	vand.u32 $0xFFFFFFFE, v21  }
0x410: {  	v21 =	vbroadcast v21, $0x0;
	_ =	sdelay $0x2  }
0x411: {  	v22, _, _ =	vpop (xrf0)  }
0x412: {  	v22 =	vbroadcast v22, $0xF;
	_ =	sdelay $0x1  }
0x413: {  	[tilespmem:v21+s18+$0x0] =	vst.idx.msk $0x1, v22  }
0x414: {  	v21 =	vld [tilespmem:s30+$0x10];
	_ =	sdelay $0x4  }
0x415: {  	(xrf0) =	vadd.scan.msk.s32 $0xffff, v21;
	_ =	sdelay $0x2  }
.Ltmp38:
0x416: {  	s2 =	sadd.s32 $0x3, s10;
	(pc) =	sbr.rel @p2 .LBB2_49-.Ltmp38, $3  }
0x417: {  	v21 =	vmov s2;
	_ =	sdelay $0x1  }
0x418: {  	v22, _, _ =	vpop (xrf0)  }
0x419: {  	v22 =	vbroadcast v22, $0xF  }
0x41a: {  	_ =	sdelay $0x3  }
0x41b: {  	[tilespmem:v21+s18+$0x0] =	vst.idx.msk $0x1, v22  }
0x41c: {  	v21 =	vld [tilespmem:$0xBB80];
	_ =	sdelay $0x4  }
0x41d: {  	(xrf0) =	vadd.scan.msk.s32 $0xffff, v21;
	_ =	sdelay $0x5  }
0x41e: {  	v22, _, _ =	vpop (xrf0)  }
0x41f: {  	v21 =	vsub.s32 v22, v21  }
0x420: {  	s0 =	simm.s32 $0xBAA0;
	[tilespmem:$0xBC00] =	vst v21  }
0x421: {  	v21 =	vld [tilespmem:s0+$0x10];
	_ =	sdelay $0x1  }
0x422: {  	s2 =	simm.s32 $0x0;
	s10 =	simm.s32 $0x1;
	s3 =	simm.s32 $0x2  }
0x423: {  	s8 =	simm.s32 $0x3;
	v23 =	vmov s2;
	v24 =	vmov s10;
	v25 =	vmov s3  }
0x424: {  	v26 =	vmov s8;
	v23 =	vand.u32 $0xFFFFFFFC, v23;
	v24 =	vand.u32 $0xFFFFFFFD, v24;
	v22 =	vld [tilespmem:s0+$0xFFFFFFE0]  }
0x425: {  	v25 =	vand.u32 $0xFFFFFFFE, v25;
	v23 =	vbroadcast v23, $0x0;
	(xrf0) =	vadd.scan.msk.s32 $0xffff, v21;
	v21 =	vbroadcast v24, $0x0;
	v24 =	vld [tilespmem:s0+$0x0]  }
0x426: {  	v27 =	vbroadcast v25, $0x0;
	v29 =	vld [tilespmem:s0+$0xFFFFFFF0];
	_ =	sdelay $0x2  }
0x427: {  	(xrf0) =	vadd.scan.msk.s32 $0xffff, v22  }
0x428: {  	v22 =	vld.idx.msk [tilespmem:v26+s19+$0x0], $0xffff;
	(xrf0) =	vadd.scan.msk.s32 $0xffff, v24  }
0x429: {  	s28 =	simm.s32 $0x5;
	v26 =	vld.idx.msk [tilespmem:v23+s19+$0x0], $0xffff;
	v28, _, _ =	vpop (xrf0);
	(xrf0) =	vadd.scan.msk.s32 $0xffff, v29  }
0x42a: {  	s14 =	simm.s32 $0x4;
	s30 =	simm.s32 $0x6;
	v32 =	vmov s28;
	v24 =	vld.idx.msk [tilespmem:v27+s19+$0x0], $0xffff  }
0x42b: {  	v30 =	vmov s14;
	v33 =	vmov s30;
	v27 =	vld.idx.msk [tilespmem:v21+s19+$0x0], $0xffff  }
0x42c: {  	s31 =	simm.s32 $0x7;
	v31 =	vand.u32 $0xFFFFFFFC, v30;
	v30 =	vand.u32 $0xFFFFFFFE, v33;
	v25 =	vimm.s32 $0x0  }
0x42d: {  	s10 =	simm.s32 $0x8;
	s0 =	simm.s32 $0xBAE0;
	v23 =	vmov s31;
	v29 =	vand.u32 $0xFFFFFFFD, v32;
	v21 =	vimm.s32 $0x0;
	v32, _, _ =	vpop (xrf0)  }
.LBB2_51:
0x42e: {  	p2 =	slt.u32 s10, $0xC;
	v31 =	vbroadcast v31, $0x0;
	v30 =	vbroadcast v30, $0x0;
	v33 =	vld [tilespmem:s0+$0x10];
	v26 =	vadd.s32 v26, v32;
	v32, _, _ =	vpop (xrf0)  }
0x42f: {  	v29 =	vbroadcast v29, $0x0;
	v28 =	vadd.s32 v22, v28;
	v34 =	vld [tilespmem:s0+$0xFFFFFFE0];
	vm0 =	vlt.s32 v26, $0x40;
	v22, _, _ =	vpop (xrf0)  }
0x430: {  	v24 =	vadd.s32 v24, v32;
	v35 =	vld [tilespmem:s0+$0x0];
	v26 =	vnsel vm0, $0x0, v26;
	v22 =	vadd.s32 v27, v22  }
0x431: {  	vm3 =	vlt.s32 v28, $0x40;
	v27 =	vld [tilespmem:s0+$0xFFFFFFF0];
	vm1 =	vgt.s32 v25, v26;
	vm2 =	vlt.s32 v22, $0x40  }
0x432: {  	v25 =	vsel vm1, v25, v26;
	v26 =	vnsel vm2, $0x0, v22;
	vm1 =	vlt.s32 v24, $0x40  }
0x433: {  	v32 =	vmpcnt.ones.xlane vm0;
	(xrf0) =	vadd.scan.msk.s32 $0xffff, v33;
	vm0 =	vgt.s32 v25, v26;
	v33 =	vmpcnt.ones.xlane vm3  }
0x434: {  	v22 =	vld.idx.msk [tilespmem:v23+s19+$0x0], $0xffff;
	(xrf0) =	vadd.scan.msk.s32 $0xffff, v34;
	v23 =	vmpcnt.ones.xlane vm2;
	v25 =	vsel vm0, v25, v26;
	v34 =	vnsel vm1, $0x0, v24  }
0x435: {  	v21 =	vadd.s32 v21, v32;
	v26 =	vld.idx.msk [tilespmem:v31+s19+$0x0], $0xffff;
	(xrf0) =	vadd.scan.msk.s32 $0xffff, v35;
	v31 =	vmpcnt.ones.xlane vm1;
	vm0 =	vgt.s32 v25, v34  }
.Ltmp39:
0x436: {  	v24 =	vld.idx.msk [tilespmem:v30+s19+$0x0], $0xffff;
	(xrf0) =	vadd.scan.msk.s32 $0xffff, v27;
	v21 =	vadd.s32 v23, v21;
	v23 =	vsel vm0, v25, v34;
	v25 =	vnsel vm3, $0x0, v28;
	(pc) =	sbr.rel @p2 .LBB2_51-.Ltmp39, $4  }
0x437: {  	v27 =	vld.idx.msk [tilespmem:v29+s19+$0x0], $0xffff;
	v21 =	vadd.s32 v31, v21;
	vm0 =	vgt.s32 v23, v25  }
0x438: {  	s2 =	sadd.s32 $0x1, s10;
	s3 =	sadd.s32 $0x2, s10;
	s8 =	sadd.s32 $0x3, s10;
	v29 =	vmov s10;
	v21 =	vadd.s32 v33, v21;
	v25 =	vsel vm0, v23, v25  }
0x439: {  	v30 =	vmov s2;
	v33 =	vmov s3;
	v23 =	vmov s8;
	v28, _, _ =	vpop (xrf0)  }
0x43a: {  	s0 =	sadd.s32 $0x40, s0;
	s10 =	sadd.s32 $0x4, s10;
	v31 =	vand.u32 $0xFFFFFFFC, v29;
	v29 =	vand.u32 $0xFFFFFFFD, v30;
	v30 =	vand.u32 $0xFFFFFFFE, v33;
	v32, _, _ =	vpop (xrf0)  }
0x43b: {  	v33 =	vld [tilespmem:s0+$0x10]  }
0x43c: {  	v34 =	vld [tilespmem:s0+$0xFFFFFFE0]  }
0x43d: {  	v31 =	vbroadcast v31, $0x0;
	v35 =	vld [tilespmem:s0+$0x0]  }
0x43e: {  	v36 =	vld [tilespmem:s0+$0xFFFFFFF0]  }
0x43f: {  	v29 =	vbroadcast v29, $0x0  }
0x440: {  	v26 =	vadd.s32 v26, v32;
	v47, _, _ =	vpop (xrf0);
	(xrf0) =	vadd.scan.msk.s32 $0xffff, v33  }
0x441: {  	v30 =	vbroadcast v30, $0x0;
	vm0 =	vlt.s32 v26, $0x40;
	v48, _, _ =	vpop (xrf0);
	(xrf0) =	vadd.scan.msk.s32 $0xffff, v34  }
0x442: {  	v26 =	vnsel vm0, $0x0, v26;
	v27 =	vadd.s32 v27, v48;
	(xrf0) =	vadd.scan.msk.s32 $0xffff, v35  }
0x443: {  	vm2 =	vgt.s32 v25, v26;
	vm1 =	vlt.s32 v27, $0x40;
	v31 =	vld.idx.msk [tilespmem:v31+s19+$0x0], $0xffff;
	(xrf0) =	vadd.scan.msk.s32 $0xffff, v36  }
0x444: {  	v24 =	vadd.s32 v24, v47;
	v25 =	vsel vm2, v25, v26;
	v49 =	vnsel vm1, $0x0, v27  }
0x445: {  	vm12 =	vlt.s32 v24, $0x40;
	vm3 =	vgt.s32 v25, v49;
	v50 =	vld.idx.msk [tilespmem:v29+s19+$0x0], $0xffff  }
0x446: {  	v22 =	vadd.s32 v22, v28;
	v24 =	vnsel vm12, $0x0, v24;
	v25 =	vsel vm3, v25, v49;
	v51, _, _ =	vpop (xrf0)  }
0x447: {  	vm13 =	vlt.s32 v22, $0x40;
	v52 =	vld.idx.msk [tilespmem:v30+s19+$0x0], $0xffff;
	vm4 =	vgt.s32 v25, v24;
	v53, _, _ =	vpop (xrf0)  }
0x448: {  	v22 =	vnsel vm13, $0x0, v22;
	v24 =	vsel vm4, v25, v24;
	v54 =	vadd.s32 v31, v53;
	v55, _, _ =	vpop (xrf0)  }
0x449: {  	v23 =	vld.idx.msk [tilespmem:v23+s19+$0x0], $0xffff;
	vm4 =	vgt.s32 v24, v22;
	vm5 =	vlt.s32 v54, $0x40;
	v56, _, _ =	vpop (xrf0)  }
0x44a: {  	v22 =	vsel vm4, v24, v22;
	v57 =	vnsel vm5, $0x0, v54;
	v58 =	vadd.s32 v50, v56  }
0x44b: {  	vm4 =	vgt.s32 v22, v57;
	vm6 =	vlt.s32 v58, $0x40  }
0x44c: {  	v59 =	vadd.s32 v52, v55;
	v22 =	vsel vm4, v22, v57;
	v60 =	vnsel vm6, $0x0, v58  }
0x44d: {  	vm14 =	vlt.s32 v59, $0x40;
	vm7 =	vgt.s32 v22, v60  }
0x44e: {  	v23 =	vadd.s32 v23, v51;
	v61 =	vnsel vm14, $0x0, v59;
	v22 =	vsel vm7, v22, v60  }
0x44f: {  	vm15 =	vlt.s32 v23, $0x40;
	vm8 =	vgt.s32 v22, v61  }
0x450: {  	v23 =	vnsel vm15, $0x0, v23;
	v22 =	vsel vm8, v22, v61  }
0x451: {  	vm8 =	vgt.s32 v22, v23  }
0x452: {  	v22 =	vsel vm8, v22, v23  }
0x453: {  	v22 =	vxor.u32 $0x80000000, v22  }
0x454: {  	(xrf0) =	vmax.scan.msk.u32 $0xffff, v22;
	_ =	sdelay $0x5  }
0x455: {  	v22, _, _ =	vpop (xrf0)  }
0x456: {  	(v2sf) =	vpush v22, $0xF;
	_ =	sdelay $0x5  }
0x457: {  	v22 =	vmpcnt.ones.xlane vm0  }
0x458: {  	v23 =	vmpcnt.ones.xlane vm1  }
0x459: {  	v62 =	vmpcnt.ones.xlane vm12;
	v21 =	vadd.s32 v21, v22  }
0x45a: {  	v22 =	vmpcnt.ones.xlane vm13;
	v21 =	vadd.s32 v23, v21  }
0x45b: {  	v23 =	vmpcnt.ones.xlane vm5;
	v21 =	vadd.s32 v62, v21  }
.Ltmp40:
0x45c: {  	v21 =	vadd.s32 v22, v21;
	v22 =	vmpcnt.ones.xlane vm6;
	(pc) =	sbr.rel @p0 .LBB2_55-.Ltmp40, $4  }
0x45d: {  	v21 =	vadd.s32 v21, v23;
	v23 =	vmpcnt.ones.xlane vm14  }
0x45e: {  	v63 =	vmpcnt.ones.xlane vm15;
	v21 =	vadd.s32 v22, v21  }
0x45f: {  	v21 =	vadd.s32 v23, v21  }
0x460: {  	v22 =	vadd.s32 v63, v21;
	v21 =	vimm.s32 $0x0;
	s0 =	spop (v2sf)  }
0x461: {  	s10 =	simm.s32 $0x9810;
	s30 =	simm.s32 $0xA090;
	s31 =	simm.s32 $0x10;
	v23 =	vimm.s32 $0x0  }
.LBB2_54:
0x462: {  	v24 =	vld [tilespmem:s10+$0xFFFFFFF0];
	_ =	sdelay $0x4  }
0x463: {  	v25 =	vmul.f32 v24, v20;
	_ =	sdelay $0x1  }
0x464: {  	v25 =	vtrunc.f32 v25  }
0x465: {  	v25 =	vcvt.f32.s32 v25;
	_ =	sdelay $0x1  }
0x466: {  	vm0 =	vgt.s32 v25, $0x0  }
0x467: {  	s2 =	sadd.s32 $0xFFFFFFF0, s31;
	v25 =	vnsel vm0, $0x0, v25  }
0x468: {  	v26 =	vor.u32 s2, v2;
	v25 =	vmin.u32 v25, $0xFF  }
0x469: {  	vm1 =	vlt.s32 v26, v19;
	vm13 =	vlt.s32 v25, v22  }
0x46a: {  	vm2 =	veq.s32 v25, v22;
	vm0 =	vmand vm1, vm13  }
0x46b: {  	vm1 =	vmand vm1, vm2;
	v49 =	vsel vm0, $0x1, v1  }
0x46c: {  	v50 =	vsel vm1, $0x1, v1;
	(xrf0) =	vadd.scan.msk.s32 $0xffff, v49  }
0x46d: {  	(xrf0) =	vadd.scan.msk.s32 $0xffff, v50;
	_ =	sdelay $0x4  }
0x46e: {  	v51, _, _ =	vpop (xrf0)  }
0x46f: {  	v52, _, _ =	vpop (xrf0);
	v25 =	vadd.s32 v51, v23  }
0x470: {  	v27 =	vld [tilespmem:s30+$0xFFFFFFF0];
	v25 =	vadd.s32 $0xFFFFFFFF, v25;
	v26 =	vadd.s32 v52, v21  }
0x471: {  	v26 =	vadd.s32 $0xFFFFFFFF, v26;
	_ =	sdelay $0x3  }
0x472: {  	[tilespmem:v25+s20+$0x0] =	vst.idx.msk vm0, v27  }
0x473: {  	[tilespmem:v26+s21+$0x0] =	vst.idx.msk vm1, v24  }
0x474: {  	[tilespmem:v26+s22+$0x0] =	vst.idx.msk vm1, v27  }
0x475: {  	v24 =	vld [tilespmem:s10+$0x0];
	_ =	sdelay $0x4  }
0x476: {  	v53 =	vmul.f32 v24, v20;
	_ =	sdelay $0x1  }
0x477: {  	v25 =	vtrunc.f32 v53  }
0x478: {  	v25 =	vcvt.f32.s32 v25;
	_ =	sdelay $0x1  }
0x479: {  	vm14 =	vgt.s32 v25, $0x0  }
0x47a: {  	v25 =	vnsel vm14, $0x0, v25  }
0x47b: {  	v54 =	vor.u32 s31, v2;
	v25 =	vmin.u32 v25, $0xFF  }
0x47c: {  	vm15 =	vlt.s32 v54, v19;
	vm3 =	vlt.s32 v25, v22  }
0x47d: {  	vm4 =	veq.s32 v25, v22;
	vm3 =	vmand vm15, vm3  }
0x47e: {  	vm2 =	vmand vm15, vm4;
	v55 =	vsel vm3, $0x1, v1  }
0x47f: {  	v56 =	vsel vm2, $0x1, v1;
	(xrf0) =	vadd.scan.msk.s32 $0xffff, v55  }
0x480: {  	(xrf0) =	vadd.scan.msk.s32 $0xffff, v56;
	_ =	sdelay $0x2  }
0x481: {  	v57 =	vmpcnt.ones.xlane vm0  }
0x482: {  	v58 =	vmpcnt.ones.xlane vm1  }
0x483: {  	v23 =	vadd.s32 v23, v57;
	v59, _, _ =	vpop (xrf0)  }
0x484: {  	v21 =	vadd.s32 v21, v58;
	v60, _, _ =	vpop (xrf0);
	v61 =	vadd.s32 v59, v23  }
0x485: {  	v62 =	vld [tilespmem:s30+$0x0];
	v26 =	vadd.s32 $0xFFFFFFFF, v61;
	v25 =	vadd.s32 v60, v21  }
0x486: {  	v25 =	vadd.s32 $0xFFFFFFFF, v25  }
0x487: {  	p0 =	sne.s32 s26, $0x1  }
.Ltmp41:
0x488: {  	_ = 	snop;
	(pc) =	sbr.rel @p0 .LBB2_54-.Ltmp41, $4  }
0x489: {  	_ = 	snop  }
0x48a: {  	v63 =	vmpcnt.ones.xlane vm3;
	v28 =	vmpcnt.ones.xlane vm2;
	[tilespmem:v26+s20+$0x0] =	vst.idx.msk vm3, v62  }
0x48b: {  	s31 =	sadd.s32 $0x20, s31;
	[tilespmem:v25+s21+$0x0] =	vst.idx.msk vm2, v24  }
0x48c: {  	s26 =	sadd.s32 $0xFFFFFFFF, s26;
	s10 =	sadd.s32 $0x20, s10;
	s30 =	sadd.s32 $0x20, s30;
	v23 =	vadd.s32 v23, v63;
	v21 =	vadd.s32 v21, v28;
	[tilespmem:v25+s22+$0x0] =	vst.idx.msk vm2, v62  }
.LBB2_55:
0x48d: {  	v19 =	vxor.u32 $0x80000000, v21  }
0x48e: {  	(xrf0) =	vmax.scan.msk.u32 $0xffff, v19;
	_ =	sdelay $0x5  }
0x48f: {  	v19, _, _ =	vpop (xrf0)  }
0x490: {  	(v2sf) =	vpush v19, $0xF;
	_ =	sdelay $0xe  }
0x491: {  	s2 =	spop (v2sf)  }
0x492: {  	p0 =	sgt.u32 s2, $0x80000010  }
.Ltmp42:
0x493: {  	_ = 	snop;
	(pc) =	sbr.rel @!p0 .LBB2_56-.Ltmp42, $3  }
0x494: {  	_ =	sdelay $0x1  }
0x495: {  	s26 =	sxor.u32 $0x80000000, s0  }
0x496: {  	s30 =	ssub.s32 $0x40, s26  }
0x497: {  	p0 =	slt.s32 s30, $0x1  }
.Ltmp43:
0x498: {  	_ = 	snop;
	(pc) =	sbr.rel @p0 .LBB2_71-.Ltmp43, $1  }
0x499: {  	_ =	sdelay $0x3  }
.Ltmp44:
0x49a: {  	(pc) =	sbr.rel .LBB2_62-.Ltmp44, $3  }
0x49b: {  	_ =	sdelay $0x1  }
0x49c: {  	s0 =	sadd.s32 $0x8000000F, s2  }
0x49d: {  	s10 =	simm.s32 $0x0;
	s31 =	sshra.s32 s0, $0x4;
	s0 =	simm.s32 $0x0  }
.LBB2_69:
0x49e: {  	v22 =	vld [tilespmem:s3+$0x0];
	_ =	sdelay $0x3  }
0x49f: {  	vm0 =	veq.s32 v20, v19  }
0x4a0: {  	v20 =	vsel vm0, $0x7149F2CA, v22  }
0x4a1: {  	[tilespmem:s3+$0x0] =	vst v20  }
.LBB2_70:
0x4a2: {  	s2 =	sadd.s32 s26, s10;
	s10 =	sadd.s32 $0x1, s10  }
0x4a3: {  	v20 =	vmov s2;
	p0 =	sne.s32 s10, s30  }
.Ltmp45:
0x4a4: {  	_ = 	snop;
	(pc) =	sbr.rel @!p0 .LBB2_71-.Ltmp45, $2  }
0x4a5: {  	_ =	sdelay $0x2  }
0x4a6: {  	[tilespmem:v20+s20+$0x0] =	vst.idx.msk $0x1, v19  }
.LBB2_62:
0x4a7: {  	p0 =	slt.s32 s31, $0x1  }
.Ltmp46:
0x4a8: {  	_ = 	snop;
	(pc) =	sbr.rel @p0 .LBB2_70-.Ltmp46, $2  }
0x4a9: {  	_ =	sdelay $0x2  }
0x4aa: {  	v19 =	vmov v0  }
0x4ab: {  	s14 =	simm.s32 $0xA900  }
0x4ac: {  	p0 =	sne.s32 s31, $0x1;
	v20 =	vld [tilespmem:s14+$0x0]  }
.Ltmp47:
0x4ad: {  	_ = 	snop;
	(pc) =	sbr.rel @!p0 .LBB2_65-.Ltmp47, $4  }
0x4ae: {  	_ = 	snop  }
0x4af: {  	v19 =	vor.u32 s0, v2  }
0x4b0: {  	vm0 =	vlt.s32 v19, v21  }
0x4b1: {  	s2 =	sadd.s32 $0xFFFFFFFF, s31;
	s3 =	simm.s32 $0xA910;
	s8 =	simm.s32 $0x0;
	v19 =	vimm.f32 $1.000000020e+30;
	v20 =	vnsel vm0, $0x7149F2CA, v20  }
.LBB2_64:
0x4b2: {  	v22 =	vld [tilespmem:s3+$0x0];
	p2 =	sne.s32 s2, $0x1;
	s2 =	sadd.s32 $0xFFFFFFFF, s2;
	v19 =	vmin.f32 v19, v20  }
.Ltmp48:
0x4b3: {  	(pc) =	sbr.rel @p2 .LBB2_64-.Ltmp48, $4  }
0x4b4: {  	s8 =	sadd.s32 $0x10, s8  }
0x4b5: {  	v20 =	vor.u32 s8, v2  }
0x4b6: {  	vm0 =	vlt.s32 v20, v21  }
0x4b7: {  	s3 =	sadd.s32 $0x10, s3;
	v20 =	vnsel vm0, $0x7149F2CA, v22  }
.LBB2_65:
0x4b8: {  	v19 =	vmin.f32 v19, v20  }
0x4b9: {  	(xrf0) =	vmin.scan.msk.f32 $0xffff, v19;
	_ =	sdelay $0x3  }
0x4ba: {  	v23 =	vld [tilespmem:s14+$0x0]  }
.Ltmp49:
0x4bb: {  	s14 =	simm.s32 $0xB180;
	(pc) =	sbr.rel @!p0 .LBB2_67-.Ltmp49, $4  }
0x4bc: {  	v22 =	vld [tilespmem:s14+$0x0];
	v19, _, _ =	vpop (xrf0)  }
0x4bd: {  	s28 =	simm.s32 $0x0;
	v20 =	vbroadcast v19, $0xF  }
0x4be: {  	v24 =	vor.u32 s28, v2  }
0x4bf: {  	s3 =	sadd.s32 $0xFFFFFFFF, s31;
	s8 =	simm.s32 $0xA910;
	s2 =	simm.s32 $0xB180;
	vm0 =	vlt.s32 v24, v21;
	v19 =	vimm.s32 $0x40000000;
	vm1 =	veq.f32 v23, v20  }
.LBB2_66:
0x4c0: {  	v23 =	vld [tilespmem:s8+$0x0];
	p2 =	sne.s32 s3, $0x1;
	s3 =	sadd.s32 $0xFFFFFFFF, s3;
	vm0 =	vmand vm0, vm1  }
.Ltmp50:
0x4c1: {  	s2 =	sadd.s32 $0x10, s2;
	v24 =	vnsel vm0, $0x40000000, v22;
	(pc) =	sbr.rel @p2 .LBB2_66-.Ltmp50, $4  }
0x4c2: {  	v22 =	vld [tilespmem:s2+$0x0];
	vm0 =	vlt.s32 v19, v24  }
0x4c3: {  	s28 =	sadd.s32 $0x10, s28;
	v19 =	vsel vm0, v19, v24  }
0x4c4: {  	v24 =	vor.u32 s28, v2  }
0x4c5: {  	s8 =	sadd.s32 $0x10, s8;
	vm0 =	vlt.s32 v24, v21;
	vm1 =	veq.f32 v23, v20  }
.LBB2_67:
0x4c6: {  	vm0 =	vmand vm0, vm1  }
0x4c7: {  	v20 =	vnsel vm0, $0x40000000, v22  }
0x4c8: {  	vm0 =	vlt.s32 v19, v20  }
0x4c9: {  	v19 =	vsel vm0, v19, v20  }
0x4ca: {  	v19 =	vxor.u32 $0x80000000, v19  }
0x4cb: {  	(xrf0) =	vmin.scan.msk.u32 $0xffff, v19;
	_ =	sdelay $0x5  }
0x4cc: {  	v19, _, _ =	vpop (xrf0)  }
0x4cd: {  	(v2sf) =	vpush v19, $0xF;
	_ =	sdelay $0xc  }
.Ltmp51:
0x4ce: {  	_ = 	snop;
	(pc) =	sbr.rel @!p0 .LBB2_69-.Ltmp51, $4  }
0x4cf: {  	_ = 	snop  }
0x4d0: {  	s2 =	spop (v2sf)  }
0x4d1: {  	s2 =	sxor.u32 $0x80000000, s2  }
0x4d2: {  	s3 =	simm.s32 $0xA900;
	v20 =	vld [tilespmem:s14+$0x0];
	v19 =	vmov s2;
	s2 =	sadd.s32 $0xFFFFFFFF, s31  }
.LBB2_68:
0x4d3: {  	p0 =	sne.s32 s2, $0x1;
	v22 =	vld [tilespmem:s3+$0x0];
	_ =	sdelay $0x2  }
.Ltmp52:
0x4d4: {  	(pc) =	sbr.rel @p0 .LBB2_68-.Ltmp52, $4  }
0x4d5: {  	vm0 =	veq.s32 v20, v19  }
0x4d6: {  	v20 =	vsel vm0, $0x7149F2CA, v22  }
0x4d7: {  	s14 =	sadd.s32 $0x10, s14;
	[tilespmem:s3+$0x0] =	vst v20  }
0x4d8: {  	s2 =	sadd.s32 $0xFFFFFFFF, s2;
	s3 =	sadd.s32 $0x10, s3;
	v20 =	vld [tilespmem:s14+$0x0]  }
.Ltmp53:
0x4d9: {  	_ = 	snop;
	(pc) =	sbr.rel .LBB2_69-.Ltmp53, $1  }
0x4da: {  	_ =	sdelay $0x3  }
.LBB2_72:
0x4db: {  	s0 =	rddreg [dreg:$0xa]  }
0x4dc: {  	s2 =	rddreg [dreg:$0x5];
	s0 =	sshll.u32 s0, $0x9  }
0x4dd: {  	s0 =	sadd.s32 s2, s0  }
0x4de: {  	s0 =	sshrl.u32 s0, $0x3  }
0x4df: {  	s25 =	sadd.s32 s4, s0;
	s26 =	sor.u32 $0x10000, s0  }
0x4e0: {  	[hbm4b:s25+s1] =	stream.linear.scatter [tilespmem:s29], [sflag:$0x4], $0x200, $0x38;
	[tilespmem:$0xCC80] =	vst v63  }
0x4e1: {  	s3 =	simm.s32 $0xC680;
	s2 =	sadd.s32 s4, s26  }
0x4e2: {  	[hbm4b:s2+s1] =	stream.linear.scatter [tilespmem:s3], [sflag:$0x4], $0x200, $0x38;
	[tilespmem:$0xCC80] =	vst v63  }
.Ltmp54:
0x4e3: {  	s28 =	sor.u32 $0x20000, s0;
	(pc) =	sbr.rel @p1 .LBB2_76-.Ltmp54, $4  }
0x4e4: {  	s30 =	simm.s32 $0xC880;
	s0 =	sor.u32 $0x30000, s0;
	s2 =	sadd.s32 s4, s28  }
0x4e5: {  	[hbm4b:s2+s1] =	stream.linear.scatter [tilespmem:s30], [sflag:$0x4], $0x200, $0x38;
	[tilespmem:$0xCC80] =	vst v63  }
0x4e6: {  	s31 =	simm.s32 $0xCA80;
	s0 =	sadd.s32 s4, s0  }
0x4e7: {  	[hbm4b:s0+s1] =	stream.linear.scatter [tilespmem:s31], [sflag:$0x4], $0x200, $0x38;
	[tilespmem:$0xCC80] =	vst v63  }
0x4e8: {  	s0 =	sshll.u32 s13, $0xC;
	s2 =	rddreg [dreg:$0x7]  }
0x4e9: {  	s3 =	simm.s32 $0x10;
	s0 =	sadd.s32 s0, s2  }
0x4ea: {  	s5 =	simm.s32 $0x180;
	s2 =	simm.s32 $0x80;
	s8 =	sadd.s32 $0x0, s0  }
.LBB2_74:
0x4eb: {  	[tilespmem:s2], [sflag:$0x2] =	stream.linear.gather [hbm4b:s8+s1], $0x80, $0x38;
	[tilespmem:$0xCC80] =	vst v63  }
0x4ec: {  	s8 =	smov.u32 s3;
	s2 =	smov.u32 s5;
	p0 =	sne.s32 s3, $0x7F0  }
.Ltmp55:
0x4ed: {  	s3 =	sadd.s32 $0x10, s3;
	(pc) =	sbr.rel @p0 .LBB2_74-.Ltmp55, $2  }
0x4ee: {  	_ =	sdelay $0x2  }
0x4ef: {  	s5 =	sadd.s32 $0x100, s5;
	s8 =	sadd.s32 s8, s0  }
.Ltmp56:
0x4f0: {  	(pc) =	sbr.rel .LBB2_6-.Ltmp56, $3  }
0x4f1: {  	_ =	sdelay $0x1  }
0x4f2: {  	[tilespmem:s2], [sflag:$0x2] =	stream.linear.gather [hbm4b:s8+s1], $0x80, $0x38;
	[tilespmem:$0xCC80] =	vst v63  }
0x4f3: {  	s13 =	sadd.s32 $0x1, s13  }
.LBB2_77:
0x4f4: {  	_ =	sfence.sel $0x180000  }
0x4f5: {  	[bflag:$0x0] =	sbarrier.arrive $0xFFFF  }
0x4f6: {  	_ =	strace $0x9000004A  }
0x4f7: {  	s0 =	stileid.u32;
	[bflag:$0x2] =	sbarrier.arrive $0xFFFF  }
0x4f8: {  	p0 =	sne.s32 s0, $0x0;
	s0 =	rddreg [dreg:$0x2]  }
0x4f9: {  	s0 =	sadd.s32 @!p0 $0x100000, s0  }
0x4fa: {  	[sflag:s0] =	ssyncadd.tile.s32 @!p0 $0x1;
	_ =	shalt  }
.Lfunc_end2:
_tile_overlayer_lowered:
.L_overlay_start_2:
0x4fb: {  	(tag) =	ssettag $0x2  }
0x4fc: {  	s0 =	rddreg [dreg:$0x0];
	s2 =	stileid.u32  }
0x4fd: {  	s1 =	rddreg [dreg:$0x1];
	p0 =	sne.s32 s2, $0x0  }
0x4fe: {  	s3 =	rddreg [dreg:$0x2];
	[bflag:$0x3] =	sbarrier.arrive $0xFFFF;
	s2 =	simm.s32 @!p0 $0x1C05  }
0x4ff: {  	[timem:s3], [sflag:s2] =	dma.local @!p0 [hbm:s0], s1  }
0x500: {  	s0 =	simm.s32 @!p0 $0x5  }
0x501: {  	_ =	swait.ge @!p0 [sflag:s0], s1  }
0x502: {  	s1 =	ssub.s32 @!p0 $0x0, s1;
	[sflag:s0] =	ssyncset.done @!p0 $0x0  }
0x503: {  	[sflag:s0] =	ssyncadd.s32 @!p0 s1  }
0x504: {  	[bflag:$0x3] =	sbarrier.arrive $0xFFFF  }
0x505: {  	_ =	shalt  }

// kernel: sparse-core-data-format-call.cloned.1.call-start
scs
called_computation_lowered:
.L_overlay_start_0:
0x0: {  	s2 =	sld [smem:$0x3FD9]  }
0x1: {  	s3 =	sld [smem:$0x3FFE];
	_ =	sdelay $0x1  }
0x2: {  	s1 =	srdreg.scid  }
0x3: {  	s0 =	sand.u32 $0x1, s1  }
0x4: {  	s18 =	sshll.u32 s0, $0xA;
	s2 =	sadd.s32 s3, s2  }
0x5: {  	s2 =	sadd.s32 s2, s18  }
0x6: {  	[smem:$0x3FBC] =	sst s2  }
0x7: {  	_ = 	snop  }
0x8: {  	s2 =	sld [smem:$0x3FC8];
	(tm) =	ssettm $0x1  }
0x9: {  	s19 =	sld [smem:$0x3FFB];
	_ =	sdelay $0x3  }
0xa: {  	_ =	strace s19  }
0xb: {  	s3 =	sld [smem:$0x3FFC];
	_ =	sdelay $0x3  }
0xc: {  	_ =	strace s3  }
0xd: {  	s3 =	sld [smem:$0x3FFD];
	_ =	sdelay $0x3  }
0xe: {  	_ =	strace s3  }
0xf: {  	_ =	strace $0x8FFFFFFF  }
0x10: {  	s20 =	sld [smem:$0x3FDB];
	_ =	sdelay $0x1  }
0x11: {  	s4 =	simm.s32 $_scs_section_size  }
0x12: {  	s5 =	simm.s32 $_size__tile_overlayer_lowered;
	s6 =	simm.s32 $_tile_overlayer_lowered  }
0x13: {  	s23 =	simm.s32 $0x1BFF;
	s22 =	sshll.u32 s6, $0x1;
	s3 =	sadd.s32 s4, s20  }
0x14: {  	s7 =	simm.s32 $0x0;
	s21 =	sshll.u32 s5, $0x1;
	s5 =	sadd.s32 s22, s3  }
0x15: {  	[timem:s7], [sflag:s23] =	dma.local [hbm:s5], s21  }
0x16: {  	_ =	swait.ge [sflag:s23], s21  }
0x17: {  	s4 =	ssub.s32 $0x0, s21;
	[sflag:s23] =	ssyncset.done $0x0  }
0x18: {  	[sflag:s23] =	ssyncadd.s32 s4;
	_ =	sdelay $0x1  }
0x19: {  	s24 =	simm.s32 $0x1B8B  }
0x1a: {  	_ =	swait.ge [sflag:s24], $0x1  }
0x1b: {  	[sflag:s24] =	ssyncset.done $0x0  }
0x1c: {  	s26 =	simm.s32 $0x1B8E;
	s25 =	sld [smem:$0x3FFE];
	[sflag:s24] =	ssyncadd.s32 $0xFFFFFFFF  }
0x1d: {  	s27 =	simm.s32 $execute0_lowered;
	[smem:$0x3FD2] =	sst s26  }
0x1e: {  	s5 =	sshll.u32 s27, $0x1;
	_ =	strace $0x80000046;
	[dreg:$0x1] =	wrdreg $0xFFFFFFFF  }
0x1f: {  	s28 =	simm.s32 $_size_execute0_lowered;
	s3 =	sadd.s32 s3, s5;
	[dreg:$0x0] =	wrdreg $0x0  }
0x20: {  	s5 =	sshll.u32 s28, $0x1;
	[dreg:$0x2] =	wrdreg s3  }
0x21: {  	[dreg:$0x3] =	wrdreg s5  }
0x22: {  	[dreg:$0x4] =	wrdreg $0xC0  }
0x23: {  	_ =	task [dreg:s7], $0x5FFFF  }
0x24: {  	[dreg:$0x1] =	wrdreg $0xFFFFFFFF  }
0x25: {  	[dreg:$0x0] =	wrdreg $0x60  }
0x26: {  	[dreg:$0x2] =	wrdreg s2  }
0x27: {  	[dreg:$0x3] =	wrdreg s25  }
0x28: {  	[dreg:$0x4] =	wrdreg $0x9  }
0x29: {  	_ =	task.clear_ibuf [dreg:s7], $0x5FFFF;
	_ =	strace $0x90000046  }
0x2a: {  	s29 =	simm.s32 $0x9;
	_ =	strace $0x80000048  }
0x2b: {  	_ =	swait.ge [sflag:s29], $0x1  }
0x2c: {  	[sflag:s29] =	ssyncadd.s32 $0xFFFFFFFF  }
0x2d: {  	_ =	strace $0x90000048  }
0x2e: {  	_ =	sfence  }
0x2f: {  	s30 =	sld [smem:$0x0];
	_ =	sdelay $0x2  }
0x30: {  	s31 =	sshll.u32 s1, $0xD;
	s1 =	sshrl.u32 s1, $0x2  }
0x31: {  	s3 =	sand.u32 $0x4000, s31;
	s1 =	sadd.s32 s1, s30  }
0x32: {  	s0 =	sor.u32 s3, s0;
	s1 =	sshll.u32 s1, $0x11  }
0x33: {  	s0 =	sor.u32 s1, s0  }
0x34: {  	s0 =	sadd.s32 $0x8F2B, s0  }
0x35: {  	[sflag:s0] =	ssyncadd.remote.s32 $0x1  }
0x36: {  	_ =	sfence.sel $0xFFFF  }
0x37: {  	[dreg:$0x0] =	wrdreg $0xFFFFFFFF;
	(pc) =	sbr.abs _section_cstart, $3  }
0x38: {  	[dreg:$0x1] =	wrdreg $0xFFFFFFFF  }
0x39: {  	_ =	task.clear_ibuf [dreg:s7], $0x2FFFF;
	_ =	strace $0x9FFFFFFF  }
0x3a: {  	(tm) =	ssettm $0x7FFFFFFF  }
0x3b: {  	_ =	shalt  }
tec
execute0_lowered:
.L_overlay_start_1:
0x0: {  	(tag) =	ssettag $0x1  }
0x1: {  	s2 =	rddreg [dreg:$0x0]  }
0x2: {  	s1 =	rddreg [dreg:$0x1]  }
0x3: {  	s0 =	rddreg [dreg:$0x2];
	_ =	strace $0x80000047;
	s4 =	srdreg.scid  }
.Ltmp0:
0x4: {  	s6 =	simm.s32 $0x2;
	p0 =	por $0x0, $0x0;
	(pc) =	sbr.rel .LBB1_1-.Ltmp0, $4  }
0x5: {  	s9 =	simm.s32 $0x0;
	s3 =	sadd.s32 $0x2000, s1;
	s5 =	sshll.u32 s4, $0x4  }
0x6: {  	s1 =	stileid.u32;
	s4 =	simm.s32 $0x1;
	s5 =	sand.u32 $0x10, s5  }
0x7: {  	s7 =	simm.s32 $0x0;
	[sflag:s4] =	ssyncpa.u1 $0x0;
	s5 =	sor.u32 s1, s5  }
0x8: {  	[sflag:s6] =	ssyncpa.u1 $0x0;
	s6 =	simm.s32 $0x0;
	s8 =	smov.u32 s5  }
.LBB1_7:
0x9: {  	s11 =	sadd.s32 $0x20, s8  }
0xa: {  	p1 =	slt.u32 s7, $0x2;
	s7 =	sadd.s32 $0x1, s7;
	p2 =	sgt.s32 s11, $0x3FF  }
0xb: {  	s11 =	smov.u32 @p2 s5;
	p2 =	sne.s32 s7, $0x22  }
.Ltmp1:
0xc: {  	_ = 	snop;
	(pc) =	sbr.rel @!p2 .LBB1_8-.Ltmp1, $4  }
0xd: {  	s10 =	simm.s32 @!p1 $0x2  }
0xe: {  	_ =	swait.ge @!p1 [sflag:s10], $0x4000  }
0xf: {  	s9 =	smov.u32 s8;
	[sflag:s10] =	ssyncset.done @!p1 $0x0  }
0x10: {  	p0 =	por !p0, !p0;
	s8 =	smov.u32 s11;
	[sflag:s10] =	ssyncadd.s32 @!p1 $0xFFFFC000  }
.LBB1_1:
0x11: {  	p1 =	sgt.u32 s7, $0x1F  }
0x12: {  	s10 =	sxor.u32 @!p1 $0xFFFFFFFF, s7  }
0x13: {  	s11 =	sshll.u32 @!p1 s8, $0xB;
	s10 =	sshll.u32 @!p1 s10, $0xE  }
0x14: {  	s12 =	simm.s32 @!p1 $0x0;
	s11 =	sadd.s32 @!p1 s2, s11;
	s10 =	sand.u32 @!p1 $0x4000, s10  }
0x15: {  	[tilespmem:s10], [sflag:$0x1] =	stream.linear.gather @!p1 [hbm4b:s11+s12], $0x4000, $0x38;
	[tilespmem:$0x10000] =	vst v63  }
0x16: {  	p1 =	seq.s32 s7, $0x0  }
0x17: {  	p2 =	seq.s32 @!p1 s7, $0x21  }
0x18: {  	p1 =	por p1, p2  }
.Ltmp2:
0x19: {  	_ = 	snop;
	(pc) =	sbr.rel @p1 .LBB1_7-.Ltmp2, $1  }
0x1a: {  	_ =	sdelay $0x3  }
0x1b: {  	s10 =	simm.s32 $0x1;
	_ =	swait.ge [sflag:s4], $0x4000;
	s12 =	sshll.u32 s7, $0xE  }
0x1c: {  	s13 =	simm.s32 $0x0;
	s10 =	simm.s32 @!p0 $0x0;
	[sflag:s4] =	ssyncset.done $0x0  }
0x1d: {  	s12 =	sand.u32 $0x4000, s12;
	s11 =	sshll.u32 s10, $0xE;
	[sflag:s4] =	ssyncadd.s32 $0xFFFFC000  }
0x1e: {  	s12 =	sor.u32 $0x8000, s12;
	s10 =	sor.u32 $0x8040, s11;
	s11 =	sor.u32 $0x40, s11  }
.LBB1_3:
0x1f: {  	v0 =	vmov s11;
	_ =	sdelay $0x3  }
0x20: {  	s15 =	simm.s32 $0x0  }
0x21: {  	v6 =	vld.idx.msk [tilespmem:v0+s15+$0x30 ss:$0x1], $0xffff  }
0x22: {  	v7 =	vld.idx.msk [tilespmem:v0+s15+$0xFFFFFFC0 ss:$0x1], $0xffff  }
0x23: {  	v5 =	vld.idx.msk [tilespmem:v0+s15+$0xFFFFFFD0 ss:$0x1], $0xffff  }
0x24: {  	v4 =	vld.idx.msk [tilespmem:v0+s15+$0xFFFFFFE0 ss:$0x1], $0xffff  }
0x25: {  	v3 =	vld.idx.msk [tilespmem:v0+s15+$0xFFFFFFF0 ss:$0x1], $0xffff  }
0x26: {  	v1 =	vld.idx.msk [tilespmem:v0+s15+$0x0 ss:$0x1], $0xffff  }
0x27: {  	v2 =	vld.idx.msk [tilespmem:v0+s15+$0x10 ss:$0x1], $0xffff;
	[tilespmem:s10+$0x30] =	vst v6  }
0x28: {  	s14 =	simm.s32 $0x80;
	s16 =	simm.s32 $0x400;
	[tilespmem:s10+$0xFFFFFFC0] =	vst v7;
	v6 =	vld.idx.msk [tilespmem:v0+s15+$0x20 ss:$0x1], $0xffff;
	s15 =	smov.u32 s10  }
.LBB1_4:
0x29: {  	p1 =	sne.s32 s16, $0xE00;
	v7 =	vld.idx.msk [tilespmem:v0+s14+$0x30 ss:$0x1], $0xffff;
	[tilespmem:s15+$0xFFFFFFD0] =	vst v5  }
0x2a: {  	v8 =	vld.idx.msk [tilespmem:v0+s14+$0xFFFFFFC0 ss:$0x1], $0xffff;
	[tilespmem:s15+$0xFFFFFFE0] =	vst v4  }
0x2b: {  	v5 =	vld.idx.msk [tilespmem:v0+s14+$0xFFFFFFD0 ss:$0x1], $0xffff;
	[tilespmem:s15+$0xFFFFFFF0] =	vst v3  }
.Ltmp3:
0x2c: {  	v4 =	vld.idx.msk [tilespmem:v0+s14+$0xFFFFFFE0 ss:$0x1], $0xffff;
	[tilespmem:s15+$0x0] =	vst v1;
	(pc) =	sbr.rel @p1 .LBB1_4-.Ltmp3, $4  }
0x2d: {  	v3 =	vld.idx.msk [tilespmem:v0+s14+$0xFFFFFFF0 ss:$0x1], $0xffff;
	[tilespmem:s15+$0x10] =	vst v2  }
0x2e: {  	v1 =	vld.idx.msk [tilespmem:v0+s14+$0x0 ss:$0x1], $0xffff;
	[tilespmem:s15+$0x20] =	vst v6;
	s15 =	sadd.s32 $0x800, s15  }
0x2f: {  	v2 =	vld.idx.msk [tilespmem:v0+s14+$0x10 ss:$0x1], $0xffff;
	[tilespmem:s15+$0x30] =	vst v7  }
0x30: {  	[tilespmem:s15+$0xFFFFFFC0] =	vst v8;
	v6 =	vld.idx.msk [tilespmem:v0+s14+$0x20 ss:$0x1], $0xffff;
	s14 =	sshra.s32 s16, $0x2;
	s16 =	sadd.s32 $0x200, s16  }
0x31: {  	_ =	sdelay $0x2  }
0x32: {  	[tilespmem:s15+$0xFFFFFFD0] =	vst v5  }
0x33: {  	v56 =	vld.idx.msk [tilespmem:v0+s14+$0x30 ss:$0x1], $0xffff;
	[tilespmem:s15+$0xFFFFFFE0] =	vst v4  }
0x34: {  	v57 =	vld.idx.msk [tilespmem:v0+s14+$0xFFFFFFC0 ss:$0x1], $0xffff;
	[tilespmem:s15+$0xFFFFFFF0] =	vst v3  }
0x35: {  	v58 =	vld.idx.msk [tilespmem:v0+s14+$0xFFFFFFD0 ss:$0x1], $0xffff;
	[tilespmem:s15+$0x0] =	vst v1  }
0x36: {  	v59 =	vld.idx.msk [tilespmem:v0+s14+$0xFFFFFFE0 ss:$0x1], $0xffff;
	[tilespmem:s15+$0x10] =	vst v2  }
0x37: {  	v60 =	vld.idx.msk [tilespmem:v0+s14+$0xFFFFFFF0 ss:$0x1], $0xffff;
	s31 =	sadd.s32 $0x800, s15;
	[tilespmem:s15+$0x20] =	vst v6  }
0x38: {  	v61 =	vld.idx.msk [tilespmem:v0+s14+$0x0 ss:$0x1], $0xffff;
	[tilespmem:s31+$0x30] =	vst v56  }
0x39: {  	v62 =	vld.idx.msk [tilespmem:v0+s14+$0x10 ss:$0x1], $0xffff;
	s13 =	sadd.s32 $0x1, s13;
	[tilespmem:s31+$0xFFFFFFC0] =	vst v57  }
0x3a: {  	v63 =	vld.idx.msk [tilespmem:v0+s14+$0x20 ss:$0x1], $0xffff;
	p1 =	sne.s32 s13, $0x10;
	[tilespmem:s31+$0xFFFFFFD0] =	vst v58  }
.Ltmp4:
0x3b: {  	[tilespmem:s31+$0xFFFFFFE0] =	vst v59;
	(pc) =	sbr.rel @p1 .LBB1_3-.Ltmp4, $4  }
0x3c: {  	[tilespmem:s31+$0xFFFFFFF0] =	vst v60  }
0x3d: {  	[tilespmem:s31+$0x0] =	vst v61  }
0x3e: {  	[tilespmem:s31+$0x10] =	vst v62  }
0x3f: {  	s10 =	sadd.s32 $0x80, s10;
	s11 =	sadd.s32 $0x400, s11;
	[tilespmem:s31+$0x20] =	vst v63  }
.Ltmp5:
0x40: {  	(pc) =	sbr.rel .LBB1_7-.Ltmp5, $4  }
0x41: {  	_ = 	snop  }
0x42: {  	s9 =	sshll.u32 s9, $0xB  }
0x43: {  	s9 =	sadd.s32 s3, s9  }
0x44: {  	[hbm4b:s9+s6] =	stream.linear.scatter [tilespmem:s12], [sflag:$0x2], $0x4000, $0x38;
	[tilespmem:$0x10000] =	vst v63  }
.LBB1_8:
0x45: {  	_ =	sfence.sel $0x180000  }
0x46: {  	s2 =	simm.s32 $0x1;
	[bflag:$0x0] =	sbarrier.arrive $0xFFFF  }
0x47: {  	s31 =	simm.s32 $0x2;
	[sflag:s2] =	ssyncpa.u1 $0x1  }
0x48: {  	[sflag:s31] =	ssyncpa.u1 $0x1  }
0x49: {  	p0 =	sne.s32 s1, $0x0;
	_ =	strace $0x90000047  }
0x4a: {  	s0 =	sadd.s32 @!p0 $0x100000, s0;
	[bflag:$0x2] =	sbarrier.arrive $0xFFFF  }
0x4b: {  	[sflag:s0] =	ssyncadd.tile.s32 @!p0 $0x1;
	_ =	shalt  }
.Lfunc_end1:
_tile_overlayer_lowered:
.L_overlay_start_2:
0x4c: {  	(tag) =	ssettag $0x2  }
0x4d: {  	s0 =	rddreg [dreg:$0x0];
	s2 =	stileid.u32  }
0x4e: {  	s1 =	rddreg [dreg:$0x1];
	p0 =	sne.s32 s2, $0x0  }
0x4f: {  	s3 =	rddreg [dreg:$0x2];
	[bflag:$0x3] =	sbarrier.arrive $0xFFFF;
	s2 =	simm.s32 @!p0 $0x1C01  }
0x50: {  	[timem:s3], [sflag:s2] =	dma.local @!p0 [hbm:s0], s1  }
0x51: {  	s0 =	simm.s32 @!p0 $0x1  }
0x52: {  	_ =	swait.ge @!p0 [sflag:s0], s1  }
0x53: {  	s1 =	ssub.s32 @!p0 $0x0, s1;
	[sflag:s0] =	ssyncset.done @!p0 $0x0  }
0x54: {  	[sflag:s0] =	ssyncadd.s32 @!p0 s1  }
0x55: {  	[bflag:$0x3] =	sbarrier.arrive $0xFFFF  }
0x56: {  	_ =	shalt  }

</sc_bundles>
